<compile_context>
chip_gen: v7x
topology: tpu7x:2x2x1
jax: 0.10.2.dev20260603
libtpu: 0.0.44.dev20260713+nightly
codegen_flags: <defaults>
</compile_context>

<pallas_src>
import functools
import jax
import jax.numpy as jnp
from jax.experimental import pallas as pl

N_USERS = 50000
D = 64
T_STEPS = 8
B = 8
L = 50
NEG_BIG = float(-2 ** 32 + 1)
CAP1 = 131072
CAP2 = 16384
CAPN = 16384



def _mm_xt_body(x_ref, w_ref, o_ref):
    o_ref[...] = jax.lax.dot_general(
        x_ref[...], w_ref[...], (((1,), (1,)), ((), ())),
        preferred_element_type=jnp.float32)


def _matmul_xT(x, w, blk_rows):
    n, k = x.shape
    m = w.shape[0]
    grid = (n + blk_rows - 1) // blk_rows
    return pl.pallas_call(
        _mm_xt_body,
        grid=(grid,),
        in_specs=[
            pl.BlockSpec((blk_rows, k), lambda i: (i, 0)),
            pl.BlockSpec((m, k), lambda i: (0, 0)),
        ],
        out_specs=pl.BlockSpec((blk_rows, m), lambda i: (i, 0)),
        out_shape=jax.ShapeDtypeStruct((n, m), jnp.float32),
    )(x, w)


def _dyemb_body(acc_ref, w2_ref, b2_ref, o_ref):
    o_ref[...] = jax.lax.dot_general(
        acc_ref[...], w2_ref[...], (((1,), (1,)), ((), ())),
        preferred_element_type=jnp.float32) + b2_ref[...]


def _attn_body(dy_ref, te_ref, m_ref, o_ref):
    dy = dy_ref[0]
    te = te_ref[...]
    msk = m_ref[0]
    temp = D ** 0.5 + 1e-06
    s = jax.lax.dot_general(dy, te, (((1,), (1,)), ((), ())),
                            preferred_element_type=jnp.float32) / temp
    s = s * (1.0 - msk) + msk * NEG_BIG
    mx = jnp.max(s, axis=0, keepdims=True)
    e = jnp.exp(s - mx)
    al = e / jnp.sum(e, axis=0, keepdims=True)
    att = jax.lax.dot_general(al, dy, (((1,), (0,)), ((), ())),
                              preferred_element_type=jnp.float32)
    o_ref[0] = att


def _logits_body(att_ref, w_ref, b_ref, o_ref):
    o_ref[...] = jax.lax.dot_general(
        att_ref[...], w_ref[...], (((1,), (1,)), ((), ())),
        preferred_element_type=jnp.float32) + b_ref[...]



def kernel(input_seq, input_timestamp, relation_edge_index, diff_edge_index,
           diff_edge_weight, gnn_embedding, W1, b1, W2, b2, time_embedding,
           linear_W, linear_b):
    ts = input_timestamp[:, :-1]
    seq = input_seq[:, :-1].astype(jnp.int32)

    la = jnp.max(ts, axis=0).astype(jnp.int32)
    active = (la >= 1).astype(jnp.int32)
    valid = jnp.cumprod(active).astype(bool)
    t_idx = jnp.where(valid, jnp.clip(la, 1, T_STEPS) - 1, 0).astype(jnp.int32)
    T_idx_col = jnp.where(valid, t_idx, 0)

    src = diff_edge_index[:, 0, :].astype(jnp.int32)
    dst = diff_edge_index[:, 1, :].astype(jnp.int32)
    gofs = jnp.arange(T_STEPS, dtype=jnp.int32)[:, None] * N_USERS
    srcf = (src + gofs).reshape(-1)
    dstf = (dst + gofs).reshape(-1)
    NE = srcf.shape[0]
    NT = T_STEPS * N_USERS

    deg = jax.ops.segment_sum(jnp.ones((NE,), jnp.float32), dstf,
                              num_segments=NT)
    dinv = jax.lax.rsqrt(deg + 1.0)
    selfc = dinv * dinv

    pt = jnp.arange(B * L, dtype=jnp.int32) % L
    tg = t_idx[pt]
    tv = seq.reshape(-1)
    tkey = tg * N_USERS + tv
    tslot = jnp.full((NT,), -1, jnp.int32).at[tkey].set(
        jnp.arange(B * L, dtype=jnp.int32))

    eid = jnp.arange(NE, dtype=jnp.int32)
    slot_e = tslot[dstf]
    m2 = slot_e >= 0
    pos2 = jnp.cumsum(m2.astype(jnp.int32)) - 1
    sc2 = jnp.where(m2, jnp.minimum(pos2, CAP2 - 1), CAP2)
    e2 = jnp.full((CAP2 + 1,), -1, jnp.int32).at[sc2].set(eid)[:CAP2]
    v2 = e2 >= 0
    e2c = jnp.maximum(e2, 0)
    l2src = srcf[e2c]
    l2d = dstf[e2c]
    l2slot = jnp.where(v2, jnp.maximum(tslot[l2d], 0), 0)
    l2nrm = jnp.where(v2, dinv[l2src] * dinv[l2d], 0.0)

    l1need = (jnp.zeros((NT + 1,), jnp.int32)
              .at[jnp.where(m2, srcf, NT)].set(1)
              .at[tkey].set(1))[:NT]
    l1slotmap = jnp.where(
        l1need > 0,
        jnp.minimum(jnp.cumsum(l1need) - 1, CAPN - 1), -1).astype(jnp.int32)
    slotd = l1slotmap[dstf]
    m1 = slotd >= 0
    pos1 = jnp.cumsum(m1.astype(jnp.int32)) - 1
    sc1 = jnp.where(m1, jnp.minimum(pos1, CAP1 - 1), CAP1)
    e1 = jnp.full((CAP1 + 1,), -1, jnp.int32).at[sc1].set(eid)[:CAP1]
    v1 = e1 >= 0
    e1c = jnp.maximum(e1, 0)
    l1src = srcf[e1c]
    l1d = dstf[e1c]
    l1dsts = jnp.where(v1, jnp.maximum(l1slotmap[l1d], 0), 0)
    l1nrm = jnp.where(v1, dinv[l1src] * dinv[l1d], 0.0)

    hlin1 = _matmul_xT(gnn_embedding, W1, 2000)

    contrib1 = hlin1[l1src % N_USERS] * l1nrm[:, None]
    h1edge = jax.ops.segment_sum(contrib1[:CAP1], l1dsts[:CAP1],
                                 num_segments=CAPN)

    u = l2src[:CAP2]
    slotu = jnp.maximum(l1slotmap[u], 0)
    h1u = (h1edge[slotu] + selfc[u][:, None] * hlin1[u % N_USERS] + b1[None, :])
    acc128 = jax.ops.segment_sum(h1u * l2nrm[:CAP2, None], l2slot[:CAP2],
                                 num_segments=B * L)
    rep = (tslot[tkey] == jnp.arange(B * L, dtype=jnp.int32)).astype(jnp.float32)
    slott = jnp.maximum(l1slotmap[tkey], 0)
    h1v = h1edge[slott] + selfc[tkey][:, None] * hlin1[tv] + b1[None, :]
    acc128 = acc128 + (rep * selfc[tkey])[:, None] * h1v

    dyembpre = pl.pallas_call(
        _dyemb_body,
        in_specs=[pl.BlockSpec((B * L, 2 * D), lambda: (0, 0)),
                  pl.BlockSpec((D, 2 * D), lambda: (0, 0)),
                  pl.BlockSpec((1, D), lambda: (0, 0))],
        out_specs=pl.BlockSpec((B * L, D), lambda: (0, 0)),
        out_shape=jax.ShapeDtypeStruct((B * L, D), jnp.float32),
    )(acc128, W2, b2[None, :])
    dyemb = dyembpre[tslot[tkey]] * valid[pt].astype(jnp.float32)[:, None]
    dyemb3 = dyemb.reshape(B, L, D)

    T_embed = time_embedding[T_idx_col]
    qi = jnp.arange(L, dtype=jnp.int32)
    tri = (qi[None, :] > qi[:, None])
    pad = (seq == 0)[:, :, None]
    maskf = (tri[None] | pad).astype(jnp.float32)
    att = pl.pallas_call(
        _attn_body,
        grid=(B,),
        in_specs=[pl.BlockSpec((1, L, D), lambda b: (b, 0, 0)),
                  pl.BlockSpec((L, D), lambda b: (0, 0)),
                  pl.BlockSpec((1, L, L), lambda b: (b, 0, 0))],
        out_specs=pl.BlockSpec((1, L, D), lambda b: (b, 0, 0)),
        out_shape=jax.ShapeDtypeStruct((B, L, D), jnp.float32),
    )(dyemb3, T_embed, maskf)

    TN = 2048
    ntile = (N_USERS + TN - 1) // TN
    out = pl.pallas_call(
        _logits_body,
        grid=(ntile,),
        in_specs=[pl.BlockSpec((B * L, D), lambda j: (0, 0)),
                  pl.BlockSpec((TN, D), lambda j: (j, 0)),
                  pl.BlockSpec((1, TN), lambda j: (0, j))],
        out_specs=pl.BlockSpec((B * L, TN), lambda j: (0, j)),
        out_shape=jax.ShapeDtypeStruct((B * L, N_USERS), jnp.float32),
    )(att.reshape(B * L, D), linear_W, linear_b[None, :])

    ki = jnp.arange(L + 1, dtype=jnp.int32)
    li = jnp.arange(L, dtype=jnp.int32)
    kc = jnp.minimum(ki, L - 1)
    cols = jnp.where(ki[None, None, :] <= li[None, :, None],
                     seq[:, kc][:, None, :], 0)
    rows = (jnp.arange(B, dtype=jnp.int32)[:, None, None] * L
            + li[None, :, None] + jnp.zeros_like(cols))
    out = out.at[rows.reshape(-1), cols.reshape(-1)].set(-jnp.inf)
    return out

# --- scband reference (transcript-rebuilt; emitter-appended) ---
"""Pipeline reference for scband-dy-hgcn-h-43258910605717 (READ-ONLY COPY).

The authoritative reference and input builder live on the scoring server;
editing this copy changes nothing except your own understanding.
"""

import jax, jax.numpy as jnp
import numpy as np

N_USERS = 50000
D = 64
T_STEPS = 8
N_EDGES = 800000
B = 8
LP1 = 51
PAD = 0


def gcn_conv(x, W, b, src, dst, n):
    # PyG-style GCNConv: linear, add self-loops, symmetric normalization, scatter-add, bias
    h = x @ W.T
    loop = jnp.arange(n, dtype=src.dtype)
    src2 = jnp.concatenate([src, loop])
    dst2 = jnp.concatenate([dst, loop])
    deg = jax.ops.segment_sum(jnp.ones(src2.shape[0], x.dtype), dst2, num_segments=n)
    dinv = jnp.where(deg > 0, deg ** -0.5, 0.0)
    norm = dinv[src2] * dinv[dst2]
    out = jax.ops.segment_sum(h[src2] * norm[:, None], dst2, num_segments=n)
    return out + b


def graph_nn(emb, W1, b1, W2, b2, src, dst, n):
    # GraphNN.forward: gnn1 -> dropout(identity in eval) -> gnn2, no nonlinearity
    h = gcn_conv(emb, W1, b1, src, dst, n)
    return gcn_conv(h, W2, b2, src, dst, n)


def compute_time_index(ts, num_steps, seq_len):
    # DyHGCN_H per-timestep selection (keys are 1..num_steps)
    la = jnp.max(ts, axis=0).astype(jnp.int32)
    active = (la >= 1).astype(jnp.int32)
    valid = jnp.cumprod(active).astype(bool)
    res = jnp.clip(la, 1, num_steps) - 1
    t_idx = jnp.where(valid, res, 0).astype(jnp.int32)
    return t_idx, valid


def previous_user_mask(seq, user_size):
    b, l = seq.shape
    seqs = jnp.broadcast_to(seq[:, None, :], (b, l, l)).astype(jnp.float32)
    tril = jnp.tril(jnp.ones((l, l), jnp.float32))
    masked_seq = tril[None] * seqs
    masked_seq = jnp.concatenate([masked_seq, jnp.zeros((b, l, 1), jnp.float32)], axis=2).astype(jnp.int32)
    ans = jnp.zeros((b, l, user_size), jnp.float32)
    bi = jnp.arange(b)[:, None, None]
    li = jnp.arange(l)[None, :, None]
    return ans.at[bi, li, masked_seq].set(-jnp.inf)


def _forward(input_seq, t_idx, valid, diff_edge_index, gnn_embedding, W1, b1, W2, b2, time_embedding, linear_W, linear_b):
    seq = input_seq[:, :-1]
    b, l = seq.shape
    # DynamicGraphNN: shared GraphNN over each time-step diffusion graph
    emb_all = jnp.stack([graph_nn(gnn_embedding, W1, b1, W2, b2, diff_edge_index[t, 0], diff_edge_index[t, 1], N_USERS) for t in range(T_STEPS)])
    t_idx_j = jnp.asarray(t_idx)
    valid_j = jnp.asarray(valid)
    # dyemb[b,t] = F.embedding(input[:,t], emb of selected time graph)
    dyemb = emb_all[t_idx_j[None, :], seq] * valid_j.astype(jnp.float32)[None, :, None]
    T_idx = jnp.broadcast_to(jnp.where(valid_j, t_idx_j, 0)[None, :], (b, l))
    # TimeAttention_New
    d = dyemb.shape[-1]
    temperature = d ** 0.5 + 1e-06
    T_embed = time_embedding[T_idx]
    score = jnp.einsum('bqd,bkd->bqk', dyemb, T_embed) / temperature
    pad_mask = jnp.broadcast_to((seq == PAD)[:, :, None], (b, l, l))
    tri = jnp.triu(jnp.ones((l, l), dtype=bool), k=1)
    score = jnp.where(tri[None] | pad_mask, float(-2 ** 32 + 1), score)
    alpha = jax.nn.softmax(score, axis=1)
    att = jnp.einsum('bqk,bkd->bqd', alpha, dyemb)
    output = att @ linear_W.T + linear_b
    output = output + previous_user_mask(seq, N_USERS)
    return output.reshape(-1, N_USERS)


def setup_inputs(seed: int = 0):
    key = jax.random.key(seed)
    ks = jax.random.split(key, 10)
    input_seq = jax.random.randint(ks[0], (B, LP1), 0, N_USERS)
    input_timestamp = jax.random.randint(ks[1], (B, LP1), 1, T_STEPS + 1)
    relation_edge_index = jax.random.randint(ks[2], (2, N_EDGES), 0, N_USERS)
    diff_edge_index = jax.random.randint(ks[3], (T_STEPS, 2, N_EDGES), 0, N_USERS)
    diff_edge_weight = jax.random.uniform(ks[4], (T_STEPS, N_EDGES), jnp.float32)
    gnn_embedding = jax.random.normal(ks[5], (N_USERS, D), jnp.float32) * 0.02
    W1 = jax.random.normal(ks[6], (2 * D, D), jnp.float32) * 0.05
    b1 = jnp.zeros((2 * D,), jnp.float32)
    W2 = jax.random.normal(ks[7], (D, 2 * D), jnp.float32) * 0.05
    b2 = jnp.zeros((D,), jnp.float32)
    time_embedding = jax.random.normal(ks[8], (T_STEPS, D), jnp.float32) * 0.1
    linear_W = jax.random.normal(ks[9], (N_USERS, D), jnp.float32) * 0.02
    linear_b = jnp.zeros((N_USERS,), jnp.float32)
    return {'input_seq': input_seq, 'input_timestamp': input_timestamp, 'relation_edge_index': relation_edge_index, 'diff_edge_index': diff_edge_index, 'diff_edge_weight': diff_edge_weight, 'gnn_embedding': gnn_embedding, 'W1': W1, 'b1': b1, 'W2': W2, 'b2': b2, 'time_embedding': time_embedding, 'linear_W': linear_W, 'linear_b': linear_b}


def reference(input_seq, input_timestamp, relation_edge_index, diff_edge_index, diff_edge_weight, gnn_embedding, W1, b1, W2, b2, time_embedding, linear_W, linear_b):
    # relation_graph and diffusion edge weights are unused by DyHGCN_H.forward / GraphNN.forward
    ts = input_timestamp[:, :-1]
    t_idx, valid = compute_time_index(ts, T_STEPS, ts.shape[1])
    return _forward(input_seq, t_idx, valid, diff_edge_index, gnn_embedding, W1, b1, W2, b2, time_embedding, linear_W, linear_b)

if __name__ == "__main__":
    import jax
    _d = setup_inputs()
    print(jax.jit(kernel)(*tuple(_d.values())))

</pallas_src>

<mosaic_0001>
module attributes {stable_mosaic.version = 14 : i64} {
  func.func @_mm_xt_body(%arg0: i32, %arg1: memref<2000x64xf32, #tpu.memory_space<vmem>>, %arg2: memref<128x64xf32, #tpu.memory_space<vmem>>, %arg3: memref<2000x128xf32, #tpu.memory_space<vmem>>) attributes {dimension_semantics = [#tpu.dimension_semantics<arbitrary>], iteration_bounds = array<i64: 25>, scalar_prefetch = 0 : i64, scratch_operands = 0 : i64, tpu.core_type = #tpu.core_type<tc>, window_params = [{transform_indices = @transform_0, window_bounds = array<i64: 2000, 64>}, {pipeline_mode = #tpu.pipeline_mode<synchronous>, transform_indices = @transform_1, window_bounds = array<i64: 128, 64>}, {transform_indices = @transform_2, window_bounds = array<i64: 2000, 128>}]} {
    %get3A = arith.constant 0 : index
    %get3A_0 = arith.constant 0 : index
    %get3A_1 = vector.load %arg1[%get3A, %get3A_0] : memref<2000x64xf32, #tpu.memory_space<vmem>>, vector<2000x64xf32>
    %get3A_2 = arith.constant 0 : index
    %get3A_3 = arith.constant 0 : index
    %get3A_4 = vector.load %arg2[%get3A_2, %get3A_3] : memref<128x64xf32, #tpu.memory_space<vmem>>, vector<128x64xf32>
    %dot_general3A = arith.constant dense<0.000000e+00> : vector<2000x128xf32>
    %dot_general3A_5 = tpu.matmul %get3A_1, %get3A_4, %dot_general3A {dimension_numbers = #tpu.dot_dimension_numbers<[1], [1], [0], [0], [0, 0, 1, 0], [], []>, transpose_lhs_hint = false} : vector<2000x64xf32>, vector<128x64xf32>, vector<2000x128xf32> -> vector<2000x128xf32>
    %swap3A = arith.constant 0 : index
    %swap3A_6 = arith.constant 0 : index
    %swap3A_7 = vector.load %arg3[%swap3A, %swap3A_6] : memref<2000x128xf32, #tpu.memory_space<vmem>>, vector<2000x128xf32>
    tpu.vector_store %arg3[%swap3A, %swap3A_6], %dot_general3A_5 {strides = array<i32>} : memref<2000x128xf32, #tpu.memory_space<vmem>>, vector<2000x128xf32>,
    return
  }
  func.func @transform_0(%arg0: i32) -> (i32, i32) {
    %c0_i32 = arith.constant 0 : i32
    %c0_i32_0 = arith.constant 0 : i32
    return %arg0, %c0_i32 : i32, i32
  }
  func.func @transform_1(%arg0: i32) -> (i32, i32) {
    %c0_i32 = arith.constant 0 : i32
    %c0_i32_0 = arith.constant 0 : i32
    %c0_i32_1 = arith.constant 0 : i32
    return %c0_i32, %c0_i32_0 : i32, i32
  }
  func.func @transform_2(%arg0: i32) -> (i32, i32) {
    %c0_i32 = arith.constant 0 : i32
    %c0_i32_0 = arith.constant 0 : i32
    return %arg0, %c0_i32 : i32, i32
  }
}

module attributes {stable_mosaic.version = 14 : i64} {
  func.func @_dyemb_body(%arg0: memref<400x128xf32, #tpu.memory_space<vmem>>, %arg1: memref<64x128xf32, #tpu.memory_space<vmem>>, %arg2: memref<1x64xf32, #tpu.memory_space<vmem>>, %arg3: memref<400x64xf32, #tpu.memory_space<vmem>>) attributes {dimension_semantics = [], scalar_prefetch = 0 : i64, scratch_operands = 0 : i64, tpu.core_type = #tpu.core_type<tc>} {
    %get3A = arith.constant 0 : index
    %get3A_0 = arith.constant 0 : index
    %get3A_1 = vector.load %arg0[%get3A, %get3A_0] : memref<400x128xf32, #tpu.memory_space<vmem>>, vector<400x128xf32>
    %get3A_2 = arith.constant 0 : index
    %get3A_3 = arith.constant 0 : index
    %get3A_4 = vector.load %arg1[%get3A_2, %get3A_3] : memref<64x128xf32, #tpu.memory_space<vmem>>, vector<64x128xf32>
    %dot_general3A = arith.constant dense<0.000000e+00> : vector<400x64xf32>
    %dot_general3A_5 = tpu.matmul %get3A_1, %get3A_4, %dot_general3A {dimension_numbers = #tpu.dot_dimension_numbers<[1], [1], [0], [0], [0, 0, 1, 0], [], []>, transpose_lhs_hint = false} : vector<400x128xf32>, vector<64x128xf32>, vector<400x64xf32> -> vector<400x64xf32>
    %get3A_6 = arith.constant 0 : index
    %get3A_7 = arith.constant 0 : index
    %get3A_8 = vector.load %arg2[%get3A_6, %get3A_7] : memref<1x64xf32, #tpu.memory_space<vmem>>, vector<1x64xf32>
    %add3A = vector.broadcast %get3A_8 : vector<1x64xf32> to vector<400x64xf32>
    %add3A_9 = arith.addf %dot_general3A_5, %add3A : vector<400x64xf32>
    %swap3A = arith.constant 0 : index
    %swap3A_10 = arith.constant 0 : index
    %swap3A_11 = vector.load %arg3[%swap3A, %swap3A_10] : memref<400x64xf32, #tpu.memory_space<vmem>>, vector<400x64xf32>
    tpu.vector_store %arg3[%swap3A, %swap3A_10], %add3A_9 {strides = array<i32>} : memref<400x64xf32, #tpu.memory_space<vmem>>, vector<400x64xf32>,
    return
  }
}

module attributes {stable_mosaic.version = 14 : i64} {
  func.func @_attn_body(%arg0: i32, %arg1: memref<1x50x64xf32, #tpu.memory_space<vmem>>, %arg2: memref<50x64xf32, #tpu.memory_space<vmem>>, %arg3: memref<1x50x50xf32, #tpu.memory_space<vmem>>, %arg4: memref<1x50x64xf32, #tpu.memory_space<vmem>>) attributes {dimension_semantics = [#tpu.dimension_semantics<arbitrary>], iteration_bounds = array<i64: 8>, scalar_prefetch = 0 : i64, scratch_operands = 0 : i64, tpu.core_type = #tpu.core_type<tc>, window_params = [{transform_indices = @transform_0, window_bounds = array<i64: 1, 50, 64>}, {pipeline_mode = #tpu.pipeline_mode<synchronous>, transform_indices = @transform_1, window_bounds = array<i64: 50, 64>}, {transform_indices = @transform_2, window_bounds = array<i64: 1, 50, 50>}, {transform_indices = @transform_3, window_bounds = array<i64: 1, 50, 64>}]} {
    %get3A = arith.constant 0 : index
    %get3A_0 = arith.constant 0 : index
    %get3A_1 = arith.constant 0 : index
    %get3A_2 = vector.load %arg1[%get3A, %get3A_0, %get3A_1] : memref<1x50x64xf32, #tpu.memory_space<vmem>>, vector<1x50x64xf32>
    %get3A_3 = vector.shape_cast %get3A_2 : vector<1x50x64xf32> to vector<50x64xf32>
    %get3A_4 = arith.constant 0 : index
    %get3A_5 = arith.constant 0 : index
    %get3A_6 = vector.load %arg2[%get3A_4, %get3A_5] : memref<50x64xf32, #tpu.memory_space<vmem>>, vector<50x64xf32>
    %get3A_7 = arith.constant 0 : index
    %get3A_8 = arith.constant 0 : index
    %get3A_9 = arith.constant 0 : index
    %get3A_10 = vector.load %arg3[%get3A_7, %get3A_8, %get3A_9] : memref<1x50x50xf32, #tpu.memory_space<vmem>>, vector<1x50x50xf32>
    %get3A_11 = vector.shape_cast %get3A_10 : vector<1x50x50xf32> to vector<50x50xf32>
    %dot_general3A = arith.constant dense<0.000000e+00> : vector<50x50xf32>
    %dot_general3A_12 = tpu.matmul %get3A_3, %get3A_6, %dot_general3A {dimension_numbers = #tpu.dot_dimension_numbers<[1], [1], [0], [0], [0, 0, 1, 0], [], []>, transpose_lhs_hint = false} : vector<50x64xf32>, vector<50x64xf32>, vector<50x50xf32> -> vector<50x50xf32>
    %div3A = arith.constant 8.00000095 : f32
    %div3A_13 = vector.broadcast %div3A : f32 to vector<50x50xf32>
    %div3A_14 = arith.divf %dot_general3A_12, %div3A_13 : vector<50x50xf32>
    %sub3A = arith.constant 1.000000e+00 : f32
    %sub3A_15 = vector.broadcast %sub3A : f32 to vector<50x50xf32>
    %sub3A_16 = arith.subf %sub3A_15, %get3A_11 : vector<50x50xf32>
    %mul3A = arith.mulf %div3A_14, %sub3A_16 : vector<50x50xf32>
    %mul3A_17 = arith.constant -4.2949673E+9 : f32
    %mul3A_18 = vector.broadcast %mul3A_17 : f32 to vector<50x50xf32>
    %mul3A_19 = arith.mulf %get3A_11, %mul3A_18 : vector<50x50xf32>
    %add3A = arith.addf %mul3A, %mul3A_19 : vector<50x50xf32>
    %reduce_max3A = arith.constant dense<0xFF800000> : vector<50xf32>
    %reduce_max3A_20 = vector.multi_reduction <maximumf>, %add3A, %reduce_max3A [0] : vector<50x50xf32> to vector<50xf32>
    %broadcast_in_dim3A = vector.shape_cast %reduce_max3A_20 : vector<50xf32> to vector<1x50xf32>
    %sub3A_21 = vector.broadcast %broadcast_in_dim3A : vector<1x50xf32> to vector<50x50xf32>
    %sub3A_22 = arith.subf %add3A, %sub3A_21 : vector<50x50xf32>
    %exp3A = math.exp %sub3A_22 : vector<50x50xf32>
    %reduce_sum3A = arith.constant dense<0.000000e+00> : vector<50xf32>
    %reduce_sum3A_23 = vector.multi_reduction <add>, %exp3A, %reduce_sum3A [0] : vector<50x50xf32> to vector<50xf32>
    %broadcast_in_dim3A_24 = vector.shape_cast %reduce_sum3A_23 : vector<50xf32> to vector<1x50xf32>
    %div3A_25 = vector.broadcast %broadcast_in_dim3A_24 : vector<1x50xf32> to vector<50x50xf32>
    %div3A_26 = arith.divf %exp3A, %div3A_25 : vector<50x50xf32>
    %dot_general3A_27 = arith.constant dense<0.000000e+00> : vector<50x64xf32>
    %dot_general3A_28 = tpu.matmul %div3A_26, %get3A_3, %dot_general3A_27 {dimension_numbers = #tpu.dot_dimension_numbers<[1], [0], [0], [1], [0, 0, 1, 1], [], []>, transpose_lhs_hint = false} : vector<50x50xf32>, vector<50x64xf32>, vector<50x64xf32> -> vector<50x64xf32>
    %swap3A = arith.constant 0 : index
    %swap3A_29 = arith.constant 0 : index
    %swap3A_30 = arith.constant 0 : index
    %swap3A_31 = vector.load %arg4[%swap3A, %swap3A_29, %swap3A_30] : memref<1x50x64xf32, #tpu.memory_space<vmem>>, vector<1x50x64xf32>
    %swap3A_32 = vector.shape_cast %swap3A_31 : vector<1x50x64xf32> to vector<50x64xf32>
    %swap3A_33 = vector.shape_cast %dot_general3A_28 : vector<50x64xf32> to vector<1x50x64xf32>
    tpu.vector_store %arg4[%swap3A, %swap3A_29, %swap3A_30], %swap3A_33 {strides = array<i32>} : memref<1x50x64xf32, #tpu.memory_space<vmem>>, vector<1x50x64xf32>,
    return
  }
  func.func @transform_0(%arg0: i32) -> (i32, i32, i32) {
    %c0_i32 = arith.constant 0 : i32
    %c0_i32_0 = arith.constant 0 : i32
    %c0_i32_1 = arith.constant 0 : i32
    return %arg0, %c0_i32, %c0_i32_0 : i32, i32, i32
  }
  func.func @transform_1(%arg0: i32) -> (i32, i32) {
    %c0_i32 = arith.constant 0 : i32
    %c0_i32_0 = arith.constant 0 : i32
    %c0_i32_1 = arith.constant 0 : i32
    return %c0_i32, %c0_i32_0 : i32, i32
  }
  func.func @transform_2(%arg0: i32) -> (i32, i32, i32) {
    %c0_i32 = arith.constant 0 : i32
    %c0_i32_0 = arith.constant 0 : i32
    %c0_i32_1 = arith.constant 0 : i32
    return %arg0, %c0_i32, %c0_i32_0 : i32, i32, i32
  }
  func.func @transform_3(%arg0: i32) -> (i32, i32, i32) {
    %c0_i32 = arith.constant 0 : i32
    %c0_i32_0 = arith.constant 0 : i32
    %c0_i32_1 = arith.constant 0 : i32
    return %arg0, %c0_i32, %c0_i32_0 : i32, i32, i32
  }
}

module attributes {stable_mosaic.version = 14 : i64} {
  func.func @_logits_body(%arg0: i32, %arg1: memref<400x64xf32, #tpu.memory_space<vmem>>, %arg2: memref<2048x64xf32, #tpu.memory_space<vmem>>, %arg3: memref<1x2048xf32, #tpu.memory_space<vmem>>, %arg4: memref<400x2048xf32, #tpu.memory_space<vmem>>) attributes {dimension_semantics = [#tpu.dimension_semantics<arbitrary>], iteration_bounds = array<i64: 25>, scalar_prefetch = 0 : i64, scratch_operands = 0 : i64, tpu.core_type = #tpu.core_type<tc>, window_params = [{pipeline_mode = #tpu.pipeline_mode<synchronous>, transform_indices = @transform_0, window_bounds = array<i64: 400, 64>}, {transform_indices = @transform_1, window_bounds = array<i64: 2048, 64>}, {transform_indices = @transform_2, window_bounds = array<i64: 1, 2048>}, {transform_indices = @transform_3, window_bounds = array<i64: 400, 2048>}]} {
    %get3A = arith.constant 0 : index
    %get3A_0 = arith.constant 0 : index
    %get3A_1 = vector.load %arg1[%get3A, %get3A_0] : memref<400x64xf32, #tpu.memory_space<vmem>>, vector<400x64xf32>
    %get3A_2 = arith.constant 0 : index
    %get3A_3 = arith.constant 0 : index
    %get3A_4 = vector.load %arg2[%get3A_2, %get3A_3] : memref<2048x64xf32, #tpu.memory_space<vmem>>, vector<2048x64xf32>
    %dot_general3A = arith.constant dense<0.000000e+00> : vector<400x2048xf32>
    %dot_general3A_5 = tpu.matmul %get3A_1, %get3A_4, %dot_general3A {dimension_numbers = #tpu.dot_dimension_numbers<[1], [1], [0], [0], [0, 0, 1, 0], [], []>, transpose_lhs_hint = false} : vector<400x64xf32>, vector<2048x64xf32>, vector<400x2048xf32> -> vector<400x2048xf32>
    %get3A_6 = arith.constant 0 : index
    %get3A_7 = arith.constant 0 : index
    %get3A_8 = vector.load %arg3[%get3A_6, %get3A_7] : memref<1x2048xf32, #tpu.memory_space<vmem>>, vector<1x2048xf32>
    %add3A = vector.broadcast %get3A_8 : vector<1x2048xf32> to vector<400x2048xf32>
    %add3A_9 = arith.addf %dot_general3A_5, %add3A : vector<400x2048xf32>
    %swap3A = arith.constant 0 : index
    %swap3A_10 = arith.constant 0 : index
    %swap3A_11 = vector.load %arg4[%swap3A, %swap3A_10] : memref<400x2048xf32, #tpu.memory_space<vmem>>, vector<400x2048xf32>
    tpu.vector_store %arg4[%swap3A, %swap3A_10], %add3A_9 {strides = array<i32>} : memref<400x2048xf32, #tpu.memory_space<vmem>>, vector<400x2048xf32>,
    return
  }
  func.func @transform_0(%arg0: i32) -> (i32, i32) {
    %c0_i32 = arith.constant 0 : i32
    %c0_i32_0 = arith.constant 0 : i32
    %c0_i32_1 = arith.constant 0 : i32
    return %c0_i32, %c0_i32_0 : i32, i32
  }
  func.func @transform_1(%arg0: i32) -> (i32, i32) {
    %c0_i32 = arith.constant 0 : i32
    %c0_i32_0 = arith.constant 0 : i32
    return %arg0, %c0_i32 : i32, i32
  }
  func.func @transform_2(%arg0: i32) -> (i32, i32) {
    %c0_i32 = arith.constant 0 : i32
    %c0_i32_0 = arith.constant 0 : i32
    return %c0_i32, %arg0 : i32, i32
  }
  func.func @transform_3(%arg0: i32) -> (i32, i32) {
    %c0_i32 = arith.constant 0 : i32
    %c0_i32_0 = arith.constant 0 : i32
    return %c0_i32, %arg0 : i32, i32
  }
}

</mosaic_0001>

<sc_bundles>
// kernel: gather_offload_async_start.10
scs
__scs_entry_jumppad:
0x0: {  	(pc) =	sbr.rel $0x88, $3  }
0x1: {  	(tag) =	ssettag $0x0;
	lr =	simm.s32 $0x1  }
0x2: {  	[smem:$0x3F96] =	sst lr;
	_ =	strace $0xD0000000  }
0x3: {  	_ = 	snop  }
0x4: {  	_ = 	snop  }
0x5: {  	_ = 	snop  }
0x6: {  	_ = 	snop  }
0x7: {  	_ = 	snop  }
__scs_overlays_trampoline_lowered:
0x8: {  	[smem:$0x3FA5] =	sst s0  }
0x9: {  	[smem:$0x3FA6] =	sst s1  }
0xa: {  	[smem:$0x3FA7] =	sst s2  }
0xb: {  	[smem:$0x3FA8] =	sst s3  }
0xc: {  	[smem:$0x3FA9] =	sst s4  }
0xd: {  	[smem:$0x3FAA] =	sst s5  }
0xe: {  	[smem:$0x3FAB] =	sst s6  }
0xf: {  	[smem:$0x3FAC] =	sst s7  }
0x10: {  	[smem:$0x3FAD] =	sst s8  }
0x11: {  	[smem:$0x3FAE] =	sst s9;
	s0 =	simm.s32 @!p0 $0x0  }
0x12: {  	s1 =	sld [smem:$0x3F94];
	s0 =	simm.s32 @p0 $0x1  }
0x13: {  	[smem:$0x3FAF] =	sst s0;
	s0 =	simm.s32 @!p1 $0x0  }
0x14: {  	s2 =	sld [smem:$0x3F93];
	s0 =	simm.s32 @p1 $0x1  }
0x15: {  	[smem:$0x3FB0] =	sst s0;
	s0 =	simm.s32 @!p2 $0x0  }
0x16: {  	s3 =	sld [smem:$0x3FDB];
	s0 =	simm.s32 @p2 $0x1  }
0x17: {  	s4 =	simm.s32 $0x1BF5;
	[smem:$0x3FB2] =	sst s0  }
0x18: {  	s0 =	sld [smem:$0x3F95];
	_ =	swait.ge [sflag:s4], $0x0  }
0x19: {  	s7 =	sld [smem:$0x3F96]  }
0x1a: {  	s8 =	sadd.s32 $0xFFFFE003, lr  }
0x1b: {  	s9 =	sadd.s32 $0xFFFFFEF7, lr;
	s5 =	simm.s32 $0xFFFFFFFF;
	p2 =	slt.u32 s8, $0xFFFFF086  }
0x1c: {  	p1 =	slt.u32 s9, $0xF7A;
	s5 =	simm.s32 @!p2 $0x0  }
0x1d: {  	s5 =	simm.s32 @p1 $0x1;
	p0 =	seq.s32 s7, s2  }
0x1e: {  	s7 =	smul.u32 @!p0 $0xF7A, s2;
	p2 =	seq.s32 @!p0 s5, $0x0  }
0x1f: {  	s9 =	smul.u32 $0xF7A, s1;
	s8 =	simm.s32 @!p0 $0x1BF5;
	p2 =	por !p2, p0  }
0x20: {  	[sflag:s8] =	ssyncset.s32 @!p0 $0xFFFFF086;
	s6 =	sadd.s32 @!p0 s3, s7;
	s7 =	simm.s32 @!p0 $0x108  }
0x21: {  	s3 =	sadd.s32 s3, s9;
	s6 =	sadd.s32 @!p0 $0x88, s6;
	s7 =	simm.s32 @p2 $0x1082  }
0x22: {  	[simem:s7], [sflag:s8] =	dma.local @!p0 [hbm:s6], $0xF7A  }
0x23: {  	s9 =	sor.u32 $0xD0000000, s2;
	s6 =	simm.s32 $0x108;
	_ =	swait.ge @!p0 [sflag:s8], $0x0  }
0x24: {  	s3 =	sadd.s32 $0x88, s3;
	s6 =	simm.s32 @!p1 $0x1082;
	[sflag:s4] =	ssyncset.s32 $0xFFFFF086  }
0x25: {  	[simem:s6], [sflag:s4] =	dma.local [hbm:s3], $0xF7A  }
0x26: {  	[smem:$0x3F96] =	sst s1;
	(tag) =	ssettag s2;
	_ =	strace s9  }
0x27: {  	s1 =	sld [smem:$0x3FA6]  }
0x28: {  	s2 =	sld [smem:$0x3FA7]  }
0x29: {  	s4 =	sld [smem:$0x3FA9]  }
0x2a: {  	p0 =	seq.s32 s5, $0x0;
	s5 =	sld [smem:$0x3FAA]  }
0x2b: {  	s6 =	sld [smem:$0x3FAB]  }
0x2c: {  	s7 =	sld [smem:$0x3FAC]  }
0x2d: {  	s3 =	simm.s32 $0x108;
	s8 =	sld [smem:$0x3FAD]  }
0x2e: {  	s3 =	simm.s32 @!p0 $0x1082;
	s9 =	sld [smem:$0x3FAE]  }
0x2f: {  	lr =	sadd.s32 s0, s3;
	s0 =	sld [smem:$0x3FA5]  }
0x30: {  	s3 =	sld [smem:$0x3FA8]  }
0x31: {  	[smem:$0x3FB1] =	sst s10  }
0x32: {  	s10 =	sld [smem:$0x3FAF];
	_ =	sdelay $0x3  }
0x33: {  	p0 =	seq.s32 s10, $0x1;
	s10 =	sld [smem:$0x3FB1];
	_ =	sdelay $0x3  }
0x34: {  	[smem:$0x3FB1] =	sst s10  }
0x35: {  	s10 =	sld [smem:$0x3FB0];
	_ =	sdelay $0x3  }
0x36: {  	p1 =	seq.s32 s10, $0x1;
	s10 =	sld [smem:$0x3FB1];
	_ =	sdelay $0x3  }
0x37: {  	[smem:$0x3FB1] =	sst s10  }
0x38: {  	s10 =	sld [smem:$0x3FB2]  }
0x39: {  	_ = 	snop;
	(pc) =	sbr.ind lr, $3  }
0x3a: {  	_ = 	snop  }
0x3b: {  	_ = 	snop  }
0x3c: {  	p2 =	seq.s32 s10, $0x1;
	s10 =	sld [smem:$0x3FB1]  }
0x3d: {  	_ =	shalt  }
0x3e: {  	_ =	shalt  }
0x3f: {  	_ =	shalt  }
0x40: {  	_ =	shalt  }
0x41: {  	_ =	shalt  }
0x42: {  	_ =	shalt  }
0x43: {  	_ =	shalt  }
0x44: {  	_ =	shalt  }
0x45: {  	_ =	shalt  }
0x46: {  	_ =	shalt  }
0x47: {  	_ =	shalt  }
0x48: {  	_ =	shalt  }
0x49: {  	_ =	shalt  }
0x4a: {  	_ =	shalt  }
0x4b: {  	_ =	shalt  }
0x4c: {  	_ =	shalt  }
0x4d: {  	_ =	shalt  }
0x4e: {  	_ =	shalt  }
0x4f: {  	_ =	shalt  }
0x50: {  	_ =	shalt  }
0x51: {  	_ =	shalt  }
0x52: {  	_ =	shalt  }
0x53: {  	_ =	shalt  }
0x54: {  	_ =	shalt  }
0x55: {  	_ =	shalt  }
0x56: {  	_ =	shalt  }
0x57: {  	_ =	shalt  }
0x58: {  	_ =	shalt  }
0x59: {  	_ =	shalt  }
0x5a: {  	_ =	shalt  }
0x5b: {  	_ =	shalt  }
0x5c: {  	_ =	shalt  }
0x5d: {  	_ =	shalt  }
0x5e: {  	_ =	shalt  }
0x5f: {  	_ =	shalt  }
0x60: {  	_ =	shalt  }
0x61: {  	_ =	shalt  }
0x62: {  	_ =	shalt  }
0x63: {  	_ =	shalt  }
0x64: {  	_ =	shalt  }
0x65: {  	_ =	shalt  }
0x66: {  	_ =	shalt  }
0x67: {  	_ =	shalt  }
0x68: {  	_ =	shalt  }
0x69: {  	_ =	shalt  }
0x6a: {  	_ =	shalt  }
0x6b: {  	_ =	shalt  }
0x6c: {  	_ =	shalt  }
0x6d: {  	_ =	shalt  }
0x6e: {  	_ =	shalt  }
0x6f: {  	_ =	shalt  }
0x70: {  	_ =	shalt  }
0x71: {  	_ =	shalt  }
0x72: {  	_ =	shalt  }
0x73: {  	_ =	shalt  }
0x74: {  	_ =	shalt  }
0x75: {  	_ =	shalt  }
0x76: {  	_ =	shalt  }
0x77: {  	_ =	shalt  }
0x78: {  	_ =	shalt  }
0x79: {  	_ =	shalt  }
0x7a: {  	_ =	shalt  }
0x7b: {  	_ =	shalt  }
0x7c: {  	_ =	shalt  }
0x7d: {  	_ =	shalt  }
0x7e: {  	_ =	shalt  }
0x7f: {  	_ =	shalt  }
0x80: {  	_ =	shalt  }
0x81: {  	_ =	shalt  }
0x82: {  	_ =	shalt  }
0x83: {  	_ =	shalt  }
0x84: {  	_ =	shalt  }
0x85: {  	_ =	shalt  }
0x86: {  	_ =	shalt  }
0x87: {  	_ =	shalt  }
.Lfunc_end0:
.L_simem_size_0:
called_computation.13_lowered:
.L_overlay_start_0:
0x88: {  	s2 =	sld [smem:$0x3FD9]  }
0x89: {  	s3 =	sld [smem:$0x3FFE];
	_ =	sdelay $0x1  }
0x8a: {  	s1 =	srdreg.scid  }
0x8b: {  	s0 =	sand.u32 $0x1, s1  }
0x8c: {  	s17 =	sshll.u32 s0, $0xA;
	s2 =	sadd.s32 s3, s2  }
0x8d: {  	s2 =	sadd.s32 s2, s17  }
0x8e: {  	[smem:$0x3FBD] =	sst s2  }
0x8f: {  	_ = 	snop  }
0x90: {  	(tm) =	ssettm $0x1  }
0x91: {  	s18 =	sld [smem:$0x3FFB];
	_ =	sdelay $0x3  }
0x92: {  	_ =	strace s18  }
0x93: {  	s2 =	sld [smem:$0x3FFC];
	_ =	sdelay $0x3  }
0x94: {  	_ =	strace s2  }
0x95: {  	s2 =	sld [smem:$0x3FFD];
	_ =	sdelay $0x3  }
0x96: {  	_ =	strace s2  }
0x97: {  	_ =	strace $0x8FFFFFFF  }
0x98: {  	s19 =	sld [smem:$0x3FDB];
	_ =	sdelay $0x1  }
0x99: {  	s20 =	simm.s32 $_scs_section_size  }
0x9a: {  	s4 =	simm.s32 $_size__tile_overlayer_lowered;
	s5 =	simm.s32 $_tile_overlayer_lowered  }
0x9b: {  	s6 =	simm.s32 $0x1BFF;
	s21 =	sshll.u32 s5, $0x1;
	s3 =	sadd.s32 s20, s19  }
0x9c: {  	s22 =	simm.s32 $0x0;
	s4 =	sshll.u32 s4, $0x1;
	s5 =	sadd.s32 s21, s3  }
0x9d: {  	[timem:s22], [sflag:s6] =	dma.local [hbm:s5], s4  }
0x9e: {  	_ =	swait.ge [sflag:s6], s4  }
0x9f: {  	s4 =	ssub.s32 $0x0, s4;
	[sflag:s6] =	ssyncset.done $0x0  }
0xa0: {  	[sflag:s6] =	ssyncadd.s32 s4;
	_ =	sdelay $0x1  }
0xa1: {  	s23 =	simm.s32 $0x1B8B  }
0xa2: {  	_ =	swait.ge [sflag:s23], $0x1  }
0xa3: {  	[sflag:s23] =	ssyncset.done $0x0  }
0xa4: {  	[sflag:s23] =	ssyncadd.s32 $0xFFFFFFFF  }
0xa5: {  	s4 =	sld [smem:$0x0]  }
0xa6: {  	s5 =	sand.u32 $0xFFFFFFFE, s1  }
0xa7: {  	p0 =	sne.s32 s1, s5  }
0xa8: {  	s5 =	sshll.u32 @p0 s5, $0xE  }
0xa9: {  	s5 =	sadd.s32 @p0 $0x11B8D, s5;
	s6 =	sshll.u32 @p0 s4, $0x11  }
0xaa: {  	s5 =	sor.u32 @p0 s6, s5  }
0xab: {  	[sflag:s5] =	ssyncadd.remote.s32 @p0 $0x1;
	_ =	sdelay $0x1  }
0xac: {  	s5 =	simm.s32 @p0 $0x1B8D  }
0xad: {  	_ =	swait.eq @p0 [sflag:s5], $0x1  }
0xae: {  	[sflag:s5] =	ssyncadd.s32 @p0 $0xFFFFFFFF  }
0xaf: {  	s6 =	sshll.u32 @!p0 s1, $0xE  }
0xb0: {  	s6 =	sor.u32 @!p0 $0x4000, s6;
	s5 =	simm.s32 @!p0 $0x1B8D  }
0xb1: {  	s4 =	sshll.u32 @!p0 s4, $0x11;
	s6 =	sadd.s32 @!p0 $0x11B8D, s6;
	_ =	swait.eq @!p0 [sflag:s5], $0x1  }
0xb2: {  	s4 =	sor.u32 @!p0 s4, s6;
	[sflag:s5] =	ssyncadd.s32 @!p0 $0xFFFFFFFF  }
0xb3: {  	s25 =	simm.s32 $0x1B8E;
	s24 =	sld [smem:$0x3FFE];
	[sflag:s4] =	ssyncadd.remote.s32 @!p0 $0x1  }
0xb4: {  	s26 =	simm.s32 $execute0_lowered;
	[smem:$0x3FD2] =	sst s25  }
0xb5: {  	s5 =	sshll.u32 s26, $0x1;
	_ =	strace $0x8000005E;
	[dreg:$0x1] =	wrdreg $0xFFFFFFFF  }
0xb6: {  	s28 =	simm.s32 $_size_execute0_lowered;
	s3 =	sadd.s32 s3, s5;
	[dreg:$0x0] =	wrdreg $0x0  }
0xb7: {  	s5 =	sshll.u32 s28, $0x1;
	[dreg:$0x2] =	wrdreg s3  }
0xb8: {  	[dreg:$0x3] =	wrdreg s5  }
0xb9: {  	[dreg:$0x4] =	wrdreg $0xC0  }
0xba: {  	_ =	task [dreg:s22], $0x5FFFF  }
0xbb: {  	[dreg:$0x1] =	wrdreg $0xFFFFFFFF  }
0xbc: {  	[dreg:$0x0] =	wrdreg $0x60  }
0xbd: {  	[dreg:$0x2] =	wrdreg s24  }
0xbe: {  	[dreg:$0x3] =	wrdreg $0xD  }
0xbf: {  	_ =	task.clear_ibuf [dreg:s22], $0x4FFFF;
	_ =	strace $0x9000005E  }
0xc0: {  	s29 =	simm.s32 $0xD;
	_ =	strace $0x80000060  }
0xc1: {  	_ =	swait.ge [sflag:s29], $0x1  }
0xc2: {  	[sflag:s29] =	ssyncadd.s32 $0xFFFFFFFF  }
0xc3: {  	_ =	strace $0x90000060  }
0xc4: {  	_ =	sfence  }
0xc5: {  	s30 =	sld [smem:$0x0];
	_ =	sdelay $0x2  }
0xc6: {  	s31 =	sshll.u32 s1, $0xD;
	s1 =	sshrl.u32 s1, $0x2  }
0xc7: {  	s4 =	sand.u32 $0x4000, s31;
	s1 =	sadd.s32 s1, s30  }
0xc8: {  	s0 =	sor.u32 s4, s0;
	s1 =	sshll.u32 s1, $0x11  }
0xc9: {  	s0 =	sor.u32 s1, s0  }
0xca: {  	s0 =	sadd.s32 $0x8F2B, s0  }
0xcb: {  	[sflag:s0] =	ssyncadd.remote.s32 $0x1  }
0xcc: {  	_ =	sfence.sel $0xFFFF  }
0xcd: {  	[dreg:$0x0] =	wrdreg $0xFFFFFFFF;
	(pc) =	sbr.abs _section_cstart, $3  }
0xce: {  	[dreg:$0x1] =	wrdreg $0xFFFFFFFF  }
0xcf: {  	_ =	task.clear_ibuf [dreg:s22], $0x2FFFF;
	_ =	strace $0x9FFFFFFF  }
0xd0: {  	(tm) =	ssettm $0x7FFFFFFF  }
0xd1: {  	_ =	shalt  }
tec
execute0_lowered:
.L_overlay_start_1:
0x0: {  	(tag) =	ssettag $0x1  }
0x1: {  	s0 =	srdreg.scid;
	s5 =	rddreg [dreg:$0x0]  }
0x2: {  	s1 =	stileid.u32;
	s6 =	simm.s32 $0x1;
	s9 =	simm.s32 $0x1  }
0x3: {  	s10 =	simm.s32 $0x3;
	s13 =	simm.s32 $0x0;
	s2 =	sshll.u32 s0, $0x8  }
0x4: {  	s12 =	simm.s32 $0x0;
	s3 =	sshll.u32 s1, $0x9;
	s2 =	sand.u32 $0x100, s2  }
0x5: {  	s0 =	rddreg [dreg:$0x1];
	_ =	strace $0x8000005F;
	s2 =	sor.u32 s3, s2  }
0x6: {  	s4 =	sadd.s32 $0xCF600, s5;
	[sflag:s6] =	ssyncpa.u1 $0x0;
	s8 =	ssub.s32 $0x4000, s2  }
.Ltmp0:
0x7: {  	s3 =	sadd.s32 $0x4AC800, s5;
	s7 =	sand.u32 $0x1F00, s8;
	(pc) =	sbr.rel .LBB2_1-.Ltmp0, $4  }
0x8: {  	s5 =	sadd.s32 $0xD4600, s5;
	s11 =	smov.u32 s2;
	p0 =	sne.s32 s7, $0x0  }
0x9: {  	s8 =	sshrl.u32 s8, $0xD;
	s7 =	simm.s32 $0x2;
	s9 =	simm.s32 @!p0 $0x0  }
0xa: {  	[sflag:s7] =	ssyncpa.u1 $0x0;
	p0 =	por $0x0, $0x0;
	s8 =	sadd.s32 s9, s8  }
0xb: {  	vm0 =	vmmov $0xffff;
	[sflag:s10] =	ssyncpa.u1 $0x0;
	s10 =	simm.s32 $0x0;
	s9 =	sadd.s32 $0x1, s8  }
.LBB2_4:
0xc: {  	v2 =	vnsel vm1, $0x0, v2  }
0xd: {  	vm1 =	vgt.s32 v0, $0x0;
	v2 =	vmin.u32 v2, $0x61A7F  }
0xe: {  	v0 =	vnsel vm1, $0x0, v0  }
0xf: {  	v0 =	vmin.u32 v0, $0x61A7F  }
0x10: {  	[tilespmem:s15], [sflag:$0x1] =	stream.indirect_vreg.gather [hbm4b:s3+s10], $0x1, v1, vm0, $0x4038;
	[tilespmem:$0x400] =	vst v63  }
0x11: {  	(ifvalue) =	ssetifvalue $0x7FFFFFFF  }
0x12: {  	[tilespmem:s16], [sflag:$0x1] =	stream.indirect_vreg.gather [hbm4b:s3+s10], $0x1, v2, vm0, $0x4038;
	[tilespmem:$0x400] =	vst v63  }
0x13: {  	s29 =	sadd.s32 $0x10, s16;
	(ifvalue) =	ssetifvalue $0x7FFFFFFF  }
0x14: {  	[tilespmem:s29], [sflag:$0x1] =	stream.indirect_vreg.gather [hbm4b:s3+s10], $0x1, v0, vm0, $0x4038;
	[tilespmem:$0x400] =	vst v63  }
0x15: {  	_ =	swait.ge [sflag:s6], $0x100  }
0x16: {  	s30 =	sshrl.u32 s13, $0x3;
	[sflag:s6] =	ssyncset.done $0x0  }
0x17: {  	s31 =	sand.u32 $0x7, s13;
	s15 =	sadd.s32 s5, s30;
	[sflag:s6] =	ssyncadd.s32 $0xFFFFFF00  }
0x18: {  	[hbm4b:s15+s31] =	stream.linear.scatter [tilespmem:s14], [sflag:$0x3], $0x100, $0x38;
	[tilespmem:$0x400] =	vst v63  }
.LBB2_5:
0x19: {  	s15 =	sadd.s32 $0x2000, s11  }
0x1a: {  	p2 =	sgt.s32 s15, $0x3FFF  }
0x1b: {  	s15 =	smov.u32 @p2 s2;
	p2 =	sne.s32 s12, s9  }
.Ltmp1:
0x1c: {  	p1 =	slt.u32 s12, $0x2;
	(pc) =	sbr.rel @!p2 .LBB2_6-.Ltmp1, $4  }
0x1d: {  	s14 =	simm.s32 @!p1 $0x3  }
0x1e: {  	s16 =	sadd.s32 $0x1, s12;
	_ =	swait.ge @!p1 [sflag:s14], $0x100  }
0x1f: {  	s13 =	smov.u32 s11;
	p0 =	por !p0, !p0;
	[sflag:s14] =	ssyncset.done @!p1 $0x0  }
0x20: {  	s12 =	smov.u32 s16;
	s11 =	smov.u32 s15;
	[sflag:s14] =	ssyncadd.s32 @!p1 $0xFFFFFF00  }
.LBB2_1:
0x21: {  	p1 =	sge.u32 s12, s8  }
0x22: {  	s14 =	sxor.u32 @!p1 $0xFFFFFFFF, s12  }
0x23: {  	s31 =	sadd.s32 $0xFFFFFFFF, s12;
	s15 =	sshrl.u32 @!p1 s11, $0x3;
	s14 =	sshll.u32 @!p1 s14, $0x8  }
0x24: {  	s16 =	sand.u32 @!p1 $0x7, s11;
	s15 =	sadd.s32 @!p1 s4, s15;
	s14 =	sand.u32 @!p1 $0x100, s14  }
0x25: {  	[tilespmem:s14], [sflag:$0x2] =	stream.linear.gather @!p1 [hbm4b:s15+s16], $0x100, $0x38;
	[tilespmem:$0x400] =	vst v63  }
0x26: {  	p1 =	sge.u32 s31, s8  }
.Ltmp2:
0x27: {  	_ = 	snop;
	(pc) =	sbr.rel @p1 .LBB2_5-.Ltmp2, $1  }
0x28: {  	_ =	sdelay $0x3  }
0x29: {  	s14 =	simm.s32 $0x1  }
0x2a: {  	_ =	swait.ge [sflag:s7], $0x100;
	s14 =	simm.s32 @!p0 $0x0  }
0x2b: {  	[sflag:s7] =	ssyncset.done $0x0;
	s14 =	sshll.u32 s14, $0x8  }
0x2c: {  	[sflag:s7] =	ssyncadd.s32 $0xFFFFFF00;
	(ifvalue) =	ssetifvalue $0x7FFFFFFF;
	v0 =	vld.msk [tilespmem:s14+$0x0 ss:$0x1], $0xffff;
	_ =	sdelay $0x4  }
0x2d: {  	s15 =	sadd.s32 $0x10, s14;
	vm1 =	vgt.s32 v0, $0x0  }
0x2e: {  	v2 =	vld.msk [tilespmem:s15+$0x0 ss:$0x1], $0xffff;
	v1 =	vnsel vm1, $0x0, v0  }
0x2f: {  	v1 =	vmin.u32 v1, $0x61A7F;
	_ =	sdelay $0x1  }
0x30: {  	s16 =	sshll.u32 s12, $0x8;
	s18 =	simm.s32 $0x20  }
0x31: {  	s16 =	sand.u32 $0x100, s16;
	s17 =	sadd.s32 $0x10, s15;
	s15 =	sor.u32 $0x200, s14  }
0x32: {  	s14 =	sor.u32 $0x200, s16;
	s16 =	sadd.s32 $0x10, s15;
	v0 =	vld.msk [tilespmem:s17+$0x0 ss:$0x1], $0xffff;
	vm1 =	vgt.s32 v2, $0x0;
	(ifvalue) =	ssetifvalue $0x7FFFFFFF  }
.LBB2_3:
0x33: {  	[tilespmem:s15], [sflag:$0x1] =	stream.indirect_vreg.gather [hbm4b:s3+s10], $0x1, v1, vm0, $0x4038;
	[tilespmem:$0x400] =	vst v63  }
0x34: {  	s18 =	sadd.s32 $0x10, s18  }
0x35: {  	v2 =	vnsel vm1, $0x0, v2;
	p1 =	slt.u32 s18, $0xF0  }
.Ltmp3:
0x36: {  	s15 =	smov.u32 s16;
	v1 =	vmin.u32 v2, $0x61A7F;
	(pc) =	sbr.rel @p1 .LBB2_3-.Ltmp3, $3  }
0x37: {  	_ =	sdelay $0x1  }
0x38: {  	s17 =	sadd.s32 $0x10, s17  }
0x39: {  	vm1 =	vgt.s32 v0, $0x0;
	s16 =	sadd.s32 $0x10, s16;
	v2 =	vmov v0;
	(ifvalue) =	ssetifvalue $0x7FFFFFFF;
	v0 =	vld.msk [tilespmem:s17+$0x0 ss:$0x1], $0xffff  }
.Ltmp4:
0x3a: {  	_ = 	snop;
	(pc) =	sbr.rel .LBB2_4-.Ltmp4, $1  }
0x3b: {  	_ =	sdelay $0x3  }
.LBB2_6:
0x3c: {  	_ =	sfence.sel $0x180000  }
0x3d: {  	s2 =	simm.s32 $0x2;
	[bflag:$0x0] =	sbarrier.arrive $0xFFFF  }
0x3e: {  	s30 =	simm.s32 $0x3;
	[sflag:s2] =	ssyncpa.u1 $0x1  }
0x3f: {  	s31 =	simm.s32 $0x1;
	[sflag:s30] =	ssyncpa.u1 $0x1  }
0x40: {  	[sflag:s31] =	ssyncpa.u1 $0x1  }
0x41: {  	p0 =	sne.s32 s1, $0x0;
	_ =	strace $0x9000005F  }
0x42: {  	s0 =	sadd.s32 @!p0 $0x100000, s0;
	[bflag:$0x2] =	sbarrier.arrive $0xFFFF  }
0x43: {  	[sflag:s0] =	ssyncadd.tile.s32 @!p0 $0x1;
	_ =	shalt  }
.Lfunc_end2:
_tile_overlayer_lowered:
.L_overlay_start_2:
0x44: {  	(tag) =	ssettag $0x2  }
0x45: {  	s0 =	rddreg [dreg:$0x0];
	s2 =	stileid.u32  }
0x46: {  	s1 =	rddreg [dreg:$0x1];
	p0 =	sne.s32 s2, $0x0  }
0x47: {  	s3 =	rddreg [dreg:$0x2];
	[bflag:$0x3] =	sbarrier.arrive $0xFFFF;
	s2 =	simm.s32 @!p0 $0x1C01  }
0x48: {  	[timem:s3], [sflag:s2] =	dma.local @!p0 [hbm:s0], s1  }
0x49: {  	s0 =	simm.s32 @!p0 $0x1  }
0x4a: {  	_ =	swait.ge @!p0 [sflag:s0], s1  }
0x4b: {  	s1 =	ssub.s32 @!p0 $0x0, s1;
	[sflag:s0] =	ssyncset.done @!p0 $0x0  }
0x4c: {  	[sflag:s0] =	ssyncadd.s32 @!p0 s1  }
0x4d: {  	[bflag:$0x3] =	sbarrier.arrive $0xFFFF  }
0x4e: {  	_ =	shalt  }

// kernel: gather_offload_async_start.11
scs
__scs_entry_jumppad:
0x0: {  	(pc) =	sbr.rel $0x88, $3  }
0x1: {  	(tag) =	ssettag $0x0;
	lr =	simm.s32 $0x1  }
0x2: {  	[smem:$0x3F96] =	sst lr;
	_ =	strace $0xD0000000  }
0x3: {  	_ = 	snop  }
0x4: {  	_ = 	snop  }
0x5: {  	_ = 	snop  }
0x6: {  	_ = 	snop  }
0x7: {  	_ = 	snop  }
__scs_overlays_trampoline_lowered:
0x8: {  	[smem:$0x3FA5] =	sst s0  }
0x9: {  	[smem:$0x3FA6] =	sst s1  }
0xa: {  	[smem:$0x3FA7] =	sst s2  }
0xb: {  	[smem:$0x3FA8] =	sst s3  }
0xc: {  	[smem:$0x3FA9] =	sst s4  }
0xd: {  	[smem:$0x3FAA] =	sst s5  }
0xe: {  	[smem:$0x3FAB] =	sst s6  }
0xf: {  	[smem:$0x3FAC] =	sst s7  }
0x10: {  	[smem:$0x3FAD] =	sst s8  }
0x11: {  	[smem:$0x3FAE] =	sst s9;
	s0 =	simm.s32 @!p0 $0x0  }
0x12: {  	s1 =	sld [smem:$0x3F94];
	s0 =	simm.s32 @p0 $0x1  }
0x13: {  	[smem:$0x3FAF] =	sst s0;
	s0 =	simm.s32 @!p1 $0x0  }
0x14: {  	s2 =	sld [smem:$0x3F93];
	s0 =	simm.s32 @p1 $0x1  }
0x15: {  	[smem:$0x3FB0] =	sst s0;
	s0 =	simm.s32 @!p2 $0x0  }
0x16: {  	s3 =	sld [smem:$0x3FDB];
	s0 =	simm.s32 @p2 $0x1  }
0x17: {  	s4 =	simm.s32 $0x1BF5;
	[smem:$0x3FB2] =	sst s0  }
0x18: {  	s0 =	sld [smem:$0x3F95];
	_ =	swait.ge [sflag:s4], $0x0  }
0x19: {  	s7 =	sld [smem:$0x3F96]  }
0x1a: {  	s8 =	sadd.s32 $0xFFFFE003, lr  }
0x1b: {  	s9 =	sadd.s32 $0xFFFFFEF7, lr;
	s5 =	simm.s32 $0xFFFFFFFF;
	p2 =	slt.u32 s8, $0xFFFFF086  }
0x1c: {  	p1 =	slt.u32 s9, $0xF7A;
	s5 =	simm.s32 @!p2 $0x0  }
0x1d: {  	s5 =	simm.s32 @p1 $0x1;
	p0 =	seq.s32 s7, s2  }
0x1e: {  	s7 =	smul.u32 @!p0 $0xF7A, s2;
	p2 =	seq.s32 @!p0 s5, $0x0  }
0x1f: {  	s9 =	smul.u32 $0xF7A, s1;
	s8 =	simm.s32 @!p0 $0x1BF5;
	p2 =	por !p2, p0  }
0x20: {  	[sflag:s8] =	ssyncset.s32 @!p0 $0xFFFFF086;
	s6 =	sadd.s32 @!p0 s3, s7;
	s7 =	simm.s32 @!p0 $0x108  }
0x21: {  	s3 =	sadd.s32 s3, s9;
	s6 =	sadd.s32 @!p0 $0x88, s6;
	s7 =	simm.s32 @p2 $0x1082  }
0x22: {  	[simem:s7], [sflag:s8] =	dma.local @!p0 [hbm:s6], $0xF7A  }
0x23: {  	s9 =	sor.u32 $0xD0000000, s2;
	s6 =	simm.s32 $0x108;
	_ =	swait.ge @!p0 [sflag:s8], $0x0  }
0x24: {  	s3 =	sadd.s32 $0x88, s3;
	s6 =	simm.s32 @!p1 $0x1082;
	[sflag:s4] =	ssyncset.s32 $0xFFFFF086  }
0x25: {  	[simem:s6], [sflag:s4] =	dma.local [hbm:s3], $0xF7A  }
0x26: {  	[smem:$0x3F96] =	sst s1;
	(tag) =	ssettag s2;
	_ =	strace s9  }
0x27: {  	s1 =	sld [smem:$0x3FA6]  }
0x28: {  	s2 =	sld [smem:$0x3FA7]  }
0x29: {  	s4 =	sld [smem:$0x3FA9]  }
0x2a: {  	p0 =	seq.s32 s5, $0x0;
	s5 =	sld [smem:$0x3FAA]  }
0x2b: {  	s6 =	sld [smem:$0x3FAB]  }
0x2c: {  	s7 =	sld [smem:$0x3FAC]  }
0x2d: {  	s3 =	simm.s32 $0x108;
	s8 =	sld [smem:$0x3FAD]  }
0x2e: {  	s3 =	simm.s32 @!p0 $0x1082;
	s9 =	sld [smem:$0x3FAE]  }
0x2f: {  	lr =	sadd.s32 s0, s3;
	s0 =	sld [smem:$0x3FA5]  }
0x30: {  	s3 =	sld [smem:$0x3FA8]  }
0x31: {  	[smem:$0x3FB1] =	sst s10  }
0x32: {  	s10 =	sld [smem:$0x3FAF];
	_ =	sdelay $0x3  }
0x33: {  	p0 =	seq.s32 s10, $0x1;
	s10 =	sld [smem:$0x3FB1];
	_ =	sdelay $0x3  }
0x34: {  	[smem:$0x3FB1] =	sst s10  }
0x35: {  	s10 =	sld [smem:$0x3FB0];
	_ =	sdelay $0x3  }
0x36: {  	p1 =	seq.s32 s10, $0x1;
	s10 =	sld [smem:$0x3FB1];
	_ =	sdelay $0x3  }
0x37: {  	[smem:$0x3FB1] =	sst s10  }
0x38: {  	s10 =	sld [smem:$0x3FB2]  }
0x39: {  	_ = 	snop;
	(pc) =	sbr.ind lr, $3  }
0x3a: {  	_ = 	snop  }
0x3b: {  	_ = 	snop  }
0x3c: {  	p2 =	seq.s32 s10, $0x1;
	s10 =	sld [smem:$0x3FB1]  }
0x3d: {  	_ =	shalt  }
0x3e: {  	_ =	shalt  }
0x3f: {  	_ =	shalt  }
0x40: {  	_ =	shalt  }
0x41: {  	_ =	shalt  }
0x42: {  	_ =	shalt  }
0x43: {  	_ =	shalt  }
0x44: {  	_ =	shalt  }
0x45: {  	_ =	shalt  }
0x46: {  	_ =	shalt  }
0x47: {  	_ =	shalt  }
0x48: {  	_ =	shalt  }
0x49: {  	_ =	shalt  }
0x4a: {  	_ =	shalt  }
0x4b: {  	_ =	shalt  }
0x4c: {  	_ =	shalt  }
0x4d: {  	_ =	shalt  }
0x4e: {  	_ =	shalt  }
0x4f: {  	_ =	shalt  }
0x50: {  	_ =	shalt  }
0x51: {  	_ =	shalt  }
0x52: {  	_ =	shalt  }
0x53: {  	_ =	shalt  }
0x54: {  	_ =	shalt  }
0x55: {  	_ =	shalt  }
0x56: {  	_ =	shalt  }
0x57: {  	_ =	shalt  }
0x58: {  	_ =	shalt  }
0x59: {  	_ =	shalt  }
0x5a: {  	_ =	shalt  }
0x5b: {  	_ =	shalt  }
0x5c: {  	_ =	shalt  }
0x5d: {  	_ =	shalt  }
0x5e: {  	_ =	shalt  }
0x5f: {  	_ =	shalt  }
0x60: {  	_ =	shalt  }
0x61: {  	_ =	shalt  }
0x62: {  	_ =	shalt  }
0x63: {  	_ =	shalt  }
0x64: {  	_ =	shalt  }
0x65: {  	_ =	shalt  }
0x66: {  	_ =	shalt  }
0x67: {  	_ =	shalt  }
0x68: {  	_ =	shalt  }
0x69: {  	_ =	shalt  }
0x6a: {  	_ =	shalt  }
0x6b: {  	_ =	shalt  }
0x6c: {  	_ =	shalt  }
0x6d: {  	_ =	shalt  }
0x6e: {  	_ =	shalt  }
0x6f: {  	_ =	shalt  }
0x70: {  	_ =	shalt  }
0x71: {  	_ =	shalt  }
0x72: {  	_ =	shalt  }
0x73: {  	_ =	shalt  }
0x74: {  	_ =	shalt  }
0x75: {  	_ =	shalt  }
0x76: {  	_ =	shalt  }
0x77: {  	_ =	shalt  }
0x78: {  	_ =	shalt  }
0x79: {  	_ =	shalt  }
0x7a: {  	_ =	shalt  }
0x7b: {  	_ =	shalt  }
0x7c: {  	_ =	shalt  }
0x7d: {  	_ =	shalt  }
0x7e: {  	_ =	shalt  }
0x7f: {  	_ =	shalt  }
0x80: {  	_ =	shalt  }
0x81: {  	_ =	shalt  }
0x82: {  	_ =	shalt  }
0x83: {  	_ =	shalt  }
0x84: {  	_ =	shalt  }
0x85: {  	_ =	shalt  }
0x86: {  	_ =	shalt  }
0x87: {  	_ =	shalt  }
.Lfunc_end0:
.L_simem_size_0:
called_computation.14_lowered:
.L_overlay_start_0:
0x88: {  	s2 =	sld [smem:$0x3FD9]  }
0x89: {  	s3 =	sld [smem:$0x3FFE];
	_ =	sdelay $0x1  }
0x8a: {  	s1 =	srdreg.scid  }
0x8b: {  	s0 =	sand.u32 $0x1, s1  }
0x8c: {  	s17 =	sshll.u32 s0, $0xA;
	s2 =	sadd.s32 s3, s2  }
0x8d: {  	s2 =	sadd.s32 s2, s17  }
0x8e: {  	[smem:$0x3FBD] =	sst s2  }
0x8f: {  	_ = 	snop  }
0x90: {  	s18 =	sld [smem:$0x3FD0];
	(tm) =	ssettm $0x1  }
0x91: {  	s19 =	sld [smem:$0x3FFB];
	_ =	sdelay $0x3  }
0x92: {  	_ =	strace s19  }
0x93: {  	s2 =	sld [smem:$0x3FFC];
	_ =	sdelay $0x3  }
0x94: {  	_ =	strace s2  }
0x95: {  	s2 =	sld [smem:$0x3FFD];
	_ =	sdelay $0x3  }
0x96: {  	_ =	strace s2  }
0x97: {  	_ =	strace $0x8FFFFFFF  }
0x98: {  	s20 =	sld [smem:$0x3FDB];
	_ =	sdelay $0x1  }
0x99: {  	s4 =	simm.s32 $_scs_section_size  }
0x9a: {  	s5 =	simm.s32 $_size__tile_overlayer_lowered;
	s6 =	simm.s32 $_tile_overlayer_lowered  }
0x9b: {  	s7 =	simm.s32 $0x1BFF;
	s21 =	sshll.u32 s6, $0x1;
	s4 =	sadd.s32 s4, s20  }
0x9c: {  	s22 =	simm.s32 $0x0;
	s5 =	sshll.u32 s5, $0x1;
	s6 =	sadd.s32 s21, s4  }
0x9d: {  	[timem:s22], [sflag:s7] =	dma.local [hbm:s6], s5  }
0x9e: {  	_ =	swait.ge [sflag:s7], s5  }
0x9f: {  	s5 =	ssub.s32 $0x0, s5;
	[sflag:s7] =	ssyncset.done $0x0  }
0xa0: {  	[sflag:s7] =	ssyncadd.s32 s5;
	_ =	sdelay $0x1  }
0xa1: {  	s23 =	simm.s32 $0x1B8B  }
0xa2: {  	_ =	swait.ge [sflag:s23], $0x1  }
0xa3: {  	[sflag:s23] =	ssyncset.done $0x0  }
0xa4: {  	[sflag:s23] =	ssyncadd.s32 $0xFFFFFFFF  }
0xa5: {  	s5 =	sld [smem:$0x0]  }
0xa6: {  	s6 =	sand.u32 $0xFFFFFFFE, s1  }
0xa7: {  	p0 =	sne.s32 s1, s6  }
0xa8: {  	s6 =	sshll.u32 @p0 s6, $0xE  }
0xa9: {  	s6 =	sadd.s32 @p0 $0x11B8D, s6;
	s7 =	sshll.u32 @p0 s5, $0x11  }
0xaa: {  	s6 =	sor.u32 @p0 s7, s6  }
0xab: {  	[sflag:s6] =	ssyncadd.remote.s32 @p0 $0x1;
	_ =	sdelay $0x1  }
0xac: {  	s6 =	simm.s32 @p0 $0x1B8D  }
0xad: {  	_ =	swait.eq @p0 [sflag:s6], $0x1  }
0xae: {  	[sflag:s6] =	ssyncadd.s32 @p0 $0xFFFFFFFF  }
0xaf: {  	s7 =	sshll.u32 @!p0 s1, $0xE  }
0xb0: {  	s7 =	sor.u32 @!p0 $0x4000, s7;
	s6 =	simm.s32 @!p0 $0x1B8D  }
0xb1: {  	s5 =	sshll.u32 @!p0 s5, $0x11;
	s7 =	sadd.s32 @!p0 $0x11B8D, s7;
	_ =	swait.eq @!p0 [sflag:s6], $0x1  }
0xb2: {  	s5 =	sor.u32 @!p0 s5, s7;
	[sflag:s6] =	ssyncadd.s32 @!p0 $0xFFFFFFFF  }
0xb3: {  	s25 =	simm.s32 $0x1B8E;
	s24 =	sld [smem:$0x3FFE];
	[sflag:s5] =	ssyncadd.remote.s32 @!p0 $0x1  }
0xb4: {  	s26 =	simm.s32 $execute0_lowered;
	[smem:$0x3FD2] =	sst s25  }
0xb5: {  	s6 =	sshll.u32 s26, $0x1;
	_ =	strace $0x80000073;
	[dreg:$0x1] =	wrdreg $0xFFFFFFFF  }
0xb6: {  	s28 =	simm.s32 $_size_execute0_lowered;
	s4 =	sadd.s32 s4, s6;
	[dreg:$0x0] =	wrdreg $0x0  }
0xb7: {  	s6 =	sshll.u32 s28, $0x1;
	[dreg:$0x2] =	wrdreg s4  }
0xb8: {  	[dreg:$0x3] =	wrdreg s6  }
0xb9: {  	[dreg:$0x4] =	wrdreg $0xC0  }
0xba: {  	_ =	task [dreg:s22], $0x5FFFF  }
0xbb: {  	[dreg:$0x1] =	wrdreg $0xFFFFFFFF  }
0xbc: {  	[dreg:$0x0] =	wrdreg $0x60  }
0xbd: {  	[dreg:$0x2] =	wrdreg s24  }
0xbe: {  	[dreg:$0x3] =	wrdreg s18  }
0xbf: {  	[dreg:$0x4] =	wrdreg $0x9  }
0xc0: {  	_ =	task.clear_ibuf [dreg:s22], $0x5FFFF;
	_ =	strace $0x90000073  }
0xc1: {  	s29 =	simm.s32 $0x9;
	_ =	strace $0x80000075  }
0xc2: {  	_ =	swait.ge [sflag:s29], $0x1  }
0xc3: {  	[sflag:s29] =	ssyncadd.s32 $0xFFFFFFFF  }
0xc4: {  	_ =	strace $0x90000075  }
0xc5: {  	_ =	sfence  }
0xc6: {  	s30 =	sld [smem:$0x0];
	_ =	sdelay $0x2  }
0xc7: {  	s31 =	sshll.u32 s1, $0xD;
	s1 =	sshrl.u32 s1, $0x2  }
0xc8: {  	s4 =	sand.u32 $0x4000, s31;
	s1 =	sadd.s32 s1, s30  }
0xc9: {  	s0 =	sor.u32 s4, s0;
	s1 =	sshll.u32 s1, $0x11  }
0xca: {  	s0 =	sor.u32 s1, s0  }
0xcb: {  	s0 =	sadd.s32 $0x8F2B, s0  }
0xcc: {  	[sflag:s0] =	ssyncadd.remote.s32 $0x1  }
0xcd: {  	_ =	sfence.sel $0xFFFF  }
0xce: {  	[dreg:$0x0] =	wrdreg $0xFFFFFFFF;
	(pc) =	sbr.abs _section_cstart, $3  }
0xcf: {  	[dreg:$0x1] =	wrdreg $0xFFFFFFFF  }
0xd0: {  	_ =	task.clear_ibuf [dreg:s22], $0x2FFFF;
	_ =	strace $0x9FFFFFFF  }
0xd1: {  	(tm) =	ssettm $0x7FFFFFFF  }
tec
execute0_lowered:
.L_overlay_start_1:
0x0: {  	(tag) =	ssettag $0x1  }
0x1: {  	s7 =	rddreg [dreg:$0x0]  }
0x2: {  	s2 =	rddreg [dreg:$0x1]  }
0x3: {  	s0 =	rddreg [dreg:$0x2]  }
0x4: {  	s1 =	srdreg.scid;
	_ =	strace $0x80000074;
	s4 =	simm.s32 $0x1  }
0x5: {  	s9 =	simm.s32 $0x3;
	s11 =	simm.s32 $0x0;
	s5 =	sshll.u32 s1, $0x4  }
.Ltmp0:
0x6: {  	s1 =	stileid.u32;
	s5 =	sand.u32 $0x10, s5;
	(pc) =	sbr.rel .LBB2_1-.Ltmp0, $4  }
0x7: {  	p0 =	por $0x0, $0x0;
	s3 =	sadd.s32 $0xF5200, s7;
	s6 =	sor.u32 s1, s5  }
0x8: {  	[sflag:s4] =	ssyncpa.u1 $0x0;
	s5 =	simm.s32 $0x2;
	s6 =	sshll.u32 s6, $0x9  }
0x9: {  	s7 =	sadd.s32 $0xD6E00, s7;
	[sflag:s5] =	ssyncpa.u1 $0x0;
	s8 =	sadd.s32 $0x200, s6  }
0xa: {  	vm0 =	vmmov $0xff;
	vm1 =	vcmask $0x3F20;
	[sflag:s9] =	ssyncpa.u1 $0x0;
	s10 =	smov.u32 s6;
	s9 =	simm.s32 $0x0  }
.LBB2_7:
0xb: {  	p1 =	slt.u32 s9, $0x2;
	s11 =	sadd.s32 $0x100, s10  }
0xc: {  	s13 =	smov.u32 s6;
	s9 =	sadd.s32 $0x1, s9;
	p2 =	slt.s32 s11, s8  }
0xd: {  	s13 =	smov.u32 @p2 s11;
	p2 =	sne.s32 s9, $0x4  }
.Ltmp1:
0xe: {  	_ = 	snop;
	(pc) =	sbr.rel @!p2 .LBB2_8-.Ltmp1, $4  }
0xf: {  	s12 =	simm.s32 @!p1 $0x3  }
0x10: {  	_ =	swait.ge @!p1 [sflag:s12], $0x8000  }
0x11: {  	p0 =	por !p0, !p0;
	[sflag:s12] =	ssyncset.done @!p1 $0x0  }
0x12: {  	s11 =	smov.u32 s10;
	s10 =	smov.u32 s13;
	[sflag:s12] =	ssyncadd.s32 @!p1 $0xFFFF8000  }
.LBB2_1:
0x13: {  	p1 =	sgt.u32 s9, $0x1  }
0x14: {  	s12 =	sshll.u32 @!p1 s9, $0x8;
	s13 =	sshrl.u32 @!p1 s10, $0x3  }
0x15: {  	s14 =	sand.u32 @!p1 $0x7, s10;
	s12 =	sxor.u32 @!p1 $0x100, s12;
	s13 =	sadd.s32 @!p1 s7, s13  }
0x16: {  	[tilespmem:s12], [sflag:$0x2] =	stream.linear.gather @!p1 [hbm4b:s13+s14], $0x100, $0x38;
	[tilespmem:$0x10200] =	vst v63  }
0x17: {  	p1 =	seq.s32 s9, $0x0  }
0x18: {  	p2 =	seq.s32 @!p1 s9, $0x3  }
0x19: {  	p1 =	por p1, p2  }
.Ltmp2:
0x1a: {  	_ = 	snop;
	(pc) =	sbr.rel @p1 .LBB2_7-.Ltmp2, $1  }
0x1b: {  	_ =	sdelay $0x3  }
0x1c: {  	s12 =	simm.s32 $0x1  }
0x1d: {  	_ =	swait.ge [sflag:s5], $0x100;
	s12 =	simm.s32 @!p0 $0x0  }
0x1e: {  	[sflag:s5] =	ssyncset.done $0x0;
	s14 =	sshll.u32 s12, $0x8  }
0x1f: {  	[sflag:s5] =	ssyncadd.s32 $0xFFFFFF00;
	s13 =	sadd.s32 $0x0, s14  }
0x20: {  	v0 =	vld.msk [tilespmem:s13+$0x0 ss:$0x1], $0xffff;
	_ =	sdelay $0x4  }
0x21: {  	vm2 =	vgt.s32 v0, $0x0  }
0x22: {  	v0 =	vnsel vm2, $0x0, v0  }
0x23: {  	v0 =	vmin.u32 v0, $0x3FFF  }
0x24: {  	v0 =	vshll.u32 v0, $0x4;
	_ =	sdelay $0x2  }
0x25: {  	s12 =	sshll.u32 s12, $0xF  }
0x26: {  	s12 =	sor.u32 $0x200, s12  }
0x27: {  	[tilespmem:s12], [sflag:$0x1] =	stream.indirect_vreg.gather [hbm:s3], $0x80, v0, vm0, $0x38;
	[tilespmem:$0x10200] =	vst v63  }
0x28: {  	s15 =	sadd.s32 $0x10, s14;
	s13 =	sadd.s32 $0x400, s12  }
0x29: {  	[tilespmem:s13], [sflag:$0x1] =	stream.indirect_vreg.gather [hbm:s3], $0x80, v0, vm1, $0x38;
	[tilespmem:$0x10200] =	vst v63  }
0x2a: {  	s16 =	simm.s32 $0x80;
	v0 =	vld.msk [tilespmem:s15+$0x0 ss:$0x1], $0xffff;
	s15 =	smov.u32 s12  }
.LBB2_3:
0x2b: {  	p1 =	sne.s32 s16, $0x3C0;
	_ =	sdelay $0x4  }
0x2c: {  	vm2 =	vgt.s32 v0, $0x0  }
0x2d: {  	v0 =	vnsel vm2, $0x0, v0  }
0x2e: {  	v0 =	vmin.u32 v0, $0x3FFF  }
0x2f: {  	v0 =	vshll.u32 v0, $0x4;
	_ =	sdelay $0x3  }
.Ltmp3:
0x30: {  	s17 =	sshra.s32 s16, $0x2;
	s15 =	sadd.s32 $0x800, s15;
	(pc) =	sbr.rel @p1 .LBB2_3-.Ltmp3, $4  }
0x31: {  	[tilespmem:s15], [sflag:$0x1] =	stream.indirect_vreg.gather [hbm:s3], $0x80, v0, vm0, $0x38;
	[tilespmem:$0x10200] =	vst v63  }
0x32: {  	s17 =	sadd.s32 s17, s14;
	s18 =	sadd.s32 $0x400, s15  }
0x33: {  	[tilespmem:s18], [sflag:$0x1] =	stream.indirect_vreg.gather [hbm:s3], $0x80, v0, vm1, $0x38;
	[tilespmem:$0x10200] =	vst v63  }
0x34: {  	s16 =	sadd.s32 $0x40, s16;
	v0 =	vld.msk [tilespmem:s17+$0x0 ss:$0x1], $0xffff  }
0x35: {  	_ =	sdelay $0x3  }
0x36: {  	vm2 =	vgt.s32 v0, $0x0  }
0x37: {  	v0 =	vnsel vm2, $0x0, v0  }
0x38: {  	v0 =	vmin.u32 v0, $0x3FFF  }
0x39: {  	v0 =	vshll.u32 v0, $0x4;
	_ =	sdelay $0x3  }
0x3a: {  	s14 =	sadd.s32 $0x800, s15  }
0x3b: {  	[tilespmem:s14], [sflag:$0x1] =	stream.indirect_vreg.gather [hbm:s3], $0x80, v0, vm0, $0x38;
	[tilespmem:$0x10200] =	vst v63  }
0x3c: {  	s14 =	sadd.s32 $0x400, s14  }
0x3d: {  	[tilespmem:s14], [sflag:$0x1] =	stream.indirect_vreg.gather [hbm:s3], $0x80, v0, vm1, $0x38;
	[tilespmem:$0x10200] =	vst v63  }
0x3e: {  	s11 =	sshll.u32 s11, $0x4;
	_ =	swait.ge [sflag:s4], $0x8000  }
0x3f: {  	s11 =	sadd.s32 s11, s2;
	[sflag:s4] =	ssyncset.done $0x0  }
0x40: {  	s15 =	sadd.s32 $0x0, s11;
	s14 =	simm.s32 $0x80;
	[sflag:s4] =	ssyncadd.s32 $0xFFFF8000  }
.LBB2_5:
0x41: {  	[hbm:s15] =	stream.linear.scatter [tilespmem:s12], [sflag:$0x3], $0x400, $0x38;
	[tilespmem:$0x10200] =	vst v63  }
0x42: {  	s15 =	smov.u32 s14;
	s12 =	smov.u32 s13;
	p1 =	sne.s32 s14, $0xF80  }
.Ltmp4:
0x43: {  	s14 =	sadd.s32 $0x80, s14;
	(pc) =	sbr.rel @p1 .LBB2_5-.Ltmp4, $2  }
0x44: {  	_ =	sdelay $0x2  }
0x45: {  	s13 =	sadd.s32 $0x400, s13;
	s15 =	sadd.s32 s15, s11  }
.Ltmp5:
0x46: {  	(pc) =	sbr.rel .LBB2_7-.Ltmp5, $2  }
0x47: {  	_ =	sdelay $0x2  }
0x48: {  	[hbm:s15] =	stream.linear.scatter [tilespmem:s12], [sflag:$0x3], $0x400, $0x38;
	[tilespmem:$0x10200] =	vst v63  }
.LBB2_8:
0x49: {  	_ =	sfence.sel $0x180000  }
0x4a: {  	s2 =	simm.s32 $0x2;
	[bflag:$0x0] =	sbarrier.arrive $0xFFFF  }
0x4b: {  	s30 =	simm.s32 $0x3;
	[sflag:s2] =	ssyncpa.u1 $0x1  }
0x4c: {  	s31 =	simm.s32 $0x1;
	[sflag:s30] =	ssyncpa.u1 $0x1  }
0x4d: {  	[sflag:s31] =	ssyncpa.u1 $0x1  }
0x4e: {  	p0 =	sne.s32 s1, $0x0;
	_ =	strace $0x90000074  }
0x4f: {  	s0 =	sadd.s32 @!p0 $0x100000, s0;
	[bflag:$0x2] =	sbarrier.arrive $0xFFFF  }
0x50: {  	[sflag:s0] =	ssyncadd.tile.s32 @!p0 $0x1;
	_ =	shalt  }
.Lfunc_end2:
_tile_overlayer_lowered:
.L_overlay_start_2:
0x51: {  	(tag) =	ssettag $0x2  }
0x52: {  	s0 =	rddreg [dreg:$0x0];
	s2 =	stileid.u32  }
0x53: {  	s1 =	rddreg [dreg:$0x1];
	p0 =	sne.s32 s2, $0x0  }
0x54: {  	s3 =	rddreg [dreg:$0x2];
	[bflag:$0x3] =	sbarrier.arrive $0xFFFF;
	s2 =	simm.s32 @!p0 $0x1C01  }
0x55: {  	[timem:s3], [sflag:s2] =	dma.local @!p0 [hbm:s0], s1  }
0x56: {  	s0 =	simm.s32 @!p0 $0x1  }
0x57: {  	_ =	swait.ge @!p0 [sflag:s0], s1  }
0x58: {  	s1 =	ssub.s32 @!p0 $0x0, s1;
	[sflag:s0] =	ssyncset.done @!p0 $0x0  }
0x59: {  	[sflag:s0] =	ssyncadd.s32 @!p0 s1  }
0x5a: {  	[bflag:$0x3] =	sbarrier.arrive $0xFFFF  }
0x5b: {  	_ =	shalt  }

// kernel: gather_offload_async_start.12
scs
__scs_entry_jumppad:
0x0: {  	(pc) =	sbr.rel $0x88, $3  }
0x1: {  	(tag) =	ssettag $0x0;
	lr =	simm.s32 $0x1  }
0x2: {  	[smem:$0x3F96] =	sst lr;
	_ =	strace $0xD0000000  }
0x3: {  	_ = 	snop  }
0x4: {  	_ = 	snop  }
0x5: {  	_ = 	snop  }
0x6: {  	_ = 	snop  }
0x7: {  	_ = 	snop  }
__scs_overlays_trampoline_lowered:
0x8: {  	[smem:$0x3FA5] =	sst s0  }
0x9: {  	[smem:$0x3FA6] =	sst s1  }
0xa: {  	[smem:$0x3FA7] =	sst s2  }
0xb: {  	[smem:$0x3FA8] =	sst s3  }
0xc: {  	[smem:$0x3FA9] =	sst s4  }
0xd: {  	[smem:$0x3FAA] =	sst s5  }
0xe: {  	[smem:$0x3FAB] =	sst s6  }
0xf: {  	[smem:$0x3FAC] =	sst s7  }
0x10: {  	[smem:$0x3FAD] =	sst s8  }
0x11: {  	[smem:$0x3FAE] =	sst s9;
	s0 =	simm.s32 @!p0 $0x0  }
0x12: {  	s1 =	sld [smem:$0x3F94];
	s0 =	simm.s32 @p0 $0x1  }
0x13: {  	[smem:$0x3FAF] =	sst s0;
	s0 =	simm.s32 @!p1 $0x0  }
0x14: {  	s2 =	sld [smem:$0x3F93];
	s0 =	simm.s32 @p1 $0x1  }
0x15: {  	[smem:$0x3FB0] =	sst s0;
	s0 =	simm.s32 @!p2 $0x0  }
0x16: {  	s3 =	sld [smem:$0x3FDB];
	s0 =	simm.s32 @p2 $0x1  }
0x17: {  	s4 =	simm.s32 $0x1BF5;
	[smem:$0x3FB2] =	sst s0  }
0x18: {  	s0 =	sld [smem:$0x3F95];
	_ =	swait.ge [sflag:s4], $0x0  }
0x19: {  	s7 =	sld [smem:$0x3F96]  }
0x1a: {  	s8 =	sadd.s32 $0xFFFFE003, lr  }
0x1b: {  	s9 =	sadd.s32 $0xFFFFFEF7, lr;
	s5 =	simm.s32 $0xFFFFFFFF;
	p2 =	slt.u32 s8, $0xFFFFF086  }
0x1c: {  	p1 =	slt.u32 s9, $0xF7A;
	s5 =	simm.s32 @!p2 $0x0  }
0x1d: {  	s5 =	simm.s32 @p1 $0x1;
	p0 =	seq.s32 s7, s2  }
0x1e: {  	s7 =	smul.u32 @!p0 $0xF7A, s2;
	p2 =	seq.s32 @!p0 s5, $0x0  }
0x1f: {  	s9 =	smul.u32 $0xF7A, s1;
	s8 =	simm.s32 @!p0 $0x1BF5;
	p2 =	por !p2, p0  }
0x20: {  	[sflag:s8] =	ssyncset.s32 @!p0 $0xFFFFF086;
	s6 =	sadd.s32 @!p0 s3, s7;
	s7 =	simm.s32 @!p0 $0x108  }
0x21: {  	s3 =	sadd.s32 s3, s9;
	s6 =	sadd.s32 @!p0 $0x88, s6;
	s7 =	simm.s32 @p2 $0x1082  }
0x22: {  	[simem:s7], [sflag:s8] =	dma.local @!p0 [hbm:s6], $0xF7A  }
0x23: {  	s9 =	sor.u32 $0xD0000000, s2;
	s6 =	simm.s32 $0x108;
	_ =	swait.ge @!p0 [sflag:s8], $0x0  }
0x24: {  	s3 =	sadd.s32 $0x88, s3;
	s6 =	simm.s32 @!p1 $0x1082;
	[sflag:s4] =	ssyncset.s32 $0xFFFFF086  }
0x25: {  	[simem:s6], [sflag:s4] =	dma.local [hbm:s3], $0xF7A  }
0x26: {  	[smem:$0x3F96] =	sst s1;
	(tag) =	ssettag s2;
	_ =	strace s9  }
0x27: {  	s1 =	sld [smem:$0x3FA6]  }
0x28: {  	s2 =	sld [smem:$0x3FA7]  }
0x29: {  	s4 =	sld [smem:$0x3FA9]  }
0x2a: {  	p0 =	seq.s32 s5, $0x0;
	s5 =	sld [smem:$0x3FAA]  }
0x2b: {  	s6 =	sld [smem:$0x3FAB]  }
0x2c: {  	s7 =	sld [smem:$0x3FAC]  }
0x2d: {  	s3 =	simm.s32 $0x108;
	s8 =	sld [smem:$0x3FAD]  }
0x2e: {  	s3 =	simm.s32 @!p0 $0x1082;
	s9 =	sld [smem:$0x3FAE]  }
0x2f: {  	lr =	sadd.s32 s0, s3;
	s0 =	sld [smem:$0x3FA5]  }
0x30: {  	s3 =	sld [smem:$0x3FA8]  }
0x31: {  	[smem:$0x3FB1] =	sst s10  }
0x32: {  	s10 =	sld [smem:$0x3FAF];
	_ =	sdelay $0x3  }
0x33: {  	p0 =	seq.s32 s10, $0x1;
	s10 =	sld [smem:$0x3FB1];
	_ =	sdelay $0x3  }
0x34: {  	[smem:$0x3FB1] =	sst s10  }
0x35: {  	s10 =	sld [smem:$0x3FB0];
	_ =	sdelay $0x3  }
0x36: {  	p1 =	seq.s32 s10, $0x1;
	s10 =	sld [smem:$0x3FB1];
	_ =	sdelay $0x3  }
0x37: {  	[smem:$0x3FB1] =	sst s10  }
0x38: {  	s10 =	sld [smem:$0x3FB2]  }
0x39: {  	_ = 	snop;
	(pc) =	sbr.ind lr, $3  }
0x3a: {  	_ = 	snop  }
0x3b: {  	_ = 	snop  }
0x3c: {  	p2 =	seq.s32 s10, $0x1;
	s10 =	sld [smem:$0x3FB1]  }
0x3d: {  	_ =	shalt  }
0x3e: {  	_ =	shalt  }
0x3f: {  	_ =	shalt  }
0x40: {  	_ =	shalt  }
0x41: {  	_ =	shalt  }
0x42: {  	_ =	shalt  }
0x43: {  	_ =	shalt  }
0x44: {  	_ =	shalt  }
0x45: {  	_ =	shalt  }
0x46: {  	_ =	shalt  }
0x47: {  	_ =	shalt  }
0x48: {  	_ =	shalt  }
0x49: {  	_ =	shalt  }
0x4a: {  	_ =	shalt  }
0x4b: {  	_ =	shalt  }
0x4c: {  	_ =	shalt  }
0x4d: {  	_ =	shalt  }
0x4e: {  	_ =	shalt  }
0x4f: {  	_ =	shalt  }
0x50: {  	_ =	shalt  }
0x51: {  	_ =	shalt  }
0x52: {  	_ =	shalt  }
0x53: {  	_ =	shalt  }
0x54: {  	_ =	shalt  }
0x55: {  	_ =	shalt  }
0x56: {  	_ =	shalt  }
0x57: {  	_ =	shalt  }
0x58: {  	_ =	shalt  }
0x59: {  	_ =	shalt  }
0x5a: {  	_ =	shalt  }
0x5b: {  	_ =	shalt  }
0x5c: {  	_ =	shalt  }
0x5d: {  	_ =	shalt  }
0x5e: {  	_ =	shalt  }
0x5f: {  	_ =	shalt  }
0x60: {  	_ =	shalt  }
0x61: {  	_ =	shalt  }
0x62: {  	_ =	shalt  }
0x63: {  	_ =	shalt  }
0x64: {  	_ =	shalt  }
0x65: {  	_ =	shalt  }
0x66: {  	_ =	shalt  }
0x67: {  	_ =	shalt  }
0x68: {  	_ =	shalt  }
0x69: {  	_ =	shalt  }
0x6a: {  	_ =	shalt  }
0x6b: {  	_ =	shalt  }
0x6c: {  	_ =	shalt  }
0x6d: {  	_ =	shalt  }
0x6e: {  	_ =	shalt  }
0x6f: {  	_ =	shalt  }
0x70: {  	_ =	shalt  }
0x71: {  	_ =	shalt  }
0x72: {  	_ =	shalt  }
0x73: {  	_ =	shalt  }
0x74: {  	_ =	shalt  }
0x75: {  	_ =	shalt  }
0x76: {  	_ =	shalt  }
0x77: {  	_ =	shalt  }
0x78: {  	_ =	shalt  }
0x79: {  	_ =	shalt  }
0x7a: {  	_ =	shalt  }
0x7b: {  	_ =	shalt  }
0x7c: {  	_ =	shalt  }
0x7d: {  	_ =	shalt  }
0x7e: {  	_ =	shalt  }
0x7f: {  	_ =	shalt  }
0x80: {  	_ =	shalt  }
0x81: {  	_ =	shalt  }
0x82: {  	_ =	shalt  }
0x83: {  	_ =	shalt  }
0x84: {  	_ =	shalt  }
0x85: {  	_ =	shalt  }
0x86: {  	_ =	shalt  }
0x87: {  	_ =	shalt  }
.Lfunc_end0:
.L_simem_size_0:
called_computation.15_lowered:
.L_overlay_start_0:
0x88: {  	s2 =	sld [smem:$0x3FD9]  }
0x89: {  	s3 =	sld [smem:$0x3FFE];
	_ =	sdelay $0x1  }
0x8a: {  	s1 =	srdreg.scid  }
0x8b: {  	s0 =	sand.u32 $0x1, s1  }
0x8c: {  	s17 =	sshll.u32 s0, $0xA;
	s2 =	sadd.s32 s3, s2  }
0x8d: {  	s2 =	sadd.s32 s2, s17  }
0x8e: {  	[smem:$0x3FBD] =	sst s2  }
0x8f: {  	_ = 	snop  }
0x90: {  	(tm) =	ssettm $0x1  }
0x91: {  	s18 =	sld [smem:$0x3FFB];
	_ =	sdelay $0x3  }
0x92: {  	_ =	strace s18  }
0x93: {  	s2 =	sld [smem:$0x3FFC];
	_ =	sdelay $0x3  }
0x94: {  	_ =	strace s2  }
0x95: {  	s2 =	sld [smem:$0x3FFD];
	_ =	sdelay $0x3  }
0x96: {  	_ =	strace s2  }
0x97: {  	_ =	strace $0x8FFFFFFF  }
0x98: {  	s19 =	sld [smem:$0x3FDB];
	_ =	sdelay $0x1  }
0x99: {  	s20 =	simm.s32 $_scs_section_size  }
0x9a: {  	s4 =	simm.s32 $_size__tile_overlayer_lowered;
	s5 =	simm.s32 $_tile_overlayer_lowered  }
0x9b: {  	s6 =	simm.s32 $0x1BFF;
	s21 =	sshll.u32 s5, $0x1;
	s3 =	sadd.s32 s20, s19  }
0x9c: {  	s22 =	simm.s32 $0x0;
	s4 =	sshll.u32 s4, $0x1;
	s5 =	sadd.s32 s21, s3  }
0x9d: {  	[timem:s22], [sflag:s6] =	dma.local [hbm:s5], s4  }
0x9e: {  	_ =	swait.ge [sflag:s6], s4  }
0x9f: {  	s4 =	ssub.s32 $0x0, s4;
	[sflag:s6] =	ssyncset.done $0x0  }
0xa0: {  	[sflag:s6] =	ssyncadd.s32 s4;
	_ =	sdelay $0x1  }
0xa1: {  	s23 =	simm.s32 $0x1B8B  }
0xa2: {  	_ =	swait.ge [sflag:s23], $0x1  }
0xa3: {  	[sflag:s23] =	ssyncset.done $0x0  }
0xa4: {  	[sflag:s23] =	ssyncadd.s32 $0xFFFFFFFF  }
0xa5: {  	s4 =	sld [smem:$0x0]  }
0xa6: {  	s5 =	sand.u32 $0xFFFFFFFE, s1  }
0xa7: {  	p0 =	sne.s32 s1, s5  }
0xa8: {  	s5 =	sshll.u32 @p0 s5, $0xE  }
0xa9: {  	s5 =	sadd.s32 @p0 $0x11B8D, s5;
	s6 =	sshll.u32 @p0 s4, $0x11  }
0xaa: {  	s5 =	sor.u32 @p0 s6, s5  }
0xab: {  	[sflag:s5] =	ssyncadd.remote.s32 @p0 $0x1;
	_ =	sdelay $0x1  }
0xac: {  	s5 =	simm.s32 @p0 $0x1B8D  }
0xad: {  	_ =	swait.eq @p0 [sflag:s5], $0x1  }
0xae: {  	[sflag:s5] =	ssyncadd.s32 @p0 $0xFFFFFFFF  }
0xaf: {  	s6 =	sshll.u32 @!p0 s1, $0xE  }
0xb0: {  	s6 =	sor.u32 @!p0 $0x4000, s6;
	s5 =	simm.s32 @!p0 $0x1B8D  }
0xb1: {  	s4 =	sshll.u32 @!p0 s4, $0x11;
	s6 =	sadd.s32 @!p0 $0x11B8D, s6;
	_ =	swait.eq @!p0 [sflag:s5], $0x1  }
0xb2: {  	s4 =	sor.u32 @!p0 s4, s6;
	[sflag:s5] =	ssyncadd.s32 @!p0 $0xFFFFFFFF  }
0xb3: {  	s25 =	simm.s32 $0x1B8E;
	s24 =	sld [smem:$0x3FFE];
	[sflag:s4] =	ssyncadd.remote.s32 @!p0 $0x1  }
0xb4: {  	s26 =	simm.s32 $execute0_lowered;
	[smem:$0x3FD2] =	sst s25  }
0xb5: {  	s5 =	sshll.u32 s26, $0x1;
	_ =	strace $0x8000006D;
	[dreg:$0x1] =	wrdreg $0xFFFFFFFF  }
0xb6: {  	s28 =	simm.s32 $_size_execute0_lowered;
	s3 =	sadd.s32 s3, s5;
	[dreg:$0x0] =	wrdreg $0x0  }
0xb7: {  	s5 =	sshll.u32 s28, $0x1;
	[dreg:$0x2] =	wrdreg s3  }
0xb8: {  	[dreg:$0x3] =	wrdreg s5  }
0xb9: {  	[dreg:$0x4] =	wrdreg $0xC0  }
0xba: {  	_ =	task [dreg:s22], $0x5FFFF  }
0xbb: {  	[dreg:$0x1] =	wrdreg $0xFFFFFFFF  }
0xbc: {  	[dreg:$0x0] =	wrdreg $0x60  }
0xbd: {  	[dreg:$0x2] =	wrdreg s24  }
0xbe: {  	[dreg:$0x3] =	wrdreg $0xE  }
0xbf: {  	_ =	task.clear_ibuf [dreg:s22], $0x4FFFF;
	_ =	strace $0x9000006D  }
0xc0: {  	s29 =	simm.s32 $0xE;
	_ =	strace $0x8000006F  }
0xc1: {  	_ =	swait.ge [sflag:s29], $0x1  }
0xc2: {  	[sflag:s29] =	ssyncadd.s32 $0xFFFFFFFF  }
0xc3: {  	_ =	strace $0x9000006F  }
0xc4: {  	_ =	sfence  }
0xc5: {  	s30 =	sld [smem:$0x0];
	_ =	sdelay $0x2  }
0xc6: {  	s31 =	sshll.u32 s1, $0xD;
	s1 =	sshrl.u32 s1, $0x2  }
0xc7: {  	s4 =	sand.u32 $0x4000, s31;
	s1 =	sadd.s32 s1, s30  }
0xc8: {  	s0 =	sor.u32 s4, s0;
	s1 =	sshll.u32 s1, $0x11  }
0xc9: {  	s0 =	sor.u32 s1, s0  }
0xca: {  	s0 =	sadd.s32 $0x8F2B, s0  }
0xcb: {  	[sflag:s0] =	ssyncadd.remote.s32 $0x1  }
0xcc: {  	_ =	sfence.sel $0xFFFF  }
0xcd: {  	[dreg:$0x0] =	wrdreg $0xFFFFFFFF;
	(pc) =	sbr.abs _section_cstart, $3  }
0xce: {  	[dreg:$0x1] =	wrdreg $0xFFFFFFFF  }
0xcf: {  	_ =	task.clear_ibuf [dreg:s22], $0x2FFFF;
	_ =	strace $0x9FFFFFFF  }
0xd0: {  	(tm) =	ssettm $0x7FFFFFFF  }
0xd1: {  	_ =	shalt  }
tec
execute0_lowered:
.L_overlay_start_1:
0x0: {  	(tag) =	ssettag $0x1  }
0x1: {  	s0 =	srdreg.scid;
	s5 =	rddreg [dreg:$0x0]  }
0x2: {  	s1 =	stileid.u32;
	s6 =	simm.s32 $0x1;
	s9 =	simm.s32 $0x1  }
0x3: {  	s10 =	simm.s32 $0x3;
	s13 =	simm.s32 $0x0;
	s2 =	sshll.u32 s0, $0x8  }
0x4: {  	s12 =	simm.s32 $0x0;
	s3 =	sshll.u32 s1, $0x9;
	s2 =	sand.u32 $0x100, s2  }
0x5: {  	s0 =	rddreg [dreg:$0x1];
	_ =	strace $0x8000006E;
	s2 =	sor.u32 s3, s2  }
0x6: {  	s4 =	sadd.s32 $0xCF600, s5;
	[sflag:s6] =	ssyncpa.u1 $0x0;
	s8 =	ssub.s32 $0x4000, s2  }
.Ltmp0:
0x7: {  	s3 =	sadd.s32 $0xE8E00, s5;
	s7 =	sand.u32 $0x1F00, s8;
	(pc) =	sbr.rel .LBB2_1-.Ltmp0, $4  }
0x8: {  	s5 =	sadd.s32 $0xD6600, s5;
	s11 =	smov.u32 s2;
	p0 =	sne.s32 s7, $0x0  }
0x9: {  	s8 =	sshrl.u32 s8, $0xD;
	s7 =	simm.s32 $0x2;
	s9 =	simm.s32 @!p0 $0x0  }
0xa: {  	[sflag:s7] =	ssyncpa.u1 $0x0;
	p0 =	por $0x0, $0x0;
	s8 =	sadd.s32 s9, s8  }
0xb: {  	vm0 =	vmmov $0xffff;
	[sflag:s10] =	ssyncpa.u1 $0x0;
	s10 =	simm.s32 $0x0;
	s9 =	sadd.s32 $0x1, s8  }
.LBB2_4:
0xc: {  	v2 =	vnsel vm1, $0x0, v2  }
0xd: {  	vm1 =	vgt.s32 v0, $0x0;
	v2 =	vmin.u32 v2, $0x61A7F  }
0xe: {  	v0 =	vnsel vm1, $0x0, v0  }
0xf: {  	v0 =	vmin.u32 v0, $0x61A7F  }
0x10: {  	[tilespmem:s15], [sflag:$0x1] =	stream.indirect_vreg.gather [hbm4b:s3+s10], $0x1, v1, vm0, $0x4038;
	[tilespmem:$0x400] =	vst v63  }
0x11: {  	(ifvalue) =	ssetifvalue $0x7FFFFFFF  }
0x12: {  	[tilespmem:s16], [sflag:$0x1] =	stream.indirect_vreg.gather [hbm4b:s3+s10], $0x1, v2, vm0, $0x4038;
	[tilespmem:$0x400] =	vst v63  }
0x13: {  	s29 =	sadd.s32 $0x10, s16;
	(ifvalue) =	ssetifvalue $0x7FFFFFFF  }
0x14: {  	[tilespmem:s29], [sflag:$0x1] =	stream.indirect_vreg.gather [hbm4b:s3+s10], $0x1, v0, vm0, $0x4038;
	[tilespmem:$0x400] =	vst v63  }
0x15: {  	_ =	swait.ge [sflag:s6], $0x100  }
0x16: {  	s30 =	sshrl.u32 s13, $0x3;
	[sflag:s6] =	ssyncset.done $0x0  }
0x17: {  	s31 =	sand.u32 $0x7, s13;
	s15 =	sadd.s32 s5, s30;
	[sflag:s6] =	ssyncadd.s32 $0xFFFFFF00  }
0x18: {  	[hbm4b:s15+s31] =	stream.linear.scatter [tilespmem:s14], [sflag:$0x3], $0x100, $0x38;
	[tilespmem:$0x400] =	vst v63  }
.LBB2_5:
0x19: {  	s15 =	sadd.s32 $0x2000, s11  }
0x1a: {  	p2 =	sgt.s32 s15, $0x3FFF  }
0x1b: {  	s15 =	smov.u32 @p2 s2;
	p2 =	sne.s32 s12, s9  }
.Ltmp1:
0x1c: {  	p1 =	slt.u32 s12, $0x2;
	(pc) =	sbr.rel @!p2 .LBB2_6-.Ltmp1, $4  }
0x1d: {  	s14 =	simm.s32 @!p1 $0x3  }
0x1e: {  	s16 =	sadd.s32 $0x1, s12;
	_ =	swait.ge @!p1 [sflag:s14], $0x100  }
0x1f: {  	s13 =	smov.u32 s11;
	p0 =	por !p0, !p0;
	[sflag:s14] =	ssyncset.done @!p1 $0x0  }
0x20: {  	s12 =	smov.u32 s16;
	s11 =	smov.u32 s15;
	[sflag:s14] =	ssyncadd.s32 @!p1 $0xFFFFFF00  }
.LBB2_1:
0x21: {  	p1 =	sge.u32 s12, s8  }
0x22: {  	s14 =	sxor.u32 @!p1 $0xFFFFFFFF, s12  }
0x23: {  	s31 =	sadd.s32 $0xFFFFFFFF, s12;
	s15 =	sshrl.u32 @!p1 s11, $0x3;
	s14 =	sshll.u32 @!p1 s14, $0x8  }
0x24: {  	s16 =	sand.u32 @!p1 $0x7, s11;
	s15 =	sadd.s32 @!p1 s4, s15;
	s14 =	sand.u32 @!p1 $0x100, s14  }
0x25: {  	[tilespmem:s14], [sflag:$0x2] =	stream.linear.gather @!p1 [hbm4b:s15+s16], $0x100, $0x38;
	[tilespmem:$0x400] =	vst v63  }
0x26: {  	p1 =	sge.u32 s31, s8  }
.Ltmp2:
0x27: {  	_ = 	snop;
	(pc) =	sbr.rel @p1 .LBB2_5-.Ltmp2, $1  }
0x28: {  	_ =	sdelay $0x3  }
0x29: {  	s14 =	simm.s32 $0x1  }
0x2a: {  	_ =	swait.ge [sflag:s7], $0x100;
	s14 =	simm.s32 @!p0 $0x0  }
0x2b: {  	[sflag:s7] =	ssyncset.done $0x0;
	s14 =	sshll.u32 s14, $0x8  }
0x2c: {  	[sflag:s7] =	ssyncadd.s32 $0xFFFFFF00;
	(ifvalue) =	ssetifvalue $0x7FFFFFFF;
	v0 =	vld.msk [tilespmem:s14+$0x0 ss:$0x1], $0xffff;
	_ =	sdelay $0x4  }
0x2d: {  	s15 =	sadd.s32 $0x10, s14;
	vm1 =	vgt.s32 v0, $0x0  }
0x2e: {  	v2 =	vld.msk [tilespmem:s15+$0x0 ss:$0x1], $0xffff;
	v1 =	vnsel vm1, $0x0, v0  }
0x2f: {  	v1 =	vmin.u32 v1, $0x61A7F;
	_ =	sdelay $0x1  }
0x30: {  	s16 =	sshll.u32 s12, $0x8;
	s18 =	simm.s32 $0x20  }
0x31: {  	s16 =	sand.u32 $0x100, s16;
	s17 =	sadd.s32 $0x10, s15;
	s15 =	sor.u32 $0x200, s14  }
0x32: {  	s14 =	sor.u32 $0x200, s16;
	s16 =	sadd.s32 $0x10, s15;
	v0 =	vld.msk [tilespmem:s17+$0x0 ss:$0x1], $0xffff;
	vm1 =	vgt.s32 v2, $0x0;
	(ifvalue) =	ssetifvalue $0x7FFFFFFF  }
.LBB2_3:
0x33: {  	[tilespmem:s15], [sflag:$0x1] =	stream.indirect_vreg.gather [hbm4b:s3+s10], $0x1, v1, vm0, $0x4038;
	[tilespmem:$0x400] =	vst v63  }
0x34: {  	s18 =	sadd.s32 $0x10, s18  }
0x35: {  	v2 =	vnsel vm1, $0x0, v2;
	p1 =	slt.u32 s18, $0xF0  }
.Ltmp3:
0x36: {  	s15 =	smov.u32 s16;
	v1 =	vmin.u32 v2, $0x61A7F;
	(pc) =	sbr.rel @p1 .LBB2_3-.Ltmp3, $3  }
0x37: {  	_ =	sdelay $0x1  }
0x38: {  	s17 =	sadd.s32 $0x10, s17  }
0x39: {  	vm1 =	vgt.s32 v0, $0x0;
	s16 =	sadd.s32 $0x10, s16;
	v2 =	vmov v0;
	(ifvalue) =	ssetifvalue $0x7FFFFFFF;
	v0 =	vld.msk [tilespmem:s17+$0x0 ss:$0x1], $0xffff  }
.Ltmp4:
0x3a: {  	_ = 	snop;
	(pc) =	sbr.rel .LBB2_4-.Ltmp4, $1  }
0x3b: {  	_ =	sdelay $0x3  }
.LBB2_6:
0x3c: {  	_ =	sfence.sel $0x180000  }
0x3d: {  	s2 =	simm.s32 $0x2;
	[bflag:$0x0] =	sbarrier.arrive $0xFFFF  }
0x3e: {  	s30 =	simm.s32 $0x3;
	[sflag:s2] =	ssyncpa.u1 $0x1  }
0x3f: {  	s31 =	simm.s32 $0x1;
	[sflag:s30] =	ssyncpa.u1 $0x1  }
0x40: {  	[sflag:s31] =	ssyncpa.u1 $0x1  }
0x41: {  	p0 =	sne.s32 s1, $0x0;
	_ =	strace $0x9000006E  }
0x42: {  	s0 =	sadd.s32 @!p0 $0x100000, s0;
	[bflag:$0x2] =	sbarrier.arrive $0xFFFF  }
0x43: {  	[sflag:s0] =	ssyncadd.tile.s32 @!p0 $0x1;
	_ =	shalt  }
.Lfunc_end2:
_tile_overlayer_lowered:
.L_overlay_start_2:
0x44: {  	(tag) =	ssettag $0x2  }
0x45: {  	s0 =	rddreg [dreg:$0x0];
	s2 =	stileid.u32  }
0x46: {  	s1 =	rddreg [dreg:$0x1];
	p0 =	sne.s32 s2, $0x0  }
0x47: {  	s3 =	rddreg [dreg:$0x2];
	[bflag:$0x3] =	sbarrier.arrive $0xFFFF;
	s2 =	simm.s32 @!p0 $0x1C01  }
0x48: {  	[timem:s3], [sflag:s2] =	dma.local @!p0 [hbm:s0], s1  }
0x49: {  	s0 =	simm.s32 @!p0 $0x1  }
0x4a: {  	_ =	swait.ge @!p0 [sflag:s0], s1  }
0x4b: {  	s1 =	ssub.s32 @!p0 $0x0, s1;
	[sflag:s0] =	ssyncset.done @!p0 $0x0  }
0x4c: {  	[sflag:s0] =	ssyncadd.s32 @!p0 s1  }
0x4d: {  	[bflag:$0x3] =	sbarrier.arrive $0xFFFF  }
0x4e: {  	_ =	shalt  }

// kernel: gather_offload_async_start.13
scs
__scs_entry_jumppad:
0x0: {  	(pc) =	sbr.rel $0x88, $3  }
0x1: {  	(tag) =	ssettag $0x0;
	lr =	simm.s32 $0x1  }
0x2: {  	[smem:$0x3F96] =	sst lr;
	_ =	strace $0xD0000000  }
0x3: {  	_ = 	snop  }
0x4: {  	_ = 	snop  }
0x5: {  	_ = 	snop  }
0x6: {  	_ = 	snop  }
0x7: {  	_ = 	snop  }
__scs_overlays_trampoline_lowered:
0x8: {  	[smem:$0x3FA5] =	sst s0  }
0x9: {  	[smem:$0x3FA6] =	sst s1  }
0xa: {  	[smem:$0x3FA7] =	sst s2  }
0xb: {  	[smem:$0x3FA8] =	sst s3  }
0xc: {  	[smem:$0x3FA9] =	sst s4  }
0xd: {  	[smem:$0x3FAA] =	sst s5  }
0xe: {  	[smem:$0x3FAB] =	sst s6  }
0xf: {  	[smem:$0x3FAC] =	sst s7  }
0x10: {  	[smem:$0x3FAD] =	sst s8  }
0x11: {  	[smem:$0x3FAE] =	sst s9;
	s0 =	simm.s32 @!p0 $0x0  }
0x12: {  	s1 =	sld [smem:$0x3F94];
	s0 =	simm.s32 @p0 $0x1  }
0x13: {  	[smem:$0x3FAF] =	sst s0;
	s0 =	simm.s32 @!p1 $0x0  }
0x14: {  	s2 =	sld [smem:$0x3F93];
	s0 =	simm.s32 @p1 $0x1  }
0x15: {  	[smem:$0x3FB0] =	sst s0;
	s0 =	simm.s32 @!p2 $0x0  }
0x16: {  	s3 =	sld [smem:$0x3FDB];
	s0 =	simm.s32 @p2 $0x1  }
0x17: {  	s4 =	simm.s32 $0x1BF5;
	[smem:$0x3FB2] =	sst s0  }
0x18: {  	s0 =	sld [smem:$0x3F95];
	_ =	swait.ge [sflag:s4], $0x0  }
0x19: {  	s7 =	sld [smem:$0x3F96]  }
0x1a: {  	s8 =	sadd.s32 $0xFFFFE003, lr  }
0x1b: {  	s9 =	sadd.s32 $0xFFFFFEF7, lr;
	s5 =	simm.s32 $0xFFFFFFFF;
	p2 =	slt.u32 s8, $0xFFFFF086  }
0x1c: {  	p1 =	slt.u32 s9, $0xF7A;
	s5 =	simm.s32 @!p2 $0x0  }
0x1d: {  	s5 =	simm.s32 @p1 $0x1;
	p0 =	seq.s32 s7, s2  }
0x1e: {  	s7 =	smul.u32 @!p0 $0xF7A, s2;
	p2 =	seq.s32 @!p0 s5, $0x0  }
0x1f: {  	s9 =	smul.u32 $0xF7A, s1;
	s8 =	simm.s32 @!p0 $0x1BF5;
	p2 =	por !p2, p0  }
0x20: {  	[sflag:s8] =	ssyncset.s32 @!p0 $0xFFFFF086;
	s6 =	sadd.s32 @!p0 s3, s7;
	s7 =	simm.s32 @!p0 $0x108  }
0x21: {  	s3 =	sadd.s32 s3, s9;
	s6 =	sadd.s32 @!p0 $0x88, s6;
	s7 =	simm.s32 @p2 $0x1082  }
0x22: {  	[simem:s7], [sflag:s8] =	dma.local @!p0 [hbm:s6], $0xF7A  }
0x23: {  	s9 =	sor.u32 $0xD0000000, s2;
	s6 =	simm.s32 $0x108;
	_ =	swait.ge @!p0 [sflag:s8], $0x0  }
0x24: {  	s3 =	sadd.s32 $0x88, s3;
	s6 =	simm.s32 @!p1 $0x1082;
	[sflag:s4] =	ssyncset.s32 $0xFFFFF086  }
0x25: {  	[simem:s6], [sflag:s4] =	dma.local [hbm:s3], $0xF7A  }
0x26: {  	[smem:$0x3F96] =	sst s1;
	(tag) =	ssettag s2;
	_ =	strace s9  }
0x27: {  	s1 =	sld [smem:$0x3FA6]  }
0x28: {  	s2 =	sld [smem:$0x3FA7]  }
0x29: {  	s4 =	sld [smem:$0x3FA9]  }
0x2a: {  	p0 =	seq.s32 s5, $0x0;
	s5 =	sld [smem:$0x3FAA]  }
0x2b: {  	s6 =	sld [smem:$0x3FAB]  }
0x2c: {  	s7 =	sld [smem:$0x3FAC]  }
0x2d: {  	s3 =	simm.s32 $0x108;
	s8 =	sld [smem:$0x3FAD]  }
0x2e: {  	s3 =	simm.s32 @!p0 $0x1082;
	s9 =	sld [smem:$0x3FAE]  }
0x2f: {  	lr =	sadd.s32 s0, s3;
	s0 =	sld [smem:$0x3FA5]  }
0x30: {  	s3 =	sld [smem:$0x3FA8]  }
0x31: {  	[smem:$0x3FB1] =	sst s10  }
0x32: {  	s10 =	sld [smem:$0x3FAF];
	_ =	sdelay $0x3  }
0x33: {  	p0 =	seq.s32 s10, $0x1;
	s10 =	sld [smem:$0x3FB1];
	_ =	sdelay $0x3  }
0x34: {  	[smem:$0x3FB1] =	sst s10  }
0x35: {  	s10 =	sld [smem:$0x3FB0];
	_ =	sdelay $0x3  }
0x36: {  	p1 =	seq.s32 s10, $0x1;
	s10 =	sld [smem:$0x3FB1];
	_ =	sdelay $0x3  }
0x37: {  	[smem:$0x3FB1] =	sst s10  }
0x38: {  	s10 =	sld [smem:$0x3FB2]  }
0x39: {  	_ = 	snop;
	(pc) =	sbr.ind lr, $3  }
0x3a: {  	_ = 	snop  }
0x3b: {  	_ = 	snop  }
0x3c: {  	p2 =	seq.s32 s10, $0x1;
	s10 =	sld [smem:$0x3FB1]  }
0x3d: {  	_ =	shalt  }
0x3e: {  	_ =	shalt  }
0x3f: {  	_ =	shalt  }
0x40: {  	_ =	shalt  }
0x41: {  	_ =	shalt  }
0x42: {  	_ =	shalt  }
0x43: {  	_ =	shalt  }
0x44: {  	_ =	shalt  }
0x45: {  	_ =	shalt  }
0x46: {  	_ =	shalt  }
0x47: {  	_ =	shalt  }
0x48: {  	_ =	shalt  }
0x49: {  	_ =	shalt  }
0x4a: {  	_ =	shalt  }
0x4b: {  	_ =	shalt  }
0x4c: {  	_ =	shalt  }
0x4d: {  	_ =	shalt  }
0x4e: {  	_ =	shalt  }
0x4f: {  	_ =	shalt  }
0x50: {  	_ =	shalt  }
0x51: {  	_ =	shalt  }
0x52: {  	_ =	shalt  }
0x53: {  	_ =	shalt  }
0x54: {  	_ =	shalt  }
0x55: {  	_ =	shalt  }
0x56: {  	_ =	shalt  }
0x57: {  	_ =	shalt  }
0x58: {  	_ =	shalt  }
0x59: {  	_ =	shalt  }
0x5a: {  	_ =	shalt  }
0x5b: {  	_ =	shalt  }
0x5c: {  	_ =	shalt  }
0x5d: {  	_ =	shalt  }
0x5e: {  	_ =	shalt  }
0x5f: {  	_ =	shalt  }
0x60: {  	_ =	shalt  }
0x61: {  	_ =	shalt  }
0x62: {  	_ =	shalt  }
0x63: {  	_ =	shalt  }
0x64: {  	_ =	shalt  }
0x65: {  	_ =	shalt  }
0x66: {  	_ =	shalt  }
0x67: {  	_ =	shalt  }
0x68: {  	_ =	shalt  }
0x69: {  	_ =	shalt  }
0x6a: {  	_ =	shalt  }
0x6b: {  	_ =	shalt  }
0x6c: {  	_ =	shalt  }
0x6d: {  	_ =	shalt  }
0x6e: {  	_ =	shalt  }
0x6f: {  	_ =	shalt  }
0x70: {  	_ =	shalt  }
0x71: {  	_ =	shalt  }
0x72: {  	_ =	shalt  }
0x73: {  	_ =	shalt  }
0x74: {  	_ =	shalt  }
0x75: {  	_ =	shalt  }
0x76: {  	_ =	shalt  }
0x77: {  	_ =	shalt  }
0x78: {  	_ =	shalt  }
0x79: {  	_ =	shalt  }
0x7a: {  	_ =	shalt  }
0x7b: {  	_ =	shalt  }
0x7c: {  	_ =	shalt  }
0x7d: {  	_ =	shalt  }
0x7e: {  	_ =	shalt  }
0x7f: {  	_ =	shalt  }
0x80: {  	_ =	shalt  }
0x81: {  	_ =	shalt  }
0x82: {  	_ =	shalt  }
0x83: {  	_ =	shalt  }
0x84: {  	_ =	shalt  }
0x85: {  	_ =	shalt  }
0x86: {  	_ =	shalt  }
0x87: {  	_ =	shalt  }
.Lfunc_end0:
.L_simem_size_0:
called_computation.16_lowered:
.L_overlay_start_0:
0x88: {  	s2 =	sld [smem:$0x3FD9]  }
0x89: {  	s3 =	sld [smem:$0x3FFE];
	_ =	sdelay $0x1  }
0x8a: {  	s1 =	srdreg.scid  }
0x8b: {  	s0 =	sand.u32 $0x1, s1  }
0x8c: {  	s17 =	sshll.u32 s0, $0xA;
	s2 =	sadd.s32 s3, s2  }
0x8d: {  	s2 =	sadd.s32 s2, s17  }
0x8e: {  	[smem:$0x3FBD] =	sst s2  }
0x8f: {  	_ = 	snop  }
0x90: {  	(tm) =	ssettm $0x1  }
0x91: {  	s18 =	sld [smem:$0x3FFB];
	_ =	sdelay $0x3  }
0x92: {  	_ =	strace s18  }
0x93: {  	s2 =	sld [smem:$0x3FFC];
	_ =	sdelay $0x3  }
0x94: {  	_ =	strace s2  }
0x95: {  	s2 =	sld [smem:$0x3FFD];
	_ =	sdelay $0x3  }
0x96: {  	_ =	strace s2  }
0x97: {  	_ =	strace $0x8FFFFFFF  }
0x98: {  	s19 =	sld [smem:$0x3FDB];
	_ =	sdelay $0x1  }
0x99: {  	s20 =	simm.s32 $_scs_section_size  }
0x9a: {  	s4 =	simm.s32 $_size__tile_overlayer_lowered;
	s5 =	simm.s32 $_tile_overlayer_lowered  }
0x9b: {  	s6 =	simm.s32 $0x1BFF;
	s21 =	sshll.u32 s5, $0x1;
	s3 =	sadd.s32 s20, s19  }
0x9c: {  	s22 =	simm.s32 $0x0;
	s4 =	sshll.u32 s4, $0x1;
	s5 =	sadd.s32 s21, s3  }
0x9d: {  	[timem:s22], [sflag:s6] =	dma.local [hbm:s5], s4  }
0x9e: {  	_ =	swait.ge [sflag:s6], s4  }
0x9f: {  	s4 =	ssub.s32 $0x0, s4;
	[sflag:s6] =	ssyncset.done $0x0  }
0xa0: {  	[sflag:s6] =	ssyncadd.s32 s4;
	_ =	sdelay $0x1  }
0xa1: {  	s23 =	simm.s32 $0x1B8B  }
0xa2: {  	_ =	swait.ge [sflag:s23], $0x1  }
0xa3: {  	[sflag:s23] =	ssyncset.done $0x0  }
0xa4: {  	[sflag:s23] =	ssyncadd.s32 $0xFFFFFFFF  }
0xa5: {  	s4 =	sld [smem:$0x0]  }
0xa6: {  	s5 =	sand.u32 $0xFFFFFFFE, s1  }
0xa7: {  	p0 =	sne.s32 s1, s5  }
0xa8: {  	s5 =	sshll.u32 @p0 s5, $0xE  }
0xa9: {  	s5 =	sadd.s32 @p0 $0x11B8D, s5;
	s6 =	sshll.u32 @p0 s4, $0x11  }
0xaa: {  	s5 =	sor.u32 @p0 s6, s5  }
0xab: {  	[sflag:s5] =	ssyncadd.remote.s32 @p0 $0x1;
	_ =	sdelay $0x1  }
0xac: {  	s5 =	simm.s32 @p0 $0x1B8D  }
0xad: {  	_ =	swait.eq @p0 [sflag:s5], $0x1  }
0xae: {  	[sflag:s5] =	ssyncadd.s32 @p0 $0xFFFFFFFF  }
0xaf: {  	s6 =	sshll.u32 @!p0 s1, $0xE  }
0xb0: {  	s6 =	sor.u32 @!p0 $0x4000, s6;
	s5 =	simm.s32 @!p0 $0x1B8D  }
0xb1: {  	s4 =	sshll.u32 @!p0 s4, $0x11;
	s6 =	sadd.s32 @!p0 $0x11B8D, s6;
	_ =	swait.eq @!p0 [sflag:s5], $0x1  }
0xb2: {  	s4 =	sor.u32 @!p0 s4, s6;
	[sflag:s5] =	ssyncadd.s32 @!p0 $0xFFFFFFFF  }
0xb3: {  	s25 =	simm.s32 $0x1B8E;
	s24 =	sld [smem:$0x3FFE];
	[sflag:s4] =	ssyncadd.remote.s32 @!p0 $0x1  }
0xb4: {  	s26 =	simm.s32 $execute0_lowered;
	[smem:$0x3FD2] =	sst s25  }
0xb5: {  	s5 =	sshll.u32 s26, $0x1;
	_ =	strace $0x80000070;
	[dreg:$0x1] =	wrdreg $0xFFFFFFFF  }
0xb6: {  	s28 =	simm.s32 $_size_execute0_lowered;
	s3 =	sadd.s32 s3, s5;
	[dreg:$0x0] =	wrdreg $0x0  }
0xb7: {  	s5 =	sshll.u32 s28, $0x1;
	[dreg:$0x2] =	wrdreg s3  }
0xb8: {  	[dreg:$0x3] =	wrdreg s5  }
0xb9: {  	[dreg:$0x4] =	wrdreg $0xC0  }
0xba: {  	_ =	task [dreg:s22], $0x5FFFF  }
0xbb: {  	[dreg:$0x1] =	wrdreg $0xFFFFFFFF  }
0xbc: {  	[dreg:$0x0] =	wrdreg $0x60  }
0xbd: {  	[dreg:$0x2] =	wrdreg s24  }
0xbe: {  	[dreg:$0x3] =	wrdreg $0xF  }
0xbf: {  	_ =	task.clear_ibuf [dreg:s22], $0x4FFFF;
	_ =	strace $0x90000070  }
0xc0: {  	s29 =	simm.s32 $0xF;
	_ =	strace $0x80000072  }
0xc1: {  	_ =	swait.ge [sflag:s29], $0x1  }
0xc2: {  	[sflag:s29] =	ssyncadd.s32 $0xFFFFFFFF  }
0xc3: {  	_ =	strace $0x90000072  }
0xc4: {  	_ =	sfence  }
0xc5: {  	s30 =	sld [smem:$0x0];
	_ =	sdelay $0x2  }
0xc6: {  	s31 =	sshll.u32 s1, $0xD;
	s1 =	sshrl.u32 s1, $0x2  }
0xc7: {  	s4 =	sand.u32 $0x4000, s31;
	s1 =	sadd.s32 s1, s30  }
0xc8: {  	s0 =	sor.u32 s4, s0;
	s1 =	sshll.u32 s1, $0x11  }
0xc9: {  	s0 =	sor.u32 s1, s0  }
0xca: {  	s0 =	sadd.s32 $0x8F2B, s0  }
0xcb: {  	[sflag:s0] =	ssyncadd.remote.s32 $0x1  }
0xcc: {  	_ =	sfence.sel $0xFFFF  }
0xcd: {  	[dreg:$0x0] =	wrdreg $0xFFFFFFFF;
	(pc) =	sbr.abs _section_cstart, $3  }
0xce: {  	[dreg:$0x1] =	wrdreg $0xFFFFFFFF  }
0xcf: {  	_ =	task.clear_ibuf [dreg:s22], $0x2FFFF;
	_ =	strace $0x9FFFFFFF  }
0xd0: {  	(tm) =	ssettm $0x7FFFFFFF  }
0xd1: {  	_ =	shalt  }
tec
execute0_lowered:
.L_overlay_start_1:
0x0: {  	(tag) =	ssettag $0x1  }
0x1: {  	s7 =	rddreg [dreg:$0x0]  }
0x2: {  	s0 =	rddreg [dreg:$0x1];
	_ =	strace $0x80000071  }
0x3: {  	s1 =	srdreg.scid;
	s4 =	simm.s32 $0x1;
	s9 =	simm.s32 $0x3  }
0x4: {  	s11 =	simm.s32 $0x0;
	p0 =	por $0x0, $0x0;
	s5 =	sshll.u32 s1, $0x4  }
.Ltmp0:
0x5: {  	s1 =	stileid.u32;
	s5 =	sand.u32 $0x10, s5;
	(pc) =	sbr.rel .LBB2_1-.Ltmp0, $4  }
0x6: {  	s2 =	sadd.s32 $0x256000, s7;
	s3 =	sadd.s32 $0xCFE00, s7;
	s6 =	sor.u32 s1, s5  }
0x7: {  	[sflag:s4] =	ssyncpa.u1 $0x0;
	s5 =	simm.s32 $0x2;
	s6 =	sshll.u32 s6, $0x9  }
0x8: {  	s7 =	sadd.s32 $0x135200, s7;
	[sflag:s5] =	ssyncpa.u1 $0x0;
	s8 =	sadd.s32 $0x200, s6  }
0x9: {  	vm0 =	vmmov $0xff;
	vm1 =	vcmask $0x3F20;
	[sflag:s9] =	ssyncpa.u1 $0x0;
	s10 =	smov.u32 s6;
	s9 =	simm.s32 $0x0  }
.LBB2_7:
0xa: {  	p1 =	slt.u32 s9, $0x2;
	s11 =	sadd.s32 $0x100, s10  }
0xb: {  	s13 =	smov.u32 s6;
	s9 =	sadd.s32 $0x1, s9;
	p2 =	slt.s32 s11, s8  }
0xc: {  	s13 =	smov.u32 @p2 s11;
	p2 =	sne.s32 s9, $0x4  }
.Ltmp1:
0xd: {  	_ = 	snop;
	(pc) =	sbr.rel @!p2 .LBB2_8-.Ltmp1, $4  }
0xe: {  	s12 =	simm.s32 @!p1 $0x3  }
0xf: {  	_ =	swait.ge @!p1 [sflag:s12], $0x8000  }
0x10: {  	p0 =	por !p0, !p0;
	[sflag:s12] =	ssyncset.done @!p1 $0x0  }
0x11: {  	s11 =	smov.u32 s10;
	s10 =	smov.u32 s13;
	[sflag:s12] =	ssyncadd.s32 @!p1 $0xFFFF8000  }
.LBB2_1:
0x12: {  	p1 =	sgt.u32 s9, $0x1  }
0x13: {  	s12 =	sshll.u32 @!p1 s9, $0x8;
	s13 =	sshrl.u32 @!p1 s10, $0x3  }
0x14: {  	s14 =	sand.u32 @!p1 $0x7, s10;
	s12 =	sxor.u32 @!p1 $0x100, s12;
	s13 =	sadd.s32 @!p1 s3, s13  }
0x15: {  	[tilespmem:s12], [sflag:$0x2] =	stream.linear.gather @!p1 [hbm4b:s13+s14], $0x100, $0x38;
	[tilespmem:$0x10200] =	vst v63  }
0x16: {  	p1 =	seq.s32 s9, $0x0  }
0x17: {  	p2 =	seq.s32 @!p1 s9, $0x3  }
0x18: {  	p1 =	por p1, p2  }
.Ltmp2:
0x19: {  	_ = 	snop;
	(pc) =	sbr.rel @p1 .LBB2_7-.Ltmp2, $1  }
0x1a: {  	_ =	sdelay $0x3  }
0x1b: {  	s12 =	simm.s32 $0x1  }
0x1c: {  	_ =	swait.ge [sflag:s5], $0x100;
	s12 =	simm.s32 @!p0 $0x0  }
0x1d: {  	[sflag:s5] =	ssyncset.done $0x0;
	s14 =	sshll.u32 s12, $0x8  }
0x1e: {  	[sflag:s5] =	ssyncadd.s32 $0xFFFFFF00;
	s13 =	sadd.s32 $0x0, s14  }
0x1f: {  	v0 =	vld.msk [tilespmem:s13+$0x0 ss:$0x1], $0xffff;
	_ =	sdelay $0x4  }
0x20: {  	vm2 =	vgt.s32 v0, $0x0  }
0x21: {  	v0 =	vnsel vm2, $0x0, v0  }
0x22: {  	v0 =	vmin.u32 v0, $0xC34F  }
0x23: {  	v0 =	vshll.u32 v0, $0x4;
	_ =	sdelay $0x2  }
0x24: {  	s12 =	sshll.u32 s12, $0xF  }
0x25: {  	s12 =	sor.u32 $0x200, s12  }
0x26: {  	[tilespmem:s12], [sflag:$0x1] =	stream.indirect_vreg.gather [hbm:s2], $0x80, v0, vm0, $0x38;
	[tilespmem:$0x10200] =	vst v63  }
0x27: {  	s15 =	sadd.s32 $0x10, s14;
	s13 =	sadd.s32 $0x400, s12  }
0x28: {  	[tilespmem:s13], [sflag:$0x1] =	stream.indirect_vreg.gather [hbm:s2], $0x80, v0, vm1, $0x38;
	[tilespmem:$0x10200] =	vst v63  }
0x29: {  	s16 =	simm.s32 $0x80;
	v0 =	vld.msk [tilespmem:s15+$0x0 ss:$0x1], $0xffff;
	s15 =	smov.u32 s12  }
.LBB2_3:
0x2a: {  	p1 =	sne.s32 s16, $0x3C0;
	_ =	sdelay $0x4  }
0x2b: {  	vm2 =	vgt.s32 v0, $0x0  }
0x2c: {  	v0 =	vnsel vm2, $0x0, v0  }
0x2d: {  	v0 =	vmin.u32 v0, $0xC34F  }
0x2e: {  	v0 =	vshll.u32 v0, $0x4;
	_ =	sdelay $0x3  }
.Ltmp3:
0x2f: {  	s17 =	sshra.s32 s16, $0x2;
	s15 =	sadd.s32 $0x800, s15;
	(pc) =	sbr.rel @p1 .LBB2_3-.Ltmp3, $4  }
0x30: {  	[tilespmem:s15], [sflag:$0x1] =	stream.indirect_vreg.gather [hbm:s2], $0x80, v0, vm0, $0x38;
	[tilespmem:$0x10200] =	vst v63  }
0x31: {  	s17 =	sadd.s32 s17, s14;
	s18 =	sadd.s32 $0x400, s15  }
0x32: {  	[tilespmem:s18], [sflag:$0x1] =	stream.indirect_vreg.gather [hbm:s2], $0x80, v0, vm1, $0x38;
	[tilespmem:$0x10200] =	vst v63  }
0x33: {  	s16 =	sadd.s32 $0x40, s16;
	v0 =	vld.msk [tilespmem:s17+$0x0 ss:$0x1], $0xffff  }
0x34: {  	_ =	sdelay $0x3  }
0x35: {  	vm2 =	vgt.s32 v0, $0x0  }
0x36: {  	v0 =	vnsel vm2, $0x0, v0  }
0x37: {  	v0 =	vmin.u32 v0, $0xC34F  }
0x38: {  	v0 =	vshll.u32 v0, $0x4;
	_ =	sdelay $0x3  }
0x39: {  	s14 =	sadd.s32 $0x800, s15  }
0x3a: {  	[tilespmem:s14], [sflag:$0x1] =	stream.indirect_vreg.gather [hbm:s2], $0x80, v0, vm0, $0x38;
	[tilespmem:$0x10200] =	vst v63  }
0x3b: {  	s14 =	sadd.s32 $0x400, s14  }
0x3c: {  	[tilespmem:s14], [sflag:$0x1] =	stream.indirect_vreg.gather [hbm:s2], $0x80, v0, vm1, $0x38;
	[tilespmem:$0x10200] =	vst v63  }
0x3d: {  	s11 =	sshll.u32 s11, $0x4;
	_ =	swait.ge [sflag:s4], $0x8000  }
0x3e: {  	s11 =	sadd.s32 s11, s7;
	[sflag:s4] =	ssyncset.done $0x0  }
0x3f: {  	s15 =	sadd.s32 $0x0, s11;
	s14 =	simm.s32 $0x80;
	[sflag:s4] =	ssyncadd.s32 $0xFFFF8000  }
.LBB2_5:
0x40: {  	[hbm:s15] =	stream.linear.scatter [tilespmem:s12], [sflag:$0x3], $0x400, $0x38;
	[tilespmem:$0x10200] =	vst v63  }
0x41: {  	s15 =	smov.u32 s14;
	s12 =	smov.u32 s13;
	p1 =	sne.s32 s14, $0xF80  }
.Ltmp4:
0x42: {  	s14 =	sadd.s32 $0x80, s14;
	(pc) =	sbr.rel @p1 .LBB2_5-.Ltmp4, $2  }
0x43: {  	_ =	sdelay $0x2  }
0x44: {  	s13 =	sadd.s32 $0x400, s13;
	s15 =	sadd.s32 s15, s11  }
.Ltmp5:
0x45: {  	(pc) =	sbr.rel .LBB2_7-.Ltmp5, $2  }
0x46: {  	_ =	sdelay $0x2  }
0x47: {  	[hbm:s15] =	stream.linear.scatter [tilespmem:s12], [sflag:$0x3], $0x400, $0x38;
	[tilespmem:$0x10200] =	vst v63  }
.LBB2_8:
0x48: {  	_ =	sfence.sel $0x180000  }
0x49: {  	s2 =	simm.s32 $0x2;
	[bflag:$0x0] =	sbarrier.arrive $0xFFFF  }
0x4a: {  	s30 =	simm.s32 $0x3;
	[sflag:s2] =	ssyncpa.u1 $0x1  }
0x4b: {  	s31 =	simm.s32 $0x1;
	[sflag:s30] =	ssyncpa.u1 $0x1  }
0x4c: {  	[sflag:s31] =	ssyncpa.u1 $0x1  }
0x4d: {  	p0 =	sne.s32 s1, $0x0;
	_ =	strace $0x90000071  }
0x4e: {  	s0 =	sadd.s32 @!p0 $0x100000, s0;
	[bflag:$0x2] =	sbarrier.arrive $0xFFFF  }
0x4f: {  	[sflag:s0] =	ssyncadd.tile.s32 @!p0 $0x1;
	_ =	shalt  }
.Lfunc_end2:
_tile_overlayer_lowered:
.L_overlay_start_2:
0x50: {  	(tag) =	ssettag $0x2  }
0x51: {  	s0 =	rddreg [dreg:$0x0];
	s2 =	stileid.u32  }
0x52: {  	s1 =	rddreg [dreg:$0x1];
	p0 =	sne.s32 s2, $0x0  }
0x53: {  	s3 =	rddreg [dreg:$0x2];
	[bflag:$0x3] =	sbarrier.arrive $0xFFFF;
	s2 =	simm.s32 @!p0 $0x1C01  }
0x54: {  	[timem:s3], [sflag:s2] =	dma.local @!p0 [hbm:s0], s1  }
0x55: {  	s0 =	simm.s32 @!p0 $0x1  }
0x56: {  	_ =	swait.ge @!p0 [sflag:s0], s1  }
0x57: {  	s1 =	ssub.s32 @!p0 $0x0, s1;
	[sflag:s0] =	ssyncset.done @!p0 $0x0  }
0x58: {  	[sflag:s0] =	ssyncadd.s32 @!p0 s1  }
0x59: {  	[bflag:$0x3] =	sbarrier.arrive $0xFFFF  }
0x5a: {  	_ =	shalt  }

// kernel: gather_offload_async_start.1
scs
__scs_entry_jumppad:
0x0: {  	(pc) =	sbr.rel $0x88, $3  }
0x1: {  	(tag) =	ssettag $0x0;
	lr =	simm.s32 $0x1  }
0x2: {  	[smem:$0x3F96] =	sst lr;
	_ =	strace $0xD0000000  }
0x3: {  	_ = 	snop  }
0x4: {  	_ = 	snop  }
0x5: {  	_ = 	snop  }
0x6: {  	_ = 	snop  }
0x7: {  	_ = 	snop  }
__scs_overlays_trampoline_lowered:
0x8: {  	[smem:$0x3FA5] =	sst s0  }
0x9: {  	[smem:$0x3FA6] =	sst s1  }
0xa: {  	[smem:$0x3FA7] =	sst s2  }
0xb: {  	[smem:$0x3FA8] =	sst s3  }
0xc: {  	[smem:$0x3FA9] =	sst s4  }
0xd: {  	[smem:$0x3FAA] =	sst s5  }
0xe: {  	[smem:$0x3FAB] =	sst s6  }
0xf: {  	[smem:$0x3FAC] =	sst s7  }
0x10: {  	[smem:$0x3FAD] =	sst s8  }
0x11: {  	[smem:$0x3FAE] =	sst s9;
	s0 =	simm.s32 @!p0 $0x0  }
0x12: {  	s1 =	sld [smem:$0x3F94];
	s0 =	simm.s32 @p0 $0x1  }
0x13: {  	[smem:$0x3FAF] =	sst s0;
	s0 =	simm.s32 @!p1 $0x0  }
0x14: {  	s2 =	sld [smem:$0x3F93];
	s0 =	simm.s32 @p1 $0x1  }
0x15: {  	[smem:$0x3FB0] =	sst s0;
	s0 =	simm.s32 @!p2 $0x0  }
0x16: {  	s3 =	sld [smem:$0x3FDB];
	s0 =	simm.s32 @p2 $0x1  }
0x17: {  	s4 =	simm.s32 $0x1BF5;
	[smem:$0x3FB2] =	sst s0  }
0x18: {  	s0 =	sld [smem:$0x3F95];
	_ =	swait.ge [sflag:s4], $0x0  }
0x19: {  	s7 =	sld [smem:$0x3F96]  }
0x1a: {  	s8 =	sadd.s32 $0xFFFFE003, lr  }
0x1b: {  	s9 =	sadd.s32 $0xFFFFFEF7, lr;
	s5 =	simm.s32 $0xFFFFFFFF;
	p2 =	slt.u32 s8, $0xFFFFF086  }
0x1c: {  	p1 =	slt.u32 s9, $0xF7A;
	s5 =	simm.s32 @!p2 $0x0  }
0x1d: {  	s5 =	simm.s32 @p1 $0x1;
	p0 =	seq.s32 s7, s2  }
0x1e: {  	s7 =	smul.u32 @!p0 $0xF7A, s2;
	p2 =	seq.s32 @!p0 s5, $0x0  }
0x1f: {  	s9 =	smul.u32 $0xF7A, s1;
	s8 =	simm.s32 @!p0 $0x1BF5;
	p2 =	por !p2, p0  }
0x20: {  	[sflag:s8] =	ssyncset.s32 @!p0 $0xFFFFF086;
	s6 =	sadd.s32 @!p0 s3, s7;
	s7 =	simm.s32 @!p0 $0x108  }
0x21: {  	s3 =	sadd.s32 s3, s9;
	s6 =	sadd.s32 @!p0 $0x88, s6;
	s7 =	simm.s32 @p2 $0x1082  }
0x22: {  	[simem:s7], [sflag:s8] =	dma.local @!p0 [hbm:s6], $0xF7A  }
0x23: {  	s9 =	sor.u32 $0xD0000000, s2;
	s6 =	simm.s32 $0x108;
	_ =	swait.ge @!p0 [sflag:s8], $0x0  }
0x24: {  	s3 =	sadd.s32 $0x88, s3;
	s6 =	simm.s32 @!p1 $0x1082;
	[sflag:s4] =	ssyncset.s32 $0xFFFFF086  }
0x25: {  	[simem:s6], [sflag:s4] =	dma.local [hbm:s3], $0xF7A  }
0x26: {  	[smem:$0x3F96] =	sst s1;
	(tag) =	ssettag s2;
	_ =	strace s9  }
0x27: {  	s1 =	sld [smem:$0x3FA6]  }
0x28: {  	s2 =	sld [smem:$0x3FA7]  }
0x29: {  	s4 =	sld [smem:$0x3FA9]  }
0x2a: {  	p0 =	seq.s32 s5, $0x0;
	s5 =	sld [smem:$0x3FAA]  }
0x2b: {  	s6 =	sld [smem:$0x3FAB]  }
0x2c: {  	s7 =	sld [smem:$0x3FAC]  }
0x2d: {  	s3 =	simm.s32 $0x108;
	s8 =	sld [smem:$0x3FAD]  }
0x2e: {  	s3 =	simm.s32 @!p0 $0x1082;
	s9 =	sld [smem:$0x3FAE]  }
0x2f: {  	lr =	sadd.s32 s0, s3;
	s0 =	sld [smem:$0x3FA5]  }
0x30: {  	s3 =	sld [smem:$0x3FA8]  }
0x31: {  	[smem:$0x3FB1] =	sst s10  }
0x32: {  	s10 =	sld [smem:$0x3FAF];
	_ =	sdelay $0x3  }
0x33: {  	p0 =	seq.s32 s10, $0x1;
	s10 =	sld [smem:$0x3FB1];
	_ =	sdelay $0x3  }
0x34: {  	[smem:$0x3FB1] =	sst s10  }
0x35: {  	s10 =	sld [smem:$0x3FB0];
	_ =	sdelay $0x3  }
0x36: {  	p1 =	seq.s32 s10, $0x1;
	s10 =	sld [smem:$0x3FB1];
	_ =	sdelay $0x3  }
0x37: {  	[smem:$0x3FB1] =	sst s10  }
0x38: {  	s10 =	sld [smem:$0x3FB2]  }
0x39: {  	_ = 	snop;
	(pc) =	sbr.ind lr, $3  }
0x3a: {  	_ = 	snop  }
0x3b: {  	_ = 	snop  }
0x3c: {  	p2 =	seq.s32 s10, $0x1;
	s10 =	sld [smem:$0x3FB1]  }
0x3d: {  	_ =	shalt  }
0x3e: {  	_ =	shalt  }
0x3f: {  	_ =	shalt  }
0x40: {  	_ =	shalt  }
0x41: {  	_ =	shalt  }
0x42: {  	_ =	shalt  }
0x43: {  	_ =	shalt  }
0x44: {  	_ =	shalt  }
0x45: {  	_ =	shalt  }
0x46: {  	_ =	shalt  }
0x47: {  	_ =	shalt  }
0x48: {  	_ =	shalt  }
0x49: {  	_ =	shalt  }
0x4a: {  	_ =	shalt  }
0x4b: {  	_ =	shalt  }
0x4c: {  	_ =	shalt  }
0x4d: {  	_ =	shalt  }
0x4e: {  	_ =	shalt  }
0x4f: {  	_ =	shalt  }
0x50: {  	_ =	shalt  }
0x51: {  	_ =	shalt  }
0x52: {  	_ =	shalt  }
0x53: {  	_ =	shalt  }
0x54: {  	_ =	shalt  }
0x55: {  	_ =	shalt  }
0x56: {  	_ =	shalt  }
0x57: {  	_ =	shalt  }
0x58: {  	_ =	shalt  }
0x59: {  	_ =	shalt  }
0x5a: {  	_ =	shalt  }
0x5b: {  	_ =	shalt  }
0x5c: {  	_ =	shalt  }
0x5d: {  	_ =	shalt  }
0x5e: {  	_ =	shalt  }
0x5f: {  	_ =	shalt  }
0x60: {  	_ =	shalt  }
0x61: {  	_ =	shalt  }
0x62: {  	_ =	shalt  }
0x63: {  	_ =	shalt  }
0x64: {  	_ =	shalt  }
0x65: {  	_ =	shalt  }
0x66: {  	_ =	shalt  }
0x67: {  	_ =	shalt  }
0x68: {  	_ =	shalt  }
0x69: {  	_ =	shalt  }
0x6a: {  	_ =	shalt  }
0x6b: {  	_ =	shalt  }
0x6c: {  	_ =	shalt  }
0x6d: {  	_ =	shalt  }
0x6e: {  	_ =	shalt  }
0x6f: {  	_ =	shalt  }
0x70: {  	_ =	shalt  }
0x71: {  	_ =	shalt  }
0x72: {  	_ =	shalt  }
0x73: {  	_ =	shalt  }
0x74: {  	_ =	shalt  }
0x75: {  	_ =	shalt  }
0x76: {  	_ =	shalt  }
0x77: {  	_ =	shalt  }
0x78: {  	_ =	shalt  }
0x79: {  	_ =	shalt  }
0x7a: {  	_ =	shalt  }
0x7b: {  	_ =	shalt  }
0x7c: {  	_ =	shalt  }
0x7d: {  	_ =	shalt  }
0x7e: {  	_ =	shalt  }
0x7f: {  	_ =	shalt  }
0x80: {  	_ =	shalt  }
0x81: {  	_ =	shalt  }
0x82: {  	_ =	shalt  }
0x83: {  	_ =	shalt  }
0x84: {  	_ =	shalt  }
0x85: {  	_ =	shalt  }
0x86: {  	_ =	shalt  }
0x87: {  	_ =	shalt  }
.Lfunc_end0:
.L_simem_size_0:
called_computation.4_lowered:
.L_overlay_start_0:
0x88: {  	s2 =	sld [smem:$0x3FD9]  }
0x89: {  	s3 =	sld [smem:$0x3FFE];
	_ =	sdelay $0x1  }
0x8a: {  	s1 =	srdreg.scid  }
0x8b: {  	s0 =	sand.u32 $0x1, s1  }
0x8c: {  	s16 =	sshll.u32 s0, $0xA;
	s2 =	sadd.s32 s3, s2  }
0x8d: {  	s2 =	sadd.s32 s2, s16  }
0x8e: {  	[smem:$0x3FBD] =	sst s2  }
0x8f: {  	_ = 	snop  }
0x90: {  	(tm) =	ssettm $0x1  }
0x91: {  	s17 =	sld [smem:$0x3FFB];
	_ =	sdelay $0x3  }
0x92: {  	_ =	strace s17  }
0x93: {  	s2 =	sld [smem:$0x3FFC];
	_ =	sdelay $0x3  }
0x94: {  	_ =	strace s2  }
0x95: {  	s2 =	sld [smem:$0x3FFD];
	_ =	sdelay $0x3  }
0x96: {  	_ =	strace s2  }
0x97: {  	_ =	strace $0x8FFFFFFF  }
0x98: {  	s18 =	sld [smem:$0x3FDB];
	_ =	sdelay $0x1  }
0x99: {  	s19 =	simm.s32 $_scs_section_size  }
0x9a: {  	s4 =	simm.s32 $_size__tile_overlayer_lowered;
	s5 =	simm.s32 $_tile_overlayer_lowered  }
0x9b: {  	s22 =	simm.s32 $0x1BFF;
	s21 =	sshll.u32 s5, $0x1;
	s2 =	sadd.s32 s19, s18  }
0x9c: {  	s6 =	simm.s32 $0x0;
	s20 =	sshll.u32 s4, $0x1;
	s4 =	sadd.s32 s21, s2  }
0x9d: {  	[timem:s6], [sflag:s22] =	dma.local [hbm:s4], s20  }
0x9e: {  	_ =	swait.ge [sflag:s22], s20  }
0x9f: {  	s3 =	ssub.s32 $0x0, s20;
	[sflag:s22] =	ssyncset.done $0x0  }
0xa0: {  	[sflag:s22] =	ssyncadd.s32 s3;
	_ =	sdelay $0x1  }
0xa1: {  	s23 =	simm.s32 $0x1B8B  }
0xa2: {  	_ =	swait.ge [sflag:s23], $0x1  }
0xa3: {  	[sflag:s23] =	ssyncset.done $0x0  }
0xa4: {  	s25 =	simm.s32 $0x1B8E;
	s24 =	sld [smem:$0x3FFE];
	[sflag:s23] =	ssyncadd.s32 $0xFFFFFFFF  }
0xa5: {  	s26 =	simm.s32 $execute0_lowered;
	[smem:$0x3FD2] =	sst s25  }
0xa6: {  	s4 =	sshll.u32 s26, $0x1;
	_ =	strace $0x8000005B;
	[dreg:$0x1] =	wrdreg $0xFFFFFFFF  }
0xa7: {  	s28 =	simm.s32 $_size_execute0_lowered;
	s2 =	sadd.s32 s2, s4;
	[dreg:$0x0] =	wrdreg $0x0  }
0xa8: {  	s4 =	sshll.u32 s28, $0x1;
	[dreg:$0x2] =	wrdreg s2  }
0xa9: {  	[dreg:$0x3] =	wrdreg s4  }
0xaa: {  	[dreg:$0x4] =	wrdreg $0xC0  }
0xab: {  	_ =	task [dreg:s6], $0x5FFFF  }
0xac: {  	[dreg:$0x1] =	wrdreg $0xFFFFFFFF  }
0xad: {  	[dreg:$0x0] =	wrdreg $0x60  }
0xae: {  	[dreg:$0x2] =	wrdreg s24  }
0xaf: {  	[dreg:$0x3] =	wrdreg $0xA  }
0xb0: {  	_ =	task.clear_ibuf [dreg:s6], $0x4FFFF;
	_ =	strace $0x9000005B  }
0xb1: {  	s29 =	simm.s32 $0xA;
	_ =	strace $0x8000005D  }
0xb2: {  	_ =	swait.ge [sflag:s29], $0x1  }
0xb3: {  	[sflag:s29] =	ssyncadd.s32 $0xFFFFFFFF  }
0xb4: {  	_ =	strace $0x9000005D  }
0xb5: {  	_ =	sfence  }
0xb6: {  	s30 =	sld [smem:$0x0];
	_ =	sdelay $0x2  }
0xb7: {  	s31 =	sshll.u32 s1, $0xD;
	s1 =	sshrl.u32 s1, $0x2  }
0xb8: {  	s3 =	sand.u32 $0x4000, s31;
	s1 =	sadd.s32 s1, s30  }
0xb9: {  	s0 =	sor.u32 s3, s0;
	s1 =	sshll.u32 s1, $0x11  }
0xba: {  	s0 =	sor.u32 s1, s0  }
0xbb: {  	s0 =	sadd.s32 $0x8F2B, s0  }
0xbc: {  	[sflag:s0] =	ssyncadd.remote.s32 $0x1  }
0xbd: {  	_ =	sfence.sel $0xFFFF  }
0xbe: {  	[dreg:$0x0] =	wrdreg $0xFFFFFFFF;
	(pc) =	sbr.abs _section_cstart, $3  }
0xbf: {  	[dreg:$0x1] =	wrdreg $0xFFFFFFFF  }
0xc0: {  	_ =	task.clear_ibuf [dreg:s6], $0x2FFFF;
	_ =	strace $0x9FFFFFFF  }
0xc1: {  	(tm) =	ssettm $0x7FFFFFFF  }
tec
execute0_lowered:
.L_overlay_start_1:
0x0: {  	(tag) =	ssettag $0x1  }
0x1: {  	s0 =	srdreg.scid;
	s5 =	rddreg [dreg:$0x0]  }
0x2: {  	s1 =	stileid.u32;
	s6 =	simm.s32 $0x1;
	s9 =	simm.s32 $0x1  }
0x3: {  	s10 =	simm.s32 $0x3;
	s13 =	simm.s32 $0x0;
	s2 =	sshll.u32 s0, $0x8  }
0x4: {  	s12 =	simm.s32 $0x0;
	s3 =	sshll.u32 s1, $0x9;
	s4 =	sand.u32 $0x100, s2  }
0x5: {  	s0 =	rddreg [dreg:$0x1];
	_ =	strace $0x8000005C;
	s3 =	sor.u32 s3, s4  }
0x6: {  	s2 =	sadd.s32 $0x192A00, s5;
	[sflag:s6] =	ssyncpa.u1 $0x0;
	s8 =	ssub.s32 $0x4000, s3  }
.Ltmp0:
0x7: {  	s4 =	sadd.s32 $0x192200, s5;
	s7 =	sand.u32 $0x1F00, s8;
	(pc) =	sbr.rel .LBB2_1-.Ltmp0, $4  }
0x8: {  	s5 =	sadd.s32 $0x190E00, s5;
	s11 =	smov.u32 s3;
	p0 =	sne.s32 s7, $0x0  }
0x9: {  	s8 =	sshrl.u32 s8, $0xD;
	s7 =	simm.s32 $0x2;
	s9 =	simm.s32 @!p0 $0x0  }
0xa: {  	[sflag:s7] =	ssyncpa.u1 $0x0;
	p0 =	por $0x0, $0x0;
	s8 =	sadd.s32 s9, s8  }
0xb: {  	vm0 =	vmmov $0xffff;
	[sflag:s10] =	ssyncpa.u1 $0x0;
	s10 =	simm.s32 $0x0;
	s9 =	sadd.s32 $0x1, s8  }
.LBB2_4:
0xc: {  	v2 =	vnsel vm1, $0x0, v2  }
0xd: {  	vm1 =	vgt.s32 v0, $0x0;
	v2 =	vmin.u32 v2, $0x61A7FF  }
0xe: {  	v0 =	vnsel vm1, $0x0, v0  }
0xf: {  	v0 =	vmin.u32 v0, $0x61A7FF  }
0x10: {  	[tilespmem:s15], [sflag:$0x1] =	stream.indirect_vreg.gather [hbm4b:s2+s10], $0x1, v1, vm0, $0x4038;
	[tilespmem:$0x400] =	vst v63  }
0x11: {  	(ifvalue) =	ssetifvalue $0x7FFFFFFF  }
0x12: {  	[tilespmem:s16], [sflag:$0x1] =	stream.indirect_vreg.gather [hbm4b:s2+s10], $0x1, v2, vm0, $0x4038;
	[tilespmem:$0x400] =	vst v63  }
0x13: {  	s29 =	sadd.s32 $0x10, s16;
	(ifvalue) =	ssetifvalue $0x7FFFFFFF  }
0x14: {  	[tilespmem:s29], [sflag:$0x1] =	stream.indirect_vreg.gather [hbm4b:s2+s10], $0x1, v0, vm0, $0x4038;
	[tilespmem:$0x400] =	vst v63  }
0x15: {  	_ =	swait.ge [sflag:s6], $0x100  }
0x16: {  	s30 =	sshrl.u32 s13, $0x3;
	[sflag:s6] =	ssyncset.done $0x0  }
0x17: {  	s31 =	sand.u32 $0x7, s13;
	s15 =	sadd.s32 s5, s30;
	[sflag:s6] =	ssyncadd.s32 $0xFFFFFF00  }
0x18: {  	[hbm4b:s15+s31] =	stream.linear.scatter [tilespmem:s14], [sflag:$0x3], $0x100, $0x38;
	[tilespmem:$0x400] =	vst v63  }
.LBB2_5:
0x19: {  	s15 =	sadd.s32 $0x2000, s11  }
0x1a: {  	p2 =	sgt.s32 s15, $0x3FFF  }
0x1b: {  	s15 =	smov.u32 @p2 s3;
	p2 =	sne.s32 s12, s9  }
.Ltmp1:
0x1c: {  	p1 =	slt.u32 s12, $0x2;
	(pc) =	sbr.rel @!p2 .LBB2_6-.Ltmp1, $4  }
0x1d: {  	s14 =	simm.s32 @!p1 $0x3  }
0x1e: {  	s16 =	sadd.s32 $0x1, s12;
	_ =	swait.ge @!p1 [sflag:s14], $0x100  }
0x1f: {  	s13 =	smov.u32 s11;
	p0 =	por !p0, !p0;
	[sflag:s14] =	ssyncset.done @!p1 $0x0  }
0x20: {  	s12 =	smov.u32 s16;
	s11 =	smov.u32 s15;
	[sflag:s14] =	ssyncadd.s32 @!p1 $0xFFFFFF00  }
.LBB2_1:
0x21: {  	p1 =	sge.u32 s12, s8  }
0x22: {  	s14 =	sxor.u32 @!p1 $0xFFFFFFFF, s12  }
0x23: {  	s31 =	sadd.s32 $0xFFFFFFFF, s12;
	s15 =	sshrl.u32 @!p1 s11, $0x3;
	s14 =	sshll.u32 @!p1 s14, $0x8  }
0x24: {  	s16 =	sand.u32 @!p1 $0x7, s11;
	s15 =	sadd.s32 @!p1 s4, s15;
	s14 =	sand.u32 @!p1 $0x100, s14  }
0x25: {  	[tilespmem:s14], [sflag:$0x2] =	stream.linear.gather @!p1 [hbm4b:s15+s16], $0x100, $0x38;
	[tilespmem:$0x400] =	vst v63  }
0x26: {  	p1 =	sge.u32 s31, s8  }
.Ltmp2:
0x27: {  	_ = 	snop;
	(pc) =	sbr.rel @p1 .LBB2_5-.Ltmp2, $1  }
0x28: {  	_ =	sdelay $0x3  }
0x29: {  	s14 =	simm.s32 $0x1  }
0x2a: {  	_ =	swait.ge [sflag:s7], $0x100;
	s14 =	simm.s32 @!p0 $0x0  }
0x2b: {  	[sflag:s7] =	ssyncset.done $0x0;
	s14 =	sshll.u32 s14, $0x8  }
0x2c: {  	[sflag:s7] =	ssyncadd.s32 $0xFFFFFF00;
	(ifvalue) =	ssetifvalue $0x7FFFFFFF;
	v0 =	vld.msk [tilespmem:s14+$0x0 ss:$0x1], $0xffff;
	_ =	sdelay $0x4  }
0x2d: {  	s15 =	sadd.s32 $0x10, s14;
	vm1 =	vgt.s32 v0, $0x0  }
0x2e: {  	v2 =	vld.msk [tilespmem:s15+$0x0 ss:$0x1], $0xffff;
	v1 =	vnsel vm1, $0x0, v0  }
0x2f: {  	v1 =	vmin.u32 v1, $0x61A7FF;
	_ =	sdelay $0x1  }
0x30: {  	s16 =	sshll.u32 s12, $0x8;
	s18 =	simm.s32 $0x20  }
0x31: {  	s16 =	sand.u32 $0x100, s16;
	s17 =	sadd.s32 $0x10, s15;
	s15 =	sor.u32 $0x200, s14  }
0x32: {  	s14 =	sor.u32 $0x200, s16;
	s16 =	sadd.s32 $0x10, s15;
	v0 =	vld.msk [tilespmem:s17+$0x0 ss:$0x1], $0xffff;
	vm1 =	vgt.s32 v2, $0x0;
	(ifvalue) =	ssetifvalue $0x7FFFFFFF  }
.LBB2_3:
0x33: {  	[tilespmem:s15], [sflag:$0x1] =	stream.indirect_vreg.gather [hbm4b:s2+s10], $0x1, v1, vm0, $0x4038;
	[tilespmem:$0x400] =	vst v63  }
0x34: {  	s18 =	sadd.s32 $0x10, s18  }
0x35: {  	v2 =	vnsel vm1, $0x0, v2;
	p1 =	slt.u32 s18, $0xF0  }
.Ltmp3:
0x36: {  	s15 =	smov.u32 s16;
	v1 =	vmin.u32 v2, $0x61A7FF;
	(pc) =	sbr.rel @p1 .LBB2_3-.Ltmp3, $3  }
0x37: {  	_ =	sdelay $0x1  }
0x38: {  	s17 =	sadd.s32 $0x10, s17  }
0x39: {  	vm1 =	vgt.s32 v0, $0x0;
	s16 =	sadd.s32 $0x10, s16;
	v2 =	vmov v0;
	(ifvalue) =	ssetifvalue $0x7FFFFFFF;
	v0 =	vld.msk [tilespmem:s17+$0x0 ss:$0x1], $0xffff  }
.Ltmp4:
0x3a: {  	_ = 	snop;
	(pc) =	sbr.rel .LBB2_4-.Ltmp4, $1  }
0x3b: {  	_ =	sdelay $0x3  }
.LBB2_6:
0x3c: {  	_ =	sfence.sel $0x180000  }
0x3d: {  	s2 =	simm.s32 $0x2;
	[bflag:$0x0] =	sbarrier.arrive $0xFFFF  }
0x3e: {  	s30 =	simm.s32 $0x3;
	[sflag:s2] =	ssyncpa.u1 $0x1  }
0x3f: {  	s31 =	simm.s32 $0x1;
	[sflag:s30] =	ssyncpa.u1 $0x1  }
0x40: {  	[sflag:s31] =	ssyncpa.u1 $0x1  }
0x41: {  	p0 =	sne.s32 s1, $0x0;
	_ =	strace $0x9000005C  }
0x42: {  	s0 =	sadd.s32 @!p0 $0x100000, s0;
	[bflag:$0x2] =	sbarrier.arrive $0xFFFF  }
0x43: {  	[sflag:s0] =	ssyncadd.tile.s32 @!p0 $0x1;
	_ =	shalt  }
.Lfunc_end2:
_tile_overlayer_lowered:
.L_overlay_start_2:
0x44: {  	(tag) =	ssettag $0x2  }
0x45: {  	s0 =	rddreg [dreg:$0x0];
	s2 =	stileid.u32  }
0x46: {  	s1 =	rddreg [dreg:$0x1];
	p0 =	sne.s32 s2, $0x0  }
0x47: {  	s3 =	rddreg [dreg:$0x2];
	[bflag:$0x3] =	sbarrier.arrive $0xFFFF;
	s2 =	simm.s32 @!p0 $0x1C01  }
0x48: {  	[timem:s3], [sflag:s2] =	dma.local @!p0 [hbm:s0], s1  }
0x49: {  	s0 =	simm.s32 @!p0 $0x1  }
0x4a: {  	_ =	swait.ge @!p0 [sflag:s0], s1  }
0x4b: {  	s1 =	ssub.s32 @!p0 $0x0, s1;
	[sflag:s0] =	ssyncset.done @!p0 $0x0  }
0x4c: {  	[sflag:s0] =	ssyncadd.s32 @!p0 s1  }
0x4d: {  	[bflag:$0x3] =	sbarrier.arrive $0xFFFF  }
0x4e: {  	_ =	shalt  }

// kernel: gather_offload_async_start.2
scs
__scs_entry_jumppad:
0x0: {  	(pc) =	sbr.rel $0x88, $3  }
0x1: {  	(tag) =	ssettag $0x0;
	lr =	simm.s32 $0x1  }
0x2: {  	[smem:$0x3F96] =	sst lr;
	_ =	strace $0xD0000000  }
0x3: {  	_ = 	snop  }
0x4: {  	_ = 	snop  }
0x5: {  	_ = 	snop  }
0x6: {  	_ = 	snop  }
0x7: {  	_ = 	snop  }
__scs_overlays_trampoline_lowered:
0x8: {  	[smem:$0x3FA5] =	sst s0  }
0x9: {  	[smem:$0x3FA6] =	sst s1  }
0xa: {  	[smem:$0x3FA7] =	sst s2  }
0xb: {  	[smem:$0x3FA8] =	sst s3  }
0xc: {  	[smem:$0x3FA9] =	sst s4  }
0xd: {  	[smem:$0x3FAA] =	sst s5  }
0xe: {  	[smem:$0x3FAB] =	sst s6  }
0xf: {  	[smem:$0x3FAC] =	sst s7  }
0x10: {  	[smem:$0x3FAD] =	sst s8  }
0x11: {  	[smem:$0x3FAE] =	sst s9;
	s0 =	simm.s32 @!p0 $0x0  }
0x12: {  	s1 =	sld [smem:$0x3F94];
	s0 =	simm.s32 @p0 $0x1  }
0x13: {  	[smem:$0x3FAF] =	sst s0;
	s0 =	simm.s32 @!p1 $0x0  }
0x14: {  	s2 =	sld [smem:$0x3F93];
	s0 =	simm.s32 @p1 $0x1  }
0x15: {  	[smem:$0x3FB0] =	sst s0;
	s0 =	simm.s32 @!p2 $0x0  }
0x16: {  	s3 =	sld [smem:$0x3FDB];
	s0 =	simm.s32 @p2 $0x1  }
0x17: {  	s4 =	simm.s32 $0x1BF5;
	[smem:$0x3FB2] =	sst s0  }
0x18: {  	s0 =	sld [smem:$0x3F95];
	_ =	swait.ge [sflag:s4], $0x0  }
0x19: {  	s7 =	sld [smem:$0x3F96]  }
0x1a: {  	s8 =	sadd.s32 $0xFFFFE003, lr  }
0x1b: {  	s9 =	sadd.s32 $0xFFFFFEF7, lr;
	s5 =	simm.s32 $0xFFFFFFFF;
	p2 =	slt.u32 s8, $0xFFFFF086  }
0x1c: {  	p1 =	slt.u32 s9, $0xF7A;
	s5 =	simm.s32 @!p2 $0x0  }
0x1d: {  	s5 =	simm.s32 @p1 $0x1;
	p0 =	seq.s32 s7, s2  }
0x1e: {  	s7 =	smul.u32 @!p0 $0xF7A, s2;
	p2 =	seq.s32 @!p0 s5, $0x0  }
0x1f: {  	s9 =	smul.u32 $0xF7A, s1;
	s8 =	simm.s32 @!p0 $0x1BF5;
	p2 =	por !p2, p0  }
0x20: {  	[sflag:s8] =	ssyncset.s32 @!p0 $0xFFFFF086;
	s6 =	sadd.s32 @!p0 s3, s7;
	s7 =	simm.s32 @!p0 $0x108  }
0x21: {  	s3 =	sadd.s32 s3, s9;
	s6 =	sadd.s32 @!p0 $0x88, s6;
	s7 =	simm.s32 @p2 $0x1082  }
0x22: {  	[simem:s7], [sflag:s8] =	dma.local @!p0 [hbm:s6], $0xF7A  }
0x23: {  	s9 =	sor.u32 $0xD0000000, s2;
	s6 =	simm.s32 $0x108;
	_ =	swait.ge @!p0 [sflag:s8], $0x0  }
0x24: {  	s3 =	sadd.s32 $0x88, s3;
	s6 =	simm.s32 @!p1 $0x1082;
	[sflag:s4] =	ssyncset.s32 $0xFFFFF086  }
0x25: {  	[simem:s6], [sflag:s4] =	dma.local [hbm:s3], $0xF7A  }
0x26: {  	[smem:$0x3F96] =	sst s1;
	(tag) =	ssettag s2;
	_ =	strace s9  }
0x27: {  	s1 =	sld [smem:$0x3FA6]  }
0x28: {  	s2 =	sld [smem:$0x3FA7]  }
0x29: {  	s4 =	sld [smem:$0x3FA9]  }
0x2a: {  	p0 =	seq.s32 s5, $0x0;
	s5 =	sld [smem:$0x3FAA]  }
0x2b: {  	s6 =	sld [smem:$0x3FAB]  }
0x2c: {  	s7 =	sld [smem:$0x3FAC]  }
0x2d: {  	s3 =	simm.s32 $0x108;
	s8 =	sld [smem:$0x3FAD]  }
0x2e: {  	s3 =	simm.s32 @!p0 $0x1082;
	s9 =	sld [smem:$0x3FAE]  }
0x2f: {  	lr =	sadd.s32 s0, s3;
	s0 =	sld [smem:$0x3FA5]  }
0x30: {  	s3 =	sld [smem:$0x3FA8]  }
0x31: {  	[smem:$0x3FB1] =	sst s10  }
0x32: {  	s10 =	sld [smem:$0x3FAF];
	_ =	sdelay $0x3  }
0x33: {  	p0 =	seq.s32 s10, $0x1;
	s10 =	sld [smem:$0x3FB1];
	_ =	sdelay $0x3  }
0x34: {  	[smem:$0x3FB1] =	sst s10  }
0x35: {  	s10 =	sld [smem:$0x3FB0];
	_ =	sdelay $0x3  }
0x36: {  	p1 =	seq.s32 s10, $0x1;
	s10 =	sld [smem:$0x3FB1];
	_ =	sdelay $0x3  }
0x37: {  	[smem:$0x3FB1] =	sst s10  }
0x38: {  	s10 =	sld [smem:$0x3FB2]  }
0x39: {  	_ = 	snop;
	(pc) =	sbr.ind lr, $3  }
0x3a: {  	_ = 	snop  }
0x3b: {  	_ = 	snop  }
0x3c: {  	p2 =	seq.s32 s10, $0x1;
	s10 =	sld [smem:$0x3FB1]  }
0x3d: {  	_ =	shalt  }
0x3e: {  	_ =	shalt  }
0x3f: {  	_ =	shalt  }
0x40: {  	_ =	shalt  }
0x41: {  	_ =	shalt  }
0x42: {  	_ =	shalt  }
0x43: {  	_ =	shalt  }
0x44: {  	_ =	shalt  }
0x45: {  	_ =	shalt  }
0x46: {  	_ =	shalt  }
0x47: {  	_ =	shalt  }
0x48: {  	_ =	shalt  }
0x49: {  	_ =	shalt  }
0x4a: {  	_ =	shalt  }
0x4b: {  	_ =	shalt  }
0x4c: {  	_ =	shalt  }
0x4d: {  	_ =	shalt  }
0x4e: {  	_ =	shalt  }
0x4f: {  	_ =	shalt  }
0x50: {  	_ =	shalt  }
0x51: {  	_ =	shalt  }
0x52: {  	_ =	shalt  }
0x53: {  	_ =	shalt  }
0x54: {  	_ =	shalt  }
0x55: {  	_ =	shalt  }
0x56: {  	_ =	shalt  }
0x57: {  	_ =	shalt  }
0x58: {  	_ =	shalt  }
0x59: {  	_ =	shalt  }
0x5a: {  	_ =	shalt  }
0x5b: {  	_ =	shalt  }
0x5c: {  	_ =	shalt  }
0x5d: {  	_ =	shalt  }
0x5e: {  	_ =	shalt  }
0x5f: {  	_ =	shalt  }
0x60: {  	_ =	shalt  }
0x61: {  	_ =	shalt  }
0x62: {  	_ =	shalt  }
0x63: {  	_ =	shalt  }
0x64: {  	_ =	shalt  }
0x65: {  	_ =	shalt  }
0x66: {  	_ =	shalt  }
0x67: {  	_ =	shalt  }
0x68: {  	_ =	shalt  }
0x69: {  	_ =	shalt  }
0x6a: {  	_ =	shalt  }
0x6b: {  	_ =	shalt  }
0x6c: {  	_ =	shalt  }
0x6d: {  	_ =	shalt  }
0x6e: {  	_ =	shalt  }
0x6f: {  	_ =	shalt  }
0x70: {  	_ =	shalt  }
0x71: {  	_ =	shalt  }
0x72: {  	_ =	shalt  }
0x73: {  	_ =	shalt  }
0x74: {  	_ =	shalt  }
0x75: {  	_ =	shalt  }
0x76: {  	_ =	shalt  }
0x77: {  	_ =	shalt  }
0x78: {  	_ =	shalt  }
0x79: {  	_ =	shalt  }
0x7a: {  	_ =	shalt  }
0x7b: {  	_ =	shalt  }
0x7c: {  	_ =	shalt  }
0x7d: {  	_ =	shalt  }
0x7e: {  	_ =	shalt  }
0x7f: {  	_ =	shalt  }
0x80: {  	_ =	shalt  }
0x81: {  	_ =	shalt  }
0x82: {  	_ =	shalt  }
0x83: {  	_ =	shalt  }
0x84: {  	_ =	shalt  }
0x85: {  	_ =	shalt  }
0x86: {  	_ =	shalt  }
0x87: {  	_ =	shalt  }
.Lfunc_end0:
.L_simem_size_0:
called_computation.5_lowered:
.L_overlay_start_0:
0x88: {  	s2 =	sld [smem:$0x3FD9]  }
0x89: {  	s3 =	sld [smem:$0x3FFE];
	_ =	sdelay $0x1  }
0x8a: {  	s1 =	srdreg.scid  }
0x8b: {  	s0 =	sand.u32 $0x1, s1  }
0x8c: {  	s17 =	sshll.u32 s0, $0xA;
	s2 =	sadd.s32 s3, s2  }
0x8d: {  	s2 =	sadd.s32 s2, s17  }
0x8e: {  	[smem:$0x3FBD] =	sst s2  }
0x8f: {  	_ = 	snop  }
0x90: {  	(tm) =	ssettm $0x1  }
0x91: {  	s18 =	sld [smem:$0x3FFB];
	_ =	sdelay $0x3  }
0x92: {  	_ =	strace s18  }
0x93: {  	s2 =	sld [smem:$0x3FFC];
	_ =	sdelay $0x3  }
0x94: {  	_ =	strace s2  }
0x95: {  	s2 =	sld [smem:$0x3FFD];
	_ =	sdelay $0x3  }
0x96: {  	_ =	strace s2  }
0x97: {  	_ =	strace $0x8FFFFFFF  }
0x98: {  	s19 =	sld [smem:$0x3FDB];
	_ =	sdelay $0x1  }
0x99: {  	s20 =	simm.s32 $_scs_section_size  }
0x9a: {  	s4 =	simm.s32 $_size__tile_overlayer_lowered;
	s5 =	simm.s32 $_tile_overlayer_lowered  }
0x9b: {  	s6 =	simm.s32 $0x1BFF;
	s21 =	sshll.u32 s5, $0x1;
	s3 =	sadd.s32 s20, s19  }
0x9c: {  	s22 =	simm.s32 $0x0;
	s4 =	sshll.u32 s4, $0x1;
	s5 =	sadd.s32 s21, s3  }
0x9d: {  	[timem:s22], [sflag:s6] =	dma.local [hbm:s5], s4  }
0x9e: {  	_ =	swait.ge [sflag:s6], s4  }
0x9f: {  	s4 =	ssub.s32 $0x0, s4;
	[sflag:s6] =	ssyncset.done $0x0  }
0xa0: {  	[sflag:s6] =	ssyncadd.s32 s4;
	_ =	sdelay $0x1  }
0xa1: {  	s23 =	simm.s32 $0x1B8B  }
0xa2: {  	_ =	swait.ge [sflag:s23], $0x1  }
0xa3: {  	[sflag:s23] =	ssyncset.done $0x0  }
0xa4: {  	[sflag:s23] =	ssyncadd.s32 $0xFFFFFFFF  }
0xa5: {  	s4 =	sld [smem:$0x0]  }
0xa6: {  	s5 =	sand.u32 $0xFFFFFFFE, s1  }
0xa7: {  	p0 =	sne.s32 s1, s5  }
0xa8: {  	s5 =	sshll.u32 @p0 s5, $0xE  }
0xa9: {  	s5 =	sadd.s32 @p0 $0x11B8D, s5;
	s6 =	sshll.u32 @p0 s4, $0x11  }
0xaa: {  	s5 =	sor.u32 @p0 s6, s5  }
0xab: {  	[sflag:s5] =	ssyncadd.remote.s32 @p0 $0x1;
	_ =	sdelay $0x1  }
0xac: {  	s5 =	simm.s32 @p0 $0x1B8D  }
0xad: {  	_ =	swait.eq @p0 [sflag:s5], $0x1  }
0xae: {  	[sflag:s5] =	ssyncadd.s32 @p0 $0xFFFFFFFF  }
0xaf: {  	s6 =	sshll.u32 @!p0 s1, $0xE  }
0xb0: {  	s6 =	sor.u32 @!p0 $0x4000, s6;
	s5 =	simm.s32 @!p0 $0x1B8D  }
0xb1: {  	s4 =	sshll.u32 @!p0 s4, $0x11;
	s6 =	sadd.s32 @!p0 $0x11B8D, s6;
	_ =	swait.eq @!p0 [sflag:s5], $0x1  }
0xb2: {  	s4 =	sor.u32 @!p0 s4, s6;
	[sflag:s5] =	ssyncadd.s32 @!p0 $0xFFFFFFFF  }
0xb3: {  	s25 =	simm.s32 $0x1B8E;
	s24 =	sld [smem:$0x3FFE];
	[sflag:s4] =	ssyncadd.remote.s32 @!p0 $0x1  }
0xb4: {  	s26 =	simm.s32 $execute0_lowered;
	[smem:$0x3FD2] =	sst s25  }
0xb5: {  	s5 =	sshll.u32 s26, $0x1;
	_ =	strace $0x8000006A;
	[dreg:$0x1] =	wrdreg $0xFFFFFFFF  }
0xb6: {  	s28 =	simm.s32 $_size_execute0_lowered;
	s3 =	sadd.s32 s3, s5;
	[dreg:$0x0] =	wrdreg $0x0  }
0xb7: {  	s5 =	sshll.u32 s28, $0x1;
	[dreg:$0x2] =	wrdreg s3  }
0xb8: {  	[dreg:$0x3] =	wrdreg s5  }
0xb9: {  	[dreg:$0x4] =	wrdreg $0xC0  }
0xba: {  	_ =	task [dreg:s22], $0x5FFFF  }
0xbb: {  	[dreg:$0x1] =	wrdreg $0xFFFFFFFF  }
0xbc: {  	[dreg:$0x0] =	wrdreg $0x60  }
0xbd: {  	[dreg:$0x2] =	wrdreg s24  }
0xbe: {  	[dreg:$0x3] =	wrdreg $0xA  }
0xbf: {  	_ =	task.clear_ibuf [dreg:s22], $0x4FFFF;
	_ =	strace $0x9000006A  }
0xc0: {  	s29 =	simm.s32 $0xA;
	_ =	strace $0x8000006C  }
0xc1: {  	_ =	swait.ge [sflag:s29], $0x1  }
0xc2: {  	[sflag:s29] =	ssyncadd.s32 $0xFFFFFFFF  }
0xc3: {  	_ =	strace $0x9000006C  }
0xc4: {  	_ =	sfence  }
0xc5: {  	s30 =	sld [smem:$0x0];
	_ =	sdelay $0x2  }
0xc6: {  	s31 =	sshll.u32 s1, $0xD;
	s1 =	sshrl.u32 s1, $0x2  }
0xc7: {  	s4 =	sand.u32 $0x4000, s31;
	s1 =	sadd.s32 s1, s30  }
0xc8: {  	s0 =	sor.u32 s4, s0;
	s1 =	sshll.u32 s1, $0x11  }
0xc9: {  	s0 =	sor.u32 s1, s0  }
0xca: {  	s0 =	sadd.s32 $0x8F2B, s0  }
0xcb: {  	[sflag:s0] =	ssyncadd.remote.s32 $0x1  }
0xcc: {  	_ =	sfence.sel $0xFFFF  }
0xcd: {  	[dreg:$0x0] =	wrdreg $0xFFFFFFFF;
	(pc) =	sbr.abs _section_cstart, $3  }
0xce: {  	[dreg:$0x1] =	wrdreg $0xFFFFFFFF  }
0xcf: {  	_ =	task.clear_ibuf [dreg:s22], $0x2FFFF;
	_ =	strace $0x9FFFFFFF  }
0xd0: {  	(tm) =	ssettm $0x7FFFFFFF  }
0xd1: {  	_ =	shalt  }
tec
execute0_lowered:
.L_overlay_start_1:
0x0: {  	(tag) =	ssettag $0x1  }
0x1: {  	s0 =	srdreg.scid;
	s5 =	rddreg [dreg:$0x0]  }
0x2: {  	s1 =	stileid.u32;
	s6 =	simm.s32 $0x1;
	s9 =	simm.s32 $0x1  }
0x3: {  	s10 =	simm.s32 $0x3;
	s13 =	simm.s32 $0x0;
	s2 =	sshll.u32 s0, $0x8  }
0x4: {  	s12 =	simm.s32 $0x0;
	s3 =	sshll.u32 s1, $0x9;
	s4 =	sand.u32 $0x100, s2  }
0x5: {  	s0 =	rddreg [dreg:$0x1];
	_ =	strace $0x8000006B;
	s3 =	sor.u32 s3, s4  }
0x6: {  	s2 =	sadd.s32 $0x4A0400, s5;
	[sflag:s6] =	ssyncpa.u1 $0x0;
	s8 =	ssub.s32 $0x4000, s3  }
.Ltmp0:
0x7: {  	s4 =	sadd.s32 $0x190E00, s5;
	s7 =	sand.u32 $0x1F00, s8;
	(pc) =	sbr.rel .LBB2_1-.Ltmp0, $4  }
0x8: {  	s5 =	sadd.s32 $0xD5E00, s5;
	s11 =	smov.u32 s3;
	p0 =	sne.s32 s7, $0x0  }
0x9: {  	s8 =	sshrl.u32 s8, $0xD;
	s7 =	simm.s32 $0x2;
	s9 =	simm.s32 @!p0 $0x0  }
0xa: {  	[sflag:s7] =	ssyncpa.u1 $0x0;
	p0 =	por $0x0, $0x0;
	s8 =	sadd.s32 s9, s8  }
0xb: {  	vm0 =	vmmov $0xffff;
	[sflag:s10] =	ssyncpa.u1 $0x0;
	s10 =	simm.s32 $0x0;
	s9 =	sadd.s32 $0x1, s8  }
.LBB2_4:
0xc: {  	v2 =	vnsel vm1, $0x0, v2  }
0xd: {  	vm1 =	vgt.s32 v0, $0x0;
	v2 =	vmin.u32 v2, $0x61A7F  }
0xe: {  	v0 =	vnsel vm1, $0x0, v0  }
0xf: {  	v0 =	vmin.u32 v0, $0x61A7F  }
0x10: {  	[tilespmem:s15], [sflag:$0x1] =	stream.indirect_vreg.gather [hbm4b:s2+s10], $0x1, v1, vm0, $0x4038;
	[tilespmem:$0x400] =	vst v63  }
0x11: {  	(ifvalue) =	ssetifvalue $0x7FFFFFFF  }
0x12: {  	[tilespmem:s16], [sflag:$0x1] =	stream.indirect_vreg.gather [hbm4b:s2+s10], $0x1, v2, vm0, $0x4038;
	[tilespmem:$0x400] =	vst v63  }
0x13: {  	s29 =	sadd.s32 $0x10, s16;
	(ifvalue) =	ssetifvalue $0x7FFFFFFF  }
0x14: {  	[tilespmem:s29], [sflag:$0x1] =	stream.indirect_vreg.gather [hbm4b:s2+s10], $0x1, v0, vm0, $0x4038;
	[tilespmem:$0x400] =	vst v63  }
0x15: {  	_ =	swait.ge [sflag:s6], $0x100  }
0x16: {  	s30 =	sshrl.u32 s13, $0x3;
	[sflag:s6] =	ssyncset.done $0x0  }
0x17: {  	s31 =	sand.u32 $0x7, s13;
	s15 =	sadd.s32 s5, s30;
	[sflag:s6] =	ssyncadd.s32 $0xFFFFFF00  }
0x18: {  	[hbm4b:s15+s31] =	stream.linear.scatter [tilespmem:s14], [sflag:$0x3], $0x100, $0x38;
	[tilespmem:$0x400] =	vst v63  }
.LBB2_5:
0x19: {  	s15 =	sadd.s32 $0x2000, s11  }
0x1a: {  	p2 =	sgt.s32 s15, $0x3FFF  }
0x1b: {  	s15 =	smov.u32 @p2 s3;
	p2 =	sne.s32 s12, s9  }
.Ltmp1:
0x1c: {  	p1 =	slt.u32 s12, $0x2;
	(pc) =	sbr.rel @!p2 .LBB2_6-.Ltmp1, $4  }
0x1d: {  	s14 =	simm.s32 @!p1 $0x3  }
0x1e: {  	s16 =	sadd.s32 $0x1, s12;
	_ =	swait.ge @!p1 [sflag:s14], $0x100  }
0x1f: {  	s13 =	smov.u32 s11;
	p0 =	por !p0, !p0;
	[sflag:s14] =	ssyncset.done @!p1 $0x0  }
0x20: {  	s12 =	smov.u32 s16;
	s11 =	smov.u32 s15;
	[sflag:s14] =	ssyncadd.s32 @!p1 $0xFFFFFF00  }
.LBB2_1:
0x21: {  	p1 =	sge.u32 s12, s8  }
0x22: {  	s14 =	sxor.u32 @!p1 $0xFFFFFFFF, s12  }
0x23: {  	s31 =	sadd.s32 $0xFFFFFFFF, s12;
	s15 =	sshrl.u32 @!p1 s11, $0x3;
	s14 =	sshll.u32 @!p1 s14, $0x8  }
0x24: {  	s16 =	sand.u32 @!p1 $0x7, s11;
	s15 =	sadd.s32 @!p1 s4, s15;
	s14 =	sand.u32 @!p1 $0x100, s14  }
0x25: {  	[tilespmem:s14], [sflag:$0x2] =	stream.linear.gather @!p1 [hbm4b:s15+s16], $0x100, $0x38;
	[tilespmem:$0x400] =	vst v63  }
0x26: {  	p1 =	sge.u32 s31, s8  }
.Ltmp2:
0x27: {  	_ = 	snop;
	(pc) =	sbr.rel @p1 .LBB2_5-.Ltmp2, $1  }
0x28: {  	_ =	sdelay $0x3  }
0x29: {  	s14 =	simm.s32 $0x1  }
0x2a: {  	_ =	swait.ge [sflag:s7], $0x100;
	s14 =	simm.s32 @!p0 $0x0  }
0x2b: {  	[sflag:s7] =	ssyncset.done $0x0;
	s14 =	sshll.u32 s14, $0x8  }
0x2c: {  	[sflag:s7] =	ssyncadd.s32 $0xFFFFFF00;
	(ifvalue) =	ssetifvalue $0x7FFFFFFF;
	v0 =	vld.msk [tilespmem:s14+$0x0 ss:$0x1], $0xffff;
	_ =	sdelay $0x4  }
0x2d: {  	s15 =	sadd.s32 $0x10, s14;
	vm1 =	vgt.s32 v0, $0x0  }
0x2e: {  	v2 =	vld.msk [tilespmem:s15+$0x0 ss:$0x1], $0xffff;
	v1 =	vnsel vm1, $0x0, v0  }
0x2f: {  	v1 =	vmin.u32 v1, $0x61A7F;
	_ =	sdelay $0x1  }
0x30: {  	s16 =	sshll.u32 s12, $0x8;
	s18 =	simm.s32 $0x20  }
0x31: {  	s16 =	sand.u32 $0x100, s16;
	s17 =	sadd.s32 $0x10, s15;
	s15 =	sor.u32 $0x200, s14  }
0x32: {  	s14 =	sor.u32 $0x200, s16;
	s16 =	sadd.s32 $0x10, s15;
	v0 =	vld.msk [tilespmem:s17+$0x0 ss:$0x1], $0xffff;
	vm1 =	vgt.s32 v2, $0x0;
	(ifvalue) =	ssetifvalue $0x7FFFFFFF  }
.LBB2_3:
0x33: {  	[tilespmem:s15], [sflag:$0x1] =	stream.indirect_vreg.gather [hbm4b:s2+s10], $0x1, v1, vm0, $0x4038;
	[tilespmem:$0x400] =	vst v63  }
0x34: {  	s18 =	sadd.s32 $0x10, s18  }
0x35: {  	v2 =	vnsel vm1, $0x0, v2;
	p1 =	slt.u32 s18, $0xF0  }
.Ltmp3:
0x36: {  	s15 =	smov.u32 s16;
	v1 =	vmin.u32 v2, $0x61A7F;
	(pc) =	sbr.rel @p1 .LBB2_3-.Ltmp3, $3  }
0x37: {  	_ =	sdelay $0x1  }
0x38: {  	s17 =	sadd.s32 $0x10, s17  }
0x39: {  	vm1 =	vgt.s32 v0, $0x0;
	s16 =	sadd.s32 $0x10, s16;
	v2 =	vmov v0;
	(ifvalue) =	ssetifvalue $0x7FFFFFFF;
	v0 =	vld.msk [tilespmem:s17+$0x0 ss:$0x1], $0xffff  }
.Ltmp4:
0x3a: {  	_ = 	snop;
	(pc) =	sbr.rel .LBB2_4-.Ltmp4, $1  }
0x3b: {  	_ =	sdelay $0x3  }
.LBB2_6:
0x3c: {  	_ =	sfence.sel $0x180000  }
0x3d: {  	s2 =	simm.s32 $0x2;
	[bflag:$0x0] =	sbarrier.arrive $0xFFFF  }
0x3e: {  	s30 =	simm.s32 $0x3;
	[sflag:s2] =	ssyncpa.u1 $0x1  }
0x3f: {  	s31 =	simm.s32 $0x1;
	[sflag:s30] =	ssyncpa.u1 $0x1  }
0x40: {  	[sflag:s31] =	ssyncpa.u1 $0x1  }
0x41: {  	p0 =	sne.s32 s1, $0x0;
	_ =	strace $0x9000006B  }
0x42: {  	s0 =	sadd.s32 @!p0 $0x100000, s0;
	[bflag:$0x2] =	sbarrier.arrive $0xFFFF  }
0x43: {  	[sflag:s0] =	ssyncadd.tile.s32 @!p0 $0x1;
	_ =	shalt  }
.Lfunc_end2:
_tile_overlayer_lowered:
.L_overlay_start_2:
0x44: {  	(tag) =	ssettag $0x2  }
0x45: {  	s0 =	rddreg [dreg:$0x0];
	s2 =	stileid.u32  }
0x46: {  	s1 =	rddreg [dreg:$0x1];
	p0 =	sne.s32 s2, $0x0  }
0x47: {  	s3 =	rddreg [dreg:$0x2];
	[bflag:$0x3] =	sbarrier.arrive $0xFFFF;
	s2 =	simm.s32 @!p0 $0x1C01  }
0x48: {  	[timem:s3], [sflag:s2] =	dma.local @!p0 [hbm:s0], s1  }
0x49: {  	s0 =	simm.s32 @!p0 $0x1  }
0x4a: {  	_ =	swait.ge @!p0 [sflag:s0], s1  }
0x4b: {  	s1 =	ssub.s32 @!p0 $0x0, s1;
	[sflag:s0] =	ssyncset.done @!p0 $0x0  }
0x4c: {  	[sflag:s0] =	ssyncadd.s32 @!p0 s1  }
0x4d: {  	[bflag:$0x3] =	sbarrier.arrive $0xFFFF  }
0x4e: {  	_ =	shalt  }

// kernel: gather_offload_async_start.3
scs
__scs_entry_jumppad:
0x0: {  	(pc) =	sbr.rel $0x88, $3  }
0x1: {  	(tag) =	ssettag $0x0;
	lr =	simm.s32 $0x1  }
0x2: {  	[smem:$0x3F96] =	sst lr;
	_ =	strace $0xD0000000  }
0x3: {  	_ = 	snop  }
0x4: {  	_ = 	snop  }
0x5: {  	_ = 	snop  }
0x6: {  	_ = 	snop  }
0x7: {  	_ = 	snop  }
__scs_overlays_trampoline_lowered:
0x8: {  	[smem:$0x3FA5] =	sst s0  }
0x9: {  	[smem:$0x3FA6] =	sst s1  }
0xa: {  	[smem:$0x3FA7] =	sst s2  }
0xb: {  	[smem:$0x3FA8] =	sst s3  }
0xc: {  	[smem:$0x3FA9] =	sst s4  }
0xd: {  	[smem:$0x3FAA] =	sst s5  }
0xe: {  	[smem:$0x3FAB] =	sst s6  }
0xf: {  	[smem:$0x3FAC] =	sst s7  }
0x10: {  	[smem:$0x3FAD] =	sst s8  }
0x11: {  	[smem:$0x3FAE] =	sst s9;
	s0 =	simm.s32 @!p0 $0x0  }
0x12: {  	s1 =	sld [smem:$0x3F94];
	s0 =	simm.s32 @p0 $0x1  }
0x13: {  	[smem:$0x3FAF] =	sst s0;
	s0 =	simm.s32 @!p1 $0x0  }
0x14: {  	s2 =	sld [smem:$0x3F93];
	s0 =	simm.s32 @p1 $0x1  }
0x15: {  	[smem:$0x3FB0] =	sst s0;
	s0 =	simm.s32 @!p2 $0x0  }
0x16: {  	s3 =	sld [smem:$0x3FDB];
	s0 =	simm.s32 @p2 $0x1  }
0x17: {  	s4 =	simm.s32 $0x1BF5;
	[smem:$0x3FB2] =	sst s0  }
0x18: {  	s0 =	sld [smem:$0x3F95];
	_ =	swait.ge [sflag:s4], $0x0  }
0x19: {  	s7 =	sld [smem:$0x3F96]  }
0x1a: {  	s8 =	sadd.s32 $0xFFFFE003, lr  }
0x1b: {  	s9 =	sadd.s32 $0xFFFFFEF7, lr;
	s5 =	simm.s32 $0xFFFFFFFF;
	p2 =	slt.u32 s8, $0xFFFFF086  }
0x1c: {  	p1 =	slt.u32 s9, $0xF7A;
	s5 =	simm.s32 @!p2 $0x0  }
0x1d: {  	s5 =	simm.s32 @p1 $0x1;
	p0 =	seq.s32 s7, s2  }
0x1e: {  	s7 =	smul.u32 @!p0 $0xF7A, s2;
	p2 =	seq.s32 @!p0 s5, $0x0  }
0x1f: {  	s9 =	smul.u32 $0xF7A, s1;
	s8 =	simm.s32 @!p0 $0x1BF5;
	p2 =	por !p2, p0  }
0x20: {  	[sflag:s8] =	ssyncset.s32 @!p0 $0xFFFFF086;
	s6 =	sadd.s32 @!p0 s3, s7;
	s7 =	simm.s32 @!p0 $0x108  }
0x21: {  	s3 =	sadd.s32 s3, s9;
	s6 =	sadd.s32 @!p0 $0x88, s6;
	s7 =	simm.s32 @p2 $0x1082  }
0x22: {  	[simem:s7], [sflag:s8] =	dma.local @!p0 [hbm:s6], $0xF7A  }
0x23: {  	s9 =	sor.u32 $0xD0000000, s2;
	s6 =	simm.s32 $0x108;
	_ =	swait.ge @!p0 [sflag:s8], $0x0  }
0x24: {  	s3 =	sadd.s32 $0x88, s3;
	s6 =	simm.s32 @!p1 $0x1082;
	[sflag:s4] =	ssyncset.s32 $0xFFFFF086  }
0x25: {  	[simem:s6], [sflag:s4] =	dma.local [hbm:s3], $0xF7A  }
0x26: {  	[smem:$0x3F96] =	sst s1;
	(tag) =	ssettag s2;
	_ =	strace s9  }
0x27: {  	s1 =	sld [smem:$0x3FA6]  }
0x28: {  	s2 =	sld [smem:$0x3FA7]  }
0x29: {  	s4 =	sld [smem:$0x3FA9]  }
0x2a: {  	p0 =	seq.s32 s5, $0x0;
	s5 =	sld [smem:$0x3FAA]  }
0x2b: {  	s6 =	sld [smem:$0x3FAB]  }
0x2c: {  	s7 =	sld [smem:$0x3FAC]  }
0x2d: {  	s3 =	simm.s32 $0x108;
	s8 =	sld [smem:$0x3FAD]  }
0x2e: {  	s3 =	simm.s32 @!p0 $0x1082;
	s9 =	sld [smem:$0x3FAE]  }
0x2f: {  	lr =	sadd.s32 s0, s3;
	s0 =	sld [smem:$0x3FA5]  }
0x30: {  	s3 =	sld [smem:$0x3FA8]  }
0x31: {  	[smem:$0x3FB1] =	sst s10  }
0x32: {  	s10 =	sld [smem:$0x3FAF];
	_ =	sdelay $0x3  }
0x33: {  	p0 =	seq.s32 s10, $0x1;
	s10 =	sld [smem:$0x3FB1];
	_ =	sdelay $0x3  }
0x34: {  	[smem:$0x3FB1] =	sst s10  }
0x35: {  	s10 =	sld [smem:$0x3FB0];
	_ =	sdelay $0x3  }
0x36: {  	p1 =	seq.s32 s10, $0x1;
	s10 =	sld [smem:$0x3FB1];
	_ =	sdelay $0x3  }
0x37: {  	[smem:$0x3FB1] =	sst s10  }
0x38: {  	s10 =	sld [smem:$0x3FB2]  }
0x39: {  	_ = 	snop;
	(pc) =	sbr.ind lr, $3  }
0x3a: {  	_ = 	snop  }
0x3b: {  	_ = 	snop  }
0x3c: {  	p2 =	seq.s32 s10, $0x1;
	s10 =	sld [smem:$0x3FB1]  }
0x3d: {  	_ =	shalt  }
0x3e: {  	_ =	shalt  }
0x3f: {  	_ =	shalt  }
0x40: {  	_ =	shalt  }
0x41: {  	_ =	shalt  }
0x42: {  	_ =	shalt  }
0x43: {  	_ =	shalt  }
0x44: {  	_ =	shalt  }
0x45: {  	_ =	shalt  }
0x46: {  	_ =	shalt  }
0x47: {  	_ =	shalt  }
0x48: {  	_ =	shalt  }
0x49: {  	_ =	shalt  }
0x4a: {  	_ =	shalt  }
0x4b: {  	_ =	shalt  }
0x4c: {  	_ =	shalt  }
0x4d: {  	_ =	shalt  }
0x4e: {  	_ =	shalt  }
0x4f: {  	_ =	shalt  }
0x50: {  	_ =	shalt  }
0x51: {  	_ =	shalt  }
0x52: {  	_ =	shalt  }
0x53: {  	_ =	shalt  }
0x54: {  	_ =	shalt  }
0x55: {  	_ =	shalt  }
0x56: {  	_ =	shalt  }
0x57: {  	_ =	shalt  }
0x58: {  	_ =	shalt  }
0x59: {  	_ =	shalt  }
0x5a: {  	_ =	shalt  }
0x5b: {  	_ =	shalt  }
0x5c: {  	_ =	shalt  }
0x5d: {  	_ =	shalt  }
0x5e: {  	_ =	shalt  }
0x5f: {  	_ =	shalt  }
0x60: {  	_ =	shalt  }
0x61: {  	_ =	shalt  }
0x62: {  	_ =	shalt  }
0x63: {  	_ =	shalt  }
0x64: {  	_ =	shalt  }
0x65: {  	_ =	shalt  }
0x66: {  	_ =	shalt  }
0x67: {  	_ =	shalt  }
0x68: {  	_ =	shalt  }
0x69: {  	_ =	shalt  }
0x6a: {  	_ =	shalt  }
0x6b: {  	_ =	shalt  }
0x6c: {  	_ =	shalt  }
0x6d: {  	_ =	shalt  }
0x6e: {  	_ =	shalt  }
0x6f: {  	_ =	shalt  }
0x70: {  	_ =	shalt  }
0x71: {  	_ =	shalt  }
0x72: {  	_ =	shalt  }
0x73: {  	_ =	shalt  }
0x74: {  	_ =	shalt  }
0x75: {  	_ =	shalt  }
0x76: {  	_ =	shalt  }
0x77: {  	_ =	shalt  }
0x78: {  	_ =	shalt  }
0x79: {  	_ =	shalt  }
0x7a: {  	_ =	shalt  }
0x7b: {  	_ =	shalt  }
0x7c: {  	_ =	shalt  }
0x7d: {  	_ =	shalt  }
0x7e: {  	_ =	shalt  }
0x7f: {  	_ =	shalt  }
0x80: {  	_ =	shalt  }
0x81: {  	_ =	shalt  }
0x82: {  	_ =	shalt  }
0x83: {  	_ =	shalt  }
0x84: {  	_ =	shalt  }
0x85: {  	_ =	shalt  }
0x86: {  	_ =	shalt  }
0x87: {  	_ =	shalt  }
.Lfunc_end0:
.L_simem_size_0:
called_computation.6_lowered:
.L_overlay_start_0:
0x88: {  	s2 =	sld [smem:$0x3FD9]  }
0x89: {  	s3 =	sld [smem:$0x3FFE];
	_ =	sdelay $0x1  }
0x8a: {  	s1 =	srdreg.scid  }
0x8b: {  	s0 =	sand.u32 $0x1, s1  }
0x8c: {  	s17 =	sshll.u32 s0, $0xA;
	s2 =	sadd.s32 s3, s2  }
0x8d: {  	s2 =	sadd.s32 s2, s17  }
0x8e: {  	[smem:$0x3FBD] =	sst s2  }
0x8f: {  	_ = 	snop  }
0x90: {  	(tm) =	ssettm $0x1  }
0x91: {  	s18 =	sld [smem:$0x3FFB];
	_ =	sdelay $0x3  }
0x92: {  	_ =	strace s18  }
0x93: {  	s2 =	sld [smem:$0x3FFC];
	_ =	sdelay $0x3  }
0x94: {  	_ =	strace s2  }
0x95: {  	s2 =	sld [smem:$0x3FFD];
	_ =	sdelay $0x3  }
0x96: {  	_ =	strace s2  }
0x97: {  	_ =	strace $0x8FFFFFFF  }
0x98: {  	s19 =	sld [smem:$0x3FDB];
	_ =	sdelay $0x1  }
0x99: {  	s20 =	simm.s32 $_scs_section_size  }
0x9a: {  	s4 =	simm.s32 $_size__tile_overlayer_lowered;
	s5 =	simm.s32 $_tile_overlayer_lowered  }
0x9b: {  	s6 =	simm.s32 $0x1BFF;
	s21 =	sshll.u32 s5, $0x1;
	s3 =	sadd.s32 s20, s19  }
0x9c: {  	s22 =	simm.s32 $0x0;
	s4 =	sshll.u32 s4, $0x1;
	s5 =	sadd.s32 s21, s3  }
0x9d: {  	[timem:s22], [sflag:s6] =	dma.local [hbm:s5], s4  }
0x9e: {  	_ =	swait.ge [sflag:s6], s4  }
0x9f: {  	s4 =	ssub.s32 $0x0, s4;
	[sflag:s6] =	ssyncset.done $0x0  }
0xa0: {  	[sflag:s6] =	ssyncadd.s32 s4;
	_ =	sdelay $0x1  }
0xa1: {  	s23 =	simm.s32 $0x1B8B  }
0xa2: {  	_ =	swait.ge [sflag:s23], $0x1  }
0xa3: {  	[sflag:s23] =	ssyncset.done $0x0  }
0xa4: {  	[sflag:s23] =	ssyncadd.s32 $0xFFFFFFFF  }
0xa5: {  	s4 =	sld [smem:$0x0]  }
0xa6: {  	s5 =	sand.u32 $0xFFFFFFFE, s1  }
0xa7: {  	p0 =	sne.s32 s1, s5  }
0xa8: {  	s5 =	sshll.u32 @p0 s5, $0xE  }
0xa9: {  	s5 =	sadd.s32 @p0 $0x11B8D, s5;
	s6 =	sshll.u32 @p0 s4, $0x11  }
0xaa: {  	s5 =	sor.u32 @p0 s6, s5  }
0xab: {  	[sflag:s5] =	ssyncadd.remote.s32 @p0 $0x1;
	_ =	sdelay $0x1  }
0xac: {  	s5 =	simm.s32 @p0 $0x1B8D  }
0xad: {  	_ =	swait.eq @p0 [sflag:s5], $0x1  }
0xae: {  	[sflag:s5] =	ssyncadd.s32 @p0 $0xFFFFFFFF  }
0xaf: {  	s6 =	sshll.u32 @!p0 s1, $0xE  }
0xb0: {  	s6 =	sor.u32 @!p0 $0x4000, s6;
	s5 =	simm.s32 @!p0 $0x1B8D  }
0xb1: {  	s4 =	sshll.u32 @!p0 s4, $0x11;
	s6 =	sadd.s32 @!p0 $0x11B8D, s6;
	_ =	swait.eq @!p0 [sflag:s5], $0x1  }
0xb2: {  	s4 =	sor.u32 @!p0 s4, s6;
	[sflag:s5] =	ssyncadd.s32 @!p0 $0xFFFFFFFF  }
0xb3: {  	s25 =	simm.s32 $0x1B8E;
	s24 =	sld [smem:$0x3FFE];
	[sflag:s4] =	ssyncadd.remote.s32 @!p0 $0x1  }
0xb4: {  	s26 =	simm.s32 $execute0_lowered;
	[smem:$0x3FD2] =	sst s25  }
0xb5: {  	s5 =	sshll.u32 s26, $0x1;
	_ =	strace $0x80000064;
	[dreg:$0x1] =	wrdreg $0xFFFFFFFF  }
0xb6: {  	s28 =	simm.s32 $_size_execute0_lowered;
	s3 =	sadd.s32 s3, s5;
	[dreg:$0x0] =	wrdreg $0x0  }
0xb7: {  	s5 =	sshll.u32 s28, $0x1;
	[dreg:$0x2] =	wrdreg s3  }
0xb8: {  	[dreg:$0x3] =	wrdreg s5  }
0xb9: {  	[dreg:$0x4] =	wrdreg $0xC0  }
0xba: {  	_ =	task [dreg:s22], $0x5FFFF  }
0xbb: {  	[dreg:$0x1] =	wrdreg $0xFFFFFFFF  }
0xbc: {  	[dreg:$0x0] =	wrdreg $0x60  }
0xbd: {  	[dreg:$0x2] =	wrdreg s24  }
0xbe: {  	[dreg:$0x3] =	wrdreg $0xB  }
0xbf: {  	_ =	task.clear_ibuf [dreg:s22], $0x4FFFF;
	_ =	strace $0x90000064  }
0xc0: {  	s29 =	simm.s32 $0xB;
	_ =	strace $0x80000066  }
0xc1: {  	_ =	swait.ge [sflag:s29], $0x1  }
0xc2: {  	[sflag:s29] =	ssyncadd.s32 $0xFFFFFFFF  }
0xc3: {  	_ =	strace $0x90000066  }
0xc4: {  	_ =	sfence  }
0xc5: {  	s30 =	sld [smem:$0x0];
	_ =	sdelay $0x2  }
0xc6: {  	s31 =	sshll.u32 s1, $0xD;
	s1 =	sshrl.u32 s1, $0x2  }
0xc7: {  	s4 =	sand.u32 $0x4000, s31;
	s1 =	sadd.s32 s1, s30  }
0xc8: {  	s0 =	sor.u32 s4, s0;
	s1 =	sshll.u32 s1, $0x11  }
0xc9: {  	s0 =	sor.u32 s1, s0  }
0xca: {  	s0 =	sadd.s32 $0x8F2B, s0  }
0xcb: {  	[sflag:s0] =	ssyncadd.remote.s32 $0x1  }
0xcc: {  	_ =	sfence.sel $0xFFFF  }
0xcd: {  	[dreg:$0x0] =	wrdreg $0xFFFFFFFF;
	(pc) =	sbr.abs _section_cstart, $3  }
0xce: {  	[dreg:$0x1] =	wrdreg $0xFFFFFFFF  }
0xcf: {  	_ =	task.clear_ibuf [dreg:s22], $0x2FFFF;
	_ =	strace $0x9FFFFFFF  }
0xd0: {  	(tm) =	ssettm $0x7FFFFFFF  }
0xd1: {  	_ =	shalt  }
tec
execute0_lowered:
.L_overlay_start_1:
0x0: {  	(tag) =	ssettag $0x1  }
0x1: {  	s0 =	srdreg.scid;
	s5 =	rddreg [dreg:$0x0]  }
0x2: {  	s1 =	stileid.u32;
	s6 =	simm.s32 $0x1;
	s9 =	simm.s32 $0x1  }
0x3: {  	s10 =	simm.s32 $0x3;
	s13 =	simm.s32 $0x0;
	s2 =	sshll.u32 s0, $0x8  }
0x4: {  	s12 =	simm.s32 $0x0;
	s3 =	sshll.u32 s1, $0x9;
	s2 =	sand.u32 $0x100, s2  }
0x5: {  	s0 =	rddreg [dreg:$0x1];
	_ =	strace $0x80000065;
	s2 =	sor.u32 s3, s2  }
0x6: {  	s4 =	sadd.s32 $0xCF600, s5;
	[sflag:s6] =	ssyncpa.u1 $0x0;
	s8 =	ssub.s32 $0x4000, s2  }
.Ltmp0:
0x7: {  	s3 =	sadd.s32 $0xDCA00, s5;
	s7 =	sand.u32 $0x1F00, s8;
	(pc) =	sbr.rel .LBB2_1-.Ltmp0, $4  }
0x8: {  	s5 =	sadd.s32 $0xD4E00, s5;
	s11 =	smov.u32 s2;
	p0 =	sne.s32 s7, $0x0  }
0x9: {  	s8 =	sshrl.u32 s8, $0xD;
	s7 =	simm.s32 $0x2;
	s9 =	simm.s32 @!p0 $0x0  }
0xa: {  	[sflag:s7] =	ssyncpa.u1 $0x0;
	p0 =	por $0x0, $0x0;
	s8 =	sadd.s32 s9, s8  }
0xb: {  	vm0 =	vmmov $0xffff;
	[sflag:s10] =	ssyncpa.u1 $0x0;
	s10 =	simm.s32 $0x0;
	s9 =	sadd.s32 $0x1, s8  }
.LBB2_4:
0xc: {  	v2 =	vnsel vm1, $0x0, v2  }
0xd: {  	vm1 =	vgt.s32 v0, $0x0;
	v2 =	vmin.u32 v2, $0x61A7F  }
0xe: {  	v0 =	vnsel vm1, $0x0, v0  }
0xf: {  	v0 =	vmin.u32 v0, $0x61A7F  }
0x10: {  	[tilespmem:s15], [sflag:$0x1] =	stream.indirect_vreg.gather [hbm4b:s3+s10], $0x1, v1, vm0, $0x4038;
	[tilespmem:$0x400] =	vst v63  }
0x11: {  	(ifvalue) =	ssetifvalue $0x7FFFFFFF  }
0x12: {  	[tilespmem:s16], [sflag:$0x1] =	stream.indirect_vreg.gather [hbm4b:s3+s10], $0x1, v2, vm0, $0x4038;
	[tilespmem:$0x400] =	vst v63  }
0x13: {  	s29 =	sadd.s32 $0x10, s16;
	(ifvalue) =	ssetifvalue $0x7FFFFFFF  }
0x14: {  	[tilespmem:s29], [sflag:$0x1] =	stream.indirect_vreg.gather [hbm4b:s3+s10], $0x1, v0, vm0, $0x4038;
	[tilespmem:$0x400] =	vst v63  }
0x15: {  	_ =	swait.ge [sflag:s6], $0x100  }
0x16: {  	s30 =	sshrl.u32 s13, $0x3;
	[sflag:s6] =	ssyncset.done $0x0  }
0x17: {  	s31 =	sand.u32 $0x7, s13;
	s15 =	sadd.s32 s5, s30;
	[sflag:s6] =	ssyncadd.s32 $0xFFFFFF00  }
0x18: {  	[hbm4b:s15+s31] =	stream.linear.scatter [tilespmem:s14], [sflag:$0x3], $0x100, $0x38;
	[tilespmem:$0x400] =	vst v63  }
.LBB2_5:
0x19: {  	s15 =	sadd.s32 $0x2000, s11  }
0x1a: {  	p2 =	sgt.s32 s15, $0x3FFF  }
0x1b: {  	s15 =	smov.u32 @p2 s2;
	p2 =	sne.s32 s12, s9  }
.Ltmp1:
0x1c: {  	p1 =	slt.u32 s12, $0x2;
	(pc) =	sbr.rel @!p2 .LBB2_6-.Ltmp1, $4  }
0x1d: {  	s14 =	simm.s32 @!p1 $0x3  }
0x1e: {  	s16 =	sadd.s32 $0x1, s12;
	_ =	swait.ge @!p1 [sflag:s14], $0x100  }
0x1f: {  	s13 =	smov.u32 s11;
	p0 =	por !p0, !p0;
	[sflag:s14] =	ssyncset.done @!p1 $0x0  }
0x20: {  	s12 =	smov.u32 s16;
	s11 =	smov.u32 s15;
	[sflag:s14] =	ssyncadd.s32 @!p1 $0xFFFFFF00  }
.LBB2_1:
0x21: {  	p1 =	sge.u32 s12, s8  }
0x22: {  	s14 =	sxor.u32 @!p1 $0xFFFFFFFF, s12  }
0x23: {  	s31 =	sadd.s32 $0xFFFFFFFF, s12;
	s15 =	sshrl.u32 @!p1 s11, $0x3;
	s14 =	sshll.u32 @!p1 s14, $0x8  }
0x24: {  	s16 =	sand.u32 @!p1 $0x7, s11;
	s15 =	sadd.s32 @!p1 s4, s15;
	s14 =	sand.u32 @!p1 $0x100, s14  }
0x25: {  	[tilespmem:s14], [sflag:$0x2] =	stream.linear.gather @!p1 [hbm4b:s15+s16], $0x100, $0x38;
	[tilespmem:$0x400] =	vst v63  }
0x26: {  	p1 =	sge.u32 s31, s8  }
.Ltmp2:
0x27: {  	_ = 	snop;
	(pc) =	sbr.rel @p1 .LBB2_5-.Ltmp2, $1  }
0x28: {  	_ =	sdelay $0x3  }
0x29: {  	s14 =	simm.s32 $0x1  }
0x2a: {  	_ =	swait.ge [sflag:s7], $0x100;
	s14 =	simm.s32 @!p0 $0x0  }
0x2b: {  	[sflag:s7] =	ssyncset.done $0x0;
	s14 =	sshll.u32 s14, $0x8  }
0x2c: {  	[sflag:s7] =	ssyncadd.s32 $0xFFFFFF00;
	(ifvalue) =	ssetifvalue $0x7FFFFFFF;
	v0 =	vld.msk [tilespmem:s14+$0x0 ss:$0x1], $0xffff;
	_ =	sdelay $0x4  }
0x2d: {  	s15 =	sadd.s32 $0x10, s14;
	vm1 =	vgt.s32 v0, $0x0  }
0x2e: {  	v2 =	vld.msk [tilespmem:s15+$0x0 ss:$0x1], $0xffff;
	v1 =	vnsel vm1, $0x0, v0  }
0x2f: {  	v1 =	vmin.u32 v1, $0x61A7F;
	_ =	sdelay $0x1  }
0x30: {  	s16 =	sshll.u32 s12, $0x8;
	s18 =	simm.s32 $0x20  }
0x31: {  	s16 =	sand.u32 $0x100, s16;
	s17 =	sadd.s32 $0x10, s15;
	s15 =	sor.u32 $0x200, s14  }
0x32: {  	s14 =	sor.u32 $0x200, s16;
	s16 =	sadd.s32 $0x10, s15;
	v0 =	vld.msk [tilespmem:s17+$0x0 ss:$0x1], $0xffff;
	vm1 =	vgt.s32 v2, $0x0;
	(ifvalue) =	ssetifvalue $0x7FFFFFFF  }
.LBB2_3:
0x33: {  	[tilespmem:s15], [sflag:$0x1] =	stream.indirect_vreg.gather [hbm4b:s3+s10], $0x1, v1, vm0, $0x4038;
	[tilespmem:$0x400] =	vst v63  }
0x34: {  	s18 =	sadd.s32 $0x10, s18  }
0x35: {  	v2 =	vnsel vm1, $0x0, v2;
	p1 =	slt.u32 s18, $0xF0  }
.Ltmp3:
0x36: {  	s15 =	smov.u32 s16;
	v1 =	vmin.u32 v2, $0x61A7F;
	(pc) =	sbr.rel @p1 .LBB2_3-.Ltmp3, $3  }
0x37: {  	_ =	sdelay $0x1  }
0x38: {  	s17 =	sadd.s32 $0x10, s17  }
0x39: {  	vm1 =	vgt.s32 v0, $0x0;
	s16 =	sadd.s32 $0x10, s16;
	v2 =	vmov v0;
	(ifvalue) =	ssetifvalue $0x7FFFFFFF;
	v0 =	vld.msk [tilespmem:s17+$0x0 ss:$0x1], $0xffff  }
.Ltmp4:
0x3a: {  	_ = 	snop;
	(pc) =	sbr.rel .LBB2_4-.Ltmp4, $1  }
0x3b: {  	_ =	sdelay $0x3  }
.LBB2_6:
0x3c: {  	_ =	sfence.sel $0x180000  }
0x3d: {  	s2 =	simm.s32 $0x2;
	[bflag:$0x0] =	sbarrier.arrive $0xFFFF  }
0x3e: {  	s30 =	simm.s32 $0x3;
	[sflag:s2] =	ssyncpa.u1 $0x1  }
0x3f: {  	s31 =	simm.s32 $0x1;
	[sflag:s30] =	ssyncpa.u1 $0x1  }
0x40: {  	[sflag:s31] =	ssyncpa.u1 $0x1  }
0x41: {  	p0 =	sne.s32 s1, $0x0;
	_ =	strace $0x90000065  }
0x42: {  	s0 =	sadd.s32 @!p0 $0x100000, s0;
	[bflag:$0x2] =	sbarrier.arrive $0xFFFF  }
0x43: {  	[sflag:s0] =	ssyncadd.tile.s32 @!p0 $0x1;
	_ =	shalt  }
.Lfunc_end2:
_tile_overlayer_lowered:
.L_overlay_start_2:
0x44: {  	(tag) =	ssettag $0x2  }
0x45: {  	s0 =	rddreg [dreg:$0x0];
	s2 =	stileid.u32  }
0x46: {  	s1 =	rddreg [dreg:$0x1];
	p0 =	sne.s32 s2, $0x0  }
0x47: {  	s3 =	rddreg [dreg:$0x2];
	[bflag:$0x3] =	sbarrier.arrive $0xFFFF;
	s2 =	simm.s32 @!p0 $0x1C01  }
0x48: {  	[timem:s3], [sflag:s2] =	dma.local @!p0 [hbm:s0], s1  }
0x49: {  	s0 =	simm.s32 @!p0 $0x1  }
0x4a: {  	_ =	swait.ge @!p0 [sflag:s0], s1  }
0x4b: {  	s1 =	ssub.s32 @!p0 $0x0, s1;
	[sflag:s0] =	ssyncset.done @!p0 $0x0  }
0x4c: {  	[sflag:s0] =	ssyncadd.s32 @!p0 s1  }
0x4d: {  	[bflag:$0x3] =	sbarrier.arrive $0xFFFF  }
0x4e: {  	_ =	shalt  }

// kernel: gather_offload_async_start.4
scs
__scs_entry_jumppad:
0x0: {  	(pc) =	sbr.rel $0x88, $3  }
0x1: {  	(tag) =	ssettag $0x0;
	lr =	simm.s32 $0x1  }
0x2: {  	[smem:$0x3F96] =	sst lr;
	_ =	strace $0xD0000000  }
0x3: {  	_ = 	snop  }
0x4: {  	_ = 	snop  }
0x5: {  	_ = 	snop  }
0x6: {  	_ = 	snop  }
0x7: {  	_ = 	snop  }
__scs_overlays_trampoline_lowered:
0x8: {  	[smem:$0x3FA5] =	sst s0  }
0x9: {  	[smem:$0x3FA6] =	sst s1  }
0xa: {  	[smem:$0x3FA7] =	sst s2  }
0xb: {  	[smem:$0x3FA8] =	sst s3  }
0xc: {  	[smem:$0x3FA9] =	sst s4  }
0xd: {  	[smem:$0x3FAA] =	sst s5  }
0xe: {  	[smem:$0x3FAB] =	sst s6  }
0xf: {  	[smem:$0x3FAC] =	sst s7  }
0x10: {  	[smem:$0x3FAD] =	sst s8  }
0x11: {  	[smem:$0x3FAE] =	sst s9;
	s0 =	simm.s32 @!p0 $0x0  }
0x12: {  	s1 =	sld [smem:$0x3F94];
	s0 =	simm.s32 @p0 $0x1  }
0x13: {  	[smem:$0x3FAF] =	sst s0;
	s0 =	simm.s32 @!p1 $0x0  }
0x14: {  	s2 =	sld [smem:$0x3F93];
	s0 =	simm.s32 @p1 $0x1  }
0x15: {  	[smem:$0x3FB0] =	sst s0;
	s0 =	simm.s32 @!p2 $0x0  }
0x16: {  	s3 =	sld [smem:$0x3FDB];
	s0 =	simm.s32 @p2 $0x1  }
0x17: {  	s4 =	simm.s32 $0x1BF5;
	[smem:$0x3FB2] =	sst s0  }
0x18: {  	s0 =	sld [smem:$0x3F95];
	_ =	swait.ge [sflag:s4], $0x0  }
0x19: {  	s7 =	sld [smem:$0x3F96]  }
0x1a: {  	s8 =	sadd.s32 $0xFFFFE003, lr  }
0x1b: {  	s9 =	sadd.s32 $0xFFFFFEF7, lr;
	s5 =	simm.s32 $0xFFFFFFFF;
	p2 =	slt.u32 s8, $0xFFFFF086  }
0x1c: {  	p1 =	slt.u32 s9, $0xF7A;
	s5 =	simm.s32 @!p2 $0x0  }
0x1d: {  	s5 =	simm.s32 @p1 $0x1;
	p0 =	seq.s32 s7, s2  }
0x1e: {  	s7 =	smul.u32 @!p0 $0xF7A, s2;
	p2 =	seq.s32 @!p0 s5, $0x0  }
0x1f: {  	s9 =	smul.u32 $0xF7A, s1;
	s8 =	simm.s32 @!p0 $0x1BF5;
	p2 =	por !p2, p0  }
0x20: {  	[sflag:s8] =	ssyncset.s32 @!p0 $0xFFFFF086;
	s6 =	sadd.s32 @!p0 s3, s7;
	s7 =	simm.s32 @!p0 $0x108  }
0x21: {  	s3 =	sadd.s32 s3, s9;
	s6 =	sadd.s32 @!p0 $0x88, s6;
	s7 =	simm.s32 @p2 $0x1082  }
0x22: {  	[simem:s7], [sflag:s8] =	dma.local @!p0 [hbm:s6], $0xF7A  }
0x23: {  	s9 =	sor.u32 $0xD0000000, s2;
	s6 =	simm.s32 $0x108;
	_ =	swait.ge @!p0 [sflag:s8], $0x0  }
0x24: {  	s3 =	sadd.s32 $0x88, s3;
	s6 =	simm.s32 @!p1 $0x1082;
	[sflag:s4] =	ssyncset.s32 $0xFFFFF086  }
0x25: {  	[simem:s6], [sflag:s4] =	dma.local [hbm:s3], $0xF7A  }
0x26: {  	[smem:$0x3F96] =	sst s1;
	(tag) =	ssettag s2;
	_ =	strace s9  }
0x27: {  	s1 =	sld [smem:$0x3FA6]  }
0x28: {  	s2 =	sld [smem:$0x3FA7]  }
0x29: {  	s4 =	sld [smem:$0x3FA9]  }
0x2a: {  	p0 =	seq.s32 s5, $0x0;
	s5 =	sld [smem:$0x3FAA]  }
0x2b: {  	s6 =	sld [smem:$0x3FAB]  }
0x2c: {  	s7 =	sld [smem:$0x3FAC]  }
0x2d: {  	s3 =	simm.s32 $0x108;
	s8 =	sld [smem:$0x3FAD]  }
0x2e: {  	s3 =	simm.s32 @!p0 $0x1082;
	s9 =	sld [smem:$0x3FAE]  }
0x2f: {  	lr =	sadd.s32 s0, s3;
	s0 =	sld [smem:$0x3FA5]  }
0x30: {  	s3 =	sld [smem:$0x3FA8]  }
0x31: {  	[smem:$0x3FB1] =	sst s10  }
0x32: {  	s10 =	sld [smem:$0x3FAF];
	_ =	sdelay $0x3  }
0x33: {  	p0 =	seq.s32 s10, $0x1;
	s10 =	sld [smem:$0x3FB1];
	_ =	sdelay $0x3  }
0x34: {  	[smem:$0x3FB1] =	sst s10  }
0x35: {  	s10 =	sld [smem:$0x3FB0];
	_ =	sdelay $0x3  }
0x36: {  	p1 =	seq.s32 s10, $0x1;
	s10 =	sld [smem:$0x3FB1];
	_ =	sdelay $0x3  }
0x37: {  	[smem:$0x3FB1] =	sst s10  }
0x38: {  	s10 =	sld [smem:$0x3FB2]  }
0x39: {  	_ = 	snop;
	(pc) =	sbr.ind lr, $3  }
0x3a: {  	_ = 	snop  }
0x3b: {  	_ = 	snop  }
0x3c: {  	p2 =	seq.s32 s10, $0x1;
	s10 =	sld [smem:$0x3FB1]  }
0x3d: {  	_ =	shalt  }
0x3e: {  	_ =	shalt  }
0x3f: {  	_ =	shalt  }
0x40: {  	_ =	shalt  }
0x41: {  	_ =	shalt  }
0x42: {  	_ =	shalt  }
0x43: {  	_ =	shalt  }
0x44: {  	_ =	shalt  }
0x45: {  	_ =	shalt  }
0x46: {  	_ =	shalt  }
0x47: {  	_ =	shalt  }
0x48: {  	_ =	shalt  }
0x49: {  	_ =	shalt  }
0x4a: {  	_ =	shalt  }
0x4b: {  	_ =	shalt  }
0x4c: {  	_ =	shalt  }
0x4d: {  	_ =	shalt  }
0x4e: {  	_ =	shalt  }
0x4f: {  	_ =	shalt  }
0x50: {  	_ =	shalt  }
0x51: {  	_ =	shalt  }
0x52: {  	_ =	shalt  }
0x53: {  	_ =	shalt  }
0x54: {  	_ =	shalt  }
0x55: {  	_ =	shalt  }
0x56: {  	_ =	shalt  }
0x57: {  	_ =	shalt  }
0x58: {  	_ =	shalt  }
0x59: {  	_ =	shalt  }
0x5a: {  	_ =	shalt  }
0x5b: {  	_ =	shalt  }
0x5c: {  	_ =	shalt  }
0x5d: {  	_ =	shalt  }
0x5e: {  	_ =	shalt  }
0x5f: {  	_ =	shalt  }
0x60: {  	_ =	shalt  }
0x61: {  	_ =	shalt  }
0x62: {  	_ =	shalt  }
0x63: {  	_ =	shalt  }
0x64: {  	_ =	shalt  }
0x65: {  	_ =	shalt  }
0x66: {  	_ =	shalt  }
0x67: {  	_ =	shalt  }
0x68: {  	_ =	shalt  }
0x69: {  	_ =	shalt  }
0x6a: {  	_ =	shalt  }
0x6b: {  	_ =	shalt  }
0x6c: {  	_ =	shalt  }
0x6d: {  	_ =	shalt  }
0x6e: {  	_ =	shalt  }
0x6f: {  	_ =	shalt  }
0x70: {  	_ =	shalt  }
0x71: {  	_ =	shalt  }
0x72: {  	_ =	shalt  }
0x73: {  	_ =	shalt  }
0x74: {  	_ =	shalt  }
0x75: {  	_ =	shalt  }
0x76: {  	_ =	shalt  }
0x77: {  	_ =	shalt  }
0x78: {  	_ =	shalt  }
0x79: {  	_ =	shalt  }
0x7a: {  	_ =	shalt  }
0x7b: {  	_ =	shalt  }
0x7c: {  	_ =	shalt  }
0x7d: {  	_ =	shalt  }
0x7e: {  	_ =	shalt  }
0x7f: {  	_ =	shalt  }
0x80: {  	_ =	shalt  }
0x81: {  	_ =	shalt  }
0x82: {  	_ =	shalt  }
0x83: {  	_ =	shalt  }
0x84: {  	_ =	shalt  }
0x85: {  	_ =	shalt  }
0x86: {  	_ =	shalt  }
0x87: {  	_ =	shalt  }
.Lfunc_end0:
.L_simem_size_0:
called_computation.7_lowered:
.L_overlay_start_0:
0x88: {  	s2 =	sld [smem:$0x3FD9]  }
0x89: {  	s3 =	sld [smem:$0x3FFE];
	_ =	sdelay $0x1  }
0x8a: {  	s1 =	srdreg.scid  }
0x8b: {  	s0 =	sand.u32 $0x1, s1  }
0x8c: {  	s17 =	sshll.u32 s0, $0xA;
	s2 =	sadd.s32 s3, s2  }
0x8d: {  	s2 =	sadd.s32 s2, s17  }
0x8e: {  	[smem:$0x3FBD] =	sst s2  }
0x8f: {  	_ = 	snop  }
0x90: {  	(tm) =	ssettm $0x1  }
0x91: {  	s18 =	sld [smem:$0x3FFB];
	_ =	sdelay $0x3  }
0x92: {  	_ =	strace s18  }
0x93: {  	s2 =	sld [smem:$0x3FFC];
	_ =	sdelay $0x3  }
0x94: {  	_ =	strace s2  }
0x95: {  	s2 =	sld [smem:$0x3FFD];
	_ =	sdelay $0x3  }
0x96: {  	_ =	strace s2  }
0x97: {  	_ =	strace $0x8FFFFFFF  }
0x98: {  	s19 =	sld [smem:$0x3FDB];
	_ =	sdelay $0x1  }
0x99: {  	s20 =	simm.s32 $_scs_section_size  }
0x9a: {  	s4 =	simm.s32 $_size__tile_overlayer_lowered;
	s5 =	simm.s32 $_tile_overlayer_lowered  }
0x9b: {  	s6 =	simm.s32 $0x1BFF;
	s21 =	sshll.u32 s5, $0x1;
	s3 =	sadd.s32 s20, s19  }
0x9c: {  	s22 =	simm.s32 $0x0;
	s4 =	sshll.u32 s4, $0x1;
	s5 =	sadd.s32 s21, s3  }
0x9d: {  	[timem:s22], [sflag:s6] =	dma.local [hbm:s5], s4  }
0x9e: {  	_ =	swait.ge [sflag:s6], s4  }
0x9f: {  	s4 =	ssub.s32 $0x0, s4;
	[sflag:s6] =	ssyncset.done $0x0  }
0xa0: {  	[sflag:s6] =	ssyncadd.s32 s4;
	_ =	sdelay $0x1  }
0xa1: {  	s23 =	simm.s32 $0x1B8B  }
0xa2: {  	_ =	swait.ge [sflag:s23], $0x1  }
0xa3: {  	[sflag:s23] =	ssyncset.done $0x0  }
0xa4: {  	[sflag:s23] =	ssyncadd.s32 $0xFFFFFFFF  }
0xa5: {  	s4 =	sld [smem:$0x0]  }
0xa6: {  	s5 =	sand.u32 $0xFFFFFFFE, s1  }
0xa7: {  	p0 =	sne.s32 s1, s5  }
0xa8: {  	s5 =	sshll.u32 @p0 s5, $0xE  }
0xa9: {  	s5 =	sadd.s32 @p0 $0x11B8D, s5;
	s6 =	sshll.u32 @p0 s4, $0x11  }
0xaa: {  	s5 =	sor.u32 @p0 s6, s5  }
0xab: {  	[sflag:s5] =	ssyncadd.remote.s32 @p0 $0x1;
	_ =	sdelay $0x1  }
0xac: {  	s5 =	simm.s32 @p0 $0x1B8D  }
0xad: {  	_ =	swait.eq @p0 [sflag:s5], $0x1  }
0xae: {  	[sflag:s5] =	ssyncadd.s32 @p0 $0xFFFFFFFF  }
0xaf: {  	s6 =	sshll.u32 @!p0 s1, $0xE  }
0xb0: {  	s6 =	sor.u32 @!p0 $0x4000, s6;
	s5 =	simm.s32 @!p0 $0x1B8D  }
0xb1: {  	s4 =	sshll.u32 @!p0 s4, $0x11;
	s6 =	sadd.s32 @!p0 $0x11B8D, s6;
	_ =	swait.eq @!p0 [sflag:s5], $0x1  }
0xb2: {  	s4 =	sor.u32 @!p0 s4, s6;
	[sflag:s5] =	ssyncadd.s32 @!p0 $0xFFFFFFFF  }
0xb3: {  	s25 =	simm.s32 $0x1B8E;
	s24 =	sld [smem:$0x3FFE];
	[sflag:s4] =	ssyncadd.remote.s32 @!p0 $0x1  }
0xb4: {  	s26 =	simm.s32 $execute0_lowered;
	[smem:$0x3FD2] =	sst s25  }
0xb5: {  	s5 =	sshll.u32 s26, $0x1;
	_ =	strace $0x80000067;
	[dreg:$0x1] =	wrdreg $0xFFFFFFFF  }
0xb6: {  	s28 =	simm.s32 $_size_execute0_lowered;
	s3 =	sadd.s32 s3, s5;
	[dreg:$0x0] =	wrdreg $0x0  }
0xb7: {  	s5 =	sshll.u32 s28, $0x1;
	[dreg:$0x2] =	wrdreg s3  }
0xb8: {  	[dreg:$0x3] =	wrdreg s5  }
0xb9: {  	[dreg:$0x4] =	wrdreg $0xC0  }
0xba: {  	_ =	task [dreg:s22], $0x5FFFF  }
0xbb: {  	[dreg:$0x1] =	wrdreg $0xFFFFFFFF  }
0xbc: {  	[dreg:$0x0] =	wrdreg $0x60  }
0xbd: {  	[dreg:$0x2] =	wrdreg s24  }
0xbe: {  	[dreg:$0x3] =	wrdreg $0xC  }
0xbf: {  	_ =	task.clear_ibuf [dreg:s22], $0x4FFFF;
	_ =	strace $0x90000067  }
0xc0: {  	s29 =	simm.s32 $0xC;
	_ =	strace $0x80000069  }
0xc1: {  	_ =	swait.ge [sflag:s29], $0x1  }
0xc2: {  	[sflag:s29] =	ssyncadd.s32 $0xFFFFFFFF  }
0xc3: {  	_ =	strace $0x90000069  }
0xc4: {  	_ =	sfence  }
0xc5: {  	s30 =	sld [smem:$0x0];
	_ =	sdelay $0x2  }
0xc6: {  	s31 =	sshll.u32 s1, $0xD;
	s1 =	sshrl.u32 s1, $0x2  }
0xc7: {  	s4 =	sand.u32 $0x4000, s31;
	s1 =	sadd.s32 s1, s30  }
0xc8: {  	s0 =	sor.u32 s4, s0;
	s1 =	sshll.u32 s1, $0x11  }
0xc9: {  	s0 =	sor.u32 s1, s0  }
0xca: {  	s0 =	sadd.s32 $0x8F2B, s0  }
0xcb: {  	[sflag:s0] =	ssyncadd.remote.s32 $0x1  }
0xcc: {  	_ =	sfence.sel $0xFFFF  }
0xcd: {  	[dreg:$0x0] =	wrdreg $0xFFFFFFFF;
	(pc) =	sbr.abs _section_cstart, $3  }
0xce: {  	[dreg:$0x1] =	wrdreg $0xFFFFFFFF  }
0xcf: {  	_ =	task.clear_ibuf [dreg:s22], $0x2FFFF;
	_ =	strace $0x9FFFFFFF  }
0xd0: {  	(tm) =	ssettm $0x7FFFFFFF  }
0xd1: {  	_ =	shalt  }
tec
execute0_lowered:
.L_overlay_start_1:
0x0: {  	(tag) =	ssettag $0x1  }
0x1: {  	s0 =	srdreg.scid;
	s5 =	rddreg [dreg:$0x0]  }
0x2: {  	s1 =	stileid.u32;
	s6 =	simm.s32 $0x1;
	s9 =	simm.s32 $0x1  }
0x3: {  	s10 =	simm.s32 $0x3;
	s13 =	simm.s32 $0x0;
	s2 =	sshll.u32 s0, $0x8  }
0x4: {  	s12 =	simm.s32 $0x0;
	s3 =	sshll.u32 s1, $0x9;
	s2 =	sand.u32 $0x100, s2  }
0x5: {  	s0 =	rddreg [dreg:$0x1];
	_ =	strace $0x80000068;
	s2 =	sor.u32 s3, s2  }
0x6: {  	s4 =	sadd.s32 $0x190E00, s5;
	[sflag:s6] =	ssyncpa.u1 $0x0;
	s8 =	ssub.s32 $0x4000, s2  }
.Ltmp0:
0x7: {  	s3 =	sadd.s32 $0xDCA00, s5;
	s7 =	sand.u32 $0x1F00, s8;
	(pc) =	sbr.rel .LBB2_1-.Ltmp0, $4  }
0x8: {  	s5 =	sadd.s32 $0xD5600, s5;
	s11 =	smov.u32 s2;
	p0 =	sne.s32 s7, $0x0  }
0x9: {  	s8 =	sshrl.u32 s8, $0xD;
	s7 =	simm.s32 $0x2;
	s9 =	simm.s32 @!p0 $0x0  }
0xa: {  	[sflag:s7] =	ssyncpa.u1 $0x0;
	p0 =	por $0x0, $0x0;
	s8 =	sadd.s32 s9, s8  }
0xb: {  	vm0 =	vmmov $0xffff;
	[sflag:s10] =	ssyncpa.u1 $0x0;
	s10 =	simm.s32 $0x0;
	s9 =	sadd.s32 $0x1, s8  }
.LBB2_4:
0xc: {  	v2 =	vnsel vm1, $0x0, v2  }
0xd: {  	vm1 =	vgt.s32 v0, $0x0;
	v2 =	vmin.u32 v2, $0x61A7F  }
0xe: {  	v0 =	vnsel vm1, $0x0, v0  }
0xf: {  	v0 =	vmin.u32 v0, $0x61A7F  }
0x10: {  	[tilespmem:s15], [sflag:$0x1] =	stream.indirect_vreg.gather [hbm4b:s3+s10], $0x1, v1, vm0, $0x4038;
	[tilespmem:$0x400] =	vst v63  }
0x11: {  	(ifvalue) =	ssetifvalue $0x7FFFFFFF  }
0x12: {  	[tilespmem:s16], [sflag:$0x1] =	stream.indirect_vreg.gather [hbm4b:s3+s10], $0x1, v2, vm0, $0x4038;
	[tilespmem:$0x400] =	vst v63  }
0x13: {  	s29 =	sadd.s32 $0x10, s16;
	(ifvalue) =	ssetifvalue $0x7FFFFFFF  }
0x14: {  	[tilespmem:s29], [sflag:$0x1] =	stream.indirect_vreg.gather [hbm4b:s3+s10], $0x1, v0, vm0, $0x4038;
	[tilespmem:$0x400] =	vst v63  }
0x15: {  	_ =	swait.ge [sflag:s6], $0x100  }
0x16: {  	s30 =	sshrl.u32 s13, $0x3;
	[sflag:s6] =	ssyncset.done $0x0  }
0x17: {  	s31 =	sand.u32 $0x7, s13;
	s15 =	sadd.s32 s5, s30;
	[sflag:s6] =	ssyncadd.s32 $0xFFFFFF00  }
0x18: {  	[hbm4b:s15+s31] =	stream.linear.scatter [tilespmem:s14], [sflag:$0x3], $0x100, $0x38;
	[tilespmem:$0x400] =	vst v63  }
.LBB2_5:
0x19: {  	s15 =	sadd.s32 $0x2000, s11  }
0x1a: {  	p2 =	sgt.s32 s15, $0x3FFF  }
0x1b: {  	s15 =	smov.u32 @p2 s2;
	p2 =	sne.s32 s12, s9  }
.Ltmp1:
0x1c: {  	p1 =	slt.u32 s12, $0x2;
	(pc) =	sbr.rel @!p2 .LBB2_6-.Ltmp1, $4  }
0x1d: {  	s14 =	simm.s32 @!p1 $0x3  }
0x1e: {  	s16 =	sadd.s32 $0x1, s12;
	_ =	swait.ge @!p1 [sflag:s14], $0x100  }
0x1f: {  	s13 =	smov.u32 s11;
	p0 =	por !p0, !p0;
	[sflag:s14] =	ssyncset.done @!p1 $0x0  }
0x20: {  	s12 =	smov.u32 s16;
	s11 =	smov.u32 s15;
	[sflag:s14] =	ssyncadd.s32 @!p1 $0xFFFFFF00  }
.LBB2_1:
0x21: {  	p1 =	sge.u32 s12, s8  }
0x22: {  	s14 =	sxor.u32 @!p1 $0xFFFFFFFF, s12  }
0x23: {  	s31 =	sadd.s32 $0xFFFFFFFF, s12;
	s15 =	sshrl.u32 @!p1 s11, $0x3;
	s14 =	sshll.u32 @!p1 s14, $0x8  }
0x24: {  	s16 =	sand.u32 @!p1 $0x7, s11;
	s15 =	sadd.s32 @!p1 s4, s15;
	s14 =	sand.u32 @!p1 $0x100, s14  }
0x25: {  	[tilespmem:s14], [sflag:$0x2] =	stream.linear.gather @!p1 [hbm4b:s15+s16], $0x100, $0x38;
	[tilespmem:$0x400] =	vst v63  }
0x26: {  	p1 =	sge.u32 s31, s8  }
.Ltmp2:
0x27: {  	_ = 	snop;
	(pc) =	sbr.rel @p1 .LBB2_5-.Ltmp2, $1  }
0x28: {  	_ =	sdelay $0x3  }
0x29: {  	s14 =	simm.s32 $0x1  }
0x2a: {  	_ =	swait.ge [sflag:s7], $0x100;
	s14 =	simm.s32 @!p0 $0x0  }
0x2b: {  	[sflag:s7] =	ssyncset.done $0x0;
	s14 =	sshll.u32 s14, $0x8  }
0x2c: {  	[sflag:s7] =	ssyncadd.s32 $0xFFFFFF00;
	(ifvalue) =	ssetifvalue $0x7FFFFFFF;
	v0 =	vld.msk [tilespmem:s14+$0x0 ss:$0x1], $0xffff;
	_ =	sdelay $0x4  }
0x2d: {  	s15 =	sadd.s32 $0x10, s14;
	vm1 =	vgt.s32 v0, $0x0  }
0x2e: {  	v2 =	vld.msk [tilespmem:s15+$0x0 ss:$0x1], $0xffff;
	v1 =	vnsel vm1, $0x0, v0  }
0x2f: {  	v1 =	vmin.u32 v1, $0x61A7F;
	_ =	sdelay $0x1  }
0x30: {  	s16 =	sshll.u32 s12, $0x8;
	s18 =	simm.s32 $0x20  }
0x31: {  	s16 =	sand.u32 $0x100, s16;
	s17 =	sadd.s32 $0x10, s15;
	s15 =	sor.u32 $0x200, s14  }
0x32: {  	s14 =	sor.u32 $0x200, s16;
	s16 =	sadd.s32 $0x10, s15;
	v0 =	vld.msk [tilespmem:s17+$0x0 ss:$0x1], $0xffff;
	vm1 =	vgt.s32 v2, $0x0;
	(ifvalue) =	ssetifvalue $0x7FFFFFFF  }
.LBB2_3:
0x33: {  	[tilespmem:s15], [sflag:$0x1] =	stream.indirect_vreg.gather [hbm4b:s3+s10], $0x1, v1, vm0, $0x4038;
	[tilespmem:$0x400] =	vst v63  }
0x34: {  	s18 =	sadd.s32 $0x10, s18  }
0x35: {  	v2 =	vnsel vm1, $0x0, v2;
	p1 =	slt.u32 s18, $0xF0  }
.Ltmp3:
0x36: {  	s15 =	smov.u32 s16;
	v1 =	vmin.u32 v2, $0x61A7F;
	(pc) =	sbr.rel @p1 .LBB2_3-.Ltmp3, $3  }
0x37: {  	_ =	sdelay $0x1  }
0x38: {  	s17 =	sadd.s32 $0x10, s17  }
0x39: {  	vm1 =	vgt.s32 v0, $0x0;
	s16 =	sadd.s32 $0x10, s16;
	v2 =	vmov v0;
	(ifvalue) =	ssetifvalue $0x7FFFFFFF;
	v0 =	vld.msk [tilespmem:s17+$0x0 ss:$0x1], $0xffff  }
.Ltmp4:
0x3a: {  	_ = 	snop;
	(pc) =	sbr.rel .LBB2_4-.Ltmp4, $1  }
0x3b: {  	_ =	sdelay $0x3  }
.LBB2_6:
0x3c: {  	_ =	sfence.sel $0x180000  }
0x3d: {  	s2 =	simm.s32 $0x2;
	[bflag:$0x0] =	sbarrier.arrive $0xFFFF  }
0x3e: {  	s30 =	simm.s32 $0x3;
	[sflag:s2] =	ssyncpa.u1 $0x1  }
0x3f: {  	s31 =	simm.s32 $0x1;
	[sflag:s30] =	ssyncpa.u1 $0x1  }
0x40: {  	[sflag:s31] =	ssyncpa.u1 $0x1  }
0x41: {  	p0 =	sne.s32 s1, $0x0;
	_ =	strace $0x90000068  }
0x42: {  	s0 =	sadd.s32 @!p0 $0x100000, s0;
	[bflag:$0x2] =	sbarrier.arrive $0xFFFF  }
0x43: {  	[sflag:s0] =	ssyncadd.tile.s32 @!p0 $0x1;
	_ =	shalt  }
.Lfunc_end2:
_tile_overlayer_lowered:
.L_overlay_start_2:
0x44: {  	(tag) =	ssettag $0x2  }
0x45: {  	s0 =	rddreg [dreg:$0x0];
	s2 =	stileid.u32  }
0x46: {  	s1 =	rddreg [dreg:$0x1];
	p0 =	sne.s32 s2, $0x0  }
0x47: {  	s3 =	rddreg [dreg:$0x2];
	[bflag:$0x3] =	sbarrier.arrive $0xFFFF;
	s2 =	simm.s32 @!p0 $0x1C01  }
0x48: {  	[timem:s3], [sflag:s2] =	dma.local @!p0 [hbm:s0], s1  }
0x49: {  	s0 =	simm.s32 @!p0 $0x1  }
0x4a: {  	_ =	swait.ge @!p0 [sflag:s0], s1  }
0x4b: {  	s1 =	ssub.s32 @!p0 $0x0, s1;
	[sflag:s0] =	ssyncset.done @!p0 $0x0  }
0x4c: {  	[sflag:s0] =	ssyncadd.s32 @!p0 s1  }
0x4d: {  	[bflag:$0x3] =	sbarrier.arrive $0xFFFF  }
0x4e: {  	_ =	shalt  }

// kernel: gather_offload_async_start.5
scs
__scs_entry_jumppad:
0x0: {  	(pc) =	sbr.rel $0x88, $3  }
0x1: {  	(tag) =	ssettag $0x0;
	lr =	simm.s32 $0x1  }
0x2: {  	[smem:$0x3F96] =	sst lr;
	_ =	strace $0xD0000000  }
0x3: {  	_ = 	snop  }
0x4: {  	_ = 	snop  }
0x5: {  	_ = 	snop  }
0x6: {  	_ = 	snop  }
0x7: {  	_ = 	snop  }
__scs_overlays_trampoline_lowered:
0x8: {  	[smem:$0x3FA5] =	sst s0  }
0x9: {  	[smem:$0x3FA6] =	sst s1  }
0xa: {  	[smem:$0x3FA7] =	sst s2  }
0xb: {  	[smem:$0x3FA8] =	sst s3  }
0xc: {  	[smem:$0x3FA9] =	sst s4  }
0xd: {  	[smem:$0x3FAA] =	sst s5  }
0xe: {  	[smem:$0x3FAB] =	sst s6  }
0xf: {  	[smem:$0x3FAC] =	sst s7  }
0x10: {  	[smem:$0x3FAD] =	sst s8  }
0x11: {  	[smem:$0x3FAE] =	sst s9;
	s0 =	simm.s32 @!p0 $0x0  }
0x12: {  	s1 =	sld [smem:$0x3F94];
	s0 =	simm.s32 @p0 $0x1  }
0x13: {  	[smem:$0x3FAF] =	sst s0;
	s0 =	simm.s32 @!p1 $0x0  }
0x14: {  	s2 =	sld [smem:$0x3F93];
	s0 =	simm.s32 @p1 $0x1  }
0x15: {  	[smem:$0x3FB0] =	sst s0;
	s0 =	simm.s32 @!p2 $0x0  }
0x16: {  	s3 =	sld [smem:$0x3FDB];
	s0 =	simm.s32 @p2 $0x1  }
0x17: {  	s4 =	simm.s32 $0x1BF5;
	[smem:$0x3FB2] =	sst s0  }
0x18: {  	s0 =	sld [smem:$0x3F95];
	_ =	swait.ge [sflag:s4], $0x0  }
0x19: {  	s7 =	sld [smem:$0x3F96]  }
0x1a: {  	s8 =	sadd.s32 $0xFFFFE003, lr  }
0x1b: {  	s9 =	sadd.s32 $0xFFFFFEF7, lr;
	s5 =	simm.s32 $0xFFFFFFFF;
	p2 =	slt.u32 s8, $0xFFFFF086  }
0x1c: {  	p1 =	slt.u32 s9, $0xF7A;
	s5 =	simm.s32 @!p2 $0x0  }
0x1d: {  	s5 =	simm.s32 @p1 $0x1;
	p0 =	seq.s32 s7, s2  }
0x1e: {  	s7 =	smul.u32 @!p0 $0xF7A, s2;
	p2 =	seq.s32 @!p0 s5, $0x0  }
0x1f: {  	s9 =	smul.u32 $0xF7A, s1;
	s8 =	simm.s32 @!p0 $0x1BF5;
	p2 =	por !p2, p0  }
0x20: {  	[sflag:s8] =	ssyncset.s32 @!p0 $0xFFFFF086;
	s6 =	sadd.s32 @!p0 s3, s7;
	s7 =	simm.s32 @!p0 $0x108  }
0x21: {  	s3 =	sadd.s32 s3, s9;
	s6 =	sadd.s32 @!p0 $0x88, s6;
	s7 =	simm.s32 @p2 $0x1082  }
0x22: {  	[simem:s7], [sflag:s8] =	dma.local @!p0 [hbm:s6], $0xF7A  }
0x23: {  	s9 =	sor.u32 $0xD0000000, s2;
	s6 =	simm.s32 $0x108;
	_ =	swait.ge @!p0 [sflag:s8], $0x0  }
0x24: {  	s3 =	sadd.s32 $0x88, s3;
	s6 =	simm.s32 @!p1 $0x1082;
	[sflag:s4] =	ssyncset.s32 $0xFFFFF086  }
0x25: {  	[simem:s6], [sflag:s4] =	dma.local [hbm:s3], $0xF7A  }
0x26: {  	[smem:$0x3F96] =	sst s1;
	(tag) =	ssettag s2;
	_ =	strace s9  }
0x27: {  	s1 =	sld [smem:$0x3FA6]  }
0x28: {  	s2 =	sld [smem:$0x3FA7]  }
0x29: {  	s4 =	sld [smem:$0x3FA9]  }
0x2a: {  	p0 =	seq.s32 s5, $0x0;
	s5 =	sld [smem:$0x3FAA]  }
0x2b: {  	s6 =	sld [smem:$0x3FAB]  }
0x2c: {  	s7 =	sld [smem:$0x3FAC]  }
0x2d: {  	s3 =	simm.s32 $0x108;
	s8 =	sld [smem:$0x3FAD]  }
0x2e: {  	s3 =	simm.s32 @!p0 $0x1082;
	s9 =	sld [smem:$0x3FAE]  }
0x2f: {  	lr =	sadd.s32 s0, s3;
	s0 =	sld [smem:$0x3FA5]  }
0x30: {  	s3 =	sld [smem:$0x3FA8]  }
0x31: {  	[smem:$0x3FB1] =	sst s10  }
0x32: {  	s10 =	sld [smem:$0x3FAF];
	_ =	sdelay $0x3  }
0x33: {  	p0 =	seq.s32 s10, $0x1;
	s10 =	sld [smem:$0x3FB1];
	_ =	sdelay $0x3  }
0x34: {  	[smem:$0x3FB1] =	sst s10  }
0x35: {  	s10 =	sld [smem:$0x3FB0];
	_ =	sdelay $0x3  }
0x36: {  	p1 =	seq.s32 s10, $0x1;
	s10 =	sld [smem:$0x3FB1];
	_ =	sdelay $0x3  }
0x37: {  	[smem:$0x3FB1] =	sst s10  }
0x38: {  	s10 =	sld [smem:$0x3FB2]  }
0x39: {  	_ = 	snop;
	(pc) =	sbr.ind lr, $3  }
0x3a: {  	_ = 	snop  }
0x3b: {  	_ = 	snop  }
0x3c: {  	p2 =	seq.s32 s10, $0x1;
	s10 =	sld [smem:$0x3FB1]  }
0x3d: {  	_ =	shalt  }
0x3e: {  	_ =	shalt  }
0x3f: {  	_ =	shalt  }
0x40: {  	_ =	shalt  }
0x41: {  	_ =	shalt  }
0x42: {  	_ =	shalt  }
0x43: {  	_ =	shalt  }
0x44: {  	_ =	shalt  }
0x45: {  	_ =	shalt  }
0x46: {  	_ =	shalt  }
0x47: {  	_ =	shalt  }
0x48: {  	_ =	shalt  }
0x49: {  	_ =	shalt  }
0x4a: {  	_ =	shalt  }
0x4b: {  	_ =	shalt  }
0x4c: {  	_ =	shalt  }
0x4d: {  	_ =	shalt  }
0x4e: {  	_ =	shalt  }
0x4f: {  	_ =	shalt  }
0x50: {  	_ =	shalt  }
0x51: {  	_ =	shalt  }
0x52: {  	_ =	shalt  }
0x53: {  	_ =	shalt  }
0x54: {  	_ =	shalt  }
0x55: {  	_ =	shalt  }
0x56: {  	_ =	shalt  }
0x57: {  	_ =	shalt  }
0x58: {  	_ =	shalt  }
0x59: {  	_ =	shalt  }
0x5a: {  	_ =	shalt  }
0x5b: {  	_ =	shalt  }
0x5c: {  	_ =	shalt  }
0x5d: {  	_ =	shalt  }
0x5e: {  	_ =	shalt  }
0x5f: {  	_ =	shalt  }
0x60: {  	_ =	shalt  }
0x61: {  	_ =	shalt  }
0x62: {  	_ =	shalt  }
0x63: {  	_ =	shalt  }
0x64: {  	_ =	shalt  }
0x65: {  	_ =	shalt  }
0x66: {  	_ =	shalt  }
0x67: {  	_ =	shalt  }
0x68: {  	_ =	shalt  }
0x69: {  	_ =	shalt  }
0x6a: {  	_ =	shalt  }
0x6b: {  	_ =	shalt  }
0x6c: {  	_ =	shalt  }
0x6d: {  	_ =	shalt  }
0x6e: {  	_ =	shalt  }
0x6f: {  	_ =	shalt  }
0x70: {  	_ =	shalt  }
0x71: {  	_ =	shalt  }
0x72: {  	_ =	shalt  }
0x73: {  	_ =	shalt  }
0x74: {  	_ =	shalt  }
0x75: {  	_ =	shalt  }
0x76: {  	_ =	shalt  }
0x77: {  	_ =	shalt  }
0x78: {  	_ =	shalt  }
0x79: {  	_ =	shalt  }
0x7a: {  	_ =	shalt  }
0x7b: {  	_ =	shalt  }
0x7c: {  	_ =	shalt  }
0x7d: {  	_ =	shalt  }
0x7e: {  	_ =	shalt  }
0x7f: {  	_ =	shalt  }
0x80: {  	_ =	shalt  }
0x81: {  	_ =	shalt  }
0x82: {  	_ =	shalt  }
0x83: {  	_ =	shalt  }
0x84: {  	_ =	shalt  }
0x85: {  	_ =	shalt  }
0x86: {  	_ =	shalt  }
0x87: {  	_ =	shalt  }
.Lfunc_end0:
.L_simem_size_0:
called_computation.8_lowered:
.L_overlay_start_0:
0x88: {  	s2 =	sld [smem:$0x3FD9]  }
0x89: {  	s3 =	sld [smem:$0x3FFE];
	_ =	sdelay $0x1  }
0x8a: {  	s1 =	srdreg.scid  }
0x8b: {  	s0 =	sand.u32 $0x1, s1  }
0x8c: {  	s16 =	sshll.u32 s0, $0xA;
	s2 =	sadd.s32 s3, s2  }
0x8d: {  	s2 =	sadd.s32 s2, s16  }
0x8e: {  	[smem:$0x3FBD] =	sst s2  }
0x8f: {  	_ = 	snop  }
0x90: {  	(tm) =	ssettm $0x1  }
0x91: {  	s17 =	sld [smem:$0x3FFB];
	_ =	sdelay $0x3  }
0x92: {  	_ =	strace s17  }
0x93: {  	s2 =	sld [smem:$0x3FFC];
	_ =	sdelay $0x3  }
0x94: {  	_ =	strace s2  }
0x95: {  	s2 =	sld [smem:$0x3FFD];
	_ =	sdelay $0x3  }
0x96: {  	_ =	strace s2  }
0x97: {  	_ =	strace $0x8FFFFFFF  }
0x98: {  	s18 =	sld [smem:$0x3FDB];
	_ =	sdelay $0x1  }
0x99: {  	s19 =	simm.s32 $_scs_section_size  }
0x9a: {  	s4 =	simm.s32 $_size__tile_overlayer_lowered;
	s5 =	simm.s32 $_tile_overlayer_lowered  }
0x9b: {  	s22 =	simm.s32 $0x1BFF;
	s21 =	sshll.u32 s5, $0x1;
	s2 =	sadd.s32 s19, s18  }
0x9c: {  	s6 =	simm.s32 $0x0;
	s20 =	sshll.u32 s4, $0x1;
	s4 =	sadd.s32 s21, s2  }
0x9d: {  	[timem:s6], [sflag:s22] =	dma.local [hbm:s4], s20  }
0x9e: {  	_ =	swait.ge [sflag:s22], s20  }
0x9f: {  	s3 =	ssub.s32 $0x0, s20;
	[sflag:s22] =	ssyncset.done $0x0  }
0xa0: {  	[sflag:s22] =	ssyncadd.s32 s3;
	_ =	sdelay $0x1  }
0xa1: {  	s23 =	simm.s32 $0x1B8B  }
0xa2: {  	_ =	swait.ge [sflag:s23], $0x1  }
0xa3: {  	[sflag:s23] =	ssyncset.done $0x0  }
0xa4: {  	s25 =	simm.s32 $0x1B8E;
	s24 =	sld [smem:$0x3FFE];
	[sflag:s23] =	ssyncadd.s32 $0xFFFFFFFF  }
0xa5: {  	s26 =	simm.s32 $execute0_lowered;
	[smem:$0x3FD2] =	sst s25  }
0xa6: {  	s4 =	sshll.u32 s26, $0x1;
	_ =	strace $0x80000046;
	[dreg:$0x1] =	wrdreg $0xFFFFFFFF  }
0xa7: {  	s28 =	simm.s32 $_size_execute0_lowered;
	s2 =	sadd.s32 s2, s4;
	[dreg:$0x0] =	wrdreg $0x0  }
0xa8: {  	s4 =	sshll.u32 s28, $0x1;
	[dreg:$0x2] =	wrdreg s2  }
0xa9: {  	[dreg:$0x3] =	wrdreg s4  }
0xaa: {  	[dreg:$0x4] =	wrdreg $0xC0  }
0xab: {  	_ =	task [dreg:s6], $0x5FFFF  }
0xac: {  	[dreg:$0x1] =	wrdreg $0xFFFFFFFF  }
0xad: {  	[dreg:$0x0] =	wrdreg $0x60  }
0xae: {  	[dreg:$0x2] =	wrdreg s24  }
0xaf: {  	[dreg:$0x3] =	wrdreg $0x9  }
0xb0: {  	_ =	task.clear_ibuf [dreg:s6], $0x4FFFF;
	_ =	strace $0x90000046  }
0xb1: {  	s29 =	simm.s32 $0x9;
	_ =	strace $0x80000048  }
0xb2: {  	_ =	swait.ge [sflag:s29], $0x1  }
0xb3: {  	[sflag:s29] =	ssyncadd.s32 $0xFFFFFFFF  }
0xb4: {  	_ =	strace $0x90000048  }
0xb5: {  	_ =	sfence  }
0xb6: {  	s30 =	sld [smem:$0x0];
	_ =	sdelay $0x2  }
0xb7: {  	s31 =	sshll.u32 s1, $0xD;
	s1 =	sshrl.u32 s1, $0x2  }
0xb8: {  	s3 =	sand.u32 $0x4000, s31;
	s1 =	sadd.s32 s1, s30  }
0xb9: {  	s0 =	sor.u32 s3, s0;
	s1 =	sshll.u32 s1, $0x11  }
0xba: {  	s0 =	sor.u32 s1, s0  }
0xbb: {  	s0 =	sadd.s32 $0x8F2B, s0  }
0xbc: {  	[sflag:s0] =	ssyncadd.remote.s32 $0x1  }
0xbd: {  	_ =	sfence.sel $0xFFFF  }
0xbe: {  	[dreg:$0x0] =	wrdreg $0xFFFFFFFF;
	(pc) =	sbr.abs _section_cstart, $3  }
0xbf: {  	[dreg:$0x1] =	wrdreg $0xFFFFFFFF  }
0xc0: {  	_ =	task.clear_ibuf [dreg:s6], $0x2FFFF;
	_ =	strace $0x9FFFFFFF  }
0xc1: {  	(tm) =	ssettm $0x7FFFFFFF  }
tec
execute0_lowered:
.L_overlay_start_1:
0x0: {  	(tag) =	ssettag $0x1  }
0x1: {  	s0 =	srdreg.scid  }
0x2: {  	s2 =	rddreg [dreg:$0x0];
	s1 =	stileid.u32;
	s6 =	simm.s32 $0x1  }
0x3: {  	s9 =	simm.s32 $0x1;
	s10 =	simm.s32 $0x3;
	s3 =	sshll.u32 s0, $0xB  }
0x4: {  	s13 =	simm.s32 $0x0;
	s4 =	sshll.u32 s1, $0xC;
	s3 =	sand.u32 $0x800, s3  }
0x5: {  	s12 =	simm.s32 $0x0;
	s0 =	rddreg [dreg:$0x1];
	s3 =	sor.u32 s4, s3  }
0x6: {  	_ =	strace $0x80000047;
	s5 =	sadd.s32 $0xC3600, s2;
	s8 =	ssub.s32 $0x20000, s3  }
.Ltmp0:
0x7: {  	[sflag:s6] =	ssyncpa.u1 $0x0;
	s7 =	sand.u32 $0xF800, s8;
	(pc) =	sbr.rel .LBB2_1-.Ltmp0, $4  }
0x8: {  	s4 =	sadd.s32 $0x4B8C00, s2;
	s11 =	smov.u32 s3;
	p0 =	sne.s32 s7, $0x0  }
0x9: {  	s8 =	sshrl.u32 s8, $0x10;
	s7 =	simm.s32 $0x2;
	s9 =	simm.s32 @!p0 $0x0  }
0xa: {  	[sflag:s7] =	ssyncpa.u1 $0x0;
	p0 =	por $0x0, $0x0;
	s8 =	sadd.s32 s9, s8  }
0xb: {  	vm0 =	vmmov $0xffff;
	[sflag:s10] =	ssyncpa.u1 $0x0;
	s10 =	simm.s32 $0x0;
	s9 =	sadd.s32 $0x1, s8  }
.LBB2_4:
0xc: {  	v2 =	vnsel vm1, $0x0, v2  }
0xd: {  	vm1 =	vgt.s32 v0, $0x0;
	v2 =	vmin.u32 v2, $0x61A7FF  }
0xe: {  	v0 =	vnsel vm1, $0x0, v0  }
0xf: {  	v0 =	vmin.u32 v0, $0x61A7FF  }
0x10: {  	[tilespmem:s15], [sflag:$0x1] =	stream.indirect_vreg.gather [hbm4b:s2+s10], $0x1, v1, vm0, $0x4038;
	[tilespmem:$0x2000] =	vst v63  }
0x11: {  	(ifvalue) =	ssetifvalue $0x7FFFFFFF  }
0x12: {  	[tilespmem:s16], [sflag:$0x1] =	stream.indirect_vreg.gather [hbm4b:s2+s10], $0x1, v2, vm0, $0x4038;
	[tilespmem:$0x2000] =	vst v63  }
0x13: {  	s29 =	sadd.s32 $0x10, s16;
	(ifvalue) =	ssetifvalue $0x7FFFFFFF  }
0x14: {  	[tilespmem:s29], [sflag:$0x1] =	stream.indirect_vreg.gather [hbm4b:s2+s10], $0x1, v0, vm0, $0x4038;
	[tilespmem:$0x2000] =	vst v63  }
0x15: {  	_ =	swait.ge [sflag:s6], $0x800  }
0x16: {  	s30 =	sshrl.u32 s13, $0x3;
	[sflag:s6] =	ssyncset.done $0x0  }
0x17: {  	s31 =	sand.u32 $0x7, s13;
	s15 =	sadd.s32 s5, s30;
	[sflag:s6] =	ssyncadd.s32 $0xFFFFF800  }
0x18: {  	[hbm4b:s15+s31] =	stream.linear.scatter [tilespmem:s14], [sflag:$0x3], $0x800, $0x38;
	[tilespmem:$0x2000] =	vst v63  }
.LBB2_5:
0x19: {  	s15 =	sadd.s32 $0x10000, s11  }
0x1a: {  	p2 =	sgt.s32 s15, $0x1FFFF  }
0x1b: {  	s15 =	smov.u32 @p2 s3;
	p2 =	sne.s32 s12, s9  }
.Ltmp1:
0x1c: {  	p1 =	slt.u32 s12, $0x2;
	(pc) =	sbr.rel @!p2 .LBB2_6-.Ltmp1, $4  }
0x1d: {  	s14 =	simm.s32 @!p1 $0x3  }
0x1e: {  	s16 =	sadd.s32 $0x1, s12;
	_ =	swait.ge @!p1 [sflag:s14], $0x800  }
0x1f: {  	s13 =	smov.u32 s11;
	p0 =	por !p0, !p0;
	[sflag:s14] =	ssyncset.done @!p1 $0x0  }
0x20: {  	s12 =	smov.u32 s16;
	s11 =	smov.u32 s15;
	[sflag:s14] =	ssyncadd.s32 @!p1 $0xFFFFF800  }
.LBB2_1:
0x21: {  	p1 =	sge.u32 s12, s8  }
0x22: {  	s14 =	sxor.u32 @!p1 $0xFFFFFFFF, s12  }
0x23: {  	s31 =	sadd.s32 $0xFFFFFFFF, s12;
	s15 =	sshrl.u32 @!p1 s11, $0x3;
	s14 =	sshll.u32 @!p1 s14, $0xB  }
0x24: {  	s16 =	sand.u32 @!p1 $0x7, s11;
	s15 =	sadd.s32 @!p1 s4, s15;
	s14 =	sand.u32 @!p1 $0x800, s14  }
0x25: {  	[tilespmem:s14], [sflag:$0x2] =	stream.linear.gather @!p1 [hbm4b:s15+s16], $0x800, $0x38;
	[tilespmem:$0x2000] =	vst v63  }
0x26: {  	p1 =	sge.u32 s31, s8  }
.Ltmp2:
0x27: {  	_ = 	snop;
	(pc) =	sbr.rel @p1 .LBB2_5-.Ltmp2, $1  }
0x28: {  	_ =	sdelay $0x3  }
0x29: {  	s14 =	simm.s32 $0x1  }
0x2a: {  	_ =	swait.ge [sflag:s7], $0x800;
	s14 =	simm.s32 @!p0 $0x0  }
0x2b: {  	[sflag:s7] =	ssyncset.done $0x0;
	s14 =	sshll.u32 s14, $0xB  }
0x2c: {  	[sflag:s7] =	ssyncadd.s32 $0xFFFFF800;
	(ifvalue) =	ssetifvalue $0x7FFFFFFF;
	v0 =	vld.msk [tilespmem:s14+$0x0 ss:$0x1], $0xffff;
	_ =	sdelay $0x4  }
0x2d: {  	s15 =	sadd.s32 $0x10, s14;
	vm1 =	vgt.s32 v0, $0x0  }
0x2e: {  	v2 =	vld.msk [tilespmem:s15+$0x0 ss:$0x1], $0xffff;
	v1 =	vnsel vm1, $0x0, v0  }
0x2f: {  	v1 =	vmin.u32 v1, $0x61A7FF;
	_ =	sdelay $0x1  }
0x30: {  	s16 =	sshll.u32 s12, $0xB;
	s18 =	simm.s32 $0x20  }
0x31: {  	s16 =	sand.u32 $0x800, s16;
	s17 =	sadd.s32 $0x10, s15;
	s15 =	sor.u32 $0x1000, s14  }
0x32: {  	s14 =	sor.u32 $0x1000, s16;
	s16 =	sadd.s32 $0x10, s15;
	v0 =	vld.msk [tilespmem:s17+$0x0 ss:$0x1], $0xffff;
	vm1 =	vgt.s32 v2, $0x0;
	(ifvalue) =	ssetifvalue $0x7FFFFFFF  }
.LBB2_3:
0x33: {  	[tilespmem:s15], [sflag:$0x1] =	stream.indirect_vreg.gather [hbm4b:s2+s10], $0x1, v1, vm0, $0x4038;
	[tilespmem:$0x2000] =	vst v63  }
0x34: {  	s18 =	sadd.s32 $0x10, s18  }
0x35: {  	v2 =	vnsel vm1, $0x0, v2;
	p1 =	slt.u32 s18, $0x7F0  }
.Ltmp3:
0x36: {  	s15 =	smov.u32 s16;
	v1 =	vmin.u32 v2, $0x61A7FF;
	(pc) =	sbr.rel @p1 .LBB2_3-.Ltmp3, $3  }
0x37: {  	_ =	sdelay $0x1  }
0x38: {  	s17 =	sadd.s32 $0x10, s17  }
0x39: {  	vm1 =	vgt.s32 v0, $0x0;
	s16 =	sadd.s32 $0x10, s16;
	v2 =	vmov v0;
	(ifvalue) =	ssetifvalue $0x7FFFFFFF;
	v0 =	vld.msk [tilespmem:s17+$0x0 ss:$0x1], $0xffff  }
.Ltmp4:
0x3a: {  	_ = 	snop;
	(pc) =	sbr.rel .LBB2_4-.Ltmp4, $1  }
0x3b: {  	_ =	sdelay $0x3  }
.LBB2_6:
0x3c: {  	_ =	sfence.sel $0x180000  }
0x3d: {  	s2 =	simm.s32 $0x2;
	[bflag:$0x0] =	sbarrier.arrive $0xFFFF  }
0x3e: {  	s30 =	simm.s32 $0x3;
	[sflag:s2] =	ssyncpa.u1 $0x1  }
0x3f: {  	s31 =	simm.s32 $0x1;
	[sflag:s30] =	ssyncpa.u1 $0x1  }
0x40: {  	[sflag:s31] =	ssyncpa.u1 $0x1  }
0x41: {  	p0 =	sne.s32 s1, $0x0;
	_ =	strace $0x90000047  }
0x42: {  	s0 =	sadd.s32 @!p0 $0x100000, s0;
	[bflag:$0x2] =	sbarrier.arrive $0xFFFF  }
0x43: {  	[sflag:s0] =	ssyncadd.tile.s32 @!p0 $0x1;
	_ =	shalt  }
.Lfunc_end2:
_tile_overlayer_lowered:
.L_overlay_start_2:
0x44: {  	(tag) =	ssettag $0x2  }
0x45: {  	s0 =	rddreg [dreg:$0x0];
	s2 =	stileid.u32  }
0x46: {  	s1 =	rddreg [dreg:$0x1];
	p0 =	sne.s32 s2, $0x0  }
0x47: {  	s3 =	rddreg [dreg:$0x2];
	[bflag:$0x3] =	sbarrier.arrive $0xFFFF;
	s2 =	simm.s32 @!p0 $0x1C01  }
0x48: {  	[timem:s3], [sflag:s2] =	dma.local @!p0 [hbm:s0], s1  }
0x49: {  	s0 =	simm.s32 @!p0 $0x1  }
0x4a: {  	_ =	swait.ge @!p0 [sflag:s0], s1  }
0x4b: {  	s1 =	ssub.s32 @!p0 $0x0, s1;
	[sflag:s0] =	ssyncset.done @!p0 $0x0  }
0x4c: {  	[sflag:s0] =	ssyncadd.s32 @!p0 s1  }
0x4d: {  	[bflag:$0x3] =	sbarrier.arrive $0xFFFF  }
0x4e: {  	_ =	shalt  }

// kernel: gather_offload_async_start.6
scs
__scs_entry_jumppad:
0x0: {  	(pc) =	sbr.rel $0x88, $3  }
0x1: {  	(tag) =	ssettag $0x0;
	lr =	simm.s32 $0x1  }
0x2: {  	[smem:$0x3F96] =	sst lr;
	_ =	strace $0xD0000000  }
0x3: {  	_ = 	snop  }
0x4: {  	_ = 	snop  }
0x5: {  	_ = 	snop  }
0x6: {  	_ = 	snop  }
0x7: {  	_ = 	snop  }
__scs_overlays_trampoline_lowered:
0x8: {  	[smem:$0x3FA5] =	sst s0  }
0x9: {  	[smem:$0x3FA6] =	sst s1  }
0xa: {  	[smem:$0x3FA7] =	sst s2  }
0xb: {  	[smem:$0x3FA8] =	sst s3  }
0xc: {  	[smem:$0x3FA9] =	sst s4  }
0xd: {  	[smem:$0x3FAA] =	sst s5  }
0xe: {  	[smem:$0x3FAB] =	sst s6  }
0xf: {  	[smem:$0x3FAC] =	sst s7  }
0x10: {  	[smem:$0x3FAD] =	sst s8  }
0x11: {  	[smem:$0x3FAE] =	sst s9;
	s0 =	simm.s32 @!p0 $0x0  }
0x12: {  	s1 =	sld [smem:$0x3F94];
	s0 =	simm.s32 @p0 $0x1  }
0x13: {  	[smem:$0x3FAF] =	sst s0;
	s0 =	simm.s32 @!p1 $0x0  }
0x14: {  	s2 =	sld [smem:$0x3F93];
	s0 =	simm.s32 @p1 $0x1  }
0x15: {  	[smem:$0x3FB0] =	sst s0;
	s0 =	simm.s32 @!p2 $0x0  }
0x16: {  	s3 =	sld [smem:$0x3FDB];
	s0 =	simm.s32 @p2 $0x1  }
0x17: {  	s4 =	simm.s32 $0x1BF5;
	[smem:$0x3FB2] =	sst s0  }
0x18: {  	s0 =	sld [smem:$0x3F95];
	_ =	swait.ge [sflag:s4], $0x0  }
0x19: {  	s7 =	sld [smem:$0x3F96]  }
0x1a: {  	s8 =	sadd.s32 $0xFFFFE003, lr  }
0x1b: {  	s9 =	sadd.s32 $0xFFFFFEF7, lr;
	s5 =	simm.s32 $0xFFFFFFFF;
	p2 =	slt.u32 s8, $0xFFFFF086  }
0x1c: {  	p1 =	slt.u32 s9, $0xF7A;
	s5 =	simm.s32 @!p2 $0x0  }
0x1d: {  	s5 =	simm.s32 @p1 $0x1;
	p0 =	seq.s32 s7, s2  }
0x1e: {  	s7 =	smul.u32 @!p0 $0xF7A, s2;
	p2 =	seq.s32 @!p0 s5, $0x0  }
0x1f: {  	s9 =	smul.u32 $0xF7A, s1;
	s8 =	simm.s32 @!p0 $0x1BF5;
	p2 =	por !p2, p0  }
0x20: {  	[sflag:s8] =	ssyncset.s32 @!p0 $0xFFFFF086;
	s6 =	sadd.s32 @!p0 s3, s7;
	s7 =	simm.s32 @!p0 $0x108  }
0x21: {  	s3 =	sadd.s32 s3, s9;
	s6 =	sadd.s32 @!p0 $0x88, s6;
	s7 =	simm.s32 @p2 $0x1082  }
0x22: {  	[simem:s7], [sflag:s8] =	dma.local @!p0 [hbm:s6], $0xF7A  }
0x23: {  	s9 =	sor.u32 $0xD0000000, s2;
	s6 =	simm.s32 $0x108;
	_ =	swait.ge @!p0 [sflag:s8], $0x0  }
0x24: {  	s3 =	sadd.s32 $0x88, s3;
	s6 =	simm.s32 @!p1 $0x1082;
	[sflag:s4] =	ssyncset.s32 $0xFFFFF086  }
0x25: {  	[simem:s6], [sflag:s4] =	dma.local [hbm:s3], $0xF7A  }
0x26: {  	[smem:$0x3F96] =	sst s1;
	(tag) =	ssettag s2;
	_ =	strace s9  }
0x27: {  	s1 =	sld [smem:$0x3FA6]  }
0x28: {  	s2 =	sld [smem:$0x3FA7]  }
0x29: {  	s4 =	sld [smem:$0x3FA9]  }
0x2a: {  	p0 =	seq.s32 s5, $0x0;
	s5 =	sld [smem:$0x3FAA]  }
0x2b: {  	s6 =	sld [smem:$0x3FAB]  }
0x2c: {  	s7 =	sld [smem:$0x3FAC]  }
0x2d: {  	s3 =	simm.s32 $0x108;
	s8 =	sld [smem:$0x3FAD]  }
0x2e: {  	s3 =	simm.s32 @!p0 $0x1082;
	s9 =	sld [smem:$0x3FAE]  }
0x2f: {  	lr =	sadd.s32 s0, s3;
	s0 =	sld [smem:$0x3FA5]  }
0x30: {  	s3 =	sld [smem:$0x3FA8]  }
0x31: {  	[smem:$0x3FB1] =	sst s10  }
0x32: {  	s10 =	sld [smem:$0x3FAF];
	_ =	sdelay $0x3  }
0x33: {  	p0 =	seq.s32 s10, $0x1;
	s10 =	sld [smem:$0x3FB1];
	_ =	sdelay $0x3  }
0x34: {  	[smem:$0x3FB1] =	sst s10  }
0x35: {  	s10 =	sld [smem:$0x3FB0];
	_ =	sdelay $0x3  }
0x36: {  	p1 =	seq.s32 s10, $0x1;
	s10 =	sld [smem:$0x3FB1];
	_ =	sdelay $0x3  }
0x37: {  	[smem:$0x3FB1] =	sst s10  }
0x38: {  	s10 =	sld [smem:$0x3FB2]  }
0x39: {  	_ = 	snop;
	(pc) =	sbr.ind lr, $3  }
0x3a: {  	_ = 	snop  }
0x3b: {  	_ = 	snop  }
0x3c: {  	p2 =	seq.s32 s10, $0x1;
	s10 =	sld [smem:$0x3FB1]  }
0x3d: {  	_ =	shalt  }
0x3e: {  	_ =	shalt  }
0x3f: {  	_ =	shalt  }
0x40: {  	_ =	shalt  }
0x41: {  	_ =	shalt  }
0x42: {  	_ =	shalt  }
0x43: {  	_ =	shalt  }
0x44: {  	_ =	shalt  }
0x45: {  	_ =	shalt  }
0x46: {  	_ =	shalt  }
0x47: {  	_ =	shalt  }
0x48: {  	_ =	shalt  }
0x49: {  	_ =	shalt  }
0x4a: {  	_ =	shalt  }
0x4b: {  	_ =	shalt  }
0x4c: {  	_ =	shalt  }
0x4d: {  	_ =	shalt  }
0x4e: {  	_ =	shalt  }
0x4f: {  	_ =	shalt  }
0x50: {  	_ =	shalt  }
0x51: {  	_ =	shalt  }
0x52: {  	_ =	shalt  }
0x53: {  	_ =	shalt  }
0x54: {  	_ =	shalt  }
0x55: {  	_ =	shalt  }
0x56: {  	_ =	shalt  }
0x57: {  	_ =	shalt  }
0x58: {  	_ =	shalt  }
0x59: {  	_ =	shalt  }
0x5a: {  	_ =	shalt  }
0x5b: {  	_ =	shalt  }
0x5c: {  	_ =	shalt  }
0x5d: {  	_ =	shalt  }
0x5e: {  	_ =	shalt  }
0x5f: {  	_ =	shalt  }
0x60: {  	_ =	shalt  }
0x61: {  	_ =	shalt  }
0x62: {  	_ =	shalt  }
0x63: {  	_ =	shalt  }
0x64: {  	_ =	shalt  }
0x65: {  	_ =	shalt  }
0x66: {  	_ =	shalt  }
0x67: {  	_ =	shalt  }
0x68: {  	_ =	shalt  }
0x69: {  	_ =	shalt  }
0x6a: {  	_ =	shalt  }
0x6b: {  	_ =	shalt  }
0x6c: {  	_ =	shalt  }
0x6d: {  	_ =	shalt  }
0x6e: {  	_ =	shalt  }
0x6f: {  	_ =	shalt  }
0x70: {  	_ =	shalt  }
0x71: {  	_ =	shalt  }
0x72: {  	_ =	shalt  }
0x73: {  	_ =	shalt  }
0x74: {  	_ =	shalt  }
0x75: {  	_ =	shalt  }
0x76: {  	_ =	shalt  }
0x77: {  	_ =	shalt  }
0x78: {  	_ =	shalt  }
0x79: {  	_ =	shalt  }
0x7a: {  	_ =	shalt  }
0x7b: {  	_ =	shalt  }
0x7c: {  	_ =	shalt  }
0x7d: {  	_ =	shalt  }
0x7e: {  	_ =	shalt  }
0x7f: {  	_ =	shalt  }
0x80: {  	_ =	shalt  }
0x81: {  	_ =	shalt  }
0x82: {  	_ =	shalt  }
0x83: {  	_ =	shalt  }
0x84: {  	_ =	shalt  }
0x85: {  	_ =	shalt  }
0x86: {  	_ =	shalt  }
0x87: {  	_ =	shalt  }
.Lfunc_end0:
.L_simem_size_0:
called_computation.9_lowered:
.L_overlay_start_0:
0x88: {  	s2 =	sld [smem:$0x3FD9]  }
0x89: {  	s3 =	sld [smem:$0x3FFE];
	_ =	sdelay $0x1  }
0x8a: {  	s1 =	srdreg.scid  }
0x8b: {  	s0 =	sand.u32 $0x1, s1  }
0x8c: {  	s16 =	sshll.u32 s0, $0xA;
	s2 =	sadd.s32 s3, s2  }
0x8d: {  	s2 =	sadd.s32 s2, s16  }
0x8e: {  	[smem:$0x3FBD] =	sst s2  }
0x8f: {  	_ = 	snop  }
0x90: {  	(tm) =	ssettm $0x1  }
0x91: {  	s17 =	sld [smem:$0x3FFB];
	_ =	sdelay $0x3  }
0x92: {  	_ =	strace s17  }
0x93: {  	s2 =	sld [smem:$0x3FFC];
	_ =	sdelay $0x3  }
0x94: {  	_ =	strace s2  }
0x95: {  	s2 =	sld [smem:$0x3FFD];
	_ =	sdelay $0x3  }
0x96: {  	_ =	strace s2  }
0x97: {  	_ =	strace $0x8FFFFFFF  }
0x98: {  	s18 =	sld [smem:$0x3FDB];
	_ =	sdelay $0x1  }
0x99: {  	s19 =	simm.s32 $_scs_section_size  }
0x9a: {  	s4 =	simm.s32 $_size__tile_overlayer_lowered;
	s5 =	simm.s32 $_tile_overlayer_lowered  }
0x9b: {  	s22 =	simm.s32 $0x1BFF;
	s21 =	sshll.u32 s5, $0x1;
	s2 =	sadd.s32 s19, s18  }
0x9c: {  	s6 =	simm.s32 $0x0;
	s20 =	sshll.u32 s4, $0x1;
	s4 =	sadd.s32 s21, s2  }
0x9d: {  	[timem:s6], [sflag:s22] =	dma.local [hbm:s4], s20  }
0x9e: {  	_ =	swait.ge [sflag:s22], s20  }
0x9f: {  	s3 =	ssub.s32 $0x0, s20;
	[sflag:s22] =	ssyncset.done $0x0  }
0xa0: {  	[sflag:s22] =	ssyncadd.s32 s3;
	_ =	sdelay $0x1  }
0xa1: {  	s23 =	simm.s32 $0x1B8B  }
0xa2: {  	_ =	swait.ge [sflag:s23], $0x1  }
0xa3: {  	[sflag:s23] =	ssyncset.done $0x0  }
0xa4: {  	s25 =	simm.s32 $0x1B8E;
	s24 =	sld [smem:$0x3FFE];
	[sflag:s23] =	ssyncadd.s32 $0xFFFFFFFF  }
0xa5: {  	s26 =	simm.s32 $execute0_lowered;
	[smem:$0x3FD2] =	sst s25  }
0xa6: {  	s4 =	sshll.u32 s26, $0x1;
	_ =	strace $0x80000049;
	[dreg:$0x1] =	wrdreg $0xFFFFFFFF  }
0xa7: {  	s28 =	simm.s32 $_size_execute0_lowered;
	s2 =	sadd.s32 s2, s4;
	[dreg:$0x0] =	wrdreg $0x0  }
0xa8: {  	s4 =	sshll.u32 s28, $0x1;
	[dreg:$0x2] =	wrdreg s2  }
0xa9: {  	[dreg:$0x3] =	wrdreg s4  }
0xaa: {  	[dreg:$0x4] =	wrdreg $0xC0  }
0xab: {  	_ =	task [dreg:s6], $0x5FFFF  }
0xac: {  	[dreg:$0x1] =	wrdreg $0xFFFFFFFF  }
0xad: {  	[dreg:$0x0] =	wrdreg $0x60  }
0xae: {  	[dreg:$0x2] =	wrdreg s24  }
0xaf: {  	[dreg:$0x3] =	wrdreg $0x9  }
0xb0: {  	_ =	task.clear_ibuf [dreg:s6], $0x4FFFF;
	_ =	strace $0x90000049  }
0xb1: {  	s29 =	simm.s32 $0x9;
	_ =	strace $0x8000004B  }
0xb2: {  	_ =	swait.ge [sflag:s29], $0x1  }
0xb3: {  	[sflag:s29] =	ssyncadd.s32 $0xFFFFFFFF  }
0xb4: {  	_ =	strace $0x9000004B  }
0xb5: {  	_ =	sfence  }
0xb6: {  	s30 =	sld [smem:$0x0];
	_ =	sdelay $0x2  }
0xb7: {  	s31 =	sshll.u32 s1, $0xD;
	s1 =	sshrl.u32 s1, $0x2  }
0xb8: {  	s3 =	sand.u32 $0x4000, s31;
	s1 =	sadd.s32 s1, s30  }
0xb9: {  	s0 =	sor.u32 s3, s0;
	s1 =	sshll.u32 s1, $0x11  }
0xba: {  	s0 =	sor.u32 s1, s0  }
0xbb: {  	s0 =	sadd.s32 $0x8F2B, s0  }
0xbc: {  	[sflag:s0] =	ssyncadd.remote.s32 $0x1  }
0xbd: {  	_ =	sfence.sel $0xFFFF  }
0xbe: {  	[dreg:$0x0] =	wrdreg $0xFFFFFFFF;
	(pc) =	sbr.abs _section_cstart, $3  }
0xbf: {  	[dreg:$0x1] =	wrdreg $0xFFFFFFFF  }
0xc0: {  	_ =	task.clear_ibuf [dreg:s6], $0x2FFFF;
	_ =	strace $0x9FFFFFFF  }
0xc1: {  	(tm) =	ssettm $0x7FFFFFFF  }
tec
execute0_lowered:
.L_overlay_start_1:
0x0: {  	(tag) =	ssettag $0x1  }
0x1: {  	s0 =	srdreg.scid;
	s5 =	rddreg [dreg:$0x0]  }
0x2: {  	s1 =	stileid.u32;
	s6 =	simm.s32 $0x1;
	s9 =	simm.s32 $0x1  }
0x3: {  	s10 =	simm.s32 $0x3;
	s13 =	simm.s32 $0x0;
	s2 =	sshll.u32 s0, $0xB  }
0x4: {  	s12 =	simm.s32 $0x0;
	s3 =	sshll.u32 s1, $0xC;
	s4 =	sand.u32 $0x800, s2  }
0x5: {  	s0 =	rddreg [dreg:$0x1];
	_ =	strace $0x8000004A;
	s3 =	sor.u32 s3, s4  }
0x6: {  	s2 =	sadd.s32 $0x192A00, s5;
	[sflag:s6] =	ssyncpa.u1 $0x0;
	s8 =	ssub.s32 $0x20000, s3  }
.Ltmp0:
0x7: {  	s4 =	sadd.s32 $0x4B8C00, s5;
	s7 =	sand.u32 $0xF800, s8;
	(pc) =	sbr.rel .LBB2_1-.Ltmp0, $4  }
0x8: {  	s5 =	sadd.s32 $0xC3600, s5;
	s11 =	smov.u32 s3;
	p0 =	sne.s32 s7, $0x0  }
0x9: {  	s8 =	sshrl.u32 s8, $0x10;
	s7 =	simm.s32 $0x2;
	s9 =	simm.s32 @!p0 $0x0  }
0xa: {  	[sflag:s7] =	ssyncpa.u1 $0x0;
	p0 =	por $0x0, $0x0;
	s8 =	sadd.s32 s9, s8  }
0xb: {  	vm0 =	vmmov $0xffff;
	[sflag:s10] =	ssyncpa.u1 $0x0;
	s10 =	simm.s32 $0x0;
	s9 =	sadd.s32 $0x1, s8  }
.LBB2_4:
0xc: {  	v2 =	vnsel vm1, $0x0, v2  }
0xd: {  	vm1 =	vgt.s32 v0, $0x0;
	v2 =	vmin.u32 v2, $0x61A7FF  }
0xe: {  	v0 =	vnsel vm1, $0x0, v0  }
0xf: {  	v0 =	vmin.u32 v0, $0x61A7FF  }
0x10: {  	[tilespmem:s15], [sflag:$0x1] =	stream.indirect_vreg.gather [hbm4b:s2+s10], $0x1, v1, vm0, $0x4038;
	[tilespmem:$0x2000] =	vst v63  }
0x11: {  	(ifvalue) =	ssetifvalue $0x7FFFFFFF  }
0x12: {  	[tilespmem:s16], [sflag:$0x1] =	stream.indirect_vreg.gather [hbm4b:s2+s10], $0x1, v2, vm0, $0x4038;
	[tilespmem:$0x2000] =	vst v63  }
0x13: {  	s29 =	sadd.s32 $0x10, s16;
	(ifvalue) =	ssetifvalue $0x7FFFFFFF  }
0x14: {  	[tilespmem:s29], [sflag:$0x1] =	stream.indirect_vreg.gather [hbm4b:s2+s10], $0x1, v0, vm0, $0x4038;
	[tilespmem:$0x2000] =	vst v63  }
0x15: {  	_ =	swait.ge [sflag:s6], $0x800  }
0x16: {  	s30 =	sshrl.u32 s13, $0x3;
	[sflag:s6] =	ssyncset.done $0x0  }
0x17: {  	s31 =	sand.u32 $0x7, s13;
	s15 =	sadd.s32 s5, s30;
	[sflag:s6] =	ssyncadd.s32 $0xFFFFF800  }
0x18: {  	[hbm4b:s15+s31] =	stream.linear.scatter [tilespmem:s14], [sflag:$0x3], $0x800, $0x38;
	[tilespmem:$0x2000] =	vst v63  }
.LBB2_5:
0x19: {  	s15 =	sadd.s32 $0x10000, s11  }
0x1a: {  	p2 =	sgt.s32 s15, $0x1FFFF  }
0x1b: {  	s15 =	smov.u32 @p2 s3;
	p2 =	sne.s32 s12, s9  }
.Ltmp1:
0x1c: {  	p1 =	slt.u32 s12, $0x2;
	(pc) =	sbr.rel @!p2 .LBB2_6-.Ltmp1, $4  }
0x1d: {  	s14 =	simm.s32 @!p1 $0x3  }
0x1e: {  	s16 =	sadd.s32 $0x1, s12;
	_ =	swait.ge @!p1 [sflag:s14], $0x800  }
0x1f: {  	s13 =	smov.u32 s11;
	p0 =	por !p0, !p0;
	[sflag:s14] =	ssyncset.done @!p1 $0x0  }
0x20: {  	s12 =	smov.u32 s16;
	s11 =	smov.u32 s15;
	[sflag:s14] =	ssyncadd.s32 @!p1 $0xFFFFF800  }
.LBB2_1:
0x21: {  	p1 =	sge.u32 s12, s8  }
0x22: {  	s14 =	sxor.u32 @!p1 $0xFFFFFFFF, s12  }
0x23: {  	s31 =	sadd.s32 $0xFFFFFFFF, s12;
	s15 =	sshrl.u32 @!p1 s11, $0x3;
	s14 =	sshll.u32 @!p1 s14, $0xB  }
0x24: {  	s16 =	sand.u32 @!p1 $0x7, s11;
	s15 =	sadd.s32 @!p1 s4, s15;
	s14 =	sand.u32 @!p1 $0x800, s14  }
0x25: {  	[tilespmem:s14], [sflag:$0x2] =	stream.linear.gather @!p1 [hbm4b:s15+s16], $0x800, $0x38;
	[tilespmem:$0x2000] =	vst v63  }
0x26: {  	p1 =	sge.u32 s31, s8  }
.Ltmp2:
0x27: {  	_ = 	snop;
	(pc) =	sbr.rel @p1 .LBB2_5-.Ltmp2, $1  }
0x28: {  	_ =	sdelay $0x3  }
0x29: {  	s14 =	simm.s32 $0x1  }
0x2a: {  	_ =	swait.ge [sflag:s7], $0x800;
	s14 =	simm.s32 @!p0 $0x0  }
0x2b: {  	[sflag:s7] =	ssyncset.done $0x0;
	s14 =	sshll.u32 s14, $0xB  }
0x2c: {  	[sflag:s7] =	ssyncadd.s32 $0xFFFFF800;
	(ifvalue) =	ssetifvalue $0x7FFFFFFF;
	v0 =	vld.msk [tilespmem:s14+$0x0 ss:$0x1], $0xffff;
	_ =	sdelay $0x4  }
0x2d: {  	s15 =	sadd.s32 $0x10, s14;
	vm1 =	vgt.s32 v0, $0x0  }
0x2e: {  	v2 =	vld.msk [tilespmem:s15+$0x0 ss:$0x1], $0xffff;
	v1 =	vnsel vm1, $0x0, v0  }
0x2f: {  	v1 =	vmin.u32 v1, $0x61A7FF;
	_ =	sdelay $0x1  }
0x30: {  	s16 =	sshll.u32 s12, $0xB;
	s18 =	simm.s32 $0x20  }
0x31: {  	s16 =	sand.u32 $0x800, s16;
	s17 =	sadd.s32 $0x10, s15;
	s15 =	sor.u32 $0x1000, s14  }
0x32: {  	s14 =	sor.u32 $0x1000, s16;
	s16 =	sadd.s32 $0x10, s15;
	v0 =	vld.msk [tilespmem:s17+$0x0 ss:$0x1], $0xffff;
	vm1 =	vgt.s32 v2, $0x0;
	(ifvalue) =	ssetifvalue $0x7FFFFFFF  }
.LBB2_3:
0x33: {  	[tilespmem:s15], [sflag:$0x1] =	stream.indirect_vreg.gather [hbm4b:s2+s10], $0x1, v1, vm0, $0x4038;
	[tilespmem:$0x2000] =	vst v63  }
0x34: {  	s18 =	sadd.s32 $0x10, s18  }
0x35: {  	v2 =	vnsel vm1, $0x0, v2;
	p1 =	slt.u32 s18, $0x7F0  }
.Ltmp3:
0x36: {  	s15 =	smov.u32 s16;
	v1 =	vmin.u32 v2, $0x61A7FF;
	(pc) =	sbr.rel @p1 .LBB2_3-.Ltmp3, $3  }
0x37: {  	_ =	sdelay $0x1  }
0x38: {  	s17 =	sadd.s32 $0x10, s17  }
0x39: {  	vm1 =	vgt.s32 v0, $0x0;
	s16 =	sadd.s32 $0x10, s16;
	v2 =	vmov v0;
	(ifvalue) =	ssetifvalue $0x7FFFFFFF;
	v0 =	vld.msk [tilespmem:s17+$0x0 ss:$0x1], $0xffff  }
.Ltmp4:
0x3a: {  	_ = 	snop;
	(pc) =	sbr.rel .LBB2_4-.Ltmp4, $1  }
0x3b: {  	_ =	sdelay $0x3  }
.LBB2_6:
0x3c: {  	_ =	sfence.sel $0x180000  }
0x3d: {  	s2 =	simm.s32 $0x2;
	[bflag:$0x0] =	sbarrier.arrive $0xFFFF  }
0x3e: {  	s30 =	simm.s32 $0x3;
	[sflag:s2] =	ssyncpa.u1 $0x1  }
0x3f: {  	s31 =	simm.s32 $0x1;
	[sflag:s30] =	ssyncpa.u1 $0x1  }
0x40: {  	[sflag:s31] =	ssyncpa.u1 $0x1  }
0x41: {  	p0 =	sne.s32 s1, $0x0;
	_ =	strace $0x9000004A  }
0x42: {  	s0 =	sadd.s32 @!p0 $0x100000, s0;
	[bflag:$0x2] =	sbarrier.arrive $0xFFFF  }
0x43: {  	[sflag:s0] =	ssyncadd.tile.s32 @!p0 $0x1;
	_ =	shalt  }
.Lfunc_end2:
_tile_overlayer_lowered:
.L_overlay_start_2:
0x44: {  	(tag) =	ssettag $0x2  }
0x45: {  	s0 =	rddreg [dreg:$0x0];
	s2 =	stileid.u32  }
0x46: {  	s1 =	rddreg [dreg:$0x1];
	p0 =	sne.s32 s2, $0x0  }
0x47: {  	s3 =	rddreg [dreg:$0x2];
	[bflag:$0x3] =	sbarrier.arrive $0xFFFF;
	s2 =	simm.s32 @!p0 $0x1C01  }
0x48: {  	[timem:s3], [sflag:s2] =	dma.local @!p0 [hbm:s0], s1  }
0x49: {  	s0 =	simm.s32 @!p0 $0x1  }
0x4a: {  	_ =	swait.ge @!p0 [sflag:s0], s1  }
0x4b: {  	s1 =	ssub.s32 @!p0 $0x0, s1;
	[sflag:s0] =	ssyncset.done @!p0 $0x0  }
0x4c: {  	[sflag:s0] =	ssyncadd.s32 @!p0 s1  }
0x4d: {  	[bflag:$0x3] =	sbarrier.arrive $0xFFFF  }
0x4e: {  	_ =	shalt  }

// kernel: gather_offload_async_start.7
scs
__scs_entry_jumppad:
0x0: {  	(pc) =	sbr.rel $0x88, $3  }
0x1: {  	(tag) =	ssettag $0x0;
	lr =	simm.s32 $0x1  }
0x2: {  	[smem:$0x3F96] =	sst lr;
	_ =	strace $0xD0000000  }
0x3: {  	_ = 	snop  }
0x4: {  	_ = 	snop  }
0x5: {  	_ = 	snop  }
0x6: {  	_ = 	snop  }
0x7: {  	_ = 	snop  }
__scs_overlays_trampoline_lowered:
0x8: {  	[smem:$0x3FA5] =	sst s0  }
0x9: {  	[smem:$0x3FA6] =	sst s1  }
0xa: {  	[smem:$0x3FA7] =	sst s2  }
0xb: {  	[smem:$0x3FA8] =	sst s3  }
0xc: {  	[smem:$0x3FA9] =	sst s4  }
0xd: {  	[smem:$0x3FAA] =	sst s5  }
0xe: {  	[smem:$0x3FAB] =	sst s6  }
0xf: {  	[smem:$0x3FAC] =	sst s7  }
0x10: {  	[smem:$0x3FAD] =	sst s8  }
0x11: {  	[smem:$0x3FAE] =	sst s9;
	s0 =	simm.s32 @!p0 $0x0  }
0x12: {  	s1 =	sld [smem:$0x3F94];
	s0 =	simm.s32 @p0 $0x1  }
0x13: {  	[smem:$0x3FAF] =	sst s0;
	s0 =	simm.s32 @!p1 $0x0  }
0x14: {  	s2 =	sld [smem:$0x3F93];
	s0 =	simm.s32 @p1 $0x1  }
0x15: {  	[smem:$0x3FB0] =	sst s0;
	s0 =	simm.s32 @!p2 $0x0  }
0x16: {  	s3 =	sld [smem:$0x3FDB];
	s0 =	simm.s32 @p2 $0x1  }
0x17: {  	s4 =	simm.s32 $0x1BF5;
	[smem:$0x3FB2] =	sst s0  }
0x18: {  	s0 =	sld [smem:$0x3F95];
	_ =	swait.ge [sflag:s4], $0x0  }
0x19: {  	s7 =	sld [smem:$0x3F96]  }
0x1a: {  	s8 =	sadd.s32 $0xFFFFE003, lr  }
0x1b: {  	s9 =	sadd.s32 $0xFFFFFEF7, lr;
	s5 =	simm.s32 $0xFFFFFFFF;
	p2 =	slt.u32 s8, $0xFFFFF086  }
0x1c: {  	p1 =	slt.u32 s9, $0xF7A;
	s5 =	simm.s32 @!p2 $0x0  }
0x1d: {  	s5 =	simm.s32 @p1 $0x1;
	p0 =	seq.s32 s7, s2  }
0x1e: {  	s7 =	smul.u32 @!p0 $0xF7A, s2;
	p2 =	seq.s32 @!p0 s5, $0x0  }
0x1f: {  	s9 =	smul.u32 $0xF7A, s1;
	s8 =	simm.s32 @!p0 $0x1BF5;
	p2 =	por !p2, p0  }
0x20: {  	[sflag:s8] =	ssyncset.s32 @!p0 $0xFFFFF086;
	s6 =	sadd.s32 @!p0 s3, s7;
	s7 =	simm.s32 @!p0 $0x108  }
0x21: {  	s3 =	sadd.s32 s3, s9;
	s6 =	sadd.s32 @!p0 $0x88, s6;
	s7 =	simm.s32 @p2 $0x1082  }
0x22: {  	[simem:s7], [sflag:s8] =	dma.local @!p0 [hbm:s6], $0xF7A  }
0x23: {  	s9 =	sor.u32 $0xD0000000, s2;
	s6 =	simm.s32 $0x108;
	_ =	swait.ge @!p0 [sflag:s8], $0x0  }
0x24: {  	s3 =	sadd.s32 $0x88, s3;
	s6 =	simm.s32 @!p1 $0x1082;
	[sflag:s4] =	ssyncset.s32 $0xFFFFF086  }
0x25: {  	[simem:s6], [sflag:s4] =	dma.local [hbm:s3], $0xF7A  }
0x26: {  	[smem:$0x3F96] =	sst s1;
	(tag) =	ssettag s2;
	_ =	strace s9  }
0x27: {  	s1 =	sld [smem:$0x3FA6]  }
0x28: {  	s2 =	sld [smem:$0x3FA7]  }
0x29: {  	s4 =	sld [smem:$0x3FA9]  }
0x2a: {  	p0 =	seq.s32 s5, $0x0;
	s5 =	sld [smem:$0x3FAA]  }
0x2b: {  	s6 =	sld [smem:$0x3FAB]  }
0x2c: {  	s7 =	sld [smem:$0x3FAC]  }
0x2d: {  	s3 =	simm.s32 $0x108;
	s8 =	sld [smem:$0x3FAD]  }
0x2e: {  	s3 =	simm.s32 @!p0 $0x1082;
	s9 =	sld [smem:$0x3FAE]  }
0x2f: {  	lr =	sadd.s32 s0, s3;
	s0 =	sld [smem:$0x3FA5]  }
0x30: {  	s3 =	sld [smem:$0x3FA8]  }
0x31: {  	[smem:$0x3FB1] =	sst s10  }
0x32: {  	s10 =	sld [smem:$0x3FAF];
	_ =	sdelay $0x3  }
0x33: {  	p0 =	seq.s32 s10, $0x1;
	s10 =	sld [smem:$0x3FB1];
	_ =	sdelay $0x3  }
0x34: {  	[smem:$0x3FB1] =	sst s10  }
0x35: {  	s10 =	sld [smem:$0x3FB0];
	_ =	sdelay $0x3  }
0x36: {  	p1 =	seq.s32 s10, $0x1;
	s10 =	sld [smem:$0x3FB1];
	_ =	sdelay $0x3  }
0x37: {  	[smem:$0x3FB1] =	sst s10  }
0x38: {  	s10 =	sld [smem:$0x3FB2]  }
0x39: {  	_ = 	snop;
	(pc) =	sbr.ind lr, $3  }
0x3a: {  	_ = 	snop  }
0x3b: {  	_ = 	snop  }
0x3c: {  	p2 =	seq.s32 s10, $0x1;
	s10 =	sld [smem:$0x3FB1]  }
0x3d: {  	_ =	shalt  }
0x3e: {  	_ =	shalt  }
0x3f: {  	_ =	shalt  }
0x40: {  	_ =	shalt  }
0x41: {  	_ =	shalt  }
0x42: {  	_ =	shalt  }
0x43: {  	_ =	shalt  }
0x44: {  	_ =	shalt  }
0x45: {  	_ =	shalt  }
0x46: {  	_ =	shalt  }
0x47: {  	_ =	shalt  }
0x48: {  	_ =	shalt  }
0x49: {  	_ =	shalt  }
0x4a: {  	_ =	shalt  }
0x4b: {  	_ =	shalt  }
0x4c: {  	_ =	shalt  }
0x4d: {  	_ =	shalt  }
0x4e: {  	_ =	shalt  }
0x4f: {  	_ =	shalt  }
0x50: {  	_ =	shalt  }
0x51: {  	_ =	shalt  }
0x52: {  	_ =	shalt  }
0x53: {  	_ =	shalt  }
0x54: {  	_ =	shalt  }
0x55: {  	_ =	shalt  }
0x56: {  	_ =	shalt  }
0x57: {  	_ =	shalt  }
0x58: {  	_ =	shalt  }
0x59: {  	_ =	shalt  }
0x5a: {  	_ =	shalt  }
0x5b: {  	_ =	shalt  }
0x5c: {  	_ =	shalt  }
0x5d: {  	_ =	shalt  }
0x5e: {  	_ =	shalt  }
0x5f: {  	_ =	shalt  }
0x60: {  	_ =	shalt  }
0x61: {  	_ =	shalt  }
0x62: {  	_ =	shalt  }
0x63: {  	_ =	shalt  }
0x64: {  	_ =	shalt  }
0x65: {  	_ =	shalt  }
0x66: {  	_ =	shalt  }
0x67: {  	_ =	shalt  }
0x68: {  	_ =	shalt  }
0x69: {  	_ =	shalt  }
0x6a: {  	_ =	shalt  }
0x6b: {  	_ =	shalt  }
0x6c: {  	_ =	shalt  }
0x6d: {  	_ =	shalt  }
0x6e: {  	_ =	shalt  }
0x6f: {  	_ =	shalt  }
0x70: {  	_ =	shalt  }
0x71: {  	_ =	shalt  }
0x72: {  	_ =	shalt  }
0x73: {  	_ =	shalt  }
0x74: {  	_ =	shalt  }
0x75: {  	_ =	shalt  }
0x76: {  	_ =	shalt  }
0x77: {  	_ =	shalt  }
0x78: {  	_ =	shalt  }
0x79: {  	_ =	shalt  }
0x7a: {  	_ =	shalt  }
0x7b: {  	_ =	shalt  }
0x7c: {  	_ =	shalt  }
0x7d: {  	_ =	shalt  }
0x7e: {  	_ =	shalt  }
0x7f: {  	_ =	shalt  }
0x80: {  	_ =	shalt  }
0x81: {  	_ =	shalt  }
0x82: {  	_ =	shalt  }
0x83: {  	_ =	shalt  }
0x84: {  	_ =	shalt  }
0x85: {  	_ =	shalt  }
0x86: {  	_ =	shalt  }
0x87: {  	_ =	shalt  }
.Lfunc_end0:
.L_simem_size_0:
called_computation.10_lowered:
.L_overlay_start_0:
0x88: {  	s2 =	sld [smem:$0x3FD9]  }
0x89: {  	s3 =	sld [smem:$0x3FFE];
	_ =	sdelay $0x1  }
0x8a: {  	s1 =	srdreg.scid  }
0x8b: {  	s0 =	sand.u32 $0x1, s1  }
0x8c: {  	s17 =	sshll.u32 s0, $0xA;
	s2 =	sadd.s32 s3, s2  }
0x8d: {  	s2 =	sadd.s32 s2, s17  }
0x8e: {  	[smem:$0x3FBD] =	sst s2  }
0x8f: {  	_ = 	snop  }
0x90: {  	(tm) =	ssettm $0x1  }
0x91: {  	s18 =	sld [smem:$0x3FFB];
	_ =	sdelay $0x3  }
0x92: {  	_ =	strace s18  }
0x93: {  	s2 =	sld [smem:$0x3FFC];
	_ =	sdelay $0x3  }
0x94: {  	_ =	strace s2  }
0x95: {  	s2 =	sld [smem:$0x3FFD];
	_ =	sdelay $0x3  }
0x96: {  	_ =	strace s2  }
0x97: {  	_ =	strace $0x8FFFFFFF  }
0x98: {  	s19 =	sld [smem:$0x3FDB];
	_ =	sdelay $0x1  }
0x99: {  	s20 =	simm.s32 $_scs_section_size  }
0x9a: {  	s4 =	simm.s32 $_size__tile_overlayer_lowered;
	s5 =	simm.s32 $_tile_overlayer_lowered  }
0x9b: {  	s6 =	simm.s32 $0x1BFF;
	s21 =	sshll.u32 s5, $0x1;
	s3 =	sadd.s32 s20, s19  }
0x9c: {  	s22 =	simm.s32 $0x0;
	s4 =	sshll.u32 s4, $0x1;
	s5 =	sadd.s32 s21, s3  }
0x9d: {  	[timem:s22], [sflag:s6] =	dma.local [hbm:s5], s4  }
0x9e: {  	_ =	swait.ge [sflag:s6], s4  }
0x9f: {  	s4 =	ssub.s32 $0x0, s4;
	[sflag:s6] =	ssyncset.done $0x0  }
0xa0: {  	[sflag:s6] =	ssyncadd.s32 s4;
	_ =	sdelay $0x1  }
0xa1: {  	s23 =	simm.s32 $0x1B8B  }
0xa2: {  	_ =	swait.ge [sflag:s23], $0x1  }
0xa3: {  	[sflag:s23] =	ssyncset.done $0x0  }
0xa4: {  	[sflag:s23] =	ssyncadd.s32 $0xFFFFFFFF  }
0xa5: {  	s4 =	sld [smem:$0x0]  }
0xa6: {  	s5 =	sand.u32 $0xFFFFFFFE, s1  }
0xa7: {  	p0 =	sne.s32 s1, s5  }
0xa8: {  	s5 =	sshll.u32 @p0 s5, $0xE  }
0xa9: {  	s5 =	sadd.s32 @p0 $0x11B8D, s5;
	s6 =	sshll.u32 @p0 s4, $0x11  }
0xaa: {  	s5 =	sor.u32 @p0 s6, s5  }
0xab: {  	[sflag:s5] =	ssyncadd.remote.s32 @p0 $0x1;
	_ =	sdelay $0x1  }
0xac: {  	s5 =	simm.s32 @p0 $0x1B8D  }
0xad: {  	_ =	swait.eq @p0 [sflag:s5], $0x1  }
0xae: {  	[sflag:s5] =	ssyncadd.s32 @p0 $0xFFFFFFFF  }
0xaf: {  	s6 =	sshll.u32 @!p0 s1, $0xE  }
0xb0: {  	s6 =	sor.u32 @!p0 $0x4000, s6;
	s5 =	simm.s32 @!p0 $0x1B8D  }
0xb1: {  	s4 =	sshll.u32 @!p0 s4, $0x11;
	s6 =	sadd.s32 @!p0 $0x11B8D, s6;
	_ =	swait.eq @!p0 [sflag:s5], $0x1  }
0xb2: {  	s4 =	sor.u32 @!p0 s4, s6;
	[sflag:s5] =	ssyncadd.s32 @!p0 $0xFFFFFFFF  }
0xb3: {  	s25 =	simm.s32 $0x1B8E;
	s24 =	sld [smem:$0x3FFE];
	[sflag:s4] =	ssyncadd.remote.s32 @!p0 $0x1  }
0xb4: {  	s26 =	simm.s32 $execute0_lowered;
	[smem:$0x3FD2] =	sst s25  }
0xb5: {  	s5 =	sshll.u32 s26, $0x1;
	_ =	strace $0x80000058;
	[dreg:$0x1] =	wrdreg $0xFFFFFFFF  }
0xb6: {  	s28 =	simm.s32 $_size_execute0_lowered;
	s3 =	sadd.s32 s3, s5;
	[dreg:$0x0] =	wrdreg $0x0  }
0xb7: {  	s5 =	sshll.u32 s28, $0x1;
	[dreg:$0x2] =	wrdreg s3  }
0xb8: {  	[dreg:$0x3] =	wrdreg s5  }
0xb9: {  	[dreg:$0x4] =	wrdreg $0xC0  }
0xba: {  	_ =	task [dreg:s22], $0x5FFFF  }
0xbb: {  	[dreg:$0x1] =	wrdreg $0xFFFFFFFF  }
0xbc: {  	[dreg:$0x0] =	wrdreg $0x60  }
0xbd: {  	[dreg:$0x2] =	wrdreg s24  }
0xbe: {  	[dreg:$0x3] =	wrdreg $0x9  }
0xbf: {  	_ =	task.clear_ibuf [dreg:s22], $0x4FFFF;
	_ =	strace $0x90000058  }
0xc0: {  	s29 =	simm.s32 $0x9;
	_ =	strace $0x8000005A  }
0xc1: {  	_ =	swait.ge [sflag:s29], $0x1  }
0xc2: {  	[sflag:s29] =	ssyncadd.s32 $0xFFFFFFFF  }
0xc3: {  	_ =	strace $0x9000005A  }
0xc4: {  	_ =	sfence  }
0xc5: {  	s30 =	sld [smem:$0x0];
	_ =	sdelay $0x2  }
0xc6: {  	s31 =	sshll.u32 s1, $0xD;
	s1 =	sshrl.u32 s1, $0x2  }
0xc7: {  	s4 =	sand.u32 $0x4000, s31;
	s1 =	sadd.s32 s1, s30  }
0xc8: {  	s0 =	sor.u32 s4, s0;
	s1 =	sshll.u32 s1, $0x11  }
0xc9: {  	s0 =	sor.u32 s1, s0  }
0xca: {  	s0 =	sadd.s32 $0x8F2B, s0  }
0xcb: {  	[sflag:s0] =	ssyncadd.remote.s32 $0x1  }
0xcc: {  	_ =	sfence.sel $0xFFFF  }
0xcd: {  	[dreg:$0x0] =	wrdreg $0xFFFFFFFF;
	(pc) =	sbr.abs _section_cstart, $3  }
0xce: {  	[dreg:$0x1] =	wrdreg $0xFFFFFFFF  }
0xcf: {  	_ =	task.clear_ibuf [dreg:s22], $0x2FFFF;
	_ =	strace $0x9FFFFFFF  }
0xd0: {  	(tm) =	ssettm $0x7FFFFFFF  }
0xd1: {  	_ =	shalt  }
tec
execute0_lowered:
.L_overlay_start_1:
0x0: {  	(tag) =	ssettag $0x1  }
0x1: {  	s0 =	srdreg.scid;
	s5 =	rddreg [dreg:$0x0]  }
0x2: {  	s1 =	stileid.u32;
	s6 =	simm.s32 $0x1;
	s9 =	simm.s32 $0x1  }
0x3: {  	s10 =	simm.s32 $0x3;
	s13 =	simm.s32 $0x0;
	s2 =	sshll.u32 s0, $0xB  }
0x4: {  	s12 =	simm.s32 $0x0;
	s3 =	sshll.u32 s1, $0xC;
	s2 =	sand.u32 $0x800, s2  }
0x5: {  	s0 =	rddreg [dreg:$0x1];
	_ =	strace $0x80000059;
	s2 =	sor.u32 s3, s2  }
0x6: {  	s4 =	sadd.s32 $0xC3600, s5;
	[sflag:s6] =	ssyncpa.u1 $0x0;
	s8 =	ssub.s32 $0x20000, s2  }
.Ltmp0:
0x7: {  	s3 =	sadd.s32 $0x4AC800, s5;
	s7 =	sand.u32 $0xF800, s8;
	(pc) =	sbr.rel .LBB2_1-.Ltmp0, $4  }
0x8: {  	s5 =	sadd.s32 $0xCB600, s5;
	s11 =	smov.u32 s2;
	p0 =	sne.s32 s7, $0x0  }
0x9: {  	s8 =	sshrl.u32 s8, $0x10;
	s7 =	simm.s32 $0x2;
	s9 =	simm.s32 @!p0 $0x0  }
0xa: {  	[sflag:s7] =	ssyncpa.u1 $0x0;
	p0 =	por $0x0, $0x0;
	s8 =	sadd.s32 s9, s8  }
0xb: {  	vm0 =	vmmov $0xffff;
	[sflag:s10] =	ssyncpa.u1 $0x0;
	s10 =	simm.s32 $0x0;
	s9 =	sadd.s32 $0x1, s8  }
.LBB2_4:
0xc: {  	v2 =	vnsel vm1, $0x0, v2  }
0xd: {  	vm1 =	vgt.s32 v0, $0x0;
	v2 =	vmin.u32 v2, $0x61A7F  }
0xe: {  	v0 =	vnsel vm1, $0x0, v0  }
0xf: {  	v0 =	vmin.u32 v0, $0x61A7F  }
0x10: {  	[tilespmem:s15], [sflag:$0x1] =	stream.indirect_vreg.gather [hbm4b:s3+s10], $0x1, v1, vm0, $0x4038;
	[tilespmem:$0x2000] =	vst v63  }
0x11: {  	(ifvalue) =	ssetifvalue $0x7FFFFFFF  }
0x12: {  	[tilespmem:s16], [sflag:$0x1] =	stream.indirect_vreg.gather [hbm4b:s3+s10], $0x1, v2, vm0, $0x4038;
	[tilespmem:$0x2000] =	vst v63  }
0x13: {  	s29 =	sadd.s32 $0x10, s16;
	(ifvalue) =	ssetifvalue $0x7FFFFFFF  }
0x14: {  	[tilespmem:s29], [sflag:$0x1] =	stream.indirect_vreg.gather [hbm4b:s3+s10], $0x1, v0, vm0, $0x4038;
	[tilespmem:$0x2000] =	vst v63  }
0x15: {  	_ =	swait.ge [sflag:s6], $0x800  }
0x16: {  	s30 =	sshrl.u32 s13, $0x3;
	[sflag:s6] =	ssyncset.done $0x0  }
0x17: {  	s31 =	sand.u32 $0x7, s13;
	s15 =	sadd.s32 s5, s30;
	[sflag:s6] =	ssyncadd.s32 $0xFFFFF800  }
0x18: {  	[hbm4b:s15+s31] =	stream.linear.scatter [tilespmem:s14], [sflag:$0x3], $0x800, $0x38;
	[tilespmem:$0x2000] =	vst v63  }
.LBB2_5:
0x19: {  	s15 =	sadd.s32 $0x10000, s11  }
0x1a: {  	p2 =	sgt.s32 s15, $0x1FFFF  }
0x1b: {  	s15 =	smov.u32 @p2 s2;
	p2 =	sne.s32 s12, s9  }
.Ltmp1:
0x1c: {  	p1 =	slt.u32 s12, $0x2;
	(pc) =	sbr.rel @!p2 .LBB2_6-.Ltmp1, $4  }
0x1d: {  	s14 =	simm.s32 @!p1 $0x3  }
0x1e: {  	s16 =	sadd.s32 $0x1, s12;
	_ =	swait.ge @!p1 [sflag:s14], $0x800  }
0x1f: {  	s13 =	smov.u32 s11;
	p0 =	por !p0, !p0;
	[sflag:s14] =	ssyncset.done @!p1 $0x0  }
0x20: {  	s12 =	smov.u32 s16;
	s11 =	smov.u32 s15;
	[sflag:s14] =	ssyncadd.s32 @!p1 $0xFFFFF800  }
.LBB2_1:
0x21: {  	p1 =	sge.u32 s12, s8  }
0x22: {  	s14 =	sxor.u32 @!p1 $0xFFFFFFFF, s12  }
0x23: {  	s31 =	sadd.s32 $0xFFFFFFFF, s12;
	s15 =	sshrl.u32 @!p1 s11, $0x3;
	s14 =	sshll.u32 @!p1 s14, $0xB  }
0x24: {  	s16 =	sand.u32 @!p1 $0x7, s11;
	s15 =	sadd.s32 @!p1 s4, s15;
	s14 =	sand.u32 @!p1 $0x800, s14  }
0x25: {  	[tilespmem:s14], [sflag:$0x2] =	stream.linear.gather @!p1 [hbm4b:s15+s16], $0x800, $0x38;
	[tilespmem:$0x2000] =	vst v63  }
0x26: {  	p1 =	sge.u32 s31, s8  }
.Ltmp2:
0x27: {  	_ = 	snop;
	(pc) =	sbr.rel @p1 .LBB2_5-.Ltmp2, $1  }
0x28: {  	_ =	sdelay $0x3  }
0x29: {  	s14 =	simm.s32 $0x1  }
0x2a: {  	_ =	swait.ge [sflag:s7], $0x800;
	s14 =	simm.s32 @!p0 $0x0  }
0x2b: {  	[sflag:s7] =	ssyncset.done $0x0;
	s14 =	sshll.u32 s14, $0xB  }
0x2c: {  	[sflag:s7] =	ssyncadd.s32 $0xFFFFF800;
	(ifvalue) =	ssetifvalue $0x7FFFFFFF;
	v0 =	vld.msk [tilespmem:s14+$0x0 ss:$0x1], $0xffff;
	_ =	sdelay $0x4  }
0x2d: {  	s15 =	sadd.s32 $0x10, s14;
	vm1 =	vgt.s32 v0, $0x0  }
0x2e: {  	v2 =	vld.msk [tilespmem:s15+$0x0 ss:$0x1], $0xffff;
	v1 =	vnsel vm1, $0x0, v0  }
0x2f: {  	v1 =	vmin.u32 v1, $0x61A7F;
	_ =	sdelay $0x1  }
0x30: {  	s16 =	sshll.u32 s12, $0xB;
	s18 =	simm.s32 $0x20  }
0x31: {  	s16 =	sand.u32 $0x800, s16;
	s17 =	sadd.s32 $0x10, s15;
	s15 =	sor.u32 $0x1000, s14  }
0x32: {  	s14 =	sor.u32 $0x1000, s16;
	s16 =	sadd.s32 $0x10, s15;
	v0 =	vld.msk [tilespmem:s17+$0x0 ss:$0x1], $0xffff;
	vm1 =	vgt.s32 v2, $0x0;
	(ifvalue) =	ssetifvalue $0x7FFFFFFF  }
.LBB2_3:
0x33: {  	[tilespmem:s15], [sflag:$0x1] =	stream.indirect_vreg.gather [hbm4b:s3+s10], $0x1, v1, vm0, $0x4038;
	[tilespmem:$0x2000] =	vst v63  }
0x34: {  	s18 =	sadd.s32 $0x10, s18  }
0x35: {  	v2 =	vnsel vm1, $0x0, v2;
	p1 =	slt.u32 s18, $0x7F0  }
.Ltmp3:
0x36: {  	s15 =	smov.u32 s16;
	v1 =	vmin.u32 v2, $0x61A7F;
	(pc) =	sbr.rel @p1 .LBB2_3-.Ltmp3, $3  }
0x37: {  	_ =	sdelay $0x1  }
0x38: {  	s17 =	sadd.s32 $0x10, s17  }
0x39: {  	vm1 =	vgt.s32 v0, $0x0;
	s16 =	sadd.s32 $0x10, s16;
	v2 =	vmov v0;
	(ifvalue) =	ssetifvalue $0x7FFFFFFF;
	v0 =	vld.msk [tilespmem:s17+$0x0 ss:$0x1], $0xffff  }
.Ltmp4:
0x3a: {  	_ = 	snop;
	(pc) =	sbr.rel .LBB2_4-.Ltmp4, $1  }
0x3b: {  	_ =	sdelay $0x3  }
.LBB2_6:
0x3c: {  	_ =	sfence.sel $0x180000  }
0x3d: {  	s2 =	simm.s32 $0x2;
	[bflag:$0x0] =	sbarrier.arrive $0xFFFF  }
0x3e: {  	s30 =	simm.s32 $0x3;
	[sflag:s2] =	ssyncpa.u1 $0x1  }
0x3f: {  	s31 =	simm.s32 $0x1;
	[sflag:s30] =	ssyncpa.u1 $0x1  }
0x40: {  	[sflag:s31] =	ssyncpa.u1 $0x1  }
0x41: {  	p0 =	sne.s32 s1, $0x0;
	_ =	strace $0x90000059  }
0x42: {  	s0 =	sadd.s32 @!p0 $0x100000, s0;
	[bflag:$0x2] =	sbarrier.arrive $0xFFFF  }
0x43: {  	[sflag:s0] =	ssyncadd.tile.s32 @!p0 $0x1;
	_ =	shalt  }
.Lfunc_end2:
_tile_overlayer_lowered:
.L_overlay_start_2:
0x44: {  	(tag) =	ssettag $0x2  }
0x45: {  	s0 =	rddreg [dreg:$0x0];
	s2 =	stileid.u32  }
0x46: {  	s1 =	rddreg [dreg:$0x1];
	p0 =	sne.s32 s2, $0x0  }
0x47: {  	s3 =	rddreg [dreg:$0x2];
	[bflag:$0x3] =	sbarrier.arrive $0xFFFF;
	s2 =	simm.s32 @!p0 $0x1C01  }
0x48: {  	[timem:s3], [sflag:s2] =	dma.local @!p0 [hbm:s0], s1  }
0x49: {  	s0 =	simm.s32 @!p0 $0x1  }
0x4a: {  	_ =	swait.ge @!p0 [sflag:s0], s1  }
0x4b: {  	s1 =	ssub.s32 @!p0 $0x0, s1;
	[sflag:s0] =	ssyncset.done @!p0 $0x0  }
0x4c: {  	[sflag:s0] =	ssyncadd.s32 @!p0 s1  }
0x4d: {  	[bflag:$0x3] =	sbarrier.arrive $0xFFFF  }
0x4e: {  	_ =	shalt  }

// kernel: gather_offload_async_start.8
scs
__scs_entry_jumppad:
0x0: {  	(pc) =	sbr.rel $0x88, $3  }
0x1: {  	(tag) =	ssettag $0x0;
	lr =	simm.s32 $0x1  }
0x2: {  	[smem:$0x3F96] =	sst lr;
	_ =	strace $0xD0000000  }
0x3: {  	_ = 	snop  }
0x4: {  	_ = 	snop  }
0x5: {  	_ = 	snop  }
0x6: {  	_ = 	snop  }
0x7: {  	_ = 	snop  }
__scs_overlays_trampoline_lowered:
0x8: {  	[smem:$0x3FA5] =	sst s0  }
0x9: {  	[smem:$0x3FA6] =	sst s1  }
0xa: {  	[smem:$0x3FA7] =	sst s2  }
0xb: {  	[smem:$0x3FA8] =	sst s3  }
0xc: {  	[smem:$0x3FA9] =	sst s4  }
0xd: {  	[smem:$0x3FAA] =	sst s5  }
0xe: {  	[smem:$0x3FAB] =	sst s6  }
0xf: {  	[smem:$0x3FAC] =	sst s7  }
0x10: {  	[smem:$0x3FAD] =	sst s8  }
0x11: {  	[smem:$0x3FAE] =	sst s9;
	s0 =	simm.s32 @!p0 $0x0  }
0x12: {  	s1 =	sld [smem:$0x3F94];
	s0 =	simm.s32 @p0 $0x1  }
0x13: {  	[smem:$0x3FAF] =	sst s0;
	s0 =	simm.s32 @!p1 $0x0  }
0x14: {  	s2 =	sld [smem:$0x3F93];
	s0 =	simm.s32 @p1 $0x1  }
0x15: {  	[smem:$0x3FB0] =	sst s0;
	s0 =	simm.s32 @!p2 $0x0  }
0x16: {  	s3 =	sld [smem:$0x3FDB];
	s0 =	simm.s32 @p2 $0x1  }
0x17: {  	s4 =	simm.s32 $0x1BF5;
	[smem:$0x3FB2] =	sst s0  }
0x18: {  	s0 =	sld [smem:$0x3F95];
	_ =	swait.ge [sflag:s4], $0x0  }
0x19: {  	s7 =	sld [smem:$0x3F96]  }
0x1a: {  	s8 =	sadd.s32 $0xFFFFE003, lr  }
0x1b: {  	s9 =	sadd.s32 $0xFFFFFEF7, lr;
	s5 =	simm.s32 $0xFFFFFFFF;
	p2 =	slt.u32 s8, $0xFFFFF086  }
0x1c: {  	p1 =	slt.u32 s9, $0xF7A;
	s5 =	simm.s32 @!p2 $0x0  }
0x1d: {  	s5 =	simm.s32 @p1 $0x1;
	p0 =	seq.s32 s7, s2  }
0x1e: {  	s7 =	smul.u32 @!p0 $0xF7A, s2;
	p2 =	seq.s32 @!p0 s5, $0x0  }
0x1f: {  	s9 =	smul.u32 $0xF7A, s1;
	s8 =	simm.s32 @!p0 $0x1BF5;
	p2 =	por !p2, p0  }
0x20: {  	[sflag:s8] =	ssyncset.s32 @!p0 $0xFFFFF086;
	s6 =	sadd.s32 @!p0 s3, s7;
	s7 =	simm.s32 @!p0 $0x108  }
0x21: {  	s3 =	sadd.s32 s3, s9;
	s6 =	sadd.s32 @!p0 $0x88, s6;
	s7 =	simm.s32 @p2 $0x1082  }
0x22: {  	[simem:s7], [sflag:s8] =	dma.local @!p0 [hbm:s6], $0xF7A  }
0x23: {  	s9 =	sor.u32 $0xD0000000, s2;
	s6 =	simm.s32 $0x108;
	_ =	swait.ge @!p0 [sflag:s8], $0x0  }
0x24: {  	s3 =	sadd.s32 $0x88, s3;
	s6 =	simm.s32 @!p1 $0x1082;
	[sflag:s4] =	ssyncset.s32 $0xFFFFF086  }
0x25: {  	[simem:s6], [sflag:s4] =	dma.local [hbm:s3], $0xF7A  }
0x26: {  	[smem:$0x3F96] =	sst s1;
	(tag) =	ssettag s2;
	_ =	strace s9  }
0x27: {  	s1 =	sld [smem:$0x3FA6]  }
0x28: {  	s2 =	sld [smem:$0x3FA7]  }
0x29: {  	s4 =	sld [smem:$0x3FA9]  }
0x2a: {  	p0 =	seq.s32 s5, $0x0;
	s5 =	sld [smem:$0x3FAA]  }
0x2b: {  	s6 =	sld [smem:$0x3FAB]  }
0x2c: {  	s7 =	sld [smem:$0x3FAC]  }
0x2d: {  	s3 =	simm.s32 $0x108;
	s8 =	sld [smem:$0x3FAD]  }
0x2e: {  	s3 =	simm.s32 @!p0 $0x1082;
	s9 =	sld [smem:$0x3FAE]  }
0x2f: {  	lr =	sadd.s32 s0, s3;
	s0 =	sld [smem:$0x3FA5]  }
0x30: {  	s3 =	sld [smem:$0x3FA8]  }
0x31: {  	[smem:$0x3FB1] =	sst s10  }
0x32: {  	s10 =	sld [smem:$0x3FAF];
	_ =	sdelay $0x3  }
0x33: {  	p0 =	seq.s32 s10, $0x1;
	s10 =	sld [smem:$0x3FB1];
	_ =	sdelay $0x3  }
0x34: {  	[smem:$0x3FB1] =	sst s10  }
0x35: {  	s10 =	sld [smem:$0x3FB0];
	_ =	sdelay $0x3  }
0x36: {  	p1 =	seq.s32 s10, $0x1;
	s10 =	sld [smem:$0x3FB1];
	_ =	sdelay $0x3  }
0x37: {  	[smem:$0x3FB1] =	sst s10  }
0x38: {  	s10 =	sld [smem:$0x3FB2]  }
0x39: {  	_ = 	snop;
	(pc) =	sbr.ind lr, $3  }
0x3a: {  	_ = 	snop  }
0x3b: {  	_ = 	snop  }
0x3c: {  	p2 =	seq.s32 s10, $0x1;
	s10 =	sld [smem:$0x3FB1]  }
0x3d: {  	_ =	shalt  }
0x3e: {  	_ =	shalt  }
0x3f: {  	_ =	shalt  }
0x40: {  	_ =	shalt  }
0x41: {  	_ =	shalt  }
0x42: {  	_ =	shalt  }
0x43: {  	_ =	shalt  }
0x44: {  	_ =	shalt  }
0x45: {  	_ =	shalt  }
0x46: {  	_ =	shalt  }
0x47: {  	_ =	shalt  }
0x48: {  	_ =	shalt  }
0x49: {  	_ =	shalt  }
0x4a: {  	_ =	shalt  }
0x4b: {  	_ =	shalt  }
0x4c: {  	_ =	shalt  }
0x4d: {  	_ =	shalt  }
0x4e: {  	_ =	shalt  }
0x4f: {  	_ =	shalt  }
0x50: {  	_ =	shalt  }
0x51: {  	_ =	shalt  }
0x52: {  	_ =	shalt  }
0x53: {  	_ =	shalt  }
0x54: {  	_ =	shalt  }
0x55: {  	_ =	shalt  }
0x56: {  	_ =	shalt  }
0x57: {  	_ =	shalt  }
0x58: {  	_ =	shalt  }
0x59: {  	_ =	shalt  }
0x5a: {  	_ =	shalt  }
0x5b: {  	_ =	shalt  }
0x5c: {  	_ =	shalt  }
0x5d: {  	_ =	shalt  }
0x5e: {  	_ =	shalt  }
0x5f: {  	_ =	shalt  }
0x60: {  	_ =	shalt  }
0x61: {  	_ =	shalt  }
0x62: {  	_ =	shalt  }
0x63: {  	_ =	shalt  }
0x64: {  	_ =	shalt  }
0x65: {  	_ =	shalt  }
0x66: {  	_ =	shalt  }
0x67: {  	_ =	shalt  }
0x68: {  	_ =	shalt  }
0x69: {  	_ =	shalt  }
0x6a: {  	_ =	shalt  }
0x6b: {  	_ =	shalt  }
0x6c: {  	_ =	shalt  }
0x6d: {  	_ =	shalt  }
0x6e: {  	_ =	shalt  }
0x6f: {  	_ =	shalt  }
0x70: {  	_ =	shalt  }
0x71: {  	_ =	shalt  }
0x72: {  	_ =	shalt  }
0x73: {  	_ =	shalt  }
0x74: {  	_ =	shalt  }
0x75: {  	_ =	shalt  }
0x76: {  	_ =	shalt  }
0x77: {  	_ =	shalt  }
0x78: {  	_ =	shalt  }
0x79: {  	_ =	shalt  }
0x7a: {  	_ =	shalt  }
0x7b: {  	_ =	shalt  }
0x7c: {  	_ =	shalt  }
0x7d: {  	_ =	shalt  }
0x7e: {  	_ =	shalt  }
0x7f: {  	_ =	shalt  }
0x80: {  	_ =	shalt  }
0x81: {  	_ =	shalt  }
0x82: {  	_ =	shalt  }
0x83: {  	_ =	shalt  }
0x84: {  	_ =	shalt  }
0x85: {  	_ =	shalt  }
0x86: {  	_ =	shalt  }
0x87: {  	_ =	shalt  }
.Lfunc_end0:
.L_simem_size_0:
called_computation.11_lowered:
.L_overlay_start_0:
0x88: {  	s2 =	sld [smem:$0x3FD9]  }
0x89: {  	s3 =	sld [smem:$0x3FFE];
	_ =	sdelay $0x1  }
0x8a: {  	s1 =	srdreg.scid  }
0x8b: {  	s0 =	sand.u32 $0x1, s1  }
0x8c: {  	s16 =	sshll.u32 s0, $0xA;
	s2 =	sadd.s32 s3, s2  }
0x8d: {  	s2 =	sadd.s32 s2, s16  }
0x8e: {  	[smem:$0x3FBD] =	sst s2  }
0x8f: {  	_ = 	snop  }
0x90: {  	(tm) =	ssettm $0x1  }
0x91: {  	s17 =	sld [smem:$0x3FFB];
	_ =	sdelay $0x3  }
0x92: {  	_ =	strace s17  }
0x93: {  	s2 =	sld [smem:$0x3FFC];
	_ =	sdelay $0x3  }
0x94: {  	_ =	strace s2  }
0x95: {  	s2 =	sld [smem:$0x3FFD];
	_ =	sdelay $0x3  }
0x96: {  	_ =	strace s2  }
0x97: {  	_ =	strace $0x8FFFFFFF  }
0x98: {  	s18 =	sld [smem:$0x3FDB];
	_ =	sdelay $0x1  }
0x99: {  	s19 =	simm.s32 $_scs_section_size  }
0x9a: {  	s4 =	simm.s32 $_size__tile_overlayer_lowered;
	s5 =	simm.s32 $_tile_overlayer_lowered  }
0x9b: {  	s22 =	simm.s32 $0x1BFF;
	s21 =	sshll.u32 s5, $0x1;
	s2 =	sadd.s32 s19, s18  }
0x9c: {  	s6 =	simm.s32 $0x0;
	s20 =	sshll.u32 s4, $0x1;
	s4 =	sadd.s32 s21, s2  }
0x9d: {  	[timem:s6], [sflag:s22] =	dma.local [hbm:s4], s20  }
0x9e: {  	_ =	swait.ge [sflag:s22], s20  }
0x9f: {  	s3 =	ssub.s32 $0x0, s20;
	[sflag:s22] =	ssyncset.done $0x0  }
0xa0: {  	[sflag:s22] =	ssyncadd.s32 s3;
	_ =	sdelay $0x1  }
0xa1: {  	s23 =	simm.s32 $0x1B8B  }
0xa2: {  	_ =	swait.ge [sflag:s23], $0x1  }
0xa3: {  	[sflag:s23] =	ssyncset.done $0x0  }
0xa4: {  	s25 =	simm.s32 $0x1B8E;
	s24 =	sld [smem:$0x3FFE];
	[sflag:s23] =	ssyncadd.s32 $0xFFFFFFFF  }
0xa5: {  	s26 =	simm.s32 $execute0_lowered;
	[smem:$0x3FD2] =	sst s25  }
0xa6: {  	s4 =	sshll.u32 s26, $0x1;
	_ =	strace $0x80000052;
	[dreg:$0x1] =	wrdreg $0xFFFFFFFF  }
0xa7: {  	s28 =	simm.s32 $_size_execute0_lowered;
	s2 =	sadd.s32 s2, s4;
	[dreg:$0x0] =	wrdreg $0x0  }
0xa8: {  	s4 =	sshll.u32 s28, $0x1;
	[dreg:$0x2] =	wrdreg s2  }
0xa9: {  	[dreg:$0x3] =	wrdreg s4  }
0xaa: {  	[dreg:$0x4] =	wrdreg $0xC0  }
0xab: {  	_ =	task [dreg:s6], $0x5FFFF  }
0xac: {  	[dreg:$0x1] =	wrdreg $0xFFFFFFFF  }
0xad: {  	[dreg:$0x0] =	wrdreg $0x60  }
0xae: {  	[dreg:$0x2] =	wrdreg s24  }
0xaf: {  	[dreg:$0x3] =	wrdreg $0xA  }
0xb0: {  	_ =	task.clear_ibuf [dreg:s6], $0x4FFFF;
	_ =	strace $0x90000052  }
0xb1: {  	s29 =	simm.s32 $0xA;
	_ =	strace $0x80000054  }
0xb2: {  	_ =	swait.ge [sflag:s29], $0x1  }
0xb3: {  	[sflag:s29] =	ssyncadd.s32 $0xFFFFFFFF  }
0xb4: {  	_ =	strace $0x90000054  }
0xb5: {  	_ =	sfence  }
0xb6: {  	s30 =	sld [smem:$0x0];
	_ =	sdelay $0x2  }
0xb7: {  	s31 =	sshll.u32 s1, $0xD;
	s1 =	sshrl.u32 s1, $0x2  }
0xb8: {  	s3 =	sand.u32 $0x4000, s31;
	s1 =	sadd.s32 s1, s30  }
0xb9: {  	s0 =	sor.u32 s3, s0;
	s1 =	sshll.u32 s1, $0x11  }
0xba: {  	s0 =	sor.u32 s1, s0  }
0xbb: {  	s0 =	sadd.s32 $0x8F2B, s0  }
0xbc: {  	[sflag:s0] =	ssyncadd.remote.s32 $0x1  }
0xbd: {  	_ =	sfence.sel $0xFFFF  }
0xbe: {  	[dreg:$0x0] =	wrdreg $0xFFFFFFFF;
	(pc) =	sbr.abs _section_cstart, $3  }
0xbf: {  	[dreg:$0x1] =	wrdreg $0xFFFFFFFF  }
0xc0: {  	_ =	task.clear_ibuf [dreg:s6], $0x2FFFF;
	_ =	strace $0x9FFFFFFF  }
0xc1: {  	(tm) =	ssettm $0x7FFFFFFF  }
tec
execute0_lowered:
.L_overlay_start_1:
0x0: {  	(tag) =	ssettag $0x1  }
0x1: {  	s0 =	srdreg.scid;
	s5 =	rddreg [dreg:$0x0]  }
0x2: {  	s1 =	stileid.u32;
	s6 =	simm.s32 $0x1;
	s9 =	simm.s32 $0x1  }
0x3: {  	s10 =	simm.s32 $0x3;
	s13 =	simm.s32 $0x0;
	s2 =	sshll.u32 s0, $0xB  }
0x4: {  	s12 =	simm.s32 $0x0;
	s3 =	sshll.u32 s1, $0xC;
	s2 =	sand.u32 $0x800, s2  }
0x5: {  	s0 =	rddreg [dreg:$0x1];
	_ =	strace $0x80000053;
	s2 =	sor.u32 s3, s2  }
0x6: {  	s4 =	sadd.s32 $0xC7600, s5;
	[sflag:s6] =	ssyncpa.u1 $0x0;
	s8 =	ssub.s32 $0x20000, s2  }
.Ltmp0:
0x7: {  	s3 =	sadd.s32 $0xDCA00, s5;
	s7 =	sand.u32 $0xF800, s8;
	(pc) =	sbr.rel .LBB2_1-.Ltmp0, $4  }
0x8: {  	s5 =	sadd.s32 $0xD0600, s5;
	s11 =	smov.u32 s2;
	p0 =	sne.s32 s7, $0x0  }
0x9: {  	s8 =	sshrl.u32 s8, $0x10;
	s7 =	simm.s32 $0x2;
	s9 =	simm.s32 @!p0 $0x0  }
0xa: {  	[sflag:s7] =	ssyncpa.u1 $0x0;
	p0 =	por $0x0, $0x0;
	s8 =	sadd.s32 s9, s8  }
0xb: {  	vm0 =	vmmov $0xffff;
	[sflag:s10] =	ssyncpa.u1 $0x0;
	s10 =	simm.s32 $0x0;
	s9 =	sadd.s32 $0x1, s8  }
.LBB2_4:
0xc: {  	v2 =	vnsel vm1, $0x0, v2  }
0xd: {  	vm1 =	vgt.s32 v0, $0x0;
	v2 =	vmin.u32 v2, $0x61A7F  }
0xe: {  	v0 =	vnsel vm1, $0x0, v0  }
0xf: {  	v0 =	vmin.u32 v0, $0x61A7F  }
0x10: {  	[tilespmem:s15], [sflag:$0x1] =	stream.indirect_vreg.gather [hbm4b:s3+s10], $0x1, v1, vm0, $0x4038;
	[tilespmem:$0x2000] =	vst v63  }
0x11: {  	(ifvalue) =	ssetifvalue $0x7FFFFFFF  }
0x12: {  	[tilespmem:s16], [sflag:$0x1] =	stream.indirect_vreg.gather [hbm4b:s3+s10], $0x1, v2, vm0, $0x4038;
	[tilespmem:$0x2000] =	vst v63  }
0x13: {  	s29 =	sadd.s32 $0x10, s16;
	(ifvalue) =	ssetifvalue $0x7FFFFFFF  }
0x14: {  	[tilespmem:s29], [sflag:$0x1] =	stream.indirect_vreg.gather [hbm4b:s3+s10], $0x1, v0, vm0, $0x4038;
	[tilespmem:$0x2000] =	vst v63  }
0x15: {  	_ =	swait.ge [sflag:s6], $0x800  }
0x16: {  	s30 =	sshrl.u32 s13, $0x3;
	[sflag:s6] =	ssyncset.done $0x0  }
0x17: {  	s31 =	sand.u32 $0x7, s13;
	s15 =	sadd.s32 s5, s30;
	[sflag:s6] =	ssyncadd.s32 $0xFFFFF800  }
0x18: {  	[hbm4b:s15+s31] =	stream.linear.scatter [tilespmem:s14], [sflag:$0x3], $0x800, $0x38;
	[tilespmem:$0x2000] =	vst v63  }
.LBB2_5:
0x19: {  	s15 =	sadd.s32 $0x10000, s11  }
0x1a: {  	p2 =	sgt.s32 s15, $0x1FFFF  }
0x1b: {  	s15 =	smov.u32 @p2 s2;
	p2 =	sne.s32 s12, s9  }
.Ltmp1:
0x1c: {  	p1 =	slt.u32 s12, $0x2;
	(pc) =	sbr.rel @!p2 .LBB2_6-.Ltmp1, $4  }
0x1d: {  	s14 =	simm.s32 @!p1 $0x3  }
0x1e: {  	s16 =	sadd.s32 $0x1, s12;
	_ =	swait.ge @!p1 [sflag:s14], $0x800  }
0x1f: {  	s13 =	smov.u32 s11;
	p0 =	por !p0, !p0;
	[sflag:s14] =	ssyncset.done @!p1 $0x0  }
0x20: {  	s12 =	smov.u32 s16;
	s11 =	smov.u32 s15;
	[sflag:s14] =	ssyncadd.s32 @!p1 $0xFFFFF800  }
.LBB2_1:
0x21: {  	p1 =	sge.u32 s12, s8  }
0x22: {  	s14 =	sxor.u32 @!p1 $0xFFFFFFFF, s12  }
0x23: {  	s31 =	sadd.s32 $0xFFFFFFFF, s12;
	s15 =	sshrl.u32 @!p1 s11, $0x3;
	s14 =	sshll.u32 @!p1 s14, $0xB  }
0x24: {  	s16 =	sand.u32 @!p1 $0x7, s11;
	s15 =	sadd.s32 @!p1 s4, s15;
	s14 =	sand.u32 @!p1 $0x800, s14  }
0x25: {  	[tilespmem:s14], [sflag:$0x2] =	stream.linear.gather @!p1 [hbm4b:s15+s16], $0x800, $0x38;
	[tilespmem:$0x2000] =	vst v63  }
0x26: {  	p1 =	sge.u32 s31, s8  }
.Ltmp2:
0x27: {  	_ = 	snop;
	(pc) =	sbr.rel @p1 .LBB2_5-.Ltmp2, $1  }
0x28: {  	_ =	sdelay $0x3  }
0x29: {  	s14 =	simm.s32 $0x1  }
0x2a: {  	_ =	swait.ge [sflag:s7], $0x800;
	s14 =	simm.s32 @!p0 $0x0  }
0x2b: {  	[sflag:s7] =	ssyncset.done $0x0;
	s14 =	sshll.u32 s14, $0xB  }
0x2c: {  	[sflag:s7] =	ssyncadd.s32 $0xFFFFF800;
	(ifvalue) =	ssetifvalue $0x7FFFFFFF;
	v0 =	vld.msk [tilespmem:s14+$0x0 ss:$0x1], $0xffff;
	_ =	sdelay $0x4  }
0x2d: {  	s15 =	sadd.s32 $0x10, s14;
	vm1 =	vgt.s32 v0, $0x0  }
0x2e: {  	v2 =	vld.msk [tilespmem:s15+$0x0 ss:$0x1], $0xffff;
	v1 =	vnsel vm1, $0x0, v0  }
0x2f: {  	v1 =	vmin.u32 v1, $0x61A7F;
	_ =	sdelay $0x1  }
0x30: {  	s16 =	sshll.u32 s12, $0xB;
	s18 =	simm.s32 $0x20  }
0x31: {  	s16 =	sand.u32 $0x800, s16;
	s17 =	sadd.s32 $0x10, s15;
	s15 =	sor.u32 $0x1000, s14  }
0x32: {  	s14 =	sor.u32 $0x1000, s16;
	s16 =	sadd.s32 $0x10, s15;
	v0 =	vld.msk [tilespmem:s17+$0x0 ss:$0x1], $0xffff;
	vm1 =	vgt.s32 v2, $0x0;
	(ifvalue) =	ssetifvalue $0x7FFFFFFF  }
.LBB2_3:
0x33: {  	[tilespmem:s15], [sflag:$0x1] =	stream.indirect_vreg.gather [hbm4b:s3+s10], $0x1, v1, vm0, $0x4038;
	[tilespmem:$0x2000] =	vst v63  }
0x34: {  	s18 =	sadd.s32 $0x10, s18  }
0x35: {  	v2 =	vnsel vm1, $0x0, v2;
	p1 =	slt.u32 s18, $0x7F0  }
.Ltmp3:
0x36: {  	s15 =	smov.u32 s16;
	v1 =	vmin.u32 v2, $0x61A7F;
	(pc) =	sbr.rel @p1 .LBB2_3-.Ltmp3, $3  }
0x37: {  	_ =	sdelay $0x1  }
0x38: {  	s17 =	sadd.s32 $0x10, s17  }
0x39: {  	vm1 =	vgt.s32 v0, $0x0;
	s16 =	sadd.s32 $0x10, s16;
	v2 =	vmov v0;
	(ifvalue) =	ssetifvalue $0x7FFFFFFF;
	v0 =	vld.msk [tilespmem:s17+$0x0 ss:$0x1], $0xffff  }
.Ltmp4:
0x3a: {  	_ = 	snop;
	(pc) =	sbr.rel .LBB2_4-.Ltmp4, $1  }
0x3b: {  	_ =	sdelay $0x3  }
.LBB2_6:
0x3c: {  	_ =	sfence.sel $0x180000  }
0x3d: {  	s2 =	simm.s32 $0x2;
	[bflag:$0x0] =	sbarrier.arrive $0xFFFF  }
0x3e: {  	s30 =	simm.s32 $0x3;
	[sflag:s2] =	ssyncpa.u1 $0x1  }
0x3f: {  	s31 =	simm.s32 $0x1;
	[sflag:s30] =	ssyncpa.u1 $0x1  }
0x40: {  	[sflag:s31] =	ssyncpa.u1 $0x1  }
0x41: {  	p0 =	sne.s32 s1, $0x0;
	_ =	strace $0x90000053  }
0x42: {  	s0 =	sadd.s32 @!p0 $0x100000, s0;
	[bflag:$0x2] =	sbarrier.arrive $0xFFFF  }
0x43: {  	[sflag:s0] =	ssyncadd.tile.s32 @!p0 $0x1;
	_ =	shalt  }
.Lfunc_end2:
_tile_overlayer_lowered:
.L_overlay_start_2:
0x44: {  	(tag) =	ssettag $0x2  }
0x45: {  	s0 =	rddreg [dreg:$0x0];
	s2 =	stileid.u32  }
0x46: {  	s1 =	rddreg [dreg:$0x1];
	p0 =	sne.s32 s2, $0x0  }
0x47: {  	s3 =	rddreg [dreg:$0x2];
	[bflag:$0x3] =	sbarrier.arrive $0xFFFF;
	s2 =	simm.s32 @!p0 $0x1C01  }
0x48: {  	[timem:s3], [sflag:s2] =	dma.local @!p0 [hbm:s0], s1  }
0x49: {  	s0 =	simm.s32 @!p0 $0x1  }
0x4a: {  	_ =	swait.ge @!p0 [sflag:s0], s1  }
0x4b: {  	s1 =	ssub.s32 @!p0 $0x0, s1;
	[sflag:s0] =	ssyncset.done @!p0 $0x0  }
0x4c: {  	[sflag:s0] =	ssyncadd.s32 @!p0 s1  }
0x4d: {  	[bflag:$0x3] =	sbarrier.arrive $0xFFFF  }
0x4e: {  	_ =	shalt  }

// kernel: gather_offload_async_start.9
scs
__scs_entry_jumppad:
0x0: {  	(pc) =	sbr.rel $0x88, $3  }
0x1: {  	(tag) =	ssettag $0x0;
	lr =	simm.s32 $0x1  }
0x2: {  	[smem:$0x3F96] =	sst lr;
	_ =	strace $0xD0000000  }
0x3: {  	_ = 	snop  }
0x4: {  	_ = 	snop  }
0x5: {  	_ = 	snop  }
0x6: {  	_ = 	snop  }
0x7: {  	_ = 	snop  }
__scs_overlays_trampoline_lowered:
0x8: {  	[smem:$0x3FA5] =	sst s0  }
0x9: {  	[smem:$0x3FA6] =	sst s1  }
0xa: {  	[smem:$0x3FA7] =	sst s2  }
0xb: {  	[smem:$0x3FA8] =	sst s3  }
0xc: {  	[smem:$0x3FA9] =	sst s4  }
0xd: {  	[smem:$0x3FAA] =	sst s5  }
0xe: {  	[smem:$0x3FAB] =	sst s6  }
0xf: {  	[smem:$0x3FAC] =	sst s7  }
0x10: {  	[smem:$0x3FAD] =	sst s8  }
0x11: {  	[smem:$0x3FAE] =	sst s9;
	s0 =	simm.s32 @!p0 $0x0  }
0x12: {  	s1 =	sld [smem:$0x3F94];
	s0 =	simm.s32 @p0 $0x1  }
0x13: {  	[smem:$0x3FAF] =	sst s0;
	s0 =	simm.s32 @!p1 $0x0  }
0x14: {  	s2 =	sld [smem:$0x3F93];
	s0 =	simm.s32 @p1 $0x1  }
0x15: {  	[smem:$0x3FB0] =	sst s0;
	s0 =	simm.s32 @!p2 $0x0  }
0x16: {  	s3 =	sld [smem:$0x3FDB];
	s0 =	simm.s32 @p2 $0x1  }
0x17: {  	s4 =	simm.s32 $0x1BF5;
	[smem:$0x3FB2] =	sst s0  }
0x18: {  	s0 =	sld [smem:$0x3F95];
	_ =	swait.ge [sflag:s4], $0x0  }
0x19: {  	s7 =	sld [smem:$0x3F96]  }
0x1a: {  	s8 =	sadd.s32 $0xFFFFE003, lr  }
0x1b: {  	s9 =	sadd.s32 $0xFFFFFEF7, lr;
	s5 =	simm.s32 $0xFFFFFFFF;
	p2 =	slt.u32 s8, $0xFFFFF086  }
0x1c: {  	p1 =	slt.u32 s9, $0xF7A;
	s5 =	simm.s32 @!p2 $0x0  }
0x1d: {  	s5 =	simm.s32 @p1 $0x1;
	p0 =	seq.s32 s7, s2  }
0x1e: {  	s7 =	smul.u32 @!p0 $0xF7A, s2;
	p2 =	seq.s32 @!p0 s5, $0x0  }
0x1f: {  	s9 =	smul.u32 $0xF7A, s1;
	s8 =	simm.s32 @!p0 $0x1BF5;
	p2 =	por !p2, p0  }
0x20: {  	[sflag:s8] =	ssyncset.s32 @!p0 $0xFFFFF086;
	s6 =	sadd.s32 @!p0 s3, s7;
	s7 =	simm.s32 @!p0 $0x108  }
0x21: {  	s3 =	sadd.s32 s3, s9;
	s6 =	sadd.s32 @!p0 $0x88, s6;
	s7 =	simm.s32 @p2 $0x1082  }
0x22: {  	[simem:s7], [sflag:s8] =	dma.local @!p0 [hbm:s6], $0xF7A  }
0x23: {  	s9 =	sor.u32 $0xD0000000, s2;
	s6 =	simm.s32 $0x108;
	_ =	swait.ge @!p0 [sflag:s8], $0x0  }
0x24: {  	s3 =	sadd.s32 $0x88, s3;
	s6 =	simm.s32 @!p1 $0x1082;
	[sflag:s4] =	ssyncset.s32 $0xFFFFF086  }
0x25: {  	[simem:s6], [sflag:s4] =	dma.local [hbm:s3], $0xF7A  }
0x26: {  	[smem:$0x3F96] =	sst s1;
	(tag) =	ssettag s2;
	_ =	strace s9  }
0x27: {  	s1 =	sld [smem:$0x3FA6]  }
0x28: {  	s2 =	sld [smem:$0x3FA7]  }
0x29: {  	s4 =	sld [smem:$0x3FA9]  }
0x2a: {  	p0 =	seq.s32 s5, $0x0;
	s5 =	sld [smem:$0x3FAA]  }
0x2b: {  	s6 =	sld [smem:$0x3FAB]  }
0x2c: {  	s7 =	sld [smem:$0x3FAC]  }
0x2d: {  	s3 =	simm.s32 $0x108;
	s8 =	sld [smem:$0x3FAD]  }
0x2e: {  	s3 =	simm.s32 @!p0 $0x1082;
	s9 =	sld [smem:$0x3FAE]  }
0x2f: {  	lr =	sadd.s32 s0, s3;
	s0 =	sld [smem:$0x3FA5]  }
0x30: {  	s3 =	sld [smem:$0x3FA8]  }
0x31: {  	[smem:$0x3FB1] =	sst s10  }
0x32: {  	s10 =	sld [smem:$0x3FAF];
	_ =	sdelay $0x3  }
0x33: {  	p0 =	seq.s32 s10, $0x1;
	s10 =	sld [smem:$0x3FB1];
	_ =	sdelay $0x3  }
0x34: {  	[smem:$0x3FB1] =	sst s10  }
0x35: {  	s10 =	sld [smem:$0x3FB0];
	_ =	sdelay $0x3  }
0x36: {  	p1 =	seq.s32 s10, $0x1;
	s10 =	sld [smem:$0x3FB1];
	_ =	sdelay $0x3  }
0x37: {  	[smem:$0x3FB1] =	sst s10  }
0x38: {  	s10 =	sld [smem:$0x3FB2]  }
0x39: {  	_ = 	snop;
	(pc) =	sbr.ind lr, $3  }
0x3a: {  	_ = 	snop  }
0x3b: {  	_ = 	snop  }
0x3c: {  	p2 =	seq.s32 s10, $0x1;
	s10 =	sld [smem:$0x3FB1]  }
0x3d: {  	_ =	shalt  }
0x3e: {  	_ =	shalt  }
0x3f: {  	_ =	shalt  }
0x40: {  	_ =	shalt  }
0x41: {  	_ =	shalt  }
0x42: {  	_ =	shalt  }
0x43: {  	_ =	shalt  }
0x44: {  	_ =	shalt  }
0x45: {  	_ =	shalt  }
0x46: {  	_ =	shalt  }
0x47: {  	_ =	shalt  }
0x48: {  	_ =	shalt  }
0x49: {  	_ =	shalt  }
0x4a: {  	_ =	shalt  }
0x4b: {  	_ =	shalt  }
0x4c: {  	_ =	shalt  }
0x4d: {  	_ =	shalt  }
0x4e: {  	_ =	shalt  }
0x4f: {  	_ =	shalt  }
0x50: {  	_ =	shalt  }
0x51: {  	_ =	shalt  }
0x52: {  	_ =	shalt  }
0x53: {  	_ =	shalt  }
0x54: {  	_ =	shalt  }
0x55: {  	_ =	shalt  }
0x56: {  	_ =	shalt  }
0x57: {  	_ =	shalt  }
0x58: {  	_ =	shalt  }
0x59: {  	_ =	shalt  }
0x5a: {  	_ =	shalt  }
0x5b: {  	_ =	shalt  }
0x5c: {  	_ =	shalt  }
0x5d: {  	_ =	shalt  }
0x5e: {  	_ =	shalt  }
0x5f: {  	_ =	shalt  }
0x60: {  	_ =	shalt  }
0x61: {  	_ =	shalt  }
0x62: {  	_ =	shalt  }
0x63: {  	_ =	shalt  }
0x64: {  	_ =	shalt  }
0x65: {  	_ =	shalt  }
0x66: {  	_ =	shalt  }
0x67: {  	_ =	shalt  }
0x68: {  	_ =	shalt  }
0x69: {  	_ =	shalt  }
0x6a: {  	_ =	shalt  }
0x6b: {  	_ =	shalt  }
0x6c: {  	_ =	shalt  }
0x6d: {  	_ =	shalt  }
0x6e: {  	_ =	shalt  }
0x6f: {  	_ =	shalt  }
0x70: {  	_ =	shalt  }
0x71: {  	_ =	shalt  }
0x72: {  	_ =	shalt  }
0x73: {  	_ =	shalt  }
0x74: {  	_ =	shalt  }
0x75: {  	_ =	shalt  }
0x76: {  	_ =	shalt  }
0x77: {  	_ =	shalt  }
0x78: {  	_ =	shalt  }
0x79: {  	_ =	shalt  }
0x7a: {  	_ =	shalt  }
0x7b: {  	_ =	shalt  }
0x7c: {  	_ =	shalt  }
0x7d: {  	_ =	shalt  }
0x7e: {  	_ =	shalt  }
0x7f: {  	_ =	shalt  }
0x80: {  	_ =	shalt  }
0x81: {  	_ =	shalt  }
0x82: {  	_ =	shalt  }
0x83: {  	_ =	shalt  }
0x84: {  	_ =	shalt  }
0x85: {  	_ =	shalt  }
0x86: {  	_ =	shalt  }
0x87: {  	_ =	shalt  }
.Lfunc_end0:
.L_simem_size_0:
called_computation.12_lowered:
.L_overlay_start_0:
0x88: {  	s2 =	sld [smem:$0x3FD9]  }
0x89: {  	s3 =	sld [smem:$0x3FFE];
	_ =	sdelay $0x1  }
0x8a: {  	s1 =	srdreg.scid  }
0x8b: {  	s0 =	sand.u32 $0x1, s1  }
0x8c: {  	s17 =	sshll.u32 s0, $0xA;
	s2 =	sadd.s32 s3, s2  }
0x8d: {  	s2 =	sadd.s32 s2, s17  }
0x8e: {  	[smem:$0x3FBD] =	sst s2  }
0x8f: {  	_ = 	snop  }
0x90: {  	(tm) =	ssettm $0x1  }
0x91: {  	s18 =	sld [smem:$0x3FFB];
	_ =	sdelay $0x3  }
0x92: {  	_ =	strace s18  }
0x93: {  	s2 =	sld [smem:$0x3FFC];
	_ =	sdelay $0x3  }
0x94: {  	_ =	strace s2  }
0x95: {  	s2 =	sld [smem:$0x3FFD];
	_ =	sdelay $0x3  }
0x96: {  	_ =	strace s2  }
0x97: {  	_ =	strace $0x8FFFFFFF  }
0x98: {  	s19 =	sld [smem:$0x3FDB];
	_ =	sdelay $0x1  }
0x99: {  	s20 =	simm.s32 $_scs_section_size  }
0x9a: {  	s4 =	simm.s32 $_size__tile_overlayer_lowered;
	s5 =	simm.s32 $_tile_overlayer_lowered  }
0x9b: {  	s6 =	simm.s32 $0x1BFF;
	s21 =	sshll.u32 s5, $0x1;
	s3 =	sadd.s32 s20, s19  }
0x9c: {  	s22 =	simm.s32 $0x0;
	s4 =	sshll.u32 s4, $0x1;
	s5 =	sadd.s32 s21, s3  }
0x9d: {  	[timem:s22], [sflag:s6] =	dma.local [hbm:s5], s4  }
0x9e: {  	_ =	swait.ge [sflag:s6], s4  }
0x9f: {  	s4 =	ssub.s32 $0x0, s4;
	[sflag:s6] =	ssyncset.done $0x0  }
0xa0: {  	[sflag:s6] =	ssyncadd.s32 s4;
	_ =	sdelay $0x1  }
0xa1: {  	s23 =	simm.s32 $0x1B8B  }
0xa2: {  	_ =	swait.ge [sflag:s23], $0x1  }
0xa3: {  	[sflag:s23] =	ssyncset.done $0x0  }
0xa4: {  	[sflag:s23] =	ssyncadd.s32 $0xFFFFFFFF  }
0xa5: {  	s4 =	sld [smem:$0x0]  }
0xa6: {  	s5 =	sand.u32 $0xFFFFFFFE, s1  }
0xa7: {  	p0 =	sne.s32 s1, s5  }
0xa8: {  	s5 =	sshll.u32 @p0 s5, $0xE  }
0xa9: {  	s5 =	sadd.s32 @p0 $0x11B8D, s5;
	s6 =	sshll.u32 @p0 s4, $0x11  }
0xaa: {  	s5 =	sor.u32 @p0 s6, s5  }
0xab: {  	[sflag:s5] =	ssyncadd.remote.s32 @p0 $0x1;
	_ =	sdelay $0x1  }
0xac: {  	s5 =	simm.s32 @p0 $0x1B8D  }
0xad: {  	_ =	swait.eq @p0 [sflag:s5], $0x1  }
0xae: {  	[sflag:s5] =	ssyncadd.s32 @p0 $0xFFFFFFFF  }
0xaf: {  	s6 =	sshll.u32 @!p0 s1, $0xE  }
0xb0: {  	s6 =	sor.u32 @!p0 $0x4000, s6;
	s5 =	simm.s32 @!p0 $0x1B8D  }
0xb1: {  	s4 =	sshll.u32 @!p0 s4, $0x11;
	s6 =	sadd.s32 @!p0 $0x11B8D, s6;
	_ =	swait.eq @!p0 [sflag:s5], $0x1  }
0xb2: {  	s4 =	sor.u32 @!p0 s4, s6;
	[sflag:s5] =	ssyncadd.s32 @!p0 $0xFFFFFFFF  }
0xb3: {  	s25 =	simm.s32 $0x1B8E;
	s24 =	sld [smem:$0x3FFE];
	[sflag:s4] =	ssyncadd.remote.s32 @!p0 $0x1  }
0xb4: {  	s26 =	simm.s32 $execute0_lowered;
	[smem:$0x3FD2] =	sst s25  }
0xb5: {  	s5 =	sshll.u32 s26, $0x1;
	_ =	strace $0x80000055;
	[dreg:$0x1] =	wrdreg $0xFFFFFFFF  }
0xb6: {  	s28 =	simm.s32 $_size_execute0_lowered;
	s3 =	sadd.s32 s3, s5;
	[dreg:$0x0] =	wrdreg $0x0  }
0xb7: {  	s5 =	sshll.u32 s28, $0x1;
	[dreg:$0x2] =	wrdreg s3  }
0xb8: {  	[dreg:$0x3] =	wrdreg s5  }
0xb9: {  	[dreg:$0x4] =	wrdreg $0xC0  }
0xba: {  	_ =	task [dreg:s22], $0x5FFFF  }
0xbb: {  	[dreg:$0x1] =	wrdreg $0xFFFFFFFF  }
0xbc: {  	[dreg:$0x0] =	wrdreg $0x60  }
0xbd: {  	[dreg:$0x2] =	wrdreg s24  }
0xbe: {  	[dreg:$0x3] =	wrdreg $0xB  }
0xbf: {  	_ =	task.clear_ibuf [dreg:s22], $0x4FFFF;
	_ =	strace $0x90000055  }
0xc0: {  	s29 =	simm.s32 $0xB;
	_ =	strace $0x80000057  }
0xc1: {  	_ =	swait.ge [sflag:s29], $0x1  }
0xc2: {  	[sflag:s29] =	ssyncadd.s32 $0xFFFFFFFF  }
0xc3: {  	_ =	strace $0x90000057  }
0xc4: {  	_ =	sfence  }
0xc5: {  	s30 =	sld [smem:$0x0];
	_ =	sdelay $0x2  }
0xc6: {  	s31 =	sshll.u32 s1, $0xD;
	s1 =	sshrl.u32 s1, $0x2  }
0xc7: {  	s4 =	sand.u32 $0x4000, s31;
	s1 =	sadd.s32 s1, s30  }
0xc8: {  	s0 =	sor.u32 s4, s0;
	s1 =	sshll.u32 s1, $0x11  }
0xc9: {  	s0 =	sor.u32 s1, s0  }
0xca: {  	s0 =	sadd.s32 $0x8F2B, s0  }
0xcb: {  	[sflag:s0] =	ssyncadd.remote.s32 $0x1  }
0xcc: {  	_ =	sfence.sel $0xFFFF  }
0xcd: {  	[dreg:$0x0] =	wrdreg $0xFFFFFFFF;
	(pc) =	sbr.abs _section_cstart, $3  }
0xce: {  	[dreg:$0x1] =	wrdreg $0xFFFFFFFF  }
0xcf: {  	_ =	task.clear_ibuf [dreg:s22], $0x2FFFF;
	_ =	strace $0x9FFFFFFF  }
0xd0: {  	(tm) =	ssettm $0x7FFFFFFF  }
0xd1: {  	_ =	shalt  }
tec
execute0_lowered:
.L_overlay_start_1:
0x0: {  	(tag) =	ssettag $0x1  }
0x1: {  	s0 =	srdreg.scid;
	s5 =	rddreg [dreg:$0x0]  }
0x2: {  	s1 =	stileid.u32;
	s6 =	simm.s32 $0x1;
	s9 =	simm.s32 $0x1  }
0x3: {  	s10 =	simm.s32 $0x3;
	s13 =	simm.s32 $0x0;
	s2 =	sshll.u32 s0, $0xB  }
0x4: {  	s12 =	simm.s32 $0x0;
	s3 =	sshll.u32 s1, $0xC;
	s2 =	sand.u32 $0x800, s2  }
0x5: {  	s0 =	rddreg [dreg:$0x1];
	_ =	strace $0x80000056;
	s2 =	sor.u32 s3, s2  }
0x6: {  	s4 =	sadd.s32 $0xC3600, s5;
	[sflag:s6] =	ssyncpa.u1 $0x0;
	s8 =	ssub.s32 $0x20000, s2  }
.Ltmp0:
0x7: {  	s3 =	sadd.s32 $0xDCA00, s5;
	s7 =	sand.u32 $0xF800, s8;
	(pc) =	sbr.rel .LBB2_1-.Ltmp0, $4  }
0x8: {  	s5 =	sadd.s32 $0xD4600, s5;
	s11 =	smov.u32 s2;
	p0 =	sne.s32 s7, $0x0  }
0x9: {  	s8 =	sshrl.u32 s8, $0x10;
	s7 =	simm.s32 $0x2;
	s9 =	simm.s32 @!p0 $0x0  }
0xa: {  	[sflag:s7] =	ssyncpa.u1 $0x0;
	p0 =	por $0x0, $0x0;
	s8 =	sadd.s32 s9, s8  }
0xb: {  	vm0 =	vmmov $0xffff;
	[sflag:s10] =	ssyncpa.u1 $0x0;
	s10 =	simm.s32 $0x0;
	s9 =	sadd.s32 $0x1, s8  }
.LBB2_4:
0xc: {  	v2 =	vnsel vm1, $0x0, v2  }
0xd: {  	vm1 =	vgt.s32 v0, $0x0;
	v2 =	vmin.u32 v2, $0x61A7F  }
0xe: {  	v0 =	vnsel vm1, $0x0, v0  }
0xf: {  	v0 =	vmin.u32 v0, $0x61A7F  }
0x10: {  	[tilespmem:s15], [sflag:$0x1] =	stream.indirect_vreg.gather [hbm4b:s3+s10], $0x1, v1, vm0, $0x4038;
	[tilespmem:$0x2000] =	vst v63  }
0x11: {  	(ifvalue) =	ssetifvalue $0x7FFFFFFF  }
0x12: {  	[tilespmem:s16], [sflag:$0x1] =	stream.indirect_vreg.gather [hbm4b:s3+s10], $0x1, v2, vm0, $0x4038;
	[tilespmem:$0x2000] =	vst v63  }
0x13: {  	s29 =	sadd.s32 $0x10, s16;
	(ifvalue) =	ssetifvalue $0x7FFFFFFF  }
0x14: {  	[tilespmem:s29], [sflag:$0x1] =	stream.indirect_vreg.gather [hbm4b:s3+s10], $0x1, v0, vm0, $0x4038;
	[tilespmem:$0x2000] =	vst v63  }
0x15: {  	_ =	swait.ge [sflag:s6], $0x800  }
0x16: {  	s30 =	sshrl.u32 s13, $0x3;
	[sflag:s6] =	ssyncset.done $0x0  }
0x17: {  	s31 =	sand.u32 $0x7, s13;
	s15 =	sadd.s32 s5, s30;
	[sflag:s6] =	ssyncadd.s32 $0xFFFFF800  }
0x18: {  	[hbm4b:s15+s31] =	stream.linear.scatter [tilespmem:s14], [sflag:$0x3], $0x800, $0x38;
	[tilespmem:$0x2000] =	vst v63  }
.LBB2_5:
0x19: {  	s15 =	sadd.s32 $0x10000, s11  }
0x1a: {  	p2 =	sgt.s32 s15, $0x1FFFF  }
0x1b: {  	s15 =	smov.u32 @p2 s2;
	p2 =	sne.s32 s12, s9  }
.Ltmp1:
0x1c: {  	p1 =	slt.u32 s12, $0x2;
	(pc) =	sbr.rel @!p2 .LBB2_6-.Ltmp1, $4  }
0x1d: {  	s14 =	simm.s32 @!p1 $0x3  }
0x1e: {  	s16 =	sadd.s32 $0x1, s12;
	_ =	swait.ge @!p1 [sflag:s14], $0x800  }
0x1f: {  	s13 =	smov.u32 s11;
	p0 =	por !p0, !p0;
	[sflag:s14] =	ssyncset.done @!p1 $0x0  }
0x20: {  	s12 =	smov.u32 s16;
	s11 =	smov.u32 s15;
	[sflag:s14] =	ssyncadd.s32 @!p1 $0xFFFFF800  }
.LBB2_1:
0x21: {  	p1 =	sge.u32 s12, s8  }
0x22: {  	s14 =	sxor.u32 @!p1 $0xFFFFFFFF, s12  }
0x23: {  	s31 =	sadd.s32 $0xFFFFFFFF, s12;
	s15 =	sshrl.u32 @!p1 s11, $0x3;
	s14 =	sshll.u32 @!p1 s14, $0xB  }
0x24: {  	s16 =	sand.u32 @!p1 $0x7, s11;
	s15 =	sadd.s32 @!p1 s4, s15;
	s14 =	sand.u32 @!p1 $0x800, s14  }
0x25: {  	[tilespmem:s14], [sflag:$0x2] =	stream.linear.gather @!p1 [hbm4b:s15+s16], $0x800, $0x38;
	[tilespmem:$0x2000] =	vst v63  }
0x26: {  	p1 =	sge.u32 s31, s8  }
.Ltmp2:
0x27: {  	_ = 	snop;
	(pc) =	sbr.rel @p1 .LBB2_5-.Ltmp2, $1  }
0x28: {  	_ =	sdelay $0x3  }
0x29: {  	s14 =	simm.s32 $0x1  }
0x2a: {  	_ =	swait.ge [sflag:s7], $0x800;
	s14 =	simm.s32 @!p0 $0x0  }
0x2b: {  	[sflag:s7] =	ssyncset.done $0x0;
	s14 =	sshll.u32 s14, $0xB  }
0x2c: {  	[sflag:s7] =	ssyncadd.s32 $0xFFFFF800;
	(ifvalue) =	ssetifvalue $0x7FFFFFFF;
	v0 =	vld.msk [tilespmem:s14+$0x0 ss:$0x1], $0xffff;
	_ =	sdelay $0x4  }
0x2d: {  	s15 =	sadd.s32 $0x10, s14;
	vm1 =	vgt.s32 v0, $0x0  }
0x2e: {  	v2 =	vld.msk [tilespmem:s15+$0x0 ss:$0x1], $0xffff;
	v1 =	vnsel vm1, $0x0, v0  }
0x2f: {  	v1 =	vmin.u32 v1, $0x61A7F;
	_ =	sdelay $0x1  }
0x30: {  	s16 =	sshll.u32 s12, $0xB;
	s18 =	simm.s32 $0x20  }
0x31: {  	s16 =	sand.u32 $0x800, s16;
	s17 =	sadd.s32 $0x10, s15;
	s15 =	sor.u32 $0x1000, s14  }
0x32: {  	s14 =	sor.u32 $0x1000, s16;
	s16 =	sadd.s32 $0x10, s15;
	v0 =	vld.msk [tilespmem:s17+$0x0 ss:$0x1], $0xffff;
	vm1 =	vgt.s32 v2, $0x0;
	(ifvalue) =	ssetifvalue $0x7FFFFFFF  }
.LBB2_3:
0x33: {  	[tilespmem:s15], [sflag:$0x1] =	stream.indirect_vreg.gather [hbm4b:s3+s10], $0x1, v1, vm0, $0x4038;
	[tilespmem:$0x2000] =	vst v63  }
0x34: {  	s18 =	sadd.s32 $0x10, s18  }
0x35: {  	v2 =	vnsel vm1, $0x0, v2;
	p1 =	slt.u32 s18, $0x7F0  }
.Ltmp3:
0x36: {  	s15 =	smov.u32 s16;
	v1 =	vmin.u32 v2, $0x61A7F;
	(pc) =	sbr.rel @p1 .LBB2_3-.Ltmp3, $3  }
0x37: {  	_ =	sdelay $0x1  }
0x38: {  	s17 =	sadd.s32 $0x10, s17  }
0x39: {  	vm1 =	vgt.s32 v0, $0x0;
	s16 =	sadd.s32 $0x10, s16;
	v2 =	vmov v0;
	(ifvalue) =	ssetifvalue $0x7FFFFFFF;
	v0 =	vld.msk [tilespmem:s17+$0x0 ss:$0x1], $0xffff  }
.Ltmp4:
0x3a: {  	_ = 	snop;
	(pc) =	sbr.rel .LBB2_4-.Ltmp4, $1  }
0x3b: {  	_ =	sdelay $0x3  }
.LBB2_6:
0x3c: {  	_ =	sfence.sel $0x180000  }
0x3d: {  	s2 =	simm.s32 $0x2;
	[bflag:$0x0] =	sbarrier.arrive $0xFFFF  }
0x3e: {  	s30 =	simm.s32 $0x3;
	[sflag:s2] =	ssyncpa.u1 $0x1  }
0x3f: {  	s31 =	simm.s32 $0x1;
	[sflag:s30] =	ssyncpa.u1 $0x1  }
0x40: {  	[sflag:s31] =	ssyncpa.u1 $0x1  }
0x41: {  	p0 =	sne.s32 s1, $0x0;
	_ =	strace $0x90000056  }
0x42: {  	s0 =	sadd.s32 @!p0 $0x100000, s0;
	[bflag:$0x2] =	sbarrier.arrive $0xFFFF  }
0x43: {  	[sflag:s0] =	ssyncadd.tile.s32 @!p0 $0x1;
	_ =	shalt  }
.Lfunc_end2:
_tile_overlayer_lowered:
.L_overlay_start_2:
0x44: {  	(tag) =	ssettag $0x2  }
0x45: {  	s0 =	rddreg [dreg:$0x0];
	s2 =	stileid.u32  }
0x46: {  	s1 =	rddreg [dreg:$0x1];
	p0 =	sne.s32 s2, $0x0  }
0x47: {  	s3 =	rddreg [dreg:$0x2];
	[bflag:$0x3] =	sbarrier.arrive $0xFFFF;
	s2 =	simm.s32 @!p0 $0x1C01  }
0x48: {  	[timem:s3], [sflag:s2] =	dma.local @!p0 [hbm:s0], s1  }
0x49: {  	s0 =	simm.s32 @!p0 $0x1  }
0x4a: {  	_ =	swait.ge @!p0 [sflag:s0], s1  }
0x4b: {  	s1 =	ssub.s32 @!p0 $0x0, s1;
	[sflag:s0] =	ssyncset.done @!p0 $0x0  }
0x4c: {  	[sflag:s0] =	ssyncadd.s32 @!p0 s1  }
0x4d: {  	[bflag:$0x3] =	sbarrier.arrive $0xFFFF  }
0x4e: {  	_ =	shalt  }

// kernel: gather_offload_async_start
scs
__scs_entry_jumppad:
0x0: {  	(pc) =	sbr.rel $0x88, $3  }
0x1: {  	(tag) =	ssettag $0x0;
	lr =	simm.s32 $0x1  }
0x2: {  	[smem:$0x3F96] =	sst lr;
	_ =	strace $0xD0000000  }
0x3: {  	_ = 	snop  }
0x4: {  	_ = 	snop  }
0x5: {  	_ = 	snop  }
0x6: {  	_ = 	snop  }
0x7: {  	_ = 	snop  }
__scs_overlays_trampoline_lowered:
0x8: {  	[smem:$0x3FA5] =	sst s0  }
0x9: {  	[smem:$0x3FA6] =	sst s1  }
0xa: {  	[smem:$0x3FA7] =	sst s2  }
0xb: {  	[smem:$0x3FA8] =	sst s3  }
0xc: {  	[smem:$0x3FA9] =	sst s4  }
0xd: {  	[smem:$0x3FAA] =	sst s5  }
0xe: {  	[smem:$0x3FAB] =	sst s6  }
0xf: {  	[smem:$0x3FAC] =	sst s7  }
0x10: {  	[smem:$0x3FAD] =	sst s8  }
0x11: {  	[smem:$0x3FAE] =	sst s9;
	s0 =	simm.s32 @!p0 $0x0  }
0x12: {  	s1 =	sld [smem:$0x3F94];
	s0 =	simm.s32 @p0 $0x1  }
0x13: {  	[smem:$0x3FAF] =	sst s0;
	s0 =	simm.s32 @!p1 $0x0  }
0x14: {  	s2 =	sld [smem:$0x3F93];
	s0 =	simm.s32 @p1 $0x1  }
0x15: {  	[smem:$0x3FB0] =	sst s0;
	s0 =	simm.s32 @!p2 $0x0  }
0x16: {  	s3 =	sld [smem:$0x3FDB];
	s0 =	simm.s32 @p2 $0x1  }
0x17: {  	s4 =	simm.s32 $0x1BF5;
	[smem:$0x3FB2] =	sst s0  }
0x18: {  	s0 =	sld [smem:$0x3F95];
	_ =	swait.ge [sflag:s4], $0x0  }
0x19: {  	s7 =	sld [smem:$0x3F96]  }
0x1a: {  	s8 =	sadd.s32 $0xFFFFE003, lr  }
0x1b: {  	s9 =	sadd.s32 $0xFFFFFEF7, lr;
	s5 =	simm.s32 $0xFFFFFFFF;
	p2 =	slt.u32 s8, $0xFFFFF086  }
0x1c: {  	p1 =	slt.u32 s9, $0xF7A;
	s5 =	simm.s32 @!p2 $0x0  }
0x1d: {  	s5 =	simm.s32 @p1 $0x1;
	p0 =	seq.s32 s7, s2  }
0x1e: {  	s7 =	smul.u32 @!p0 $0xF7A, s2;
	p2 =	seq.s32 @!p0 s5, $0x0  }
0x1f: {  	s9 =	smul.u32 $0xF7A, s1;
	s8 =	simm.s32 @!p0 $0x1BF5;
	p2 =	por !p2, p0  }
0x20: {  	[sflag:s8] =	ssyncset.s32 @!p0 $0xFFFFF086;
	s6 =	sadd.s32 @!p0 s3, s7;
	s7 =	simm.s32 @!p0 $0x108  }
0x21: {  	s3 =	sadd.s32 s3, s9;
	s6 =	sadd.s32 @!p0 $0x88, s6;
	s7 =	simm.s32 @p2 $0x1082  }
0x22: {  	[simem:s7], [sflag:s8] =	dma.local @!p0 [hbm:s6], $0xF7A  }
0x23: {  	s9 =	sor.u32 $0xD0000000, s2;
	s6 =	simm.s32 $0x108;
	_ =	swait.ge @!p0 [sflag:s8], $0x0  }
0x24: {  	s3 =	sadd.s32 $0x88, s3;
	s6 =	simm.s32 @!p1 $0x1082;
	[sflag:s4] =	ssyncset.s32 $0xFFFFF086  }
0x25: {  	[simem:s6], [sflag:s4] =	dma.local [hbm:s3], $0xF7A  }
0x26: {  	[smem:$0x3F96] =	sst s1;
	(tag) =	ssettag s2;
	_ =	strace s9  }
0x27: {  	s1 =	sld [smem:$0x3FA6]  }
0x28: {  	s2 =	sld [smem:$0x3FA7]  }
0x29: {  	s4 =	sld [smem:$0x3FA9]  }
0x2a: {  	p0 =	seq.s32 s5, $0x0;
	s5 =	sld [smem:$0x3FAA]  }
0x2b: {  	s6 =	sld [smem:$0x3FAB]  }
0x2c: {  	s7 =	sld [smem:$0x3FAC]  }
0x2d: {  	s3 =	simm.s32 $0x108;
	s8 =	sld [smem:$0x3FAD]  }
0x2e: {  	s3 =	simm.s32 @!p0 $0x1082;
	s9 =	sld [smem:$0x3FAE]  }
0x2f: {  	lr =	sadd.s32 s0, s3;
	s0 =	sld [smem:$0x3FA5]  }
0x30: {  	s3 =	sld [smem:$0x3FA8]  }
0x31: {  	[smem:$0x3FB1] =	sst s10  }
0x32: {  	s10 =	sld [smem:$0x3FAF];
	_ =	sdelay $0x3  }
0x33: {  	p0 =	seq.s32 s10, $0x1;
	s10 =	sld [smem:$0x3FB1];
	_ =	sdelay $0x3  }
0x34: {  	[smem:$0x3FB1] =	sst s10  }
0x35: {  	s10 =	sld [smem:$0x3FB0];
	_ =	sdelay $0x3  }
0x36: {  	p1 =	seq.s32 s10, $0x1;
	s10 =	sld [smem:$0x3FB1];
	_ =	sdelay $0x3  }
0x37: {  	[smem:$0x3FB1] =	sst s10  }
0x38: {  	s10 =	sld [smem:$0x3FB2]  }
0x39: {  	_ = 	snop;
	(pc) =	sbr.ind lr, $3  }
0x3a: {  	_ = 	snop  }
0x3b: {  	_ = 	snop  }
0x3c: {  	p2 =	seq.s32 s10, $0x1;
	s10 =	sld [smem:$0x3FB1]  }
0x3d: {  	_ =	shalt  }
0x3e: {  	_ =	shalt  }
0x3f: {  	_ =	shalt  }
0x40: {  	_ =	shalt  }
0x41: {  	_ =	shalt  }
0x42: {  	_ =	shalt  }
0x43: {  	_ =	shalt  }
0x44: {  	_ =	shalt  }
0x45: {  	_ =	shalt  }
0x46: {  	_ =	shalt  }
0x47: {  	_ =	shalt  }
0x48: {  	_ =	shalt  }
0x49: {  	_ =	shalt  }
0x4a: {  	_ =	shalt  }
0x4b: {  	_ =	shalt  }
0x4c: {  	_ =	shalt  }
0x4d: {  	_ =	shalt  }
0x4e: {  	_ =	shalt  }
0x4f: {  	_ =	shalt  }
0x50: {  	_ =	shalt  }
0x51: {  	_ =	shalt  }
0x52: {  	_ =	shalt  }
0x53: {  	_ =	shalt  }
0x54: {  	_ =	shalt  }
0x55: {  	_ =	shalt  }
0x56: {  	_ =	shalt  }
0x57: {  	_ =	shalt  }
0x58: {  	_ =	shalt  }
0x59: {  	_ =	shalt  }
0x5a: {  	_ =	shalt  }
0x5b: {  	_ =	shalt  }
0x5c: {  	_ =	shalt  }
0x5d: {  	_ =	shalt  }
0x5e: {  	_ =	shalt  }
0x5f: {  	_ =	shalt  }
0x60: {  	_ =	shalt  }
0x61: {  	_ =	shalt  }
0x62: {  	_ =	shalt  }
0x63: {  	_ =	shalt  }
0x64: {  	_ =	shalt  }
0x65: {  	_ =	shalt  }
0x66: {  	_ =	shalt  }
0x67: {  	_ =	shalt  }
0x68: {  	_ =	shalt  }
0x69: {  	_ =	shalt  }
0x6a: {  	_ =	shalt  }
0x6b: {  	_ =	shalt  }
0x6c: {  	_ =	shalt  }
0x6d: {  	_ =	shalt  }
0x6e: {  	_ =	shalt  }
0x6f: {  	_ =	shalt  }
0x70: {  	_ =	shalt  }
0x71: {  	_ =	shalt  }
0x72: {  	_ =	shalt  }
0x73: {  	_ =	shalt  }
0x74: {  	_ =	shalt  }
0x75: {  	_ =	shalt  }
0x76: {  	_ =	shalt  }
0x77: {  	_ =	shalt  }
0x78: {  	_ =	shalt  }
0x79: {  	_ =	shalt  }
0x7a: {  	_ =	shalt  }
0x7b: {  	_ =	shalt  }
0x7c: {  	_ =	shalt  }
0x7d: {  	_ =	shalt  }
0x7e: {  	_ =	shalt  }
0x7f: {  	_ =	shalt  }
0x80: {  	_ =	shalt  }
0x81: {  	_ =	shalt  }
0x82: {  	_ =	shalt  }
0x83: {  	_ =	shalt  }
0x84: {  	_ =	shalt  }
0x85: {  	_ =	shalt  }
0x86: {  	_ =	shalt  }
0x87: {  	_ =	shalt  }
.Lfunc_end0:
.L_simem_size_0:
called_computation.3_lowered:
.L_overlay_start_0:
0x88: {  	s2 =	sld [smem:$0x3FD9]  }
0x89: {  	s3 =	sld [smem:$0x3FFE];
	_ =	sdelay $0x1  }
0x8a: {  	s1 =	srdreg.scid  }
0x8b: {  	s0 =	sand.u32 $0x1, s1  }
0x8c: {  	s16 =	sshll.u32 s0, $0xA;
	s2 =	sadd.s32 s3, s2  }
0x8d: {  	s2 =	sadd.s32 s2, s16  }
0x8e: {  	[smem:$0x3FBD] =	sst s2  }
0x8f: {  	_ = 	snop  }
0x90: {  	(tm) =	ssettm $0x1  }
0x91: {  	s17 =	sld [smem:$0x3FFB];
	_ =	sdelay $0x3  }
0x92: {  	_ =	strace s17  }
0x93: {  	s2 =	sld [smem:$0x3FFC];
	_ =	sdelay $0x3  }
0x94: {  	_ =	strace s2  }
0x95: {  	s2 =	sld [smem:$0x3FFD];
	_ =	sdelay $0x3  }
0x96: {  	_ =	strace s2  }
0x97: {  	_ =	strace $0x8FFFFFFF  }
0x98: {  	s18 =	sld [smem:$0x3FDB];
	_ =	sdelay $0x1  }
0x99: {  	s19 =	simm.s32 $_scs_section_size  }
0x9a: {  	s4 =	simm.s32 $_size__tile_overlayer_lowered;
	s5 =	simm.s32 $_tile_overlayer_lowered  }
0x9b: {  	s22 =	simm.s32 $0x1BFF;
	s21 =	sshll.u32 s5, $0x1;
	s2 =	sadd.s32 s19, s18  }
0x9c: {  	s6 =	simm.s32 $0x0;
	s20 =	sshll.u32 s4, $0x1;
	s4 =	sadd.s32 s21, s2  }
0x9d: {  	[timem:s6], [sflag:s22] =	dma.local [hbm:s4], s20  }
0x9e: {  	_ =	swait.ge [sflag:s22], s20  }
0x9f: {  	s3 =	ssub.s32 $0x0, s20;
	[sflag:s22] =	ssyncset.done $0x0  }
0xa0: {  	[sflag:s22] =	ssyncadd.s32 s3;
	_ =	sdelay $0x1  }
0xa1: {  	s23 =	simm.s32 $0x1B8B  }
0xa2: {  	_ =	swait.ge [sflag:s23], $0x1  }
0xa3: {  	[sflag:s23] =	ssyncset.done $0x0  }
0xa4: {  	s25 =	simm.s32 $0x1B8E;
	s24 =	sld [smem:$0x3FFE];
	[sflag:s23] =	ssyncadd.s32 $0xFFFFFFFF  }
0xa5: {  	s26 =	simm.s32 $execute0_lowered;
	[smem:$0x3FD2] =	sst s25  }
0xa6: {  	s4 =	sshll.u32 s26, $0x1;
	_ =	strace $0x8000004C;
	[dreg:$0x1] =	wrdreg $0xFFFFFFFF  }
0xa7: {  	s28 =	simm.s32 $_size_execute0_lowered;
	s2 =	sadd.s32 s2, s4;
	[dreg:$0x0] =	wrdreg $0x0  }
0xa8: {  	s4 =	sshll.u32 s28, $0x1;
	[dreg:$0x2] =	wrdreg s2  }
0xa9: {  	[dreg:$0x3] =	wrdreg s4  }
0xaa: {  	[dreg:$0x4] =	wrdreg $0xC0  }
0xab: {  	_ =	task [dreg:s6], $0x5FFFF  }
0xac: {  	[dreg:$0x1] =	wrdreg $0xFFFFFFFF  }
0xad: {  	[dreg:$0x0] =	wrdreg $0x60  }
0xae: {  	[dreg:$0x2] =	wrdreg s24  }
0xaf: {  	[dreg:$0x3] =	wrdreg $0x9  }
0xb0: {  	_ =	task.clear_ibuf [dreg:s6], $0x4FFFF;
	_ =	strace $0x9000004C  }
0xb1: {  	s29 =	simm.s32 $0x9;
	_ =	strace $0x8000004E  }
0xb2: {  	_ =	swait.ge [sflag:s29], $0x1  }
0xb3: {  	[sflag:s29] =	ssyncadd.s32 $0xFFFFFFFF  }
0xb4: {  	_ =	strace $0x9000004E  }
0xb5: {  	_ =	sfence  }
0xb6: {  	s30 =	sld [smem:$0x0];
	_ =	sdelay $0x2  }
0xb7: {  	s31 =	sshll.u32 s1, $0xD;
	s1 =	sshrl.u32 s1, $0x2  }
0xb8: {  	s3 =	sand.u32 $0x4000, s31;
	s1 =	sadd.s32 s1, s30  }
0xb9: {  	s0 =	sor.u32 s3, s0;
	s1 =	sshll.u32 s1, $0x11  }
0xba: {  	s0 =	sor.u32 s1, s0  }
0xbb: {  	s0 =	sadd.s32 $0x8F2B, s0  }
0xbc: {  	[sflag:s0] =	ssyncadd.remote.s32 $0x1  }
0xbd: {  	_ =	sfence.sel $0xFFFF  }
0xbe: {  	[dreg:$0x0] =	wrdreg $0xFFFFFFFF;
	(pc) =	sbr.abs _section_cstart, $3  }
0xbf: {  	[dreg:$0x1] =	wrdreg $0xFFFFFFFF  }
0xc0: {  	_ =	task.clear_ibuf [dreg:s6], $0x2FFFF;
	_ =	strace $0x9FFFFFFF  }
0xc1: {  	(tm) =	ssettm $0x7FFFFFFF  }
tec
execute0_lowered:
.L_overlay_start_1:
0x0: {  	(tag) =	ssettag $0x1  }
0x1: {  	s0 =	srdreg.scid  }
0x2: {  	s2 =	rddreg [dreg:$0x0];
	s1 =	stileid.u32;
	s6 =	simm.s32 $0x1  }
0x3: {  	s9 =	simm.s32 $0x1;
	s10 =	simm.s32 $0x3;
	s3 =	sshll.u32 s0, $0x8  }
0x4: {  	s13 =	simm.s32 $0x0;
	s4 =	sshll.u32 s1, $0x9;
	s3 =	sand.u32 $0x100, s3  }
0x5: {  	s12 =	simm.s32 $0x0;
	s0 =	rddreg [dreg:$0x1];
	s3 =	sor.u32 s4, s3  }
0x6: {  	_ =	strace $0x8000004D;
	s5 =	sadd.s32 $0x191000, s2;
	s8 =	ssub.s32 $0x4000, s3  }
.Ltmp0:
0x7: {  	[sflag:s6] =	ssyncpa.u1 $0x0;
	s7 =	sand.u32 $0x1F00, s8;
	(pc) =	sbr.rel .LBB2_1-.Ltmp0, $4  }
0x8: {  	s4 =	sadd.s32 $0x192200, s2;
	s11 =	smov.u32 s3;
	p0 =	sne.s32 s7, $0x0  }
0x9: {  	s8 =	sshrl.u32 s8, $0xD;
	s7 =	simm.s32 $0x2;
	s9 =	simm.s32 @!p0 $0x0  }
0xa: {  	[sflag:s7] =	ssyncpa.u1 $0x0;
	p0 =	por $0x0, $0x0;
	s8 =	sadd.s32 s9, s8  }
0xb: {  	vm0 =	vmmov $0xffff;
	[sflag:s10] =	ssyncpa.u1 $0x0;
	s10 =	simm.s32 $0x0;
	s9 =	sadd.s32 $0x1, s8  }
.LBB2_4:
0xc: {  	v2 =	vnsel vm1, $0x0, v2  }
0xd: {  	vm1 =	vgt.s32 v0, $0x0;
	v2 =	vmin.u32 v2, $0x61A7FF  }
0xe: {  	v0 =	vnsel vm1, $0x0, v0  }
0xf: {  	v0 =	vmin.u32 v0, $0x61A7FF  }
0x10: {  	[tilespmem:s15], [sflag:$0x1] =	stream.indirect_vreg.gather [hbm4b:s2+s10], $0x1, v1, vm0, $0x4038;
	[tilespmem:$0x400] =	vst v63  }
0x11: {  	(ifvalue) =	ssetifvalue $0x7FFFFFFF  }
0x12: {  	[tilespmem:s16], [sflag:$0x1] =	stream.indirect_vreg.gather [hbm4b:s2+s10], $0x1, v2, vm0, $0x4038;
	[tilespmem:$0x400] =	vst v63  }
0x13: {  	s29 =	sadd.s32 $0x10, s16;
	(ifvalue) =	ssetifvalue $0x7FFFFFFF  }
0x14: {  	[tilespmem:s29], [sflag:$0x1] =	stream.indirect_vreg.gather [hbm4b:s2+s10], $0x1, v0, vm0, $0x4038;
	[tilespmem:$0x400] =	vst v63  }
0x15: {  	_ =	swait.ge [sflag:s6], $0x100  }
0x16: {  	s30 =	sshrl.u32 s13, $0x3;
	[sflag:s6] =	ssyncset.done $0x0  }
0x17: {  	s31 =	sand.u32 $0x7, s13;
	s15 =	sadd.s32 s5, s30;
	[sflag:s6] =	ssyncadd.s32 $0xFFFFFF00  }
0x18: {  	[hbm4b:s15+s31] =	stream.linear.scatter [tilespmem:s14], [sflag:$0x3], $0x100, $0x38;
	[tilespmem:$0x400] =	vst v63  }
.LBB2_5:
0x19: {  	s15 =	sadd.s32 $0x2000, s11  }
0x1a: {  	p2 =	sgt.s32 s15, $0x3FFF  }
0x1b: {  	s15 =	smov.u32 @p2 s3;
	p2 =	sne.s32 s12, s9  }
.Ltmp1:
0x1c: {  	p1 =	slt.u32 s12, $0x2;
	(pc) =	sbr.rel @!p2 .LBB2_6-.Ltmp1, $4  }
0x1d: {  	s14 =	simm.s32 @!p1 $0x3  }
0x1e: {  	s16 =	sadd.s32 $0x1, s12;
	_ =	swait.ge @!p1 [sflag:s14], $0x100  }
0x1f: {  	s13 =	smov.u32 s11;
	p0 =	por !p0, !p0;
	[sflag:s14] =	ssyncset.done @!p1 $0x0  }
0x20: {  	s12 =	smov.u32 s16;
	s11 =	smov.u32 s15;
	[sflag:s14] =	ssyncadd.s32 @!p1 $0xFFFFFF00  }
.LBB2_1:
0x21: {  	p1 =	sge.u32 s12, s8  }
0x22: {  	s14 =	sxor.u32 @!p1 $0xFFFFFFFF, s12  }
0x23: {  	s31 =	sadd.s32 $0xFFFFFFFF, s12;
	s15 =	sshrl.u32 @!p1 s11, $0x3;
	s14 =	sshll.u32 @!p1 s14, $0x8  }
0x24: {  	s16 =	sand.u32 @!p1 $0x7, s11;
	s15 =	sadd.s32 @!p1 s4, s15;
	s14 =	sand.u32 @!p1 $0x100, s14  }
0x25: {  	[tilespmem:s14], [sflag:$0x2] =	stream.linear.gather @!p1 [hbm4b:s15+s16], $0x100, $0x38;
	[tilespmem:$0x400] =	vst v63  }
0x26: {  	p1 =	sge.u32 s31, s8  }
.Ltmp2:
0x27: {  	_ = 	snop;
	(pc) =	sbr.rel @p1 .LBB2_5-.Ltmp2, $1  }
0x28: {  	_ =	sdelay $0x3  }
0x29: {  	s14 =	simm.s32 $0x1  }
0x2a: {  	_ =	swait.ge [sflag:s7], $0x100;
	s14 =	simm.s32 @!p0 $0x0  }
0x2b: {  	[sflag:s7] =	ssyncset.done $0x0;
	s14 =	sshll.u32 s14, $0x8  }
0x2c: {  	[sflag:s7] =	ssyncadd.s32 $0xFFFFFF00;
	(ifvalue) =	ssetifvalue $0x7FFFFFFF;
	v0 =	vld.msk [tilespmem:s14+$0x0 ss:$0x1], $0xffff;
	_ =	sdelay $0x4  }
0x2d: {  	s15 =	sadd.s32 $0x10, s14;
	vm1 =	vgt.s32 v0, $0x0  }
0x2e: {  	v2 =	vld.msk [tilespmem:s15+$0x0 ss:$0x1], $0xffff;
	v1 =	vnsel vm1, $0x0, v0  }
0x2f: {  	v1 =	vmin.u32 v1, $0x61A7FF;
	_ =	sdelay $0x1  }
0x30: {  	s16 =	sshll.u32 s12, $0x8;
	s18 =	simm.s32 $0x20  }
0x31: {  	s16 =	sand.u32 $0x100, s16;
	s17 =	sadd.s32 $0x10, s15;
	s15 =	sor.u32 $0x200, s14  }
0x32: {  	s14 =	sor.u32 $0x200, s16;
	s16 =	sadd.s32 $0x10, s15;
	v0 =	vld.msk [tilespmem:s17+$0x0 ss:$0x1], $0xffff;
	vm1 =	vgt.s32 v2, $0x0;
	(ifvalue) =	ssetifvalue $0x7FFFFFFF  }
.LBB2_3:
0x33: {  	[tilespmem:s15], [sflag:$0x1] =	stream.indirect_vreg.gather [hbm4b:s2+s10], $0x1, v1, vm0, $0x4038;
	[tilespmem:$0x400] =	vst v63  }
0x34: {  	s18 =	sadd.s32 $0x10, s18  }
0x35: {  	v2 =	vnsel vm1, $0x0, v2;
	p1 =	slt.u32 s18, $0xF0  }
.Ltmp3:
0x36: {  	s15 =	smov.u32 s16;
	v1 =	vmin.u32 v2, $0x61A7FF;
	(pc) =	sbr.rel @p1 .LBB2_3-.Ltmp3, $3  }
0x37: {  	_ =	sdelay $0x1  }
0x38: {  	s17 =	sadd.s32 $0x10, s17  }
0x39: {  	vm1 =	vgt.s32 v0, $0x0;
	s16 =	sadd.s32 $0x10, s16;
	v2 =	vmov v0;
	(ifvalue) =	ssetifvalue $0x7FFFFFFF;
	v0 =	vld.msk [tilespmem:s17+$0x0 ss:$0x1], $0xffff  }
.Ltmp4:
0x3a: {  	_ = 	snop;
	(pc) =	sbr.rel .LBB2_4-.Ltmp4, $1  }
0x3b: {  	_ =	sdelay $0x3  }
.LBB2_6:
0x3c: {  	_ =	sfence.sel $0x180000  }
0x3d: {  	s2 =	simm.s32 $0x2;
	[bflag:$0x0] =	sbarrier.arrive $0xFFFF  }
0x3e: {  	s30 =	simm.s32 $0x3;
	[sflag:s2] =	ssyncpa.u1 $0x1  }
0x3f: {  	s31 =	simm.s32 $0x1;
	[sflag:s30] =	ssyncpa.u1 $0x1  }
0x40: {  	[sflag:s31] =	ssyncpa.u1 $0x1  }
0x41: {  	p0 =	sne.s32 s1, $0x0;
	_ =	strace $0x9000004D  }
0x42: {  	s0 =	sadd.s32 @!p0 $0x100000, s0;
	[bflag:$0x2] =	sbarrier.arrive $0xFFFF  }
0x43: {  	[sflag:s0] =	ssyncadd.tile.s32 @!p0 $0x1;
	_ =	shalt  }
.Lfunc_end2:
_tile_overlayer_lowered:
.L_overlay_start_2:
0x44: {  	(tag) =	ssettag $0x2  }
0x45: {  	s0 =	rddreg [dreg:$0x0];
	s2 =	stileid.u32  }
0x46: {  	s1 =	rddreg [dreg:$0x1];
	p0 =	sne.s32 s2, $0x0  }
0x47: {  	s3 =	rddreg [dreg:$0x2];
	[bflag:$0x3] =	sbarrier.arrive $0xFFFF;
	s2 =	simm.s32 @!p0 $0x1C01  }
0x48: {  	[timem:s3], [sflag:s2] =	dma.local @!p0 [hbm:s0], s1  }
0x49: {  	s0 =	simm.s32 @!p0 $0x1  }
0x4a: {  	_ =	swait.ge @!p0 [sflag:s0], s1  }
0x4b: {  	s1 =	ssub.s32 @!p0 $0x0, s1;
	[sflag:s0] =	ssyncset.done @!p0 $0x0  }
0x4c: {  	[sflag:s0] =	ssyncadd.s32 @!p0 s1  }
0x4d: {  	[bflag:$0x3] =	sbarrier.arrive $0xFFFF  }
0x4e: {  	_ =	shalt  }

// kernel: scatter_offload_async_start.1
scs
__scs_entry_jumppad:
0x0: {  	(pc) =	sbr.rel $0x88, $3  }
0x1: {  	(tag) =	ssettag $0x0;
	lr =	simm.s32 $0x1  }
0x2: {  	[smem:$0x3F96] =	sst lr;
	_ =	strace $0xD0000000  }
0x3: {  	_ = 	snop  }
0x4: {  	_ = 	snop  }
0x5: {  	_ = 	snop  }
0x6: {  	_ = 	snop  }
0x7: {  	_ = 	snop  }
__scs_overlays_trampoline_lowered:
0x8: {  	[smem:$0x3FA5] =	sst s0  }
0x9: {  	[smem:$0x3FA6] =	sst s1  }
0xa: {  	[smem:$0x3FA7] =	sst s2  }
0xb: {  	[smem:$0x3FA8] =	sst s3  }
0xc: {  	[smem:$0x3FA9] =	sst s4  }
0xd: {  	[smem:$0x3FAA] =	sst s5  }
0xe: {  	[smem:$0x3FAB] =	sst s6  }
0xf: {  	[smem:$0x3FAC] =	sst s7  }
0x10: {  	[smem:$0x3FAD] =	sst s8  }
0x11: {  	[smem:$0x3FAE] =	sst s9;
	s0 =	simm.s32 @!p0 $0x0  }
0x12: {  	s1 =	sld [smem:$0x3F94];
	s0 =	simm.s32 @p0 $0x1  }
0x13: {  	[smem:$0x3FAF] =	sst s0;
	s0 =	simm.s32 @!p1 $0x0  }
0x14: {  	s2 =	sld [smem:$0x3F93];
	s0 =	simm.s32 @p1 $0x1  }
0x15: {  	[smem:$0x3FB0] =	sst s0;
	s0 =	simm.s32 @!p2 $0x0  }
0x16: {  	s3 =	sld [smem:$0x3FDB];
	s0 =	simm.s32 @p2 $0x1  }
0x17: {  	s4 =	simm.s32 $0x1BF5;
	[smem:$0x3FB2] =	sst s0  }
0x18: {  	s0 =	sld [smem:$0x3F95];
	_ =	swait.ge [sflag:s4], $0x0  }
0x19: {  	s7 =	sld [smem:$0x3F96]  }
0x1a: {  	s8 =	sadd.s32 $0xFFFFE003, lr  }
0x1b: {  	s9 =	sadd.s32 $0xFFFFFEF7, lr;
	s5 =	simm.s32 $0xFFFFFFFF;
	p2 =	slt.u32 s8, $0xFFFFF086  }
0x1c: {  	p1 =	slt.u32 s9, $0xF7A;
	s5 =	simm.s32 @!p2 $0x0  }
0x1d: {  	s5 =	simm.s32 @p1 $0x1;
	p0 =	seq.s32 s7, s2  }
0x1e: {  	s7 =	smul.u32 @!p0 $0xF7A, s2;
	p2 =	seq.s32 @!p0 s5, $0x0  }
0x1f: {  	s9 =	smul.u32 $0xF7A, s1;
	s8 =	simm.s32 @!p0 $0x1BF5;
	p2 =	por !p2, p0  }
0x20: {  	[sflag:s8] =	ssyncset.s32 @!p0 $0xFFFFF086;
	s6 =	sadd.s32 @!p0 s3, s7;
	s7 =	simm.s32 @!p0 $0x108  }
0x21: {  	s3 =	sadd.s32 s3, s9;
	s6 =	sadd.s32 @!p0 $0x88, s6;
	s7 =	simm.s32 @p2 $0x1082  }
0x22: {  	[simem:s7], [sflag:s8] =	dma.local @!p0 [hbm:s6], $0xF7A  }
0x23: {  	s9 =	sor.u32 $0xD0000000, s2;
	s6 =	simm.s32 $0x108;
	_ =	swait.ge @!p0 [sflag:s8], $0x0  }
0x24: {  	s3 =	sadd.s32 $0x88, s3;
	s6 =	simm.s32 @!p1 $0x1082;
	[sflag:s4] =	ssyncset.s32 $0xFFFFF086  }
0x25: {  	[simem:s6], [sflag:s4] =	dma.local [hbm:s3], $0xF7A  }
0x26: {  	[smem:$0x3F96] =	sst s1;
	(tag) =	ssettag s2;
	_ =	strace s9  }
0x27: {  	s1 =	sld [smem:$0x3FA6]  }
0x28: {  	s2 =	sld [smem:$0x3FA7]  }
0x29: {  	s4 =	sld [smem:$0x3FA9]  }
0x2a: {  	p0 =	seq.s32 s5, $0x0;
	s5 =	sld [smem:$0x3FAA]  }
0x2b: {  	s6 =	sld [smem:$0x3FAB]  }
0x2c: {  	s7 =	sld [smem:$0x3FAC]  }
0x2d: {  	s3 =	simm.s32 $0x108;
	s8 =	sld [smem:$0x3FAD]  }
0x2e: {  	s3 =	simm.s32 @!p0 $0x1082;
	s9 =	sld [smem:$0x3FAE]  }
0x2f: {  	lr =	sadd.s32 s0, s3;
	s0 =	sld [smem:$0x3FA5]  }
0x30: {  	s3 =	sld [smem:$0x3FA8]  }
0x31: {  	[smem:$0x3FB1] =	sst s10  }
0x32: {  	s10 =	sld [smem:$0x3FAF];
	_ =	sdelay $0x3  }
0x33: {  	p0 =	seq.s32 s10, $0x1;
	s10 =	sld [smem:$0x3FB1];
	_ =	sdelay $0x3  }
0x34: {  	[smem:$0x3FB1] =	sst s10  }
0x35: {  	s10 =	sld [smem:$0x3FB0];
	_ =	sdelay $0x3  }
0x36: {  	p1 =	seq.s32 s10, $0x1;
	s10 =	sld [smem:$0x3FB1];
	_ =	sdelay $0x3  }
0x37: {  	[smem:$0x3FB1] =	sst s10  }
0x38: {  	s10 =	sld [smem:$0x3FB2]  }
0x39: {  	_ = 	snop;
	(pc) =	sbr.ind lr, $3  }
0x3a: {  	_ = 	snop  }
0x3b: {  	_ = 	snop  }
0x3c: {  	p2 =	seq.s32 s10, $0x1;
	s10 =	sld [smem:$0x3FB1]  }
0x3d: {  	_ =	shalt  }
0x3e: {  	_ =	shalt  }
0x3f: {  	_ =	shalt  }
0x40: {  	_ =	shalt  }
0x41: {  	_ =	shalt  }
0x42: {  	_ =	shalt  }
0x43: {  	_ =	shalt  }
0x44: {  	_ =	shalt  }
0x45: {  	_ =	shalt  }
0x46: {  	_ =	shalt  }
0x47: {  	_ =	shalt  }
0x48: {  	_ =	shalt  }
0x49: {  	_ =	shalt  }
0x4a: {  	_ =	shalt  }
0x4b: {  	_ =	shalt  }
0x4c: {  	_ =	shalt  }
0x4d: {  	_ =	shalt  }
0x4e: {  	_ =	shalt  }
0x4f: {  	_ =	shalt  }
0x50: {  	_ =	shalt  }
0x51: {  	_ =	shalt  }
0x52: {  	_ =	shalt  }
0x53: {  	_ =	shalt  }
0x54: {  	_ =	shalt  }
0x55: {  	_ =	shalt  }
0x56: {  	_ =	shalt  }
0x57: {  	_ =	shalt  }
0x58: {  	_ =	shalt  }
0x59: {  	_ =	shalt  }
0x5a: {  	_ =	shalt  }
0x5b: {  	_ =	shalt  }
0x5c: {  	_ =	shalt  }
0x5d: {  	_ =	shalt  }
0x5e: {  	_ =	shalt  }
0x5f: {  	_ =	shalt  }
0x60: {  	_ =	shalt  }
0x61: {  	_ =	shalt  }
0x62: {  	_ =	shalt  }
0x63: {  	_ =	shalt  }
0x64: {  	_ =	shalt  }
0x65: {  	_ =	shalt  }
0x66: {  	_ =	shalt  }
0x67: {  	_ =	shalt  }
0x68: {  	_ =	shalt  }
0x69: {  	_ =	shalt  }
0x6a: {  	_ =	shalt  }
0x6b: {  	_ =	shalt  }
0x6c: {  	_ =	shalt  }
0x6d: {  	_ =	shalt  }
0x6e: {  	_ =	shalt  }
0x6f: {  	_ =	shalt  }
0x70: {  	_ =	shalt  }
0x71: {  	_ =	shalt  }
0x72: {  	_ =	shalt  }
0x73: {  	_ =	shalt  }
0x74: {  	_ =	shalt  }
0x75: {  	_ =	shalt  }
0x76: {  	_ =	shalt  }
0x77: {  	_ =	shalt  }
0x78: {  	_ =	shalt  }
0x79: {  	_ =	shalt  }
0x7a: {  	_ =	shalt  }
0x7b: {  	_ =	shalt  }
0x7c: {  	_ =	shalt  }
0x7d: {  	_ =	shalt  }
0x7e: {  	_ =	shalt  }
0x7f: {  	_ =	shalt  }
0x80: {  	_ =	shalt  }
0x81: {  	_ =	shalt  }
0x82: {  	_ =	shalt  }
0x83: {  	_ =	shalt  }
0x84: {  	_ =	shalt  }
0x85: {  	_ =	shalt  }
0x86: {  	_ =	shalt  }
0x87: {  	_ =	shalt  }
.Lfunc_end0:
.L_simem_size_0:
called_computation.1_lowered:
.L_overlay_start_0:
0x88: {  	s2 =	sld [smem:$0x3FD9]  }
0x89: {  	s3 =	sld [smem:$0x3FFE];
	_ =	sdelay $0x1  }
0x8a: {  	s1 =	srdreg.scid  }
0x8b: {  	s0 =	sand.u32 $0x1, s1  }
0x8c: {  	s17 =	sshll.u32 s0, $0xA;
	s2 =	sadd.s32 s3, s2  }
0x8d: {  	s2 =	sadd.s32 s2, s17  }
0x8e: {  	[smem:$0x3FBD] =	sst s2  }
0x8f: {  	_ = 	snop  }
0x90: {  	s18 =	sld [smem:$0x3FD0];
	(tm) =	ssettm $0x1  }
0x91: {  	s19 =	sld [smem:$0x3FFB];
	_ =	sdelay $0x3  }
0x92: {  	_ =	strace s19  }
0x93: {  	s2 =	sld [smem:$0x3FFC];
	_ =	sdelay $0x3  }
0x94: {  	_ =	strace s2  }
0x95: {  	s2 =	sld [smem:$0x3FFD];
	_ =	sdelay $0x3  }
0x96: {  	_ =	strace s2  }
0x97: {  	_ =	strace $0x8FFFFFFF  }
0x98: {  	s20 =	sld [smem:$0x3FDB];
	_ =	sdelay $0x1  }
0x99: {  	s4 =	simm.s32 $_scs_section_size  }
0x9a: {  	s5 =	simm.s32 $_size__tile_overlayer_lowered;
	s6 =	simm.s32 $_tile_overlayer_lowered  }
0x9b: {  	s7 =	simm.s32 $0x1BFF;
	s21 =	sshll.u32 s6, $0x1;
	s4 =	sadd.s32 s4, s20  }
0x9c: {  	s22 =	simm.s32 $0x0;
	s5 =	sshll.u32 s5, $0x1;
	s6 =	sadd.s32 s21, s4  }
0x9d: {  	[timem:s22], [sflag:s7] =	dma.local [hbm:s6], s5  }
0x9e: {  	_ =	swait.ge [sflag:s7], s5  }
0x9f: {  	s5 =	ssub.s32 $0x0, s5;
	[sflag:s7] =	ssyncset.done $0x0  }
0xa0: {  	[sflag:s7] =	ssyncadd.s32 s5;
	_ =	sdelay $0x1  }
0xa1: {  	s23 =	simm.s32 $0x1B8B  }
0xa2: {  	_ =	swait.ge [sflag:s23], $0x1  }
0xa3: {  	[sflag:s23] =	ssyncset.done $0x0  }
0xa4: {  	[sflag:s23] =	ssyncadd.s32 $0xFFFFFFFF  }
0xa5: {  	s5 =	sld [smem:$0x0]  }
0xa6: {  	s6 =	sand.u32 $0xFFFFFFFE, s1  }
0xa7: {  	p0 =	sne.s32 s1, s6  }
0xa8: {  	s6 =	sshll.u32 @p0 s6, $0xE  }
0xa9: {  	s6 =	sadd.s32 @p0 $0x11B8D, s6;
	s7 =	sshll.u32 @p0 s5, $0x11  }
0xaa: {  	s6 =	sor.u32 @p0 s7, s6  }
0xab: {  	[sflag:s6] =	ssyncadd.remote.s32 @p0 $0x1;
	_ =	sdelay $0x1  }
0xac: {  	s6 =	simm.s32 @p0 $0x1B8D  }
0xad: {  	_ =	swait.eq @p0 [sflag:s6], $0x1  }
0xae: {  	[sflag:s6] =	ssyncadd.s32 @p0 $0xFFFFFFFF  }
0xaf: {  	s7 =	sshll.u32 @!p0 s1, $0xE  }
0xb0: {  	s7 =	sor.u32 @!p0 $0x4000, s7;
	s6 =	simm.s32 @!p0 $0x1B8D  }
0xb1: {  	s8 =	sshll.u32 @!p0 s5, $0x11;
	s7 =	sadd.s32 @!p0 $0x11B8D, s7;
	_ =	swait.eq @!p0 [sflag:s6], $0x1  }
0xb2: {  	[sflag:s6] =	ssyncadd.s32 @!p0 $0xFFFFFFFF;
	s6 =	sor.u32 @!p0 s8, s7  }
0xb3: {  	s25 =	simm.s32 $0x1B8E;
	s24 =	sld [smem:$0x3FFE];
	[sflag:s6] =	ssyncadd.remote.s32 @!p0 $0x1  }
0xb4: {  	s26 =	simm.s32 $execute0_lowered;
	[smem:$0x3FD2] =	sst s25  }
0xb5: {  	s7 =	sshll.u32 s26, $0x1;
	_ =	strace $0x80000061;
	[dreg:$0x1] =	wrdreg $0xFFFFFFFF  }
0xb6: {  	s28 =	simm.s32 $_size_execute0_lowered;
	s4 =	sadd.s32 s4, s7;
	[dreg:$0x0] =	wrdreg $0x0  }
0xb7: {  	s7 =	sshll.u32 s28, $0x1;
	[dreg:$0x2] =	wrdreg s4  }
0xb8: {  	[dreg:$0x3] =	wrdreg s7  }
0xb9: {  	[dreg:$0x4] =	wrdreg $0xC0  }
0xba: {  	_ =	task [dreg:s22], $0x5FFFF  }
0xbb: {  	[dreg:$0x1] =	wrdreg $0xFFFFFFFF  }
0xbc: {  	[dreg:$0x0] =	wrdreg $0x60  }
0xbd: {  	[dreg:$0x2] =	wrdreg s24  }
0xbe: {  	[dreg:$0x3] =	wrdreg s18  }
0xbf: {  	[dreg:$0x4] =	wrdreg s1  }
0xc0: {  	[dreg:$0x5] =	wrdreg s5  }
0xc1: {  	[dreg:$0x6] =	wrdreg $0x9  }
0xc2: {  	_ =	task.clear_ibuf [dreg:s22], $0x7FFFF;
	_ =	strace $0x90000061  }
0xc3: {  	s29 =	simm.s32 $0x9;
	_ =	strace $0x80000063  }
0xc4: {  	_ =	swait.ge [sflag:s29], $0x1  }
0xc5: {  	[sflag:s29] =	ssyncadd.s32 $0xFFFFFFFF  }
0xc6: {  	_ =	strace $0x90000063  }
0xc7: {  	_ =	sfence  }
0xc8: {  	s30 =	sld [smem:$0x0];
	_ =	sdelay $0x2  }
0xc9: {  	s31 =	sshll.u32 s1, $0xD;
	s1 =	sshrl.u32 s1, $0x2  }
0xca: {  	s4 =	sand.u32 $0x4000, s31;
	s1 =	sadd.s32 s1, s30  }
0xcb: {  	s0 =	sor.u32 s4, s0;
	s1 =	sshll.u32 s1, $0x11  }
0xcc: {  	s0 =	sor.u32 s1, s0  }
0xcd: {  	s0 =	sadd.s32 $0x8F2B, s0  }
0xce: {  	[sflag:s0] =	ssyncadd.remote.s32 $0x1  }
0xcf: {  	_ =	sfence.sel $0xFFFF  }
0xd0: {  	[dreg:$0x0] =	wrdreg $0xFFFFFFFF;
	(pc) =	sbr.abs _section_cstart, $3  }
0xd1: {  	[dreg:$0x1] =	wrdreg $0xFFFFFFFF  }
0xd2: {  	_ =	task.clear_ibuf [dreg:s22], $0x2FFFF;
	_ =	strace $0x9FFFFFFF  }
0xd3: {  	(tm) =	ssettm $0x7FFFFFFF  }
tec
execute0_lowered:
.L_overlay_start_1:
0x0: {  	(tag) =	ssettag $0x1  }
0x1: {  	s2 =	rddreg [dreg:$0x0]  }
0x2: {  	s9 =	rddreg [dreg:$0x1]  }
0x3: {  	s3 =	rddreg [dreg:$0x2];
	_ =	strace $0x80000062;
	s0 =	simm.s32 $0x1  }
0x4: {  	v0 =	vimm.s32 $0x0;
	[sflag:s0] =	ssyncpa.u1 $0x0;
	s0 =	simm.s32 $0x108  }
0x5: {  	[tilespmem:s0+$0x70] =	vst v0  }
0x6: {  	[tilespmem:s0+$0x60] =	vst v0  }
0x7: {  	[tilespmem:s0+$0x50] =	vst v0  }
0x8: {  	[tilespmem:s0+$0x40] =	vst v0  }
0x9: {  	s1 =	sadd.s32 $0xF5200, s2;
	[tilespmem:s0+$0x30] =	vst v0  }
0xa: {  	s15 =	sadd.s32 $0x18CE00, s2;
	s3 =	sand.u32 $0x1, s3;
	s14 =	sadd.s32 $0xD0600, s2;
	[tilespmem:s0+$0x20] =	vst v0  }
0xb: {  	[dreg:$0x5] =	wrdreg s3;
	s16 =	sshll.u32 s3, $0xD;
	s3 =	simm.s32 $0x40;
	[tilespmem:s0+$0x10] =	vst v0  }
.LBB2_1:
0xc: {  	s3 =	sadd.s32 $0x40, s3;
	[tilespmem:s0+$0x0] =	vst v0;
	s0 =	sadd.s32 $0x80, s0  }
0xd: {  	p0 =	slt.u32 s3, $0x3C40;
	[tilespmem:s0+$0x70] =	vst v0  }
0xe: {  	[tilespmem:s0+$0x60] =	vst v0  }
.Ltmp0:
0xf: {  	[tilespmem:s0+$0x50] =	vst v0;
	(pc) =	sbr.rel @p0 .LBB2_1-.Ltmp0, $4  }
0x10: {  	[tilespmem:s0+$0x40] =	vst v0  }
0x11: {  	[tilespmem:s0+$0x30] =	vst v0  }
0x12: {  	[tilespmem:s0+$0x20] =	vst v0  }
0x13: {  	[tilespmem:s0+$0x10] =	vst v0  }
0x14: {  	s5 =	stileid.u32  }
0x15: {  	s2 =	smul.u32 $0x11, s5  }
0x16: {  	s3 =	smin.u32 s5, $0x2  }
0x17: {  	s2 =	sadd.s32 s3, s2  }
0x18: {  	p0 =	slt.u32 s5, $0x2;
	s7 =	smul.u32 $0xF0, s2;
	s2 =	simm.s32 $0x10E0  }
0x19: {  	s2 =	simm.s32 @!p0 $0xFF0  }
0x1a: {  	s2 =	sadd.s32 s2, s7  }
0x1b: {  	s8 =	smin.u32 s2, $0x10000  }
0x1c: {  	s2 =	ssub.s32 s8, s7  }
0x1d: {  	p0 =	sgt.s32 s2, $0x0  }
0x1e: {  	s2 =	simm.s32 @!p0 $0x0  }
0x1f: {  	s30 =	simm.s32 $0x2;
	s10 =	simm.s32 $0x9;
	s29 =	smulhi.u32 $0x88888889, s2  }
0x20: {  	s4 =	simm.s32 $0xA;
	s11 =	simm.s32 $0xB;
	s12 =	simm.s32 $0x1  }
0x21: {  	s14 =	sadd.s32 s16, s14;
	s15 =	sadd.s32 s16, s15;
	s31 =	sshrl.u32 s29, $0x7  }
0x22: {  	s22 =	simm.s32 $0x0;
	s18 =	simm.s32 $0xC;
	s3 =	smul.u32 $0xF0, s31  }
.Ltmp1:
0x23: {  	[tilespmem:s0+$0x0] =	vst v0;
	v0 =	vimm.s32 $0xFFFFFFFF;
	s20 =	simm.s32 $0x0;
	[sflag:s30] =	ssyncpa.u1 $0x0;
	(pc) =	sbr.rel .LBB2_3-.Ltmp1, $4  }
0x24: {  	[tilespmem:$0xF208] =	vst v0;
	[sflag:s10] =	ssyncpa.u1 $0x0;
	p0 =	sne.s32 s2, s3;
	s2 =	simm.s32 $0x1  }
0x25: {  	s21 =	simm.s32 $0x0;
	[sflag:s4] =	ssyncpa.u1 $0x0;
	s2 =	simm.s32 @!p0 $0x0  }
0x26: {  	s16 =	sshll.u32 s5, $0x8;
	[sflag:s11] =	ssyncpa.u1 $0x0;
	s13 =	sadd.s32 s2, s31  }
0x27: {  	v0 =	vlaneseq.u32;
	s19 =	smov.u32 s7;
	p0 =	por $0x0, $0x0;
	s17 =	sadd.s32 $0x1, s13  }
.LBB2_18:
0x28: {  	s0 =	sshrl.u32 s31, $0x2  }
.LBB2_20:
0x29: {  	_ =	swait.ge [sflag:s18], s0  }
0x2a: {  	s31 =	ssub.s32 $0x0, s0;
	v1 =	vmov s24;
	vm0 =	veq.s32 v0, $0x0;
	[sflag:s18] =	ssyncset.done $0x0  }
0x2b: {  	vm15 =	veq.s32 v0, $0x2;
	v1 =	vsel vm0, s30, v1;
	[sflag:s18] =	ssyncadd.s32 s31  }
0x2c: {  	v1 =	vsel vm15, s22, v1;
	[sflag:s18] =	ssyncpa.u1 $0x1  }
0x2d: {  	[tilespmem:$0xF208] =	vst v1  }
.LBB2_21:
0x2e: {  	s0 =	sadd.s32 $0xF0, s19  }
0x2f: {  	s2 =	smov.u32 s7;
	p1 =	slt.s32 s0, s8  }
0x30: {  	s2 =	smov.u32 @p1 s0;
	p1 =	sne.s32 s21, s17  }
.Ltmp2:
0x31: {  	_ = 	snop;
	(pc) =	sbr.rel @!p1 .LBB2_22-.Ltmp2, $3  }
0x32: {  	_ =	sdelay $0x1  }
0x33: {  	s22 =	smov.u32 s20;
	s31 =	sadd.s32 $0x1, s21;
	s20 =	smov.u32 s19  }
0x34: {  	p0 =	por !p0, !p0;
	s21 =	smov.u32 s31;
	s19 =	smov.u32 s2  }
.LBB2_3:
0x35: {  	p1 =	sge.u32 s21, s13  }
0x36: {  	s0 =	smulhi.u32 @!p1 $0xAAAAAAAB, s21  }
0x37: {  	s2 =	smov.u32 s19;
	p2 =	sgt.s32 @!p1 s19, $0xFF10  }
0x38: {  	s3 =	sshra.s32 @!p1 s19, $0x1F;
	p2 =	por !p2, p1;
	s0 =	sshrl.u32 @!p1 s0, $0x1  }
0x39: {  	s3 =	sand.u32 @!p1 s3, s19;
	s2 =	simm.s32 @p2 $0xFF10;
	s0 =	smul.u32 @!p1 $0x3, s0  }
0x3a: {  	s2 =	ssub.s32 @!p1 s2, s3  }
0x3b: {  	s2 =	sadd.s32 @!p1 $0xFFFF00F0, s2;
	s0 =	ssub.s32 @!p1 s21, s0  }
0x3c: {  	s3 =	sshll.u32 @!p1 s2, $0x2;
	p2 =	sgt.s32 @!p1 s2, $0xEF;
	s0 =	smul.u32 @!p1 $0x3C0, s0  }
0x3d: {  	s4 =	sand.u32 @!p1 $0x7, s19;
	s2 =	ssub.s32 @!p1 $0x3C0, s3;
	p2 =	por !p2, p1  }
0x3e: {  	s3 =	sshrl.u32 @!p1 s19, $0x3;
	s2 =	sshrl.u32 @!p1 s2, $0x2;
	s0 =	sshrl.u32 @!p1 s0, $0x2  }
0x3f: {  	s3 =	sadd.s32 @!p1 s3, s14;
	s2 =	simm.s32 @!p2 $0x0;
	s0 =	sadd.s32 @!p1 $0x10248, s0  }
0x40: {  	[tilespmem:s0], [sflag:$0xA] =	stream.linear.gather @!p1 [hbm4b:s3+s4], s2, $0x38;
	[tilespmem:$0x1F6F8] =	vst v63  }
0x41: {  	s0 =	sadd.s32 $0xFFFFFFFF, s21  }
0x42: {  	p1 =	sge.u32 s0, s13  }
0x43: {  	p2 =	sgt.s32 @!p1 s20, $0xFF10  }
0x44: {  	s2 =	smov.u32 s20;
	s3 =	sshra.s32 @!p1 s20, $0x1F;
	p2 =	por !p2, p1  }
0x45: {  	s3 =	sand.u32 @!p1 s3, s20;
	s2 =	simm.s32 @p2 $0xFF10  }
0x46: {  	s2 =	ssub.s32 @!p1 s2, s3  }
0x47: {  	s2 =	sadd.s32 @!p1 $0xFFFF00F0, s2  }
0x48: {  	s4 =	sand.u32 @!p1 $0x1, s0;
	s3 =	sshll.u32 @!p1 s2, $0x2  }
0x49: {  	p2 =	sgt.s32 @!p1 s2, $0xEF;
	s2 =	ssub.s32 @!p1 $0x3C0, s3;
	s3 =	smulhi.u32 @!p1 $0xAAAAAAAB, s0  }
0x4a: {  	s23 =	smul.u32 @!p1 $0x3C0, s4;
	p2 =	por !p2, p1;
	s2 =	sshrl.u32 @!p1 s2, $0x2  }
0x4b: {  	s5 =	simm.s32 @!p1 $0xA;
	s2 =	simm.s32 @!p2 $0x0;
	s3 =	sshrl.u32 @!p1 s3, $0x1  }
0x4c: {  	s23 =	sshrl.u32 @!p1 s23, $0x2;
	_ =	swait.ge @!p1 [sflag:s5], s2;
	s3 =	smul.u32 @!p1 $0x3, s3  }
0x4d: {  	s23 =	sadd.s32 @!p1 $0x10518, s23;
	s24 =	ssub.s32 @!p1 $0x0, s2;
	[sflag:s5] =	ssyncset.done @!p1 $0x0  }
0x4e: {  	[sflag:s5] =	ssyncadd.s32 @!p1 s24;
	s5 =	sshrl.u32 @!p1 s20, $0x3;
	s0 =	ssub.s32 @!p1 s0, s3  }
0x4f: {  	s24 =	sand.u32 @!p1 $0x7, s20;
	s5 =	sadd.s32 @!p1 s5, s15;
	s0 =	smul.u32 @!p1 $0x3C0, s0  }
0x50: {  	[tilespmem:s23], [sflag:$0xB] =	stream.linear.gather @!p1 [hbm4b:s5+s24], s2, $0x38;
	[tilespmem:$0x1F6F8] =	vst v63  }
0x51: {  	s3 =	ssub.s32 @!p1 $0x10000, s20;
	s2 =	smul.u32 @!p1 $0x1E000, s4  }
0x52: {  	p2 =	slt.s32 @!p1 s3, $0xF0  }
0x53: {  	p2 =	por !p2, p1;
	s0 =	sshrl.u32 @!p1 s0, $0x2;
	s2 =	sshrl.u32 @!p1 s2, $0x2  }
0x54: {  	s3 =	simm.s32 @p2 $0xF0;
	s0 =	sadd.s32 @!p1 $0x10248, s0;
	s2 =	sor.u32 @!p1 $0x106F8, s2  }
0x55: {  	[tilespmem:s2], [sflag:$0x9] =	stream.indirect.gather @!p1 [hbm4b:s9+s3], $0x80, s0, s3, $0xb8;
	[tilespmem:$0x1F6F8] =	vst v63  }
0x56: {  	p1 =	slt.u32 s21, $0x2  }
.Ltmp3:
0x57: {  	_ = 	snop;
	(pc) =	sbr.rel @p1 .LBB2_21-.Ltmp3, $1  }
0x58: {  	_ =	sdelay $0x3  }
0x59: {  	p1 =	sgt.s32 s22, $0xFF10  }
0x5a: {  	s0 =	smov.u32 s22;
	s2 =	sshra.s32 s22, $0x1F;
	s3 =	ssub.s32 $0x10000, s22  }
0x5b: {  	s0 =	simm.s32 @!p1 $0xFF10;
	s2 =	sand.u32 s2, s22;
	p1 =	slt.s32 s3, $0xF0  }
0x5c: {  	s0 =	ssub.s32 s0, s2;
	s3 =	simm.s32 @!p1 $0xF0  }
0x5d: {  	s0 =	sadd.s32 $0xFFFF00F0, s0;
	s25 =	sshll.u32 s3, $0x7  }
0x5e: {  	s26 =	sshll.u32 s0, $0x2;
	s2 =	sand.u32 $0x3FFFFF80, s25  }
0x5f: {  	p1 =	sgt.s32 s0, $0xEF;
	s29 =	ssub.s32 $0x3C0, s26;
	_ =	swait.ge [sflag:s10], s2  }
0x60: {  	s2 =	ssub.s32 $0x0, s2;
	[sflag:s10] =	ssyncset.done $0x0;
	s0 =	sshrl.u32 s29, $0x2  }
0x61: {  	[sflag:s10] =	ssyncadd.s32 s2;
	s0 =	simm.s32 @p1 $0x0  }
0x62: {  	_ =	swait.ge [sflag:s11], s0  }
0x63: {  	s0 =	ssub.s32 $0x0, s0;
	[sflag:s11] =	ssyncset.done $0x0  }
0x64: {  	[sflag:s11] =	ssyncadd.s32 s0  }
0x65: {  	v1 =	vld [tilespmem:$0xF208];
	_ =	sdelay $0x4  }
0x66: {  	(v2sf) =	vpush v1, $0x0  }
0x67: {  	(v2sf) =	vpush v1, $0x1  }
0x68: {  	(v2sf) =	vpush v1, $0x2;
	_ =	sdelay $0x3  }
0x69: {  	s0 =	sadd.s32 $0xF0, s22  }
0x6a: {  	s2 =	ssub.s32 $0x20000, s22;
	p1 =	slt.s32 s8, s0  }
0x6b: {  	s0 =	smov.u32 @p1 s8;
	p1 =	sgt.s32 s2, $0x0  }
0x6c: {  	s26 =	ssub.s32 s0, s22;
	s2 =	simm.s32 @!p1 $0x0  }
0x6d: {  	p1 =	slt.s32 s2, s26  }
0x6e: {  	s26 =	smov.u32 @p1 s2  }
0x6f: {  	s25 =	simm.s32 $0x1;
	p1 =	slt.s32 s26, $0x1  }
.Ltmp4:
0x70: {  	s25 =	simm.s32 @!p0 $0x0;
	(pc) =	sbr.rel @p1 .LBB2_8-.Ltmp4, $4  }
0x71: {  	s31 =	smul.u32 $0x3C0, s25  }
0x72: {  	s28 =	spop (v2sf)  }
0x73: {  	s0 =	sshrl.u32 s31, $0x2;
	s30 =	spop (v2sf)  }
0x74: {  	s23 =	sadd.s32 $0x10518, s0;
	s22 =	spop (v2sf)  }
0x75: {  	s0 =	smin.u32 s26, $0x10  }
0x76: {  	v1 =	vmov s0  }
0x77: {  	p2 =	sgt.s32 s26, $0x10;
	vm1 =	vgt.u32 v1, v0  }
.Ltmp5:
0x78: {  	_ = 	snop;
	(pc) =	sbr.rel @!p2 .LBB2_7-.Ltmp5, $2  }
0x79: {  	_ =	sdelay $0x2  }
0x7a: {  	s4 =	simm.s32 $0x10;
	s24 =	sadd.s32 $0xFFFFFFF0, s26;
	s0 =	smov.u32 s23;
	vm0 =	vmmov vm1  }
.LBB2_6:
0x7b: {  	s2 =	smin.u32 s24, $0x10;
	s4 =	sadd.s32 $0x10, s4;
	v1 =	vld.msk [tilespmem:s0+$0x0 ss:$0x1], vm1  }
0x7c: {  	v2 =	vmov s2;
	p2 =	slt.s32 s4, s26  }
0x7d: {  	vm1 =	vgt.u32 v2, v0  }
.Ltmp6:
0x7e: {  	(pc) =	sbr.rel @p2 .LBB2_6-.Ltmp6, $3  }
0x7f: {  	_ =	sdelay $0x1  }
0x80: {  	v1 =	vshll.u32 v1, $0x4  }
0x81: {  	s24 =	sadd.s32 $0xFFFFFFF0, s24;
	[tilespmem:s0+$0x0] =	vst.msk vm0, v1;
	s0 =	sadd.s32 $0x10, s0;
	vm0 =	vmmov vm1  }
.LBB2_7:
0x82: {  	_ =	sdelay $0x4  }
0x83: {  	v1 =	vld.msk [tilespmem:s0+$0x0 ss:$0x1], vm1;
	_ =	sdelay $0x4  }
0x84: {  	v1 =	vshll.u32 v1, $0x4  }
0x85: {  	[tilespmem:s0+$0x0] =	vst.msk vm0, v1  }
.LBB2_8:
0x86: {  	s0 =	sand.u32 $0x1, s21  }
0x87: {  	s0 =	smul.u32 $0xF0, s0  }
0x88: {  	p2 =	sne.s32 s30, $0xFFFFFFFF  }
0x89: {  	v1 =	vld.msk @!p2 [tilespmem:s0+$0x10518], $0x1;
	_ =	sdelay $0x4  }
0x8a: {  	(v2sf) =	vpush @!p2 v1, $0x0;
	_ =	sdelay $0xc  }
.Ltmp7:
0x8b: {  	_ = 	snop;
	(pc) =	sbr.rel @p1 .LBB2_19-.Ltmp7, $4  }
0x8c: {  	_ = 	snop  }
0x8d: {  	s29 =	spop @!p2 (v2sf)  }
0x8e: {  	s22 =	simm.s32 @!p2 $0x0;
	s24 =	smov.u32 s29  }
0x8f: {  	[sflag:s18] =	ssyncpa.u1 $0x0;
	s29 =	smov.u32 @p2 s28;
	s24 =	smov.u32 @p2 s30  }
0x90: {  	v1 =	vld.msk [tilespmem:s23+$0x0], $0x1;
	_ =	sdelay $0x4  }
0x91: {  	(v2sf) =	vpush v1, $0x0;
	_ =	sdelay $0xe  }
0x92: {  	s2 =	smul.u32 $0x1E000, s25;
	s0 =	spop (v2sf)  }
0x93: {  	s26 =	ssub.s32 $0x0, s26;
	p1 =	seq.s32 s29, s0  }
0x94: {  	s30 =	sadd.s32 $0x1, s26;
	s2 =	sshrl.u32 s2, $0x2;
	p2 =	sgt.s32 @!p1 s29, $0x0  }
0x95: {  	s25 =	sor.u32 $0x10738, s2;
	s2 =	smov.u32 s29;
	p2 =	por !p2, p1  }
0x96: {  	s2 =	simm.s32 @p2 $0x0;
	p2 =	seq.s32 s30, $0x0  }
.Ltmp8:
0x97: {  	_ = 	snop;
	(pc) =	sbr.rel @p2 .LBB2_11-.Ltmp8, $4  }
0x98: {  	_ = 	snop  }
0x99: {  	s28 =	simm.s32 $0x0;
	s31 =	sadd.s32 $0x1, s23;
	s2 =	smin.u32 @!p1 s2, $0x3FFF0  }
0x9a: {  	s4 =	simm.s32 @!p1 $0x1;
	s5 =	simm.s32 @!p1 $0x7988;
	s3 =	sand.u32 @!p1 $0x3FFF8, s2  }
0x9b: {  	s4 =	smov.u32 @p1 s28;
	s2 =	sand.u32 @!p1 $0x7, s2;
	s3 =	sadd.s32 @!p1 s1, s3  }
.LBB2_10:
0x9c: {  	s6 =	smov.u32 s4  }
0x9d: {  	[tilespmem:s5], [sflag:$0x2] =	stream.linear.gather @!p1 [hbm4b:s3+s2], $0x80, $0x38;
	[tilespmem:$0x1F6F8] =	vst v63  }
0x9e: {  	s30 =	sadd.s32 $0x1, s30;
	s2 =	smov.u32 s0;
	v1 =	vld.msk [tilespmem:s31+$0x0], $0x1  }
0x9f: {  	p2 =	seq.s32 s30, $0x0;
	_ =	sdelay $0x3  }
0xa0: {  	(v2sf) =	vpush v1, $0x0;
	_ =	sdelay $0xe  }
0xa1: {  	s0 =	spop (v2sf)  }
0xa2: {  	p1 =	seq.s32 s2, s0  }
0xa3: {  	p3 =	sgt.s32 @!p1 s2, $0x0;
	s3 =	sshll.u32 @!p1 s4, $0x9;
	s4 =	sadd.s32 @!p1 $0x1, s4  }
.Ltmp9:
0xa4: {  	p3 =	por !p3, p1;
	s3 =	sshra.s32 @!p1 s3, $0x2;
	(pc) =	sbr.rel @!p2 .LBB2_10-.Ltmp9, $4  }
0xa5: {  	s4 =	smov.u32 @p1 s6;
	s2 =	simm.s32 @p3 $0x0;
	s5 =	sadd.s32 @!p1 $0x7988, s3  }
0xa6: {  	s2 =	smin.u32 @!p1 s2, $0x3FFF0  }
0xa7: {  	s3 =	sand.u32 @!p1 $0x3FFF8, s2;
	s2 =	sand.u32 @!p1 $0x7, s2  }
0xa8: {  	s31 =	sadd.s32 $0x1, s31;
	s3 =	sadd.s32 @!p1 s1, s3  }
.LBB2_11:
0xa9: {  	[tilespmem:s5], [sflag:$0x2] =	stream.linear.gather @!p1 [hbm4b:s3+s2], $0x80, $0x38;
	[tilespmem:$0x1F6F8] =	vst v63  }
.Ltmp10:
0xaa: {  	s0 =	sshll.u32 s4, $0x7;
	(pc) =	sbr.rel .LBB2_12-.Ltmp10, $4  }
0xab: {  	s30 =	simm.s32 $0x2;
	s0 =	sand.u32 $0x3FFFFF80, s0  }
0xac: {  	_ =	swait.ge [sflag:s30], s0  }
0xad: {  	s0 =	ssub.s32 $0x0, s0;
	[sflag:s30] =	ssyncset.done $0x0  }
0xae: {  	s31 =	simm.s32 $0x0;
	[sflag:s30] =	ssyncadd.s32 s0  }
.LBB2_13:
0xaf: {  	v1 =	vld [tilespmem:s25+$0xFFFFFFC0];
	_ =	sdelay $0x3  }
0xb0: {  	s0 =	sshra.s32 s0, $0x2  }
0xb1: {  	[tilespmem:s0+$0x108] =	vst.add.f32.msk $0xffff, v1  }
0xb2: {  	v1 =	vld [tilespmem:s25+$0xFFFFFFD0];
	_ =	sdelay $0x4  }
0xb3: {  	[tilespmem:s0+$0x118] =	vst.add.f32.msk $0xffff, v1  }
0xb4: {  	v1 =	vld [tilespmem:s25+$0xFFFFFFE0];
	_ =	sdelay $0x4  }
0xb5: {  	[tilespmem:s0+$0x128] =	vst.add.f32.msk $0xffff, v1  }
0xb6: {  	v1 =	vld [tilespmem:s25+$0xFFFFFFF0];
	_ =	sdelay $0x4  }
0xb7: {  	[tilespmem:s0+$0x138] =	vst.add.f32.msk $0xffff, v1  }
0xb8: {  	v1 =	vld [tilespmem:s25+$0x0];
	_ =	sdelay $0x4  }
0xb9: {  	[tilespmem:s0+$0x148] =	vst.add.f32.msk $0xffff, v1  }
0xba: {  	v1 =	vld [tilespmem:s25+$0x10];
	_ =	sdelay $0x4  }
0xbb: {  	[tilespmem:s0+$0x158] =	vst.add.f32.msk $0xffff, v1  }
0xbc: {  	v1 =	vld [tilespmem:s25+$0x20];
	_ =	sdelay $0x4  }
0xbd: {  	[tilespmem:s0+$0x168] =	vst.add.f32.msk $0xffff, v1  }
0xbe: {  	v1 =	vld [tilespmem:s25+$0x30];
	_ =	sdelay $0x4  }
0xbf: {  	[tilespmem:s0+$0x178] =	vst.add.f32.msk $0xffff, v1  }
.LBB2_17:
0xc0: {  	s26 =	sadd.s32 $0x1, s26  }
0xc1: {  	p1 =	seq.s32 s26, $0x0  }
.Ltmp11:
0xc2: {  	_ = 	snop;
	(pc) =	sbr.rel @p1 .LBB2_18-.Ltmp11, $2  }
0xc3: {  	_ =	sdelay $0x2  }
0xc4: {  	s23 =	sadd.s32 $0x1, s23;
	s25 =	sadd.s32 $0x80, s25;
	s29 =	smov.u32 s30  }
.LBB2_12:
0xc5: {  	v1 =	vld.msk [tilespmem:s23+$0x0], $0x1;
	_ =	sdelay $0x4  }
0xc6: {  	(v2sf) =	vpush v1, $0x0;
	_ =	sdelay $0xe  }
0xc7: {  	s30 =	spop (v2sf)  }
0xc8: {  	p1 =	sne.s32 s29, s30  }
.Ltmp12:
0xc9: {  	_ = 	snop;
	(pc) =	sbr.rel @!p1 .LBB2_13-.Ltmp12, $2  }
0xca: {  	_ =	sdelay $0x2  }
0xcb: {  	s0 =	sshll.u32 s22, $0x9  }
0xcc: {  	p1 =	seq.s32 s29, s24  }
.Ltmp13:
0xcd: {  	_ = 	snop;
	(pc) =	sbr.rel @!p1 .LBB2_15-.Ltmp13, $1  }
0xce: {  	_ =	sdelay $0x3  }
0xcf: {  	s0 =	sshra.s32 s0, $0x2  }
.Ltmp14:
0xd0: {  	s0 =	sadd.s32 $0x108, s0;
	(pc) =	sbr.rel .LBB2_16-.Ltmp14, $4  }
0xd1: {  	[spmem:s16] =	stream.linear.scatter [tilespmem:s0], [sflag:$0x1], $0x80, $0x38;
	[tilespmem:$0x1F6F8] =	vst v63  }
0xd2: {  	_ =	swait.ge [sflag:s12], $0x80  }
0xd3: {  	[sflag:s12] =	ssyncset.done $0x0  }
0xd4: {  	[sflag:s12] =	ssyncadd.s32 $0xFFFFFF80  }
.LBB2_15:
0xd5: {  	s2 =	sshll.u32 s28, $0x9  }
0xd6: {  	s2 =	sshra.s32 s2, $0x2  }
0xd7: {  	v1 =	vld [tilespmem:s2+$0x7988];
	_ =	sdelay $0x3  }
0xd8: {  	s0 =	sshra.s32 s0, $0x2  }
0xd9: {  	[tilespmem:s0+$0x108] =	vst.add.f32.msk $0xffff, v1  }
0xda: {  	v1 =	vld [tilespmem:s2+$0x7998];
	_ =	sdelay $0x4  }
0xdb: {  	[tilespmem:s0+$0x118] =	vst.add.f32.msk $0xffff, v1  }
0xdc: {  	v1 =	vld [tilespmem:s2+$0x79A8];
	_ =	sdelay $0x4  }
0xdd: {  	[tilespmem:s0+$0x128] =	vst.add.f32.msk $0xffff, v1  }
0xde: {  	v1 =	vld [tilespmem:s2+$0x79B8];
	_ =	sdelay $0x4  }
0xdf: {  	[tilespmem:s0+$0x138] =	vst.add.f32.msk $0xffff, v1  }
0xe0: {  	v1 =	vld [tilespmem:s2+$0x79C8];
	_ =	sdelay $0x4  }
0xe1: {  	[tilespmem:s0+$0x148] =	vst.add.f32.msk $0xffff, v1  }
0xe2: {  	v1 =	vld [tilespmem:s2+$0x79D8];
	_ =	sdelay $0x4  }
0xe3: {  	[tilespmem:s0+$0x158] =	vst.add.f32.msk $0xffff, v1  }
0xe4: {  	v1 =	vld [tilespmem:s2+$0x79E8];
	_ =	sdelay $0x4  }
0xe5: {  	[tilespmem:s0+$0x168] =	vst.add.f32.msk $0xffff, v1  }
0xe6: {  	v1 =	vld [tilespmem:s2+$0x79F8];
	_ =	sdelay $0x2  }
0xe7: {  	p1 =	sgt.u32 s29, $0x3FFF0  }
0xe8: {  	s2 =	sand.u32 @!p1 $0x3FFF8, s29  }
0xe9: {  	s3 =	sadd.s32 $0x108, s0;
	[tilespmem:s0+$0x178] =	vst.add.f32.msk $0xffff, v1;
	s0 =	sadd.s32 @!p1 s1, s2;
	s2 =	sand.u32 @!p1 $0x7, s29  }
0xea: {  	[hbm4b:s0+s2] =	stream.linear.scatter @!p1 [tilespmem:s3], [sflag:$0xC], $0x80, $0x38;
	[tilespmem:$0x1F6F8] =	vst v63  }
0xeb: {  	s0 =	simm.s32 $0x0  }
0xec: {  	s0 =	simm.s32 @!p1 $0x200  }
0xed: {  	s31 =	sadd.s32 s0, s31  }
.LBB2_16:
0xee: {  	s0 =	sadd.s32 $0x1, s22  }
0xef: {  	s2 =	smulhi.u32 $0x88888889, s0;
	_ =	sdelay $0x1  }
0xf0: {  	v1 =	vld [tilespmem:s25+$0xFFFFFFC0];
	s2 =	sshrl.u32 s2, $0x7  }
0xf1: {  	s2 =	smul.u32 $0xF0, s2;
	_ =	sdelay $0x1  }
0xf2: {  	s22 =	ssub.s32 s0, s2  }
0xf3: {  	s0 =	sshll.u32 s22, $0x7  }
0xf4: {  	[tilespmem:s0+$0x108] =	vst v1  }
0xf5: {  	v1 =	vld [tilespmem:s25+$0xFFFFFFD0];
	_ =	sdelay $0x4  }
0xf6: {  	[tilespmem:s0+$0x118] =	vst v1  }
0xf7: {  	v1 =	vld [tilespmem:s25+$0xFFFFFFE0];
	_ =	sdelay $0x4  }
0xf8: {  	[tilespmem:s0+$0x128] =	vst v1  }
0xf9: {  	v1 =	vld [tilespmem:s25+$0xFFFFFFF0];
	_ =	sdelay $0x4  }
0xfa: {  	[tilespmem:s0+$0x138] =	vst v1  }
0xfb: {  	v1 =	vld [tilespmem:s25+$0x0];
	_ =	sdelay $0x4  }
0xfc: {  	[tilespmem:s0+$0x148] =	vst v1  }
0xfd: {  	v1 =	vld [tilespmem:s25+$0x10];
	_ =	sdelay $0x4  }
0xfe: {  	[tilespmem:s0+$0x158] =	vst v1  }
0xff: {  	v1 =	vld [tilespmem:s25+$0x20];
	_ =	sdelay $0x4  }
0x100: {  	[tilespmem:s0+$0x168] =	vst v1  }
0x101: {  	v1 =	vld [tilespmem:s25+$0x30]  }
.Ltmp15:
0x102: {  	_ = 	snop;
	(pc) =	sbr.rel .LBB2_17-.Ltmp15, $2  }
0x103: {  	_ =	sdelay $0x2  }
0x104: {  	s28 =	sadd.s32 $0x1, s28;
	[tilespmem:s0+$0x178] =	vst v1  }
.LBB2_19:
.Ltmp16:
0x105: {  	(pc) =	sbr.rel .LBB2_20-.Ltmp16, $4  }
0x106: {  	_ = 	snop  }
0x107: {  	s0 =	simm.s32 $0x2  }
0x108: {  	_ =	swait.ge [sflag:s0], $0x0  }
0x109: {  	s30 =	smov.u32 s29;
	[sflag:s0] =	ssyncset.done $0x0;
	s0 =	simm.s32 $0x0  }
.LBB2_22:
0x10a: {  	_ =	sfence.sel $0x180000  }
0x10b: {  	s0 =	simm.s32 $0x9;
	[bflag:$0x0] =	sbarrier.arrive $0xFFFF  }
0x10c: {  	s24 =	simm.s32 $0xA;
	[sflag:s0] =	ssyncpa.u1 $0x1  }
0x10d: {  	s25 =	simm.s32 $0xB;
	[sflag:s24] =	ssyncpa.u1 $0x1  }
0x10e: {  	s26 =	simm.s32 $0x2;
	[sflag:s25] =	ssyncpa.u1 $0x1  }
0x10f: {  	[sflag:s26] =	ssyncpa.u1 $0x1  }
0x110: {  	v0 =	vld [tilespmem:$0xF208];
	_ =	sdelay $0x4  }
0x111: {  	(v2sf) =	vpush v0, $0x0  }
0x112: {  	(v2sf) =	vpush v0, $0x1;
	_ =	sdelay $0x1  }
0x113: {  	(v2sf) =	vpush v0, $0x2;
	_ =	sdelay $0xb  }
0x114: {  	s0 =	spop (v2sf)  }
0x115: {  	s2 =	spop (v2sf)  }
0x116: {  	s3 =	smov.u32 s0;
	p0 =	sne.s32 s0, s2  }
0x117: {  	s4 =	spop (v2sf);
	s3 =	simm.s32 @!p0 $0xFFFFFFFF  }
0x118: {  	v2 =	vimm.s32 $0x1;
	v3 =	vlaneseq.u32;
	p0 =	seq.s32 s4, $0xFFFFFFFF;
	v1 =	vmov s3  }
0x119: {  	s16 =	stileid.u32;
	v0 =	vperm.xlane v0, v2;
	p1 =	sne.s32 @!p0 s0, s2;
	v1 =	vperm.xlane v1, v3  }
0x11a: {  	vm0 =	vcmask $0x3F04;
	s6 =	simm.s32 $0xF208;
	s0 =	simm.s32 @!p0 $0x1;
	p1 =	por !p1, p0  }
0x11b: {  	s3 =	sshll.u32 s16, $0x1;
	s2 =	sshll.u32 @!p0 s4, $0x9;
	s0 =	simm.s32 @p1 $0x0;
	v0 =	vsel vm0, v1, v0  }
0x11c: {  	s5 =	sor.u32 $0x1000, s3;
	s2 =	sshra.s32 @!p0 s2, $0x2;
	s0 =	sor.u32 @!p0 s0, s3;
	[tilespmem:$0xF208] =	vst v0  }
0x11d: {  	[spmem:s5] =	stream.linear.scatter [tilespmem:s6], [sflag:$0x1], $0x2, $0x38;
	[tilespmem:$0x1F6F8] =	vst v63  }
0x11e: {  	s2 =	sadd.s32 @!p0 $0x108, s2;
	s0 =	sshll.u32 @!p0 s0, $0x7  }
0x11f: {  	[spmem:s0] =	stream.linear.scatter @!p0 [tilespmem:s2], [sflag:$0x1], $0x80, $0x38;
	[tilespmem:$0x1F6F8] =	vst v63  }
0x120: {  	s0 =	simm.s32 @!p0 $0x82  }
0x121: {  	s28 =	simm.s32 $0x1;
	s0 =	simm.s32 @p0 $0x2  }
0x122: {  	_ =	swait.ge [sflag:s28], s0  }
0x123: {  	s0 =	ssub.s32 $0x0, s0;
	[sflag:s28] =	ssyncset.done $0x0  }
0x124: {  	p0 =	sne.s32 s16, $0x0;
	[sflag:s28] =	ssyncadd.s32 s0  }
.Ltmp17:
0x125: {  	_ =	sfence.stream.spmem;
	(pc) =	sbr.rel @p0 .LBB2_39-.Ltmp17, $4  }
0x126: {  	s29 =	simm.s32 $0x3;
	[bflag:$0x0] =	sbarrier.arrive $0xFFFF  }
0x127: {  	s30 =	simm.s32 $0x4;
	[sflag:s29] =	ssyncpa.u1 $0x1  }
0x128: {  	s31 =	simm.s32 $0x3C;
	[sflag:s30] =	ssyncpa.u1 $0x1  }
0x129: {  	s15 =	rddreg [dreg:$0x5];
	[sflag:s31] =	ssyncpa.u1 $0x1  }
0x12a: {  	_ =	sfence.stream.spmem;
	s0 =	simm.s32 $0x5  }
0x12b: {  	s2 =	simm.s32 $0x1000;
	s3 =	simm.s32 $0xF218;
	[sflag:s0] =	ssyncpa.u1 $0x0  }
0x12c: {  	[tilespmem:s3], [sflag:$0x5] =	stream.linear.gather [spmem:s2], $0x20, $0x38;
	[tilespmem:$0x1F6F8] =	vst v63  }
0x12d: {  	s26 =	simm.s32 $0x0;
	s28 =	simm.s32 $0xF238  }
0x12e: {  	[tilespmem:s28], [sflag:$0x5] =	stream.linear.gather [spmem:s26], $0x1000, $0x38;
	[tilespmem:$0x1F6F8] =	vst v63  }
0x12f: {  	_ =	swait.ge [sflag:s0], $0x1020  }
0x130: {  	[sflag:s0] =	ssyncset.done $0x0  }
0x131: {  	s29 =	simm.s32 $0x0;
	[sflag:s0] =	ssyncadd.s32 $0xFFFFEFE0  }
0x132: {  	v0 =	vld.msk [tilespmem:s29+$0xF218], $0x1;
	_ =	sdelay $0x1  }
0x133: {  	s30 =	simm.s32 $0x1  }
0x134: {  	v1 =	vld.msk [tilespmem:s30+$0xF218], $0x1;
	_ =	sdelay $0x1  }
0x135: {  	(v2sf) =	vpush v0, $0x0;
	_ =	sdelay $0x2  }
0x136: {  	(v2sf) =	vpush v1, $0x0;
	_ =	sdelay $0x2  }
0x137: {  	s31 =	simm.s32 $0x2  }
0x138: {  	v0 =	vld.msk [tilespmem:s31+$0xF218], $0x1;
	_ =	sdelay $0x2  }
0x139: {  	s4 =	simm.s32 $0xFFFFFFFF;
	s5 =	simm.s32 $0xFFFFFFFF;
	s0 =	simm.s32 $0xC  }
.LBB2_24:
0x13a: {  	s2 =	smov.u32 s5;
	s3 =	smov.u32 s4  }
0x13b: {  	s4 =	sshra.s32 s0, $0x2;
	p1 =	sne.s32 s0, $0x7C;
	s0 =	sadd.s32 $0x4, s0;
	(v2sf) =	vpush v0, $0x0  }
0x13c: {  	v0 =	vld.msk [tilespmem:s4+$0xF218], $0x1  }
.Ltmp18:
0x13d: {  	(pc) =	sbr.rel @p1 .LBB2_24-.Ltmp18, $4  }
0x13e: {  	s5 =	spop (v2sf)  }
0x13f: {  	p2 =	sne.s32 s3, $0xFFFFFFFF;
	s4 =	smov.u32 s5  }
0x140: {  	p3 =	seq.s32 s5, $0xFFFFFFFF;
	s4 =	smov.u32 @p2 s3  }
0x141: {  	s5 =	smov.u32 @p3 s2;
	s4 =	smov.u32 @p3 s3  }
0x142: {  	(v2sf) =	vpush v0, $0x0;
	_ =	sdelay $0x8  }
0x143: {  	s0 =	spop (v2sf)  }
0x144: {  	p1 =	sne.s32 s4, $0xFFFFFFFF;
	s2 =	smov.u32 s0  }
0x145: {  	s9 =	simm.s32 $0x6;
	p2 =	seq.s32 s0, $0xFFFFFFFF;
	s2 =	smov.u32 @p1 s4  }
0x146: {  	s6 =	simm.s32 $0x0;
	s2 =	smov.u32 @p2 s4;
	s3 =	spop (v2sf)  }
0x147: {  	s0 =	smov.u32 @p2 s5;
	p1 =	sne.s32 s2, $0xFFFFFFFF;
	s4 =	smov.u32 s3  }
.Ltmp19:
0x148: {  	p2 =	seq.s32 s3, $0xFFFFFFFF;
	s4 =	smov.u32 @p1 s2;
	(pc) =	sbr.rel .LBB2_26-.Ltmp19, $4  }
0x149: {  	s10 =	simm.s32 $0xF188;
	s4 =	smov.u32 @p2 s2;
	s7 =	spop (v2sf)  }
0x14a: {  	s11 =	simm.s32 $0x0;
	p1 =	sne.s32 s4, $0xFFFFFFFF;
	s8 =	smov.u32 s7  }
0x14b: {  	s3 =	smov.u32 @p2 s0;
	p2 =	seq.s32 s7, $0xFFFFFFFF;
	s8 =	smov.u32 @p1 s4  }
0x14c: {  	[sflag:s9] =	ssyncpa.u1 $0x0;
	s7 =	smov.u32 @p2 s3;
	s8 =	smov.u32 @p2 s4  }
.LBB2_32:
0x14d: {  	p1 =	sgt.u32 s12, $0x3FFF0  }
0x14e: {  	p2 =	seq.s32 @!p1 s12, s8  }
0x14f: {  	p1 =	por p1, p2  }
0x150: {  	p2 =	sne.s32 @!p1 s12, s7  }
0x151: {  	p1 =	por p1, !p2  }
0x152: {  	s0 =	sshll.u32 @p1 s11, $0x9  }
0x153: {  	s0 =	sand.u32 @!p1 $0x3FFF8, s12  }
0x154: {  	s2 =	sand.u32 @!p1 $0x7, s12;
	s0 =	sadd.s32 @!p1 s1, s0  }
0x155: {  	[tilespmem:s10], [sflag:$0x6] =	stream.linear.gather @!p1 [hbm4b:s0+s2], $0x80, $0x38;
	[tilespmem:$0x1F6F8] =	vst v63  }
0x156: {  	_ =	swait.ge @!p1 [sflag:s9], $0x80  }
0x157: {  	[sflag:s9] =	ssyncset.done @!p1 $0x0  }
0x158: {  	[sflag:s9] =	ssyncadd.s32 @!p1 $0xFFFFFF80  }
0x159: {  	v1 =	vld @!p1 [tilespmem:$0xF188];
	_ =	sdelay $0x2  }
0x15a: {  	s0 =	sshll.u32 @!p1 s11, $0x9  }
0x15b: {  	s2 =	sshrl.u32 @!p1 s0, $0x2  }
0x15c: {  	[tilespmem:s2+$0xF238] =	vst.add.f32.msk @!p1 $0xffff, v1  }
0x15d: {  	v1 =	vld @!p1 [tilespmem:$0xF198];
	_ =	sdelay $0x4  }
0x15e: {  	[tilespmem:s2+$0xF248] =	vst.add.f32.msk @!p1 $0xffff, v1  }
0x15f: {  	v1 =	vld @!p1 [tilespmem:$0xF1A8];
	_ =	sdelay $0x4  }
0x160: {  	[tilespmem:s2+$0xF258] =	vst.add.f32.msk @!p1 $0xffff, v1  }
0x161: {  	v1 =	vld @!p1 [tilespmem:$0xF1B8];
	_ =	sdelay $0x4  }
0x162: {  	[tilespmem:s2+$0xF268] =	vst.add.f32.msk @!p1 $0xffff, v1  }
0x163: {  	v1 =	vld @!p1 [tilespmem:$0xF1C8];
	_ =	sdelay $0x4  }
0x164: {  	[tilespmem:s2+$0xF278] =	vst.add.f32.msk @!p1 $0xffff, v1  }
0x165: {  	v1 =	vld @!p1 [tilespmem:$0xF1D8];
	_ =	sdelay $0x4  }
0x166: {  	[tilespmem:s2+$0xF288] =	vst.add.f32.msk @!p1 $0xffff, v1  }
0x167: {  	v1 =	vld @!p1 [tilespmem:$0xF1E8];
	_ =	sdelay $0x4  }
0x168: {  	[tilespmem:s2+$0xF298] =	vst.add.f32.msk @!p1 $0xffff, v1  }
0x169: {  	v1 =	vld @!p1 [tilespmem:$0xF1F8];
	_ =	sdelay $0x4  }
0x16a: {  	[tilespmem:s2+$0xF2A8] =	vst.add.f32.msk @!p1 $0xffff, v1  }
0x16b: {  	s0 =	sshrl.u32 s0, $0x2;
	[tilespmem:s6+$0xF218] =	vst.msk $0x1, v0  }
0x16c: {  	v0 =	vld [tilespmem:s0+$0xF238];
	_ =	sdelay $0x2  }
0x16d: {  	s31 =	sshll.u32 s6, $0x9  }
0x16e: {  	s2 =	sshra.s32 s31, $0x2  }
0x16f: {  	[tilespmem:s2+$0xF238] =	vst v0  }
0x170: {  	v0 =	vld [tilespmem:s0+$0xF248];
	_ =	sdelay $0x4  }
0x171: {  	[tilespmem:s2+$0xF248] =	vst v0  }
0x172: {  	v0 =	vld [tilespmem:s0+$0xF258];
	_ =	sdelay $0x4  }
0x173: {  	[tilespmem:s2+$0xF258] =	vst v0  }
0x174: {  	v0 =	vld [tilespmem:s0+$0xF268];
	_ =	sdelay $0x4  }
0x175: {  	[tilespmem:s2+$0xF268] =	vst v0  }
0x176: {  	v0 =	vld [tilespmem:s0+$0xF278];
	_ =	sdelay $0x4  }
0x177: {  	[tilespmem:s2+$0xF278] =	vst v0  }
0x178: {  	v0 =	vld [tilespmem:s0+$0xF288];
	_ =	sdelay $0x4  }
0x179: {  	[tilespmem:s2+$0xF288] =	vst v0  }
0x17a: {  	v0 =	vld [tilespmem:s0+$0xF298];
	_ =	sdelay $0x4  }
0x17b: {  	[tilespmem:s2+$0xF298] =	vst v0  }
0x17c: {  	v0 =	vld [tilespmem:s0+$0xF2A8];
	_ =	sdelay $0x4  }
0x17d: {  	s6 =	sadd.s32 $0x1, s6;
	[tilespmem:s2+$0xF2A8] =	vst v0  }
.LBB2_33:
0x17e: {  	s11 =	sadd.s32 $0x1, s11  }
0x17f: {  	p1 =	sne.s32 s11, $0x20  }
.Ltmp20:
0x180: {  	_ = 	snop;
	(pc) =	sbr.rel @!p1 .LBB2_34-.Ltmp20, $1  }
0x181: {  	_ =	sdelay $0x3  }
.LBB2_26:
0x182: {  	v0 =	vld.msk [tilespmem:s11+$0xF218], $0x1;
	_ =	sdelay $0x4  }
0x183: {  	(v2sf) =	vpush v0, $0x0;
	_ =	sdelay $0xe  }
0x184: {  	s12 =	spop (v2sf)  }
0x185: {  	p1 =	seq.s32 s12, $0xFFFFFFFF  }
.Ltmp21:
0x186: {  	_ = 	snop;
	(pc) =	sbr.rel @p1 .LBB2_33-.Ltmp21, $1  }
0x187: {  	_ =	sdelay $0x3  }
0x188: {  	p1 =	slt.s32 s6, $0x1  }
.Ltmp22:
0x189: {  	_ = 	snop;
	(pc) =	sbr.rel @p1 .LBB2_32-.Ltmp22, $1  }
0x18a: {  	_ =	sdelay $0x3  }
0x18b: {  	s13 =	simm.s32 $0xF218;
	p1 =	por $0x0, $0x0  }
0x18c: {  	v1 =	vld.msk @!p1 [tilespmem:s13+$0x0], $0x1;
	_ =	sdelay $0x4  }
0x18d: {  	(v2sf) =	vpush @!p1 v1, $0x0;
	_ =	sdelay $0xd  }
0x18e: {  	p3 =	sne.s32 s6, $0x1  }
.Ltmp23:
0x18f: {  	s0 =	spop @!p1 (v2sf);
	(pc) =	sbr.rel @!p3 .LBB2_30-.Ltmp23, $4  }
0x190: {  	p2 =	seq.s32 @!p1 s12, s0  }
0x191: {  	s14 =	simm.s32 $0x0;
	p2 =	por !p2, p1  }
0x192: {  	s2 =	simm.s32 $0xFFFFFFFF;
	s14 =	simm.s32 @p2 $0xFFFFFFFF  }
0x193: {  	s0 =	simm.s32 $0x1;
	s14 =	smov.u32 @p1 s2  }
.LBB2_29:
0x194: {  	s2 =	smov.u32 s14;
	p1 =	sne.s32 s14, $0xFFFFFFFF  }
0x195: {  	s13 =	sadd.s32 $0x1, s13;
	s14 =	smov.u32 s0;
	s0 =	sadd.s32 $0x1, s0  }
0x196: {  	p2 =	sne.s32 s6, s0;
	v1 =	vld.msk @!p1 [tilespmem:s13+$0x0], $0x1;
	_ =	sdelay $0x4  }
0x197: {  	(v2sf) =	vpush @!p1 v1, $0x0;
	_ =	sdelay $0xe  }
.Ltmp24:
0x198: {  	s3 =	spop @!p1 (v2sf);
	(pc) =	sbr.rel @p2 .LBB2_29-.Ltmp24, $4  }
0x199: {  	p3 =	seq.s32 @!p1 s12, s3  }
0x19a: {  	p3 =	por !p3, p1  }
0x19b: {  	s14 =	simm.s32 @p3 $0xFFFFFFFF  }
0x19c: {  	s14 =	smov.u32 @p1 s2  }
.LBB2_30:
0x19d: {  	p1 =	seq.s32 s14, $0xFFFFFFFF  }
.Ltmp25:
0x19e: {  	_ = 	snop;
	(pc) =	sbr.rel @p1 .LBB2_32-.Ltmp25, $1  }
0x19f: {  	_ =	sdelay $0x3  }
0x1a0: {  	s0 =	sshll.u32 s11, $0x7  }
0x1a1: {  	s0 =	sand.u32 $0x3FFFFF80, s0  }
0x1a2: {  	v0 =	vld [tilespmem:s0+$0xF238];
	_ =	sdelay $0x2  }
0x1a3: {  	s2 =	sshll.u32 s14, $0x9  }
0x1a4: {  	s2 =	sshra.s32 s2, $0x2  }
0x1a5: {  	[tilespmem:s2+$0xF238] =	vst.add.f32.msk $0xffff, v0  }
0x1a6: {  	v0 =	vld [tilespmem:s0+$0xF248];
	_ =	sdelay $0x4  }
0x1a7: {  	[tilespmem:s2+$0xF248] =	vst.add.f32.msk $0xffff, v0  }
0x1a8: {  	v0 =	vld [tilespmem:s0+$0xF258];
	_ =	sdelay $0x4  }
0x1a9: {  	[tilespmem:s2+$0xF258] =	vst.add.f32.msk $0xffff, v0  }
0x1aa: {  	v0 =	vld [tilespmem:s0+$0xF268];
	_ =	sdelay $0x4  }
0x1ab: {  	[tilespmem:s2+$0xF268] =	vst.add.f32.msk $0xffff, v0  }
0x1ac: {  	v0 =	vld [tilespmem:s0+$0xF278];
	_ =	sdelay $0x4  }
0x1ad: {  	[tilespmem:s2+$0xF278] =	vst.add.f32.msk $0xffff, v0  }
0x1ae: {  	v0 =	vld [tilespmem:s0+$0xF288];
	_ =	sdelay $0x4  }
0x1af: {  	[tilespmem:s2+$0xF288] =	vst.add.f32.msk $0xffff, v0  }
0x1b0: {  	v0 =	vld [tilespmem:s0+$0xF298];
	_ =	sdelay $0x4  }
0x1b1: {  	[tilespmem:s2+$0xF298] =	vst.add.f32.msk $0xffff, v0  }
0x1b2: {  	v0 =	vld [tilespmem:s0+$0xF2A8]  }
.Ltmp26:
0x1b3: {  	_ = 	snop;
	(pc) =	sbr.rel .LBB2_33-.Ltmp26, $2  }
0x1b4: {  	_ =	sdelay $0x2  }
0x1b5: {  	[tilespmem:s2+$0xF2A8] =	vst.add.f32.msk $0xffff, v0  }
.LBB2_34:
0x1b6: {  	s0 =	simm.s32 $0x6;
	p1 =	seq.s32 s6, $0x0  }
0x1b7: {  	[sflag:s0] =	ssyncpa.u1 $0x1;
	v0 =	vimm.s32 @p1 $0xFFFFFFFF  }
0x1b8: {  	s9 =	sadd.s32 $0xFFFFFFFF, s6;
	[tilespmem:$0x10238] =	vst @p1 v0  }
0x1b9: {  	v0 =	vld.msk @!p1 [tilespmem:s9+$0xF218], $0x1;
	_ =	sdelay $0x1  }
0x1ba: {  	v1 =	vld.msk @!p1 [tilespmem:$0xF218], $0x1;
	_ =	sdelay $0x2  }
0x1bb: {  	p2 =	seq.s32 @!p1 s9, $0x0;
	v0 =	vbroadcast @!p1 v0, $0x0  }
0x1bc: {  	vm0 =	vmmov @!p1 $0x1;
	p2 =	por !p2, p1  }
0x1bd: {  	v1 =	vnsel @!p1 vm0, $0xFFFFFFFF, v1;
	vm0 =	vcmask @!p1 $0x308;
	v0 =	vpsel !p2, $0xFFFFFFFF, v0  }
0x1be: {  	p2 =	sne.s32 @!p1 s8, s7;
	v0 =	vsel @!p1 vm0, v1, v0  }
0x1bf: {  	s0 =	simm.s32 @!p1 $0xF238;
	s2 =	simm.s32 @!p1 $0x0;
	p3 =	por !p2, p1;
	[tilespmem:$0x10238] =	vst @!p1 v0  }
0x1c0: {  	[spmem:s2] =	stream.linear.scatter @!p1 [tilespmem:s0], [sflag:$0x1], $0x80, $0x38;
	[tilespmem:$0x1F6F8] =	vst v63  }
0x1c1: {  	s0 =	sshll.u32 @!p3 s9, $0x9  }
0x1c2: {  	s0 =	sshra.s32 @!p3 s0, $0x2  }
0x1c3: {  	s2 =	simm.s32 @!p3 $0x80;
	s0 =	sadd.s32 @!p3 $0xF238, s0  }
0x1c4: {  	[spmem:s2] =	stream.linear.scatter @!p3 [tilespmem:s0], [sflag:$0x1], $0x80, $0x38;
	[tilespmem:$0x1F6F8] =	vst v63  }
0x1c5: {  	s0 =	simm.s32 @!p3 $0x1  }
0x1c6: {  	_ =	swait.ge @!p3 [sflag:s0], $0x100  }
0x1c7: {  	p1 =	por p2, p1;
	[sflag:s0] =	ssyncset.done @!p3 $0x0  }
0x1c8: {  	[sflag:s0] =	ssyncadd.s32 @!p3 $0xFFFFFF00;
	s0 =	simm.s32 @!p1 $0x1  }
0x1c9: {  	_ =	swait.ge @!p1 [sflag:s0], $0x80  }
0x1ca: {  	s29 =	simm.s32 $0x10238;
	[sflag:s0] =	ssyncset.done @!p1 $0x0  }
0x1cb: {  	s30 =	simm.s32 $0x1000;
	s31 =	simm.s32 $0x1;
	[sflag:s0] =	ssyncadd.s32 @!p1 $0xFFFFFF80  }
0x1cc: {  	[spmem:s30] =	stream.linear.scatter [tilespmem:s29], [sflag:$0x1], $0x10, $0x38;
	[tilespmem:$0x1F6F8] =	vst v63  }
0x1cd: {  	_ =	swait.ge [sflag:s31], $0x10  }
0x1ce: {  	[sflag:s31] =	ssyncset.done $0x0  }
0x1cf: {  	p1 =	seq.s32 s15, $0x0;
	s8 =	rddreg [dreg:$0x2];
	[sflag:s31] =	ssyncadd.s32 $0xFFFFFFF0  }
0x1d0: {  	s2 =	sshll.u32 @p1 s8, $0xE;
	s7 =	rddreg [dreg:$0x3]  }
0x1d1: {  	s0 =	sadd.s32 @p1 $0x15C3C, s2;
	s2 =	sshll.u32 @p1 s7, $0x11  }
0x1d2: {  	_ =	sfence.stream.spmem;
	s0 =	sor.u32 @p1 s2, s0  }
0x1d3: {  	[sflag:s0] =	ssyncadd.remote.s32 @p1 $0x1;
	s0 =	simm.s32 @p1 $0x4  }
0x1d4: {  	s3 =	simm.s32 @!p1 $0x3C;
	s2 =	sand.u32 $0xFFFFFFFE, s8;
	_ =	swait.ge @p1 [sflag:s0], $0x22  }
0x1d5: {  	s4 =	simm.s32 @!p1 $0x0;
	s2 =	sadd.s32 @!p1 $0x4, s2;
	[sflag:s0] =	ssyncset.done @p1 $0x0  }
0x1d6: {  	s5 =	simm.s32 @!p1 $0x100;
	[sflag:s0] =	ssyncadd.s32 @p1 $0xFFFFFFDE;
	s0 =	sshll.u32 @!p1 s2, $0x1A  }
0x1d7: {  	s2 =	sshll.u32 @!p1 s2, $0xD;
	s0 =	sor.u32 @!p1 s0, s7;
	_ =	swait.eq @!p1 [sflag:s3], $0x1  }
0x1d8: {  	s2 =	sor.u32 @!p1 $0x1C04, s2;
	s3 =	simm.s32 @!p1 $0x1C03;
	s0 =	sor.u32 @!p1 $0x80004000, s0  }
0x1d9: {  	[spmem:s5], [sflag:s2] =	dma.general @!p1 [spmem:s4], [sflag:s3], length:$0x20, [dreg:$0x0], stride_count:$0x0, ici_dest:s0, dma_misc:DstOpCode:WRITE  }
0x1da: {  	p2 =	slt.s32 s9, $0x2;
	s4 =	simm.s32 @!p1 $0x200;
	s5 =	simm.s32 @!p1 $0x202  }
0x1db: {  	[spmem:s5], [sflag:s2] =	dma.general @!p1 [spmem:s4], [sflag:s3], length:$0x2, [dreg:$0x0], stride_count:$0x0, ici_dest:s0, dma_misc:DstOpCode:WRITE  }
.Ltmp27:
0x1dc: {  	s0 =	simm.s32 @!p1 $0x3;
	(pc) =	sbr.rel @p2 .LBB2_38-.Ltmp27, $4  }
0x1dd: {  	s2 =	sshll.u32 @!p1 s8, $0xE;
	_ =	swait.ge @!p1 [sflag:s0], $0x22  }
0x1de: {  	s3 =	sshll.u32 @!p1 s7, $0x11;
	s2 =	sadd.s32 @!p1 $0x11C3C, s2;
	[sflag:s0] =	ssyncset.done @!p1 $0x0  }
0x1df: {  	[sflag:s0] =	ssyncadd.s32 @!p1 $0xFFFFFFDE;
	s0 =	sor.u32 @!p1 s3, s2  }
0x1e0: {  	[sflag:s0] =	ssyncadd.remote.s32 @!p1 $0xFFFFFFFF;
	s0 =	simm.s32 $0x0  }
0x1e1: {  	s0 =	simm.s32 $0xF219  }
0x1e2: {  	v0 =	vld.msk [tilespmem:s0+$0x0], $0x1;
	_ =	sdelay $0x4  }
0x1e3: {  	(v2sf) =	vpush v0, $0x0;
	_ =	sdelay $0xb  }
0x1e4: {  	s31 =	sadd.s32 $0xFFFFFFFE, s6  }
0x1e5: {  	s0 =	sadd.s32 $0xFFFFFFFF, s31  }
0x1e6: {  	p2 =	sne.s32 s0, $0x0  }
.Ltmp28:
0x1e7: {  	s2 =	spop (v2sf);
	(pc) =	sbr.rel @!p2 .LBB2_37-.Ltmp28, $4  }
0x1e8: {  	s4 =	simm.s32 $0xF2B8;
	s7 =	simm.s32 $0x0;
	p1 =	sgt.u32 s2, $0x3FFF0  }
0x1e9: {  	s5 =	simm.s32 $0x0;
	s6 =	simm.s32 $0xF21A;
	s3 =	sand.u32 @!p1 $0x3FFF8, s2  }
0x1ea: {  	s2 =	sand.u32 @!p1 $0x7, s2;
	s7 =	simm.s32 @!p1 $0x200;
	s3 =	sadd.s32 @!p1 s1, s3  }
0x1eb: {  	[hbm4b:s3+s2] =	stream.linear.scatter @!p1 [tilespmem:s4], [sflag:$0x5], $0x80, $0x38;
	[tilespmem:$0x1F6F8] =	vst v63  }
.LBB2_36:
0x1ec: {  	v0 =	vld.msk [tilespmem:s6+$0x0], $0x1;
	s0 =	sadd.s32 $0xFFFFFFFF, s0;
	s5 =	sadd.s32 s5, s7  }
0x1ed: {  	p1 =	sne.s32 s0, $0x0;
	_ =	sdelay $0x3  }
0x1ee: {  	(v2sf) =	vpush v0, $0x0;
	_ =	sdelay $0xe  }
.Ltmp29:
0x1ef: {  	s2 =	spop (v2sf);
	(pc) =	sbr.rel @p1 .LBB2_36-.Ltmp29, $4  }
0x1f0: {  	s7 =	simm.s32 $0x0;
	p2 =	sgt.u32 s2, $0x3FFF0  }
0x1f1: {  	s4 =	sadd.s32 $0x80, s4;
	s7 =	simm.s32 @!p2 $0x200;
	s3 =	sand.u32 @!p2 $0x3FFF8, s2  }
0x1f2: {  	s6 =	sadd.s32 $0x1, s6;
	s2 =	sand.u32 @!p2 $0x7, s2;
	s3 =	sadd.s32 @!p2 s1, s3  }
0x1f3: {  	[hbm4b:s3+s2] =	stream.linear.scatter @!p2 [tilespmem:s4], [sflag:$0x5], $0x80, $0x38;
	[tilespmem:$0x1F6F8] =	vst v63  }
.LBB2_37:
0x1f4: {  	s0 =	sadd.s32 s5, s7  }
0x1f5: {  	s0 =	sshrl.u32 s0, $0x2  }
.LBB2_38:
0x1f6: {  	s2 =	simm.s32 $0x5  }
0x1f7: {  	_ =	swait.ge [sflag:s2], s0  }
0x1f8: {  	s31 =	ssub.s32 $0x0, s0;
	[sflag:s2] =	ssyncset.done $0x0  }
0x1f9: {  	[sflag:s2] =	ssyncadd.s32 s31  }
0x1fa: {  	[sflag:s2] =	ssyncpa.u1 $0x1  }
.LBB2_39:
0x1fb: {  	s0 =	sor.u32 s15, s16  }
0x1fc: {  	p1 =	sne.s32 s0, $0x0  }
.Ltmp30:
0x1fd: {  	_ = 	snop;
	(pc) =	sbr.rel @p1 .LBB2_54-.Ltmp30, $3  }
0x1fe: {  	_ =	sdelay $0x1  }
0x1ff: {  	[bflag:$0x0] =	sbarrier.arrive $0xFFFF  }
0x200: {  	_ =	sfence  }
0x201: {  	s0 =	simm.s32 $0x7  }
0x202: {  	s2 =	simm.s32 $0x1000;
	s3 =	simm.s32 $0xF218;
	[sflag:s0] =	ssyncpa.u1 $0x0  }
0x203: {  	[tilespmem:s3], [sflag:$0x7] =	stream.linear.gather [spmem:s2], $0x20, $0x38;
	[tilespmem:$0x1F6F8] =	vst v63  }
0x204: {  	s30 =	simm.s32 $0xF238;
	s2 =	simm.s32 $0x0  }
0x205: {  	[tilespmem:s30], [sflag:$0x7] =	stream.linear.gather [spmem:s2], $0x1000, $0x38;
	[tilespmem:$0x1F6F8] =	vst v63  }
.Ltmp31:
0x206: {  	_ = 	snop;
	(pc) =	sbr.rel .LBB2_41-.Ltmp31, $4  }
0x207: {  	_ =	swait.ge [sflag:s0], $0x1020  }
0x208: {  	[sflag:s0] =	ssyncset.done $0x0  }
0x209: {  	s31 =	simm.s32 $0x8;
	[sflag:s0] =	ssyncadd.s32 $0xFFFFEFE0  }
0x20a: {  	s3 =	simm.s32 $0x0;
	[sflag:s31] =	ssyncpa.u1 $0x0  }
.LBB2_47:
0x20b: {  	p1 =	slt.u32 s4, $0x3FFF1  }
0x20c: {  	s0 =	sand.u32 @p1 $0x3FFF8, s4  }
0x20d: {  	s4 =	sand.u32 @p1 $0x7, s4;
	s5 =	simm.s32 @p1 $0xF188;
	s0 =	sadd.s32 @p1 s1, s0  }
0x20e: {  	[tilespmem:s5], [sflag:$0x8] =	stream.linear.gather @p1 [hbm4b:s0+s4], $0x80, $0x38;
	[tilespmem:$0x1F6F8] =	vst v63  }
0x20f: {  	s0 =	simm.s32 @p1 $0x8  }
0x210: {  	_ =	swait.ge @p1 [sflag:s0], $0x80  }
0x211: {  	[sflag:s0] =	ssyncset.done @p1 $0x0  }
0x212: {  	[sflag:s0] =	ssyncadd.s32 @p1 $0xFFFFFF80  }
0x213: {  	v1 =	vld @p1 [tilespmem:$0xF188];
	_ =	sdelay $0x2  }
0x214: {  	s0 =	sshll.u32 @p1 s3, $0x9  }
0x215: {  	s4 =	sshrl.u32 @p1 s0, $0x2  }
0x216: {  	[tilespmem:s4+$0xF238] =	vst.add.f32.msk @p1 $0xffff, v1  }
0x217: {  	v1 =	vld @p1 [tilespmem:$0xF198];
	_ =	sdelay $0x4  }
0x218: {  	[tilespmem:s4+$0xF248] =	vst.add.f32.msk @p1 $0xffff, v1  }
0x219: {  	v1 =	vld @p1 [tilespmem:$0xF1A8];
	_ =	sdelay $0x4  }
0x21a: {  	[tilespmem:s4+$0xF258] =	vst.add.f32.msk @p1 $0xffff, v1  }
0x21b: {  	v1 =	vld @p1 [tilespmem:$0xF1B8];
	_ =	sdelay $0x4  }
0x21c: {  	[tilespmem:s4+$0xF268] =	vst.add.f32.msk @p1 $0xffff, v1  }
0x21d: {  	v1 =	vld @p1 [tilespmem:$0xF1C8];
	_ =	sdelay $0x4  }
0x21e: {  	[tilespmem:s4+$0xF278] =	vst.add.f32.msk @p1 $0xffff, v1  }
0x21f: {  	v1 =	vld @p1 [tilespmem:$0xF1D8];
	_ =	sdelay $0x4  }
0x220: {  	[tilespmem:s4+$0xF288] =	vst.add.f32.msk @p1 $0xffff, v1  }
0x221: {  	v1 =	vld @p1 [tilespmem:$0xF1E8];
	_ =	sdelay $0x4  }
0x222: {  	[tilespmem:s4+$0xF298] =	vst.add.f32.msk @p1 $0xffff, v1  }
0x223: {  	v1 =	vld @p1 [tilespmem:$0xF1F8];
	_ =	sdelay $0x3  }
0x224: {  	s5 =	sshll.u32 @!p1 s3, $0x9  }
0x225: {  	s5 =	smov.u32 @p1 s0;
	[tilespmem:s4+$0xF2A8] =	vst.add.f32.msk @p1 $0xffff, v1  }
0x226: {  	s0 =	sshrl.u32 s5, $0x2;
	[tilespmem:s2+$0xF218] =	vst.msk $0x1, v0  }
0x227: {  	v0 =	vld [tilespmem:s0+$0xF238];
	_ =	sdelay $0x2  }
0x228: {  	s31 =	sshll.u32 s2, $0x9  }
0x229: {  	s4 =	sshra.s32 s31, $0x2  }
0x22a: {  	[tilespmem:s4+$0xF238] =	vst v0  }
0x22b: {  	v0 =	vld [tilespmem:s0+$0xF248];
	_ =	sdelay $0x4  }
0x22c: {  	[tilespmem:s4+$0xF248] =	vst v0  }
0x22d: {  	v0 =	vld [tilespmem:s0+$0xF258];
	_ =	sdelay $0x4  }
0x22e: {  	[tilespmem:s4+$0xF258] =	vst v0  }
0x22f: {  	v0 =	vld [tilespmem:s0+$0xF268];
	_ =	sdelay $0x4  }
0x230: {  	[tilespmem:s4+$0xF268] =	vst v0  }
0x231: {  	v0 =	vld [tilespmem:s0+$0xF278];
	_ =	sdelay $0x4  }
0x232: {  	[tilespmem:s4+$0xF278] =	vst v0  }
0x233: {  	v0 =	vld [tilespmem:s0+$0xF288];
	_ =	sdelay $0x4  }
0x234: {  	[tilespmem:s4+$0xF288] =	vst v0  }
0x235: {  	v0 =	vld [tilespmem:s0+$0xF298];
	_ =	sdelay $0x4  }
0x236: {  	[tilespmem:s4+$0xF298] =	vst v0  }
0x237: {  	v0 =	vld [tilespmem:s0+$0xF2A8];
	_ =	sdelay $0x4  }
0x238: {  	s2 =	sadd.s32 $0x1, s2;
	[tilespmem:s4+$0xF2A8] =	vst v0  }
.LBB2_48:
0x239: {  	s3 =	sadd.s32 $0x1, s3  }
0x23a: {  	p1 =	sne.s32 s3, $0x20  }
.Ltmp32:
0x23b: {  	_ = 	snop;
	(pc) =	sbr.rel @!p1 .LBB2_49-.Ltmp32, $1  }
0x23c: {  	_ =	sdelay $0x3  }
.LBB2_41:
0x23d: {  	v0 =	vld.msk [tilespmem:s3+$0xF218], $0x1;
	_ =	sdelay $0x4  }
0x23e: {  	(v2sf) =	vpush v0, $0x0;
	_ =	sdelay $0xe  }
0x23f: {  	s4 =	spop (v2sf)  }
0x240: {  	p1 =	seq.s32 s4, $0xFFFFFFFF  }
.Ltmp33:
0x241: {  	_ = 	snop;
	(pc) =	sbr.rel @p1 .LBB2_48-.Ltmp33, $1  }
0x242: {  	_ =	sdelay $0x3  }
0x243: {  	p1 =	slt.s32 s2, $0x1  }
.Ltmp34:
0x244: {  	_ = 	snop;
	(pc) =	sbr.rel @p1 .LBB2_47-.Ltmp34, $1  }
0x245: {  	_ =	sdelay $0x3  }
0x246: {  	s5 =	simm.s32 $0xF218;
	p1 =	por $0x0, $0x0  }
0x247: {  	v1 =	vld.msk @!p1 [tilespmem:s5+$0x0], $0x1;
	_ =	sdelay $0x4  }
0x248: {  	(v2sf) =	vpush @!p1 v1, $0x0;
	_ =	sdelay $0xd  }
0x249: {  	p3 =	sne.s32 s2, $0x1  }
.Ltmp35:
0x24a: {  	s0 =	spop @!p1 (v2sf);
	(pc) =	sbr.rel @!p3 .LBB2_45-.Ltmp35, $4  }
0x24b: {  	p2 =	seq.s32 @!p1 s4, s0  }
0x24c: {  	s6 =	simm.s32 $0x0;
	p2 =	por !p2, p1  }
0x24d: {  	s7 =	simm.s32 $0xFFFFFFFF;
	s6 =	simm.s32 @p2 $0xFFFFFFFF  }
0x24e: {  	s0 =	simm.s32 $0x1;
	s6 =	smov.u32 @p1 s7  }
.LBB2_44:
0x24f: {  	s7 =	smov.u32 s6;
	p1 =	sne.s32 s6, $0xFFFFFFFF  }
0x250: {  	s5 =	sadd.s32 $0x1, s5;
	s6 =	smov.u32 s0;
	s0 =	sadd.s32 $0x1, s0  }
0x251: {  	p2 =	sne.s32 s2, s0;
	v1 =	vld.msk @!p1 [tilespmem:s5+$0x0], $0x1;
	_ =	sdelay $0x4  }
0x252: {  	(v2sf) =	vpush @!p1 v1, $0x0;
	_ =	sdelay $0xe  }
.Ltmp36:
0x253: {  	s8 =	spop @!p1 (v2sf);
	(pc) =	sbr.rel @p2 .LBB2_44-.Ltmp36, $4  }
0x254: {  	p3 =	seq.s32 @!p1 s4, s8  }
0x255: {  	p3 =	por !p3, p1  }
0x256: {  	s6 =	simm.s32 @p3 $0xFFFFFFFF  }
0x257: {  	s6 =	smov.u32 @p1 s7  }
.LBB2_45:
0x258: {  	p1 =	seq.s32 s6, $0xFFFFFFFF  }
.Ltmp37:
0x259: {  	_ = 	snop;
	(pc) =	sbr.rel @p1 .LBB2_47-.Ltmp37, $1  }
0x25a: {  	_ =	sdelay $0x3  }
0x25b: {  	s0 =	sshll.u32 s3, $0x7  }
0x25c: {  	s0 =	sand.u32 $0x3FFFFF80, s0  }
0x25d: {  	v0 =	vld [tilespmem:s0+$0xF238];
	_ =	sdelay $0x2  }
0x25e: {  	s4 =	sshll.u32 s6, $0x9  }
0x25f: {  	s4 =	sshra.s32 s4, $0x2  }
0x260: {  	[tilespmem:s4+$0xF238] =	vst.add.f32.msk $0xffff, v0  }
0x261: {  	v0 =	vld [tilespmem:s0+$0xF248];
	_ =	sdelay $0x4  }
0x262: {  	[tilespmem:s4+$0xF248] =	vst.add.f32.msk $0xffff, v0  }
0x263: {  	v0 =	vld [tilespmem:s0+$0xF258];
	_ =	sdelay $0x4  }
0x264: {  	[tilespmem:s4+$0xF258] =	vst.add.f32.msk $0xffff, v0  }
0x265: {  	v0 =	vld [tilespmem:s0+$0xF268];
	_ =	sdelay $0x4  }
0x266: {  	[tilespmem:s4+$0xF268] =	vst.add.f32.msk $0xffff, v0  }
0x267: {  	v0 =	vld [tilespmem:s0+$0xF278];
	_ =	sdelay $0x4  }
0x268: {  	[tilespmem:s4+$0xF278] =	vst.add.f32.msk $0xffff, v0  }
0x269: {  	v0 =	vld [tilespmem:s0+$0xF288];
	_ =	sdelay $0x4  }
0x26a: {  	[tilespmem:s4+$0xF288] =	vst.add.f32.msk $0xffff, v0  }
0x26b: {  	v0 =	vld [tilespmem:s0+$0xF298];
	_ =	sdelay $0x4  }
0x26c: {  	[tilespmem:s4+$0xF298] =	vst.add.f32.msk $0xffff, v0  }
0x26d: {  	v0 =	vld [tilespmem:s0+$0xF2A8]  }
.Ltmp38:
0x26e: {  	_ = 	snop;
	(pc) =	sbr.rel .LBB2_48-.Ltmp38, $2  }
0x26f: {  	_ =	sdelay $0x2  }
0x270: {  	[tilespmem:s4+$0xF2A8] =	vst.add.f32.msk $0xffff, v0  }
.LBB2_49:
0x271: {  	p1 =	slt.s32 s2, $0x1  }
.Ltmp39:
0x272: {  	_ = 	snop;
	(pc) =	sbr.rel @p1 .LBB2_53-.Ltmp39, $3  }
0x273: {  	_ =	sdelay $0x1  }
0x274: {  	s0 =	simm.s32 $0x8  }
0x275: {  	s3 =	simm.s32 $0x0;
	[sflag:s0] =	ssyncpa.u1 $0x1  }
0x276: {  	s0 =	simm.s32 $0xF218  }
0x277: {  	v0 =	vld.msk [tilespmem:s0+$0x0], $0x1;
	_ =	sdelay $0x4  }
0x278: {  	(v2sf) =	vpush v0, $0x0;
	_ =	sdelay $0xe  }
0x279: {  	s0 =	sadd.s32 $0xFFFFFFFF, s2;
	s5 =	spop (v2sf)  }
0x27a: {  	p2 =	sne.s32 s0, $0x0;
	p1 =	sgt.u32 s5, $0x3FFF0  }
.Ltmp40:
0x27b: {  	s6 =	sand.u32 @!p1 $0x3FFF8, s5;
	(pc) =	sbr.rel @!p2 .LBB2_52-.Ltmp40, $4  }
0x27c: {  	s4 =	simm.s32 $0xF238;
	s5 =	sand.u32 @!p1 $0x7, s5;
	s2 =	sadd.s32 @!p1 s1, s6  }
0x27d: {  	[hbm4b:s2+s5] =	stream.linear.scatter @!p1 [tilespmem:s4], [sflag:$0x7], $0x80, $0x38;
	[tilespmem:$0x1F6F8] =	vst v63  }
0x27e: {  	s5 =	simm.s32 $0x0  }
0x27f: {  	s2 =	simm.s32 $0xF219;
	s5 =	simm.s32 @!p1 $0x200  }
.LBB2_51:
0x280: {  	v0 =	vld.msk [tilespmem:s2+$0x0], $0x1;
	s0 =	sadd.s32 $0xFFFFFFFF, s0;
	s3 =	sadd.s32 s3, s5  }
0x281: {  	p1 =	sne.s32 s0, $0x0;
	_ =	sdelay $0x3  }
0x282: {  	(v2sf) =	vpush v0, $0x0;
	_ =	sdelay $0xe  }
.Ltmp41:
0x283: {  	s6 =	spop (v2sf);
	(pc) =	sbr.rel @p1 .LBB2_51-.Ltmp41, $4  }
0x284: {  	s5 =	simm.s32 $0x0;
	p2 =	sgt.u32 s6, $0x3FFF0  }
0x285: {  	s4 =	sadd.s32 $0x80, s4;
	s5 =	simm.s32 @!p2 $0x200;
	s7 =	sand.u32 @!p2 $0x3FFF8, s6  }
0x286: {  	s2 =	sadd.s32 $0x1, s2;
	s6 =	sand.u32 @!p2 $0x7, s6;
	s7 =	sadd.s32 @!p2 s1, s7  }
0x287: {  	[hbm4b:s7+s6] =	stream.linear.scatter @!p2 [tilespmem:s4], [sflag:$0x7], $0x80, $0x38;
	[tilespmem:$0x1F6F8] =	vst v63  }
.LBB2_52:
0x288: {  	s0 =	sadd.s32 s3, s5  }
0x289: {  	s3 =	sshrl.u32 s0, $0x2  }
.LBB2_53:
0x28a: {  	s0 =	simm.s32 $0x7  }
0x28b: {  	_ =	swait.ge [sflag:s0], s3  }
0x28c: {  	s1 =	ssub.s32 $0x0, s3;
	[sflag:s0] =	ssyncset.done $0x0  }
0x28d: {  	[sflag:s0] =	ssyncadd.s32 s1  }
0x28e: {  	[sflag:s0] =	ssyncpa.u1 $0x1  }
.LBB2_54:
0x28f: {  	_ =	sfence;
	s0 =	simm.s32 $0x1  }
0x290: {  	[sflag:s0] =	ssyncpa.u1 $0x1  }
0x291: {  	_ =	strace $0x90000062  }
0x292: {  	[bflag:$0x2] =	sbarrier.arrive $0xFFFF  }
0x293: {  	s0 =	rddreg [dreg:$0x4]  }
0x294: {  	s0 =	sadd.s32 @!p0 $0x100000, s0  }
0x295: {  	[sflag:s0] =	ssyncadd.tile.s32 @!p0 $0x1;
	_ =	shalt  }
.Lfunc_end2:
_tile_overlayer_lowered:
.L_overlay_start_2:
0x296: {  	(tag) =	ssettag $0x2  }
0x297: {  	s0 =	rddreg [dreg:$0x0];
	s2 =	stileid.u32  }
0x298: {  	s1 =	rddreg [dreg:$0x1];
	p0 =	sne.s32 s2, $0x0  }
0x299: {  	s3 =	rddreg [dreg:$0x2];
	[bflag:$0x3] =	sbarrier.arrive $0xFFFF;
	s2 =	simm.s32 @!p0 $0x1C01  }
0x29a: {  	[timem:s3], [sflag:s2] =	dma.local @!p0 [hbm:s0], s1  }
0x29b: {  	s0 =	simm.s32 @!p0 $0x1  }
0x29c: {  	_ =	swait.ge @!p0 [sflag:s0], s1  }
0x29d: {  	s1 =	ssub.s32 @!p0 $0x0, s1;
	[sflag:s0] =	ssyncset.done @!p0 $0x0  }
0x29e: {  	[sflag:s0] =	ssyncadd.s32 @!p0 s1  }
0x29f: {  	[bflag:$0x3] =	sbarrier.arrive $0xFFFF  }
0x2a0: {  	_ =	shalt  }

// kernel: scatter_offload_async_start.2
scs
__scs_entry_jumppad:
0x0: {  	(pc) =	sbr.rel $0x88, $3  }
0x1: {  	(tag) =	ssettag $0x0;
	lr =	simm.s32 $0x1  }
0x2: {  	[smem:$0x3F96] =	sst lr;
	_ =	strace $0xD0000000  }
0x3: {  	_ = 	snop  }
0x4: {  	_ = 	snop  }
0x5: {  	_ = 	snop  }
0x6: {  	_ = 	snop  }
0x7: {  	_ = 	snop  }
__scs_overlays_trampoline_lowered:
0x8: {  	[smem:$0x3FA5] =	sst s0  }
0x9: {  	[smem:$0x3FA6] =	sst s1  }
0xa: {  	[smem:$0x3FA7] =	sst s2  }
0xb: {  	[smem:$0x3FA8] =	sst s3  }
0xc: {  	[smem:$0x3FA9] =	sst s4  }
0xd: {  	[smem:$0x3FAA] =	sst s5  }
0xe: {  	[smem:$0x3FAB] =	sst s6  }
0xf: {  	[smem:$0x3FAC] =	sst s7  }
0x10: {  	[smem:$0x3FAD] =	sst s8  }
0x11: {  	[smem:$0x3FAE] =	sst s9;
	s0 =	simm.s32 @!p0 $0x0  }
0x12: {  	s1 =	sld [smem:$0x3F94];
	s0 =	simm.s32 @p0 $0x1  }
0x13: {  	[smem:$0x3FAF] =	sst s0;
	s0 =	simm.s32 @!p1 $0x0  }
0x14: {  	s2 =	sld [smem:$0x3F93];
	s0 =	simm.s32 @p1 $0x1  }
0x15: {  	[smem:$0x3FB0] =	sst s0;
	s0 =	simm.s32 @!p2 $0x0  }
0x16: {  	s3 =	sld [smem:$0x3FDB];
	s0 =	simm.s32 @p2 $0x1  }
0x17: {  	s4 =	simm.s32 $0x1BF5;
	[smem:$0x3FB2] =	sst s0  }
0x18: {  	s0 =	sld [smem:$0x3F95];
	_ =	swait.ge [sflag:s4], $0x0  }
0x19: {  	s7 =	sld [smem:$0x3F96]  }
0x1a: {  	s8 =	sadd.s32 $0xFFFFE003, lr  }
0x1b: {  	s9 =	sadd.s32 $0xFFFFFEF7, lr;
	s5 =	simm.s32 $0xFFFFFFFF;
	p2 =	slt.u32 s8, $0xFFFFF086  }
0x1c: {  	p1 =	slt.u32 s9, $0xF7A;
	s5 =	simm.s32 @!p2 $0x0  }
0x1d: {  	s5 =	simm.s32 @p1 $0x1;
	p0 =	seq.s32 s7, s2  }
0x1e: {  	s7 =	smul.u32 @!p0 $0xF7A, s2;
	p2 =	seq.s32 @!p0 s5, $0x0  }
0x1f: {  	s9 =	smul.u32 $0xF7A, s1;
	s8 =	simm.s32 @!p0 $0x1BF5;
	p2 =	por !p2, p0  }
0x20: {  	[sflag:s8] =	ssyncset.s32 @!p0 $0xFFFFF086;
	s6 =	sadd.s32 @!p0 s3, s7;
	s7 =	simm.s32 @!p0 $0x108  }
0x21: {  	s3 =	sadd.s32 s3, s9;
	s6 =	sadd.s32 @!p0 $0x88, s6;
	s7 =	simm.s32 @p2 $0x1082  }
0x22: {  	[simem:s7], [sflag:s8] =	dma.local @!p0 [hbm:s6], $0xF7A  }
0x23: {  	s9 =	sor.u32 $0xD0000000, s2;
	s6 =	simm.s32 $0x108;
	_ =	swait.ge @!p0 [sflag:s8], $0x0  }
0x24: {  	s3 =	sadd.s32 $0x88, s3;
	s6 =	simm.s32 @!p1 $0x1082;
	[sflag:s4] =	ssyncset.s32 $0xFFFFF086  }
0x25: {  	[simem:s6], [sflag:s4] =	dma.local [hbm:s3], $0xF7A  }
0x26: {  	[smem:$0x3F96] =	sst s1;
	(tag) =	ssettag s2;
	_ =	strace s9  }
0x27: {  	s1 =	sld [smem:$0x3FA6]  }
0x28: {  	s2 =	sld [smem:$0x3FA7]  }
0x29: {  	s4 =	sld [smem:$0x3FA9]  }
0x2a: {  	p0 =	seq.s32 s5, $0x0;
	s5 =	sld [smem:$0x3FAA]  }
0x2b: {  	s6 =	sld [smem:$0x3FAB]  }
0x2c: {  	s7 =	sld [smem:$0x3FAC]  }
0x2d: {  	s3 =	simm.s32 $0x108;
	s8 =	sld [smem:$0x3FAD]  }
0x2e: {  	s3 =	simm.s32 @!p0 $0x1082;
	s9 =	sld [smem:$0x3FAE]  }
0x2f: {  	lr =	sadd.s32 s0, s3;
	s0 =	sld [smem:$0x3FA5]  }
0x30: {  	s3 =	sld [smem:$0x3FA8]  }
0x31: {  	[smem:$0x3FB1] =	sst s10  }
0x32: {  	s10 =	sld [smem:$0x3FAF];
	_ =	sdelay $0x3  }
0x33: {  	p0 =	seq.s32 s10, $0x1;
	s10 =	sld [smem:$0x3FB1];
	_ =	sdelay $0x3  }
0x34: {  	[smem:$0x3FB1] =	sst s10  }
0x35: {  	s10 =	sld [smem:$0x3FB0];
	_ =	sdelay $0x3  }
0x36: {  	p1 =	seq.s32 s10, $0x1;
	s10 =	sld [smem:$0x3FB1];
	_ =	sdelay $0x3  }
0x37: {  	[smem:$0x3FB1] =	sst s10  }
0x38: {  	s10 =	sld [smem:$0x3FB2]  }
0x39: {  	_ = 	snop;
	(pc) =	sbr.ind lr, $3  }
0x3a: {  	_ = 	snop  }
0x3b: {  	_ = 	snop  }
0x3c: {  	p2 =	seq.s32 s10, $0x1;
	s10 =	sld [smem:$0x3FB1]  }
0x3d: {  	_ =	shalt  }
0x3e: {  	_ =	shalt  }
0x3f: {  	_ =	shalt  }
0x40: {  	_ =	shalt  }
0x41: {  	_ =	shalt  }
0x42: {  	_ =	shalt  }
0x43: {  	_ =	shalt  }
0x44: {  	_ =	shalt  }
0x45: {  	_ =	shalt  }
0x46: {  	_ =	shalt  }
0x47: {  	_ =	shalt  }
0x48: {  	_ =	shalt  }
0x49: {  	_ =	shalt  }
0x4a: {  	_ =	shalt  }
0x4b: {  	_ =	shalt  }
0x4c: {  	_ =	shalt  }
0x4d: {  	_ =	shalt  }
0x4e: {  	_ =	shalt  }
0x4f: {  	_ =	shalt  }
0x50: {  	_ =	shalt  }
0x51: {  	_ =	shalt  }
0x52: {  	_ =	shalt  }
0x53: {  	_ =	shalt  }
0x54: {  	_ =	shalt  }
0x55: {  	_ =	shalt  }
0x56: {  	_ =	shalt  }
0x57: {  	_ =	shalt  }
0x58: {  	_ =	shalt  }
0x59: {  	_ =	shalt  }
0x5a: {  	_ =	shalt  }
0x5b: {  	_ =	shalt  }
0x5c: {  	_ =	shalt  }
0x5d: {  	_ =	shalt  }
0x5e: {  	_ =	shalt  }
0x5f: {  	_ =	shalt  }
0x60: {  	_ =	shalt  }
0x61: {  	_ =	shalt  }
0x62: {  	_ =	shalt  }
0x63: {  	_ =	shalt  }
0x64: {  	_ =	shalt  }
0x65: {  	_ =	shalt  }
0x66: {  	_ =	shalt  }
0x67: {  	_ =	shalt  }
0x68: {  	_ =	shalt  }
0x69: {  	_ =	shalt  }
0x6a: {  	_ =	shalt  }
0x6b: {  	_ =	shalt  }
0x6c: {  	_ =	shalt  }
0x6d: {  	_ =	shalt  }
0x6e: {  	_ =	shalt  }
0x6f: {  	_ =	shalt  }
0x70: {  	_ =	shalt  }
0x71: {  	_ =	shalt  }
0x72: {  	_ =	shalt  }
0x73: {  	_ =	shalt  }
0x74: {  	_ =	shalt  }
0x75: {  	_ =	shalt  }
0x76: {  	_ =	shalt  }
0x77: {  	_ =	shalt  }
0x78: {  	_ =	shalt  }
0x79: {  	_ =	shalt  }
0x7a: {  	_ =	shalt  }
0x7b: {  	_ =	shalt  }
0x7c: {  	_ =	shalt  }
0x7d: {  	_ =	shalt  }
0x7e: {  	_ =	shalt  }
0x7f: {  	_ =	shalt  }
0x80: {  	_ =	shalt  }
0x81: {  	_ =	shalt  }
0x82: {  	_ =	shalt  }
0x83: {  	_ =	shalt  }
0x84: {  	_ =	shalt  }
0x85: {  	_ =	shalt  }
0x86: {  	_ =	shalt  }
0x87: {  	_ =	shalt  }
.Lfunc_end0:
.L_simem_size_0:
called_computation.2_lowered:
.L_overlay_start_0:
0x88: {  	s2 =	sld [smem:$0x3FD9]  }
0x89: {  	s3 =	sld [smem:$0x3FFE];
	_ =	sdelay $0x1  }
0x8a: {  	s1 =	srdreg.scid  }
0x8b: {  	s0 =	sand.u32 $0x1, s1  }
0x8c: {  	s16 =	sshll.u32 s0, $0xA;
	s2 =	sadd.s32 s3, s2  }
0x8d: {  	s2 =	sadd.s32 s2, s16  }
0x8e: {  	[smem:$0x3FBD] =	sst s2  }
0x8f: {  	_ = 	snop  }
0x90: {  	s2 =	sld [smem:$0x3FD0];
	(tm) =	ssettm $0x1  }
0x91: {  	s17 =	sld [smem:$0x3FFB];
	_ =	sdelay $0x3  }
0x92: {  	_ =	strace s17  }
0x93: {  	s3 =	sld [smem:$0x3FFC];
	_ =	sdelay $0x3  }
0x94: {  	_ =	strace s3  }
0x95: {  	s3 =	sld [smem:$0x3FFD];
	_ =	sdelay $0x3  }
0x96: {  	_ =	strace s3  }
0x97: {  	_ =	strace $0x8FFFFFFF  }
0x98: {  	s18 =	sld [smem:$0x3FDB];
	_ =	sdelay $0x1  }
0x99: {  	s4 =	simm.s32 $_scs_section_size  }
0x9a: {  	s5 =	simm.s32 $_size__tile_overlayer_lowered;
	s6 =	simm.s32 $_tile_overlayer_lowered  }
0x9b: {  	s21 =	simm.s32 $0x1BFF;
	s20 =	sshll.u32 s6, $0x1;
	s3 =	sadd.s32 s4, s18  }
0x9c: {  	s7 =	simm.s32 $0x0;
	s19 =	sshll.u32 s5, $0x1;
	s5 =	sadd.s32 s20, s3  }
0x9d: {  	[timem:s7], [sflag:s21] =	dma.local [hbm:s5], s19  }
0x9e: {  	_ =	swait.ge [sflag:s21], s19  }
0x9f: {  	s4 =	ssub.s32 $0x0, s19;
	[sflag:s21] =	ssyncset.done $0x0  }
0xa0: {  	[sflag:s21] =	ssyncadd.s32 s4;
	_ =	sdelay $0x1  }
0xa1: {  	s22 =	simm.s32 $0x1B8B  }
0xa2: {  	_ =	swait.ge [sflag:s22], $0x1  }
0xa3: {  	[sflag:s22] =	ssyncset.done $0x0  }
0xa4: {  	s23 =	sld [smem:$0x3FFE];
	[sflag:s22] =	ssyncadd.s32 $0xFFFFFFFF  }
0xa5: {  	s25 =	simm.s32 $0x1B8E;
	s24 =	sld [smem:$0x0]  }
0xa6: {  	s26 =	simm.s32 $execute0_lowered;
	[smem:$0x3FD2] =	sst s25  }
0xa7: {  	s6 =	sshll.u32 s26, $0x1;
	_ =	strace $0x80000076;
	[dreg:$0x1] =	wrdreg $0xFFFFFFFF  }
0xa8: {  	s28 =	simm.s32 $_size_execute0_lowered;
	s3 =	sadd.s32 s3, s6;
	[dreg:$0x0] =	wrdreg $0x0  }
0xa9: {  	s6 =	sshll.u32 s28, $0x1;
	[dreg:$0x2] =	wrdreg s3  }
0xaa: {  	[dreg:$0x3] =	wrdreg s6  }
0xab: {  	[dreg:$0x4] =	wrdreg $0xC0  }
0xac: {  	_ =	task [dreg:s7], $0x5FFFF  }
0xad: {  	[dreg:$0x1] =	wrdreg $0xFFFFFFFF  }
0xae: {  	[dreg:$0x0] =	wrdreg $0x60  }
0xaf: {  	[dreg:$0x2] =	wrdreg s23  }
0xb0: {  	[dreg:$0x3] =	wrdreg s2  }
0xb1: {  	[dreg:$0x4] =	wrdreg s1  }
0xb2: {  	[dreg:$0x5] =	wrdreg s24  }
0xb3: {  	[dreg:$0x6] =	wrdreg $0x9  }
0xb4: {  	_ =	task.clear_ibuf [dreg:s7], $0x7FFFF;
	_ =	strace $0x90000076  }
0xb5: {  	s29 =	simm.s32 $0x9;
	_ =	strace $0x80000078  }
0xb6: {  	_ =	swait.ge [sflag:s29], $0x1  }
0xb7: {  	[sflag:s29] =	ssyncadd.s32 $0xFFFFFFFF  }
0xb8: {  	_ =	strace $0x90000078  }
0xb9: {  	_ =	sfence  }
0xba: {  	s30 =	sld [smem:$0x0];
	_ =	sdelay $0x2  }
0xbb: {  	s31 =	sshll.u32 s1, $0xD;
	s1 =	sshrl.u32 s1, $0x2  }
0xbc: {  	s3 =	sand.u32 $0x4000, s31;
	s1 =	sadd.s32 s1, s30  }
0xbd: {  	s0 =	sor.u32 s3, s0;
	s1 =	sshll.u32 s1, $0x11  }
0xbe: {  	s0 =	sor.u32 s1, s0  }
0xbf: {  	s0 =	sadd.s32 $0x8F2B, s0  }
0xc0: {  	[sflag:s0] =	ssyncadd.remote.s32 $0x1  }
0xc1: {  	_ =	sfence.sel $0xFFFF  }
0xc2: {  	[dreg:$0x0] =	wrdreg $0xFFFFFFFF;
	(pc) =	sbr.abs _section_cstart, $3  }
0xc3: {  	[dreg:$0x1] =	wrdreg $0xFFFFFFFF  }
0xc4: {  	_ =	task.clear_ibuf [dreg:s7], $0x2FFFF;
	_ =	strace $0x9FFFFFFF  }
0xc5: {  	(tm) =	ssettm $0x7FFFFFFF  }
tec
execute0_lowered:
.L_overlay_start_1:
0x0: {  	(tag) =	ssettag $0x1  }
0x1: {  	s2 =	rddreg [dreg:$0x0]  }
0x2: {  	s3 =	rddreg [dreg:$0x2];
	_ =	strace $0x80000077;
	s0 =	simm.s32 $0x1  }
0x3: {  	s4 =	simm.s32 $0x108;
	v0 =	vimm.s32 $0x0;
	[sflag:s0] =	ssyncpa.u1 $0x0  }
0x4: {  	[tilespmem:s4+$0x70] =	vst v0  }
0x5: {  	[tilespmem:s4+$0x60] =	vst v0  }
0x6: {  	[tilespmem:s4+$0x50] =	vst v0  }
0x7: {  	[tilespmem:s4+$0x40] =	vst v0  }
0x8: {  	s1 =	sadd.s32 $0xD1600, s2;
	[tilespmem:s4+$0x30] =	vst v0  }
0x9: {  	s0 =	sadd.s32 $0xD0600, s2;
	s3 =	sand.u32 $0x1, s3;
	s15 =	sadd.s32 $0xD0E00, s2;
	[tilespmem:s4+$0x20] =	vst v0  }
0xa: {  	s2 =	simm.s32 $0x40;
	[dreg:$0x5] =	wrdreg s3;
	s16 =	sshll.u32 s3, $0xA;
	[tilespmem:s4+$0x10] =	vst v0  }
.LBB2_1:
0xb: {  	s2 =	sadd.s32 $0x40, s2;
	[tilespmem:s4+$0x0] =	vst v0;
	s4 =	sadd.s32 $0x80, s4  }
0xc: {  	p0 =	slt.u32 s2, $0x3C40;
	[tilespmem:s4+$0x70] =	vst v0  }
0xd: {  	[tilespmem:s4+$0x60] =	vst v0  }
.Ltmp0:
0xe: {  	[tilespmem:s4+$0x50] =	vst v0;
	(pc) =	sbr.rel @p0 .LBB2_1-.Ltmp0, $4  }
0xf: {  	[tilespmem:s4+$0x40] =	vst v0  }
0x10: {  	[tilespmem:s4+$0x30] =	vst v0  }
0x11: {  	[tilespmem:s4+$0x20] =	vst v0  }
0x12: {  	[tilespmem:s4+$0x10] =	vst v0  }
0x13: {  	s6 =	stileid.u32  }
0x14: {  	s3 =	sshll.u32 s6, $0x1;
	s2 =	smin.u32 s6, $0x3  }
0x15: {  	s2 =	sadd.s32 s2, s3  }
0x16: {  	p0 =	slt.u32 s6, $0x3;
	s8 =	smul.u32 $0xF0, s2;
	s2 =	simm.s32 $0x2D0  }
0x17: {  	s2 =	simm.s32 @!p0 $0x1E0  }
0x18: {  	s2 =	sadd.s32 s2, s8  }
0x19: {  	s9 =	smin.u32 s2, $0x2000  }
0x1a: {  	s2 =	ssub.s32 s9, s8  }
0x1b: {  	p0 =	sgt.s32 s2, $0x0  }
0x1c: {  	s10 =	simm.s32 $0x2;
	s11 =	simm.s32 $0x9;
	s2 =	simm.s32 @!p0 $0x0  }
0x1d: {  	s5 =	simm.s32 $0xA;
	s12 =	simm.s32 $0xB;
	s30 =	smul.u32 $0x8889, s2  }
0x1e: {  	s13 =	simm.s32 $0x1;
	s15 =	sadd.s32 s16, s15;
	s16 =	sadd.s32 s16, s0  }
0x1f: {  	s23 =	simm.s32 $0x0;
	[dreg:$0x6] =	wrdreg s3;
	s3 =	sshrl.u32 s30, $0x17  }
0x20: {  	s19 =	simm.s32 $0xC;
	s21 =	simm.s32 $0x0;
	s31 =	smul.u32 $0xF0, s3  }
.Ltmp1:
0x21: {  	[tilespmem:s4+$0x0] =	vst v0;
	v0 =	vimm.s32 $0xFFFFFFFF;
	s22 =	simm.s32 $0x0;
	[sflag:s10] =	ssyncpa.u1 $0x0;
	(pc) =	sbr.rel .LBB2_3-.Ltmp1, $4  }
0x22: {  	[tilespmem:$0xF208] =	vst v0;
	[sflag:s11] =	ssyncpa.u1 $0x0;
	p0 =	sne.s32 s2, s31;
	s2 =	simm.s32 $0x1  }
0x23: {  	s17 =	sshll.u32 s6, $0x8;
	[sflag:s5] =	ssyncpa.u1 $0x0;
	s2 =	simm.s32 @!p0 $0x0  }
0x24: {  	[sflag:s12] =	ssyncpa.u1 $0x0;
	s20 =	smov.u32 s8;
	s14 =	sadd.s32 s3, s2  }
0x25: {  	v0 =	vlaneseq.u32;
	s6 =	rddreg [dreg:$0x1];
	p0 =	por $0x0, $0x0;
	s18 =	sadd.s32 $0x1, s14  }
.LBB2_18:
0x26: {  	s0 =	sshrl.u32 s0, $0x2  }
.LBB2_20:
0x27: {  	_ =	swait.ge [sflag:s19], s0  }
0x28: {  	s30 =	ssub.s32 $0x0, s0;
	v1 =	vmov s25;
	vm0 =	veq.s32 v0, $0x0;
	[sflag:s19] =	ssyncset.done $0x0  }
0x29: {  	vm15 =	veq.s32 v0, $0x2;
	v1 =	vsel vm0, s31, v1;
	[sflag:s19] =	ssyncadd.s32 s30  }
0x2a: {  	v1 =	vsel vm15, s23, v1;
	[sflag:s19] =	ssyncpa.u1 $0x1  }
0x2b: {  	[tilespmem:$0xF208] =	vst v1  }
.LBB2_21:
0x2c: {  	s0 =	sadd.s32 $0xF0, s20  }
0x2d: {  	s2 =	smov.u32 s8;
	p1 =	slt.s32 s0, s9  }
0x2e: {  	s2 =	smov.u32 @p1 s0;
	p1 =	sne.s32 s22, s18  }
.Ltmp2:
0x2f: {  	_ = 	snop;
	(pc) =	sbr.rel @!p1 .LBB2_22-.Ltmp2, $3  }
0x30: {  	_ =	sdelay $0x1  }
0x31: {  	s23 =	smov.u32 s21;
	s31 =	sadd.s32 $0x1, s22;
	s21 =	smov.u32 s20  }
0x32: {  	p0 =	por !p0, !p0;
	s22 =	smov.u32 s31;
	s20 =	smov.u32 s2  }
.LBB2_3:
0x33: {  	p1 =	sge.u32 s22, s14  }
0x34: {  	s0 =	smulhi.u32 @!p1 $0xAAAAAAAB, s22  }
0x35: {  	s2 =	smov.u32 s20;
	p2 =	sgt.s32 @!p1 s20, $0x1F10  }
0x36: {  	s3 =	sshra.s32 @!p1 s20, $0x1F;
	p2 =	por !p2, p1;
	s0 =	sshrl.u32 @!p1 s0, $0x1  }
0x37: {  	s3 =	sand.u32 @!p1 s3, s20;
	s2 =	simm.s32 @p2 $0x1F10;
	s0 =	smul.u32 @!p1 $0x3, s0  }
0x38: {  	s2 =	ssub.s32 @!p1 s2, s3  }
0x39: {  	s2 =	sadd.s32 @!p1 $0xFFFFE0F0, s2;
	s0 =	ssub.s32 @!p1 s22, s0  }
0x3a: {  	s3 =	sshll.u32 @!p1 s2, $0x2;
	p2 =	sgt.s32 @!p1 s2, $0xEF;
	s0 =	smul.u32 @!p1 $0x3C0, s0  }
0x3b: {  	s4 =	sand.u32 @!p1 $0x7, s20;
	s2 =	ssub.s32 @!p1 $0x3C0, s3;
	p2 =	por !p2, p1  }
0x3c: {  	s3 =	sshrl.u32 @!p1 s20, $0x3;
	s2 =	sshrl.u32 @!p1 s2, $0x2;
	s0 =	sshrl.u32 @!p1 s0, $0x2  }
0x3d: {  	s3 =	sadd.s32 @!p1 s3, s15;
	s2 =	simm.s32 @!p2 $0x0;
	s0 =	sadd.s32 @!p1 $0x10248, s0  }
0x3e: {  	[tilespmem:s0], [sflag:$0xA] =	stream.linear.gather @!p1 [hbm4b:s3+s4], s2, $0x38;
	[tilespmem:$0x1F6F8] =	vst v63  }
0x3f: {  	s0 =	sadd.s32 $0xFFFFFFFF, s22  }
0x40: {  	p1 =	sge.u32 s0, s14  }
0x41: {  	p2 =	sgt.s32 @!p1 s21, $0x1F10  }
0x42: {  	s2 =	smov.u32 s21;
	s3 =	sshra.s32 @!p1 s21, $0x1F;
	p2 =	por !p2, p1  }
0x43: {  	s3 =	sand.u32 @!p1 s3, s21;
	s2 =	simm.s32 @p2 $0x1F10  }
0x44: {  	s2 =	ssub.s32 @!p1 s2, s3  }
0x45: {  	s2 =	sadd.s32 @!p1 $0xFFFFE0F0, s2  }
0x46: {  	s4 =	sand.u32 @!p1 $0x1, s0;
	s3 =	sshll.u32 @!p1 s2, $0x2  }
0x47: {  	p2 =	sgt.s32 @!p1 s2, $0xEF;
	s2 =	ssub.s32 @!p1 $0x3C0, s3;
	s3 =	smulhi.u32 @!p1 $0xAAAAAAAB, s0  }
0x48: {  	s7 =	smul.u32 @!p1 $0x3C0, s4;
	p2 =	por !p2, p1;
	s2 =	sshrl.u32 @!p1 s2, $0x2  }
0x49: {  	s5 =	simm.s32 @!p1 $0xA;
	s2 =	simm.s32 @!p2 $0x0;
	s3 =	sshrl.u32 @!p1 s3, $0x1  }
0x4a: {  	s7 =	sshrl.u32 @!p1 s7, $0x2;
	_ =	swait.ge @!p1 [sflag:s5], s2;
	s3 =	smul.u32 @!p1 $0x3, s3  }
0x4b: {  	s7 =	sadd.s32 @!p1 $0x10518, s7;
	s24 =	ssub.s32 @!p1 $0x0, s2;
	[sflag:s5] =	ssyncset.done @!p1 $0x0  }
0x4c: {  	[sflag:s5] =	ssyncadd.s32 @!p1 s24;
	s5 =	sshrl.u32 @!p1 s21, $0x3;
	s0 =	ssub.s32 @!p1 s0, s3  }
0x4d: {  	s24 =	sand.u32 @!p1 $0x7, s21;
	s5 =	sadd.s32 @!p1 s5, s16;
	s0 =	smul.u32 @!p1 $0x3C0, s0  }
0x4e: {  	[tilespmem:s7], [sflag:$0xB] =	stream.linear.gather @!p1 [hbm4b:s5+s24], s2, $0x38;
	[tilespmem:$0x1F6F8] =	vst v63  }
0x4f: {  	s3 =	ssub.s32 @!p1 $0x2000, s21;
	s2 =	smul.u32 @!p1 $0x1E000, s4  }
0x50: {  	p2 =	slt.s32 @!p1 s3, $0xF0  }
0x51: {  	p2 =	por !p2, p1;
	s0 =	sshrl.u32 @!p1 s0, $0x2;
	s2 =	sshrl.u32 @!p1 s2, $0x2  }
0x52: {  	s3 =	simm.s32 @p2 $0xF0;
	s0 =	sadd.s32 @!p1 $0x10248, s0;
	s2 =	sor.u32 @!p1 $0x106F8, s2  }
0x53: {  	[tilespmem:s2], [sflag:$0x9] =	stream.indirect.gather @!p1 [hbm4b:s6+s3], $0x80, s0, s3, $0xb8;
	[tilespmem:$0x1F6F8] =	vst v63  }
0x54: {  	p1 =	slt.u32 s22, $0x2  }
.Ltmp3:
0x55: {  	_ = 	snop;
	(pc) =	sbr.rel @p1 .LBB2_21-.Ltmp3, $1  }
0x56: {  	_ =	sdelay $0x3  }
0x57: {  	p1 =	sgt.s32 s23, $0x1F10  }
0x58: {  	s0 =	smov.u32 s23;
	s2 =	sshra.s32 s23, $0x1F;
	s3 =	ssub.s32 $0x2000, s23  }
0x59: {  	s0 =	simm.s32 @!p1 $0x1F10;
	s2 =	sand.u32 s2, s23;
	p1 =	slt.s32 s3, $0xF0  }
0x5a: {  	s0 =	ssub.s32 s0, s2;
	s3 =	simm.s32 @!p1 $0xF0  }
0x5b: {  	s0 =	sadd.s32 $0xFFFFE0F0, s0;
	s24 =	sshll.u32 s3, $0x7  }
0x5c: {  	s25 =	sshll.u32 s0, $0x2;
	s2 =	sand.u32 $0x3FFFFF80, s24  }
0x5d: {  	p1 =	sgt.s32 s0, $0xEF;
	s26 =	ssub.s32 $0x3C0, s25;
	_ =	swait.ge [sflag:s11], s2  }
0x5e: {  	s2 =	ssub.s32 $0x0, s2;
	[sflag:s11] =	ssyncset.done $0x0;
	s0 =	sshrl.u32 s26, $0x2  }
0x5f: {  	[sflag:s11] =	ssyncadd.s32 s2;
	s0 =	simm.s32 @p1 $0x0  }
0x60: {  	_ =	swait.ge [sflag:s12], s0  }
0x61: {  	s0 =	ssub.s32 $0x0, s0;
	[sflag:s12] =	ssyncset.done $0x0  }
0x62: {  	[sflag:s12] =	ssyncadd.s32 s0  }
0x63: {  	v1 =	vld [tilespmem:$0xF208];
	_ =	sdelay $0x4  }
0x64: {  	(v2sf) =	vpush v1, $0x0  }
0x65: {  	(v2sf) =	vpush v1, $0x1  }
0x66: {  	(v2sf) =	vpush v1, $0x2;
	_ =	sdelay $0x3  }
0x67: {  	s0 =	sadd.s32 $0xF0, s23  }
0x68: {  	s2 =	ssub.s32 $0x4000, s23;
	p1 =	slt.s32 s9, s0  }
0x69: {  	s0 =	smov.u32 @p1 s9;
	p1 =	sgt.s32 s2, $0x0  }
0x6a: {  	s0 =	ssub.s32 s0, s23;
	s2 =	simm.s32 @!p1 $0x0  }
0x6b: {  	p1 =	slt.s32 s2, s0  }
0x6c: {  	s0 =	smov.u32 @p1 s2  }
0x6d: {  	s26 =	simm.s32 $0x1;
	p1 =	slt.s32 s0, $0x1  }
.Ltmp4:
0x6e: {  	s26 =	simm.s32 @!p0 $0x0;
	(pc) =	sbr.rel @p1 .LBB2_8-.Ltmp4, $4  }
0x6f: {  	s30 =	smul.u32 $0x3C0, s26  }
0x70: {  	s28 =	spop (v2sf)  }
0x71: {  	s31 =	sshrl.u32 s30, $0x2;
	s29 =	spop (v2sf)  }
0x72: {  	s24 =	sadd.s32 $0x10518, s31;
	s23 =	spop (v2sf)  }
0x73: {  	s2 =	smin.u32 s0, $0x10  }
0x74: {  	v1 =	vmov s2  }
0x75: {  	p2 =	sgt.s32 s0, $0x10;
	vm1 =	vgt.u32 v1, v0  }
.Ltmp5:
0x76: {  	_ = 	snop;
	(pc) =	sbr.rel @!p2 .LBB2_7-.Ltmp5, $2  }
0x77: {  	_ =	sdelay $0x2  }
0x78: {  	s5 =	simm.s32 $0x10;
	s25 =	sadd.s32 $0xFFFFFFF0, s0;
	s4 =	smov.u32 s24;
	vm0 =	vmmov vm1  }
.LBB2_6:
0x79: {  	s2 =	smin.u32 s25, $0x10;
	s5 =	sadd.s32 $0x10, s5;
	v1 =	vld.msk [tilespmem:s4+$0x0 ss:$0x1], vm1  }
0x7a: {  	v2 =	vmov s2;
	p2 =	slt.s32 s5, s0  }
0x7b: {  	vm1 =	vgt.u32 v2, v0  }
.Ltmp6:
0x7c: {  	(pc) =	sbr.rel @p2 .LBB2_6-.Ltmp6, $3  }
0x7d: {  	_ =	sdelay $0x1  }
0x7e: {  	v1 =	vshll.u32 v1, $0x4  }
0x7f: {  	s25 =	sadd.s32 $0xFFFFFFF0, s25;
	[tilespmem:s4+$0x0] =	vst.msk vm0, v1;
	s4 =	sadd.s32 $0x10, s4;
	vm0 =	vmmov vm1  }
.LBB2_7:
0x80: {  	_ =	sdelay $0x4  }
0x81: {  	v1 =	vld.msk [tilespmem:s4+$0x0 ss:$0x1], vm1;
	_ =	sdelay $0x4  }
0x82: {  	v1 =	vshll.u32 v1, $0x4  }
0x83: {  	[tilespmem:s4+$0x0] =	vst.msk vm0, v1  }
.LBB2_8:
0x84: {  	s2 =	sand.u32 $0x1, s22  }
0x85: {  	s2 =	smul.u32 $0xF0, s2  }
0x86: {  	p2 =	sne.s32 s29, $0xFFFFFFFF  }
0x87: {  	v1 =	vld.msk @!p2 [tilespmem:s2+$0x10518], $0x1;
	_ =	sdelay $0x4  }
0x88: {  	(v2sf) =	vpush @!p2 v1, $0x0;
	_ =	sdelay $0xc  }
.Ltmp7:
0x89: {  	_ = 	snop;
	(pc) =	sbr.rel @p1 .LBB2_19-.Ltmp7, $4  }
0x8a: {  	_ = 	snop  }
0x8b: {  	s30 =	spop @!p2 (v2sf)  }
0x8c: {  	s23 =	simm.s32 @!p2 $0x0;
	s25 =	smov.u32 s30  }
0x8d: {  	[sflag:s19] =	ssyncpa.u1 $0x0;
	s30 =	smov.u32 @p2 s28;
	s25 =	smov.u32 @p2 s29  }
0x8e: {  	v1 =	vld.msk [tilespmem:s24+$0x0], $0x1;
	_ =	sdelay $0x4  }
0x8f: {  	(v2sf) =	vpush v1, $0x0;
	_ =	sdelay $0xe  }
0x90: {  	s2 =	smul.u32 $0x1E000, s26;
	s4 =	spop (v2sf)  }
0x91: {  	s28 =	ssub.s32 $0x0, s0;
	p1 =	seq.s32 s30, s4  }
0x92: {  	s0 =	sadd.s32 $0x1, s28;
	s2 =	sshrl.u32 s2, $0x2;
	p2 =	sgt.s32 @!p1 s30, $0x0  }
0x93: {  	s26 =	sor.u32 $0x10738, s2;
	s2 =	smov.u32 s30;
	p2 =	por !p2, p1  }
0x94: {  	s2 =	simm.s32 @p2 $0x0;
	p2 =	seq.s32 s0, $0x0  }
.Ltmp8:
0x95: {  	_ = 	snop;
	(pc) =	sbr.rel @p2 .LBB2_11-.Ltmp8, $4  }
0x96: {  	_ = 	snop  }
0x97: {  	s29 =	simm.s32 $0x0;
	s5 =	simm.s32 @!p1 $0x1;
	s3 =	smin.u32 @!p1 s2, $0x18F0  }
0x98: {  	s31 =	sadd.s32 $0x1, s24;
	s5 =	smov.u32 @p1 s29;
	s7 =	sand.u32 @!p1 $0x1FF8, s3  }
0x99: {  	s2 =	simm.s32 @!p1 $0x7988;
	s3 =	sand.u32 @!p1 $0x7, s3;
	s7 =	sadd.s32 @!p1 s1, s7  }
.LBB2_10:
0x9a: {  	s6 =	smov.u32 s5  }
0x9b: {  	[tilespmem:s2], [sflag:$0x2] =	stream.linear.gather @!p1 [hbm4b:s7+s3], $0x80, $0x38;
	[tilespmem:$0x1F6F8] =	vst v63  }
0x9c: {  	s0 =	sadd.s32 $0x1, s0;
	s3 =	smov.u32 s4;
	v1 =	vld.msk [tilespmem:s31+$0x0], $0x1  }
0x9d: {  	p2 =	seq.s32 s0, $0x0;
	_ =	sdelay $0x3  }
0x9e: {  	(v2sf) =	vpush v1, $0x0;
	_ =	sdelay $0xe  }
0x9f: {  	s4 =	spop (v2sf)  }
0xa0: {  	p1 =	seq.s32 s3, s4  }
0xa1: {  	p3 =	sgt.s32 @!p1 s3, $0x0;
	s2 =	sshll.u32 @!p1 s5, $0x9;
	s5 =	sadd.s32 @!p1 $0x1, s5  }
.Ltmp9:
0xa2: {  	p3 =	por !p3, p1;
	s2 =	sshra.s32 @!p1 s2, $0x2;
	(pc) =	sbr.rel @!p2 .LBB2_10-.Ltmp9, $4  }
0xa3: {  	s5 =	smov.u32 @p1 s6;
	s3 =	simm.s32 @p3 $0x0;
	s2 =	sadd.s32 @!p1 $0x7988, s2  }
0xa4: {  	s3 =	smin.u32 @!p1 s3, $0x18F0  }
0xa5: {  	s6 =	sand.u32 @!p1 $0x1FF8, s3;
	s3 =	sand.u32 @!p1 $0x7, s3  }
0xa6: {  	s31 =	sadd.s32 $0x1, s31;
	s7 =	sadd.s32 @!p1 s1, s6  }
.LBB2_11:
0xa7: {  	[tilespmem:s2], [sflag:$0x2] =	stream.linear.gather @!p1 [hbm4b:s7+s3], $0x80, $0x38;
	[tilespmem:$0x1F6F8] =	vst v63  }
0xa8: {  	s0 =	sshll.u32 s5, $0x7  }
.Ltmp10:
0xa9: {  	s0 =	sand.u32 $0x3FFFFF80, s0;
	(pc) =	sbr.rel .LBB2_12-.Ltmp10, $4  }
0xaa: {  	_ =	swait.ge [sflag:s10], s0  }
0xab: {  	s0 =	ssub.s32 $0x0, s0;
	[sflag:s10] =	ssyncset.done $0x0  }
0xac: {  	[sflag:s10] =	ssyncadd.s32 s0  }
0xad: {  	s0 =	simm.s32 $0x0;
	s6 =	rddreg [dreg:$0x1]  }
.LBB2_13:
0xae: {  	v1 =	vld [tilespmem:s26+$0xFFFFFFC0];
	_ =	sdelay $0x3  }
0xaf: {  	s2 =	sshra.s32 s2, $0x2  }
0xb0: {  	[tilespmem:s2+$0x108] =	vst.add.f32.msk $0xffff, v1  }
0xb1: {  	v1 =	vld [tilespmem:s26+$0xFFFFFFD0];
	_ =	sdelay $0x4  }
0xb2: {  	[tilespmem:s2+$0x118] =	vst.add.f32.msk $0xffff, v1  }
0xb3: {  	v1 =	vld [tilespmem:s26+$0xFFFFFFE0];
	_ =	sdelay $0x4  }
0xb4: {  	[tilespmem:s2+$0x128] =	vst.add.f32.msk $0xffff, v1  }
0xb5: {  	v1 =	vld [tilespmem:s26+$0xFFFFFFF0];
	_ =	sdelay $0x4  }
0xb6: {  	[tilespmem:s2+$0x138] =	vst.add.f32.msk $0xffff, v1  }
0xb7: {  	v1 =	vld [tilespmem:s26+$0x0];
	_ =	sdelay $0x4  }
0xb8: {  	[tilespmem:s2+$0x148] =	vst.add.f32.msk $0xffff, v1  }
0xb9: {  	v1 =	vld [tilespmem:s26+$0x10];
	_ =	sdelay $0x4  }
0xba: {  	[tilespmem:s2+$0x158] =	vst.add.f32.msk $0xffff, v1  }
0xbb: {  	v1 =	vld [tilespmem:s26+$0x20];
	_ =	sdelay $0x4  }
0xbc: {  	[tilespmem:s2+$0x168] =	vst.add.f32.msk $0xffff, v1  }
0xbd: {  	v1 =	vld [tilespmem:s26+$0x30];
	_ =	sdelay $0x4  }
0xbe: {  	[tilespmem:s2+$0x178] =	vst.add.f32.msk $0xffff, v1  }
.LBB2_17:
0xbf: {  	s28 =	sadd.s32 $0x1, s28  }
0xc0: {  	p1 =	seq.s32 s28, $0x0  }
.Ltmp11:
0xc1: {  	_ = 	snop;
	(pc) =	sbr.rel @p1 .LBB2_18-.Ltmp11, $2  }
0xc2: {  	_ =	sdelay $0x2  }
0xc3: {  	s24 =	sadd.s32 $0x1, s24;
	s26 =	sadd.s32 $0x80, s26;
	s30 =	smov.u32 s31  }
.LBB2_12:
0xc4: {  	v1 =	vld.msk [tilespmem:s24+$0x0], $0x1;
	_ =	sdelay $0x4  }
0xc5: {  	(v2sf) =	vpush v1, $0x0;
	_ =	sdelay $0xe  }
0xc6: {  	s31 =	spop (v2sf)  }
0xc7: {  	p1 =	sne.s32 s30, s31  }
.Ltmp12:
0xc8: {  	_ = 	snop;
	(pc) =	sbr.rel @!p1 .LBB2_13-.Ltmp12, $2  }
0xc9: {  	_ =	sdelay $0x2  }
0xca: {  	s2 =	sshll.u32 s23, $0x9  }
0xcb: {  	p1 =	seq.s32 s30, s25  }
.Ltmp13:
0xcc: {  	_ = 	snop;
	(pc) =	sbr.rel @!p1 .LBB2_15-.Ltmp13, $1  }
0xcd: {  	_ =	sdelay $0x3  }
0xce: {  	s2 =	sshra.s32 s2, $0x2  }
.Ltmp14:
0xcf: {  	s2 =	sadd.s32 $0x108, s2;
	(pc) =	sbr.rel .LBB2_16-.Ltmp14, $4  }
0xd0: {  	[spmem:s17] =	stream.linear.scatter [tilespmem:s2], [sflag:$0x1], $0x80, $0x38;
	[tilespmem:$0x1F6F8] =	vst v63  }
0xd1: {  	_ =	swait.ge [sflag:s13], $0x80  }
0xd2: {  	[sflag:s13] =	ssyncset.done $0x0  }
0xd3: {  	[sflag:s13] =	ssyncadd.s32 $0xFFFFFF80  }
.LBB2_15:
0xd4: {  	s3 =	sshll.u32 s29, $0x9  }
0xd5: {  	s3 =	sshra.s32 s3, $0x2  }
0xd6: {  	v1 =	vld [tilespmem:s3+$0x7988];
	_ =	sdelay $0x3  }
0xd7: {  	s2 =	sshra.s32 s2, $0x2  }
0xd8: {  	[tilespmem:s2+$0x108] =	vst.add.f32.msk $0xffff, v1  }
0xd9: {  	v1 =	vld [tilespmem:s3+$0x7998];
	_ =	sdelay $0x4  }
0xda: {  	[tilespmem:s2+$0x118] =	vst.add.f32.msk $0xffff, v1  }
0xdb: {  	v1 =	vld [tilespmem:s3+$0x79A8];
	_ =	sdelay $0x4  }
0xdc: {  	[tilespmem:s2+$0x128] =	vst.add.f32.msk $0xffff, v1  }
0xdd: {  	v1 =	vld [tilespmem:s3+$0x79B8];
	_ =	sdelay $0x4  }
0xde: {  	[tilespmem:s2+$0x138] =	vst.add.f32.msk $0xffff, v1  }
0xdf: {  	v1 =	vld [tilespmem:s3+$0x79C8];
	_ =	sdelay $0x4  }
0xe0: {  	[tilespmem:s2+$0x148] =	vst.add.f32.msk $0xffff, v1  }
0xe1: {  	v1 =	vld [tilespmem:s3+$0x79D8];
	_ =	sdelay $0x4  }
0xe2: {  	[tilespmem:s2+$0x158] =	vst.add.f32.msk $0xffff, v1  }
0xe3: {  	v1 =	vld [tilespmem:s3+$0x79E8];
	_ =	sdelay $0x4  }
0xe4: {  	[tilespmem:s2+$0x168] =	vst.add.f32.msk $0xffff, v1  }
0xe5: {  	v1 =	vld [tilespmem:s3+$0x79F8];
	_ =	sdelay $0x2  }
0xe6: {  	p1 =	sgt.u32 s30, $0x18F0  }
0xe7: {  	s3 =	sand.u32 @!p1 $0x1FF8, s30  }
0xe8: {  	s4 =	sadd.s32 $0x108, s2;
	[tilespmem:s2+$0x178] =	vst.add.f32.msk $0xffff, v1;
	s2 =	sadd.s32 @!p1 s1, s3;
	s3 =	sand.u32 @!p1 $0x7, s30  }
0xe9: {  	[hbm4b:s2+s3] =	stream.linear.scatter @!p1 [tilespmem:s4], [sflag:$0xC], $0x80, $0x38;
	[tilespmem:$0x1F6F8] =	vst v63  }
0xea: {  	s2 =	simm.s32 $0x0  }
0xeb: {  	s2 =	simm.s32 @!p1 $0x200  }
0xec: {  	s0 =	sadd.s32 s2, s0  }
.LBB2_16:
0xed: {  	s2 =	sadd.s32 $0x1, s23  }
0xee: {  	s3 =	smulhi.u32 $0x88888889, s2;
	_ =	sdelay $0x1  }
0xef: {  	v1 =	vld [tilespmem:s26+$0xFFFFFFC0];
	s3 =	sshrl.u32 s3, $0x7  }
0xf0: {  	s3 =	smul.u32 $0xF0, s3;
	_ =	sdelay $0x1  }
0xf1: {  	s23 =	ssub.s32 s2, s3  }
0xf2: {  	s2 =	sshll.u32 s23, $0x7  }
0xf3: {  	[tilespmem:s2+$0x108] =	vst v1  }
0xf4: {  	v1 =	vld [tilespmem:s26+$0xFFFFFFD0];
	_ =	sdelay $0x4  }
0xf5: {  	[tilespmem:s2+$0x118] =	vst v1  }
0xf6: {  	v1 =	vld [tilespmem:s26+$0xFFFFFFE0];
	_ =	sdelay $0x4  }
0xf7: {  	[tilespmem:s2+$0x128] =	vst v1  }
0xf8: {  	v1 =	vld [tilespmem:s26+$0xFFFFFFF0];
	_ =	sdelay $0x4  }
0xf9: {  	[tilespmem:s2+$0x138] =	vst v1  }
0xfa: {  	v1 =	vld [tilespmem:s26+$0x0];
	_ =	sdelay $0x4  }
0xfb: {  	[tilespmem:s2+$0x148] =	vst v1  }
0xfc: {  	v1 =	vld [tilespmem:s26+$0x10];
	_ =	sdelay $0x4  }
0xfd: {  	[tilespmem:s2+$0x158] =	vst v1  }
0xfe: {  	v1 =	vld [tilespmem:s26+$0x20];
	_ =	sdelay $0x4  }
0xff: {  	[tilespmem:s2+$0x168] =	vst v1  }
0x100: {  	v1 =	vld [tilespmem:s26+$0x30]  }
.Ltmp15:
0x101: {  	_ = 	snop;
	(pc) =	sbr.rel .LBB2_17-.Ltmp15, $2  }
0x102: {  	_ =	sdelay $0x2  }
0x103: {  	s29 =	sadd.s32 $0x1, s29;
	[tilespmem:s2+$0x178] =	vst v1  }
.LBB2_19:
.Ltmp16:
0x104: {  	(pc) =	sbr.rel .LBB2_20-.Ltmp16, $3  }
0x105: {  	_ =	sdelay $0x1  }
0x106: {  	_ =	swait.ge [sflag:s10], $0x0  }
0x107: {  	s0 =	simm.s32 $0x0;
	s31 =	smov.u32 s30;
	[sflag:s10] =	ssyncset.done $0x0  }
.LBB2_22:
0x108: {  	_ =	sfence.sel $0x180000  }
0x109: {  	s0 =	simm.s32 $0x9;
	[bflag:$0x0] =	sbarrier.arrive $0xFFFF  }
0x10a: {  	s24 =	simm.s32 $0xA;
	[sflag:s0] =	ssyncpa.u1 $0x1  }
0x10b: {  	s25 =	simm.s32 $0xB;
	[sflag:s24] =	ssyncpa.u1 $0x1  }
0x10c: {  	s26 =	simm.s32 $0x2;
	[sflag:s25] =	ssyncpa.u1 $0x1  }
0x10d: {  	[sflag:s26] =	ssyncpa.u1 $0x1  }
0x10e: {  	v0 =	vld [tilespmem:$0xF208];
	_ =	sdelay $0x4  }
0x10f: {  	(v2sf) =	vpush v0, $0x0  }
0x110: {  	(v2sf) =	vpush v0, $0x1;
	_ =	sdelay $0x2  }
0x111: {  	(v2sf) =	vpush v0, $0x2;
	_ =	sdelay $0xa  }
0x112: {  	s0 =	spop (v2sf)  }
0x113: {  	s2 =	spop (v2sf)  }
0x114: {  	s3 =	smov.u32 s0;
	p0 =	sne.s32 s0, s2  }
0x115: {  	s3 =	simm.s32 @!p0 $0xFFFFFFFF  }
0x116: {  	v2 =	vimm.s32 $0x1;
	v3 =	vlaneseq.u32;
	v1 =	vmov s3;
	s3 =	spop (v2sf)  }
0x117: {  	v0 =	vperm.xlane v0, v2;
	v1 =	vperm.xlane v1, v3;
	p0 =	seq.s32 s3, $0xFFFFFFFF  }
0x118: {  	vm0 =	vcmask $0x3F04;
	s5 =	simm.s32 $0xF208;
	p1 =	sne.s32 @!p0 s0, s2  }
0x119: {  	s6 =	rddreg [dreg:$0x6];
	s0 =	simm.s32 @!p0 $0x1;
	v0 =	vsel vm0, v1, v0;
	p1 =	por !p1, p0  }
0x11a: {  	s4 =	sor.u32 $0x1000, s6;
	s2 =	sshll.u32 @!p0 s3, $0x9;
	[tilespmem:$0xF208] =	vst v0;
	s0 =	simm.s32 @p1 $0x0  }
0x11b: {  	[spmem:s4] =	stream.linear.scatter [tilespmem:s5], [sflag:$0x1], $0x2, $0x38;
	[tilespmem:$0x1F6F8] =	vst v63  }
0x11c: {  	s2 =	sshra.s32 @!p0 s2, $0x2;
	s0 =	sor.u32 @!p0 s0, s6  }
0x11d: {  	s2 =	sadd.s32 @!p0 $0x108, s2;
	s0 =	sshll.u32 @!p0 s0, $0x7  }
0x11e: {  	[spmem:s0] =	stream.linear.scatter @!p0 [tilespmem:s2], [sflag:$0x1], $0x80, $0x38;
	[tilespmem:$0x1F6F8] =	vst v63  }
0x11f: {  	s0 =	simm.s32 @!p0 $0x82  }
0x120: {  	s28 =	simm.s32 $0x1;
	s0 =	simm.s32 @p0 $0x2  }
0x121: {  	_ =	swait.ge [sflag:s28], s0  }
0x122: {  	s15 =	stileid.u32;
	s0 =	ssub.s32 $0x0, s0;
	[sflag:s28] =	ssyncset.done $0x0  }
0x123: {  	p0 =	sne.s32 s15, $0x0;
	[sflag:s28] =	ssyncadd.s32 s0  }
.Ltmp17:
0x124: {  	_ =	sfence.stream.spmem;
	(pc) =	sbr.rel @p0 .LBB2_39-.Ltmp17, $4  }
0x125: {  	s29 =	simm.s32 $0x3;
	[bflag:$0x0] =	sbarrier.arrive $0xFFFF  }
0x126: {  	s30 =	simm.s32 $0x4;
	[sflag:s29] =	ssyncpa.u1 $0x1  }
0x127: {  	s31 =	simm.s32 $0x3C;
	[sflag:s30] =	ssyncpa.u1 $0x1  }
0x128: {  	s14 =	rddreg [dreg:$0x5];
	[sflag:s31] =	ssyncpa.u1 $0x1  }
0x129: {  	_ =	sfence.stream.spmem;
	s0 =	simm.s32 $0x5  }
0x12a: {  	s2 =	simm.s32 $0x1000;
	s3 =	simm.s32 $0xF218;
	[sflag:s0] =	ssyncpa.u1 $0x0  }
0x12b: {  	[tilespmem:s3], [sflag:$0x5] =	stream.linear.gather [spmem:s2], $0x20, $0x38;
	[tilespmem:$0x1F6F8] =	vst v63  }
0x12c: {  	s26 =	simm.s32 $0x0;
	s28 =	simm.s32 $0xF238  }
0x12d: {  	[tilespmem:s28], [sflag:$0x5] =	stream.linear.gather [spmem:s26], $0x1000, $0x38;
	[tilespmem:$0x1F6F8] =	vst v63  }
0x12e: {  	_ =	swait.ge [sflag:s0], $0x1020  }
0x12f: {  	[sflag:s0] =	ssyncset.done $0x0  }
0x130: {  	s29 =	simm.s32 $0x0;
	[sflag:s0] =	ssyncadd.s32 $0xFFFFEFE0  }
0x131: {  	v0 =	vld.msk [tilespmem:s29+$0xF218], $0x1;
	_ =	sdelay $0x1  }
0x132: {  	s30 =	simm.s32 $0x1  }
0x133: {  	v1 =	vld.msk [tilespmem:s30+$0xF218], $0x1;
	_ =	sdelay $0x1  }
0x134: {  	(v2sf) =	vpush v0, $0x0;
	_ =	sdelay $0x2  }
0x135: {  	(v2sf) =	vpush v1, $0x0;
	_ =	sdelay $0x2  }
0x136: {  	s31 =	simm.s32 $0x2  }
0x137: {  	v0 =	vld.msk [tilespmem:s31+$0xF218], $0x1;
	_ =	sdelay $0x2  }
0x138: {  	s4 =	simm.s32 $0xFFFFFFFF;
	s2 =	simm.s32 $0xFFFFFFFF;
	s0 =	simm.s32 $0xC  }
.LBB2_24:
0x139: {  	s3 =	smov.u32 s4;
	s5 =	smov.u32 s2  }
0x13a: {  	s2 =	sshra.s32 s0, $0x2;
	p1 =	sne.s32 s0, $0x7C;
	s0 =	sadd.s32 $0x4, s0;
	(v2sf) =	vpush v0, $0x0  }
0x13b: {  	v0 =	vld.msk [tilespmem:s2+$0xF218], $0x1  }
.Ltmp18:
0x13c: {  	(pc) =	sbr.rel @p1 .LBB2_24-.Ltmp18, $4  }
0x13d: {  	s4 =	spop (v2sf)  }
0x13e: {  	p2 =	sne.s32 s5, $0xFFFFFFFF;
	s2 =	smov.u32 s4  }
0x13f: {  	p3 =	seq.s32 s4, $0xFFFFFFFF;
	s2 =	smov.u32 @p2 s5  }
0x140: {  	s4 =	smov.u32 @p3 s3;
	s2 =	smov.u32 @p3 s5  }
0x141: {  	(v2sf) =	vpush v0, $0x0;
	_ =	sdelay $0x8  }
0x142: {  	s0 =	spop (v2sf)  }
0x143: {  	p1 =	sne.s32 s2, $0xFFFFFFFF;
	s3 =	smov.u32 s0  }
0x144: {  	s9 =	simm.s32 $0x6;
	p2 =	seq.s32 s0, $0xFFFFFFFF;
	s3 =	smov.u32 @p1 s2  }
0x145: {  	s6 =	simm.s32 $0x0;
	s3 =	smov.u32 @p2 s2;
	s2 =	spop (v2sf)  }
0x146: {  	s0 =	smov.u32 @p2 s4;
	p1 =	sne.s32 s3, $0xFFFFFFFF;
	s5 =	smov.u32 s2  }
.Ltmp19:
0x147: {  	p2 =	seq.s32 s2, $0xFFFFFFFF;
	s5 =	smov.u32 @p1 s3;
	(pc) =	sbr.rel .LBB2_26-.Ltmp19, $4  }
0x148: {  	s10 =	simm.s32 $0xF188;
	s5 =	smov.u32 @p2 s3;
	s7 =	spop (v2sf)  }
0x149: {  	s11 =	simm.s32 $0x0;
	p1 =	sne.s32 s5, $0xFFFFFFFF;
	s8 =	smov.u32 s7  }
0x14a: {  	s2 =	smov.u32 @p2 s0;
	p2 =	seq.s32 s7, $0xFFFFFFFF;
	s8 =	smov.u32 @p1 s5  }
0x14b: {  	[sflag:s9] =	ssyncpa.u1 $0x0;
	s7 =	smov.u32 @p2 s2;
	s8 =	smov.u32 @p2 s5  }
.LBB2_32:
0x14c: {  	p1 =	sgt.u32 s0, $0x18F0  }
0x14d: {  	p2 =	seq.s32 @!p1 s0, s8  }
0x14e: {  	p1 =	por p1, p2  }
0x14f: {  	p2 =	sne.s32 @!p1 s0, s7  }
0x150: {  	p1 =	por p1, !p2  }
0x151: {  	s0 =	sshll.u32 @p1 s11, $0x9  }
0x152: {  	s2 =	sand.u32 @!p1 $0x1FF8, s0  }
0x153: {  	s0 =	sand.u32 @!p1 $0x7, s0;
	s2 =	sadd.s32 @!p1 s1, s2  }
0x154: {  	[tilespmem:s10], [sflag:$0x6] =	stream.linear.gather @!p1 [hbm4b:s2+s0], $0x80, $0x38;
	[tilespmem:$0x1F6F8] =	vst v63  }
0x155: {  	_ =	swait.ge @!p1 [sflag:s9], $0x80  }
0x156: {  	[sflag:s9] =	ssyncset.done @!p1 $0x0  }
0x157: {  	[sflag:s9] =	ssyncadd.s32 @!p1 $0xFFFFFF80  }
0x158: {  	v1 =	vld @!p1 [tilespmem:$0xF188];
	_ =	sdelay $0x2  }
0x159: {  	s0 =	sshll.u32 @!p1 s11, $0x9  }
0x15a: {  	s2 =	sshrl.u32 @!p1 s0, $0x2  }
0x15b: {  	[tilespmem:s2+$0xF238] =	vst.add.f32.msk @!p1 $0xffff, v1  }
0x15c: {  	v1 =	vld @!p1 [tilespmem:$0xF198];
	_ =	sdelay $0x4  }
0x15d: {  	[tilespmem:s2+$0xF248] =	vst.add.f32.msk @!p1 $0xffff, v1  }
0x15e: {  	v1 =	vld @!p1 [tilespmem:$0xF1A8];
	_ =	sdelay $0x4  }
0x15f: {  	[tilespmem:s2+$0xF258] =	vst.add.f32.msk @!p1 $0xffff, v1  }
0x160: {  	v1 =	vld @!p1 [tilespmem:$0xF1B8];
	_ =	sdelay $0x4  }
0x161: {  	[tilespmem:s2+$0xF268] =	vst.add.f32.msk @!p1 $0xffff, v1  }
0x162: {  	v1 =	vld @!p1 [tilespmem:$0xF1C8];
	_ =	sdelay $0x4  }
0x163: {  	[tilespmem:s2+$0xF278] =	vst.add.f32.msk @!p1 $0xffff, v1  }
0x164: {  	v1 =	vld @!p1 [tilespmem:$0xF1D8];
	_ =	sdelay $0x4  }
0x165: {  	[tilespmem:s2+$0xF288] =	vst.add.f32.msk @!p1 $0xffff, v1  }
0x166: {  	v1 =	vld @!p1 [tilespmem:$0xF1E8];
	_ =	sdelay $0x4  }
0x167: {  	[tilespmem:s2+$0xF298] =	vst.add.f32.msk @!p1 $0xffff, v1  }
0x168: {  	v1 =	vld @!p1 [tilespmem:$0xF1F8];
	_ =	sdelay $0x4  }
0x169: {  	[tilespmem:s2+$0xF2A8] =	vst.add.f32.msk @!p1 $0xffff, v1  }
0x16a: {  	s0 =	sshrl.u32 s0, $0x2;
	[tilespmem:s6+$0xF218] =	vst.msk $0x1, v0  }
0x16b: {  	v0 =	vld [tilespmem:s0+$0xF238];
	_ =	sdelay $0x2  }
0x16c: {  	s31 =	sshll.u32 s6, $0x9  }
0x16d: {  	s2 =	sshra.s32 s31, $0x2  }
0x16e: {  	[tilespmem:s2+$0xF238] =	vst v0  }
0x16f: {  	v0 =	vld [tilespmem:s0+$0xF248];
	_ =	sdelay $0x4  }
0x170: {  	[tilespmem:s2+$0xF248] =	vst v0  }
0x171: {  	v0 =	vld [tilespmem:s0+$0xF258];
	_ =	sdelay $0x4  }
0x172: {  	[tilespmem:s2+$0xF258] =	vst v0  }
0x173: {  	v0 =	vld [tilespmem:s0+$0xF268];
	_ =	sdelay $0x4  }
0x174: {  	[tilespmem:s2+$0xF268] =	vst v0  }
0x175: {  	v0 =	vld [tilespmem:s0+$0xF278];
	_ =	sdelay $0x4  }
0x176: {  	[tilespmem:s2+$0xF278] =	vst v0  }
0x177: {  	v0 =	vld [tilespmem:s0+$0xF288];
	_ =	sdelay $0x4  }
0x178: {  	[tilespmem:s2+$0xF288] =	vst v0  }
0x179: {  	v0 =	vld [tilespmem:s0+$0xF298];
	_ =	sdelay $0x4  }
0x17a: {  	[tilespmem:s2+$0xF298] =	vst v0  }
0x17b: {  	v0 =	vld [tilespmem:s0+$0xF2A8];
	_ =	sdelay $0x4  }
0x17c: {  	s6 =	sadd.s32 $0x1, s6;
	[tilespmem:s2+$0xF2A8] =	vst v0  }
.LBB2_33:
0x17d: {  	s11 =	sadd.s32 $0x1, s11  }
0x17e: {  	p1 =	sne.s32 s11, $0x20  }
.Ltmp20:
0x17f: {  	_ = 	snop;
	(pc) =	sbr.rel @!p1 .LBB2_34-.Ltmp20, $1  }
0x180: {  	_ =	sdelay $0x3  }
.LBB2_26:
0x181: {  	v0 =	vld.msk [tilespmem:s11+$0xF218], $0x1;
	_ =	sdelay $0x4  }
0x182: {  	(v2sf) =	vpush v0, $0x0;
	_ =	sdelay $0xe  }
0x183: {  	s0 =	spop (v2sf)  }
0x184: {  	p1 =	seq.s32 s0, $0xFFFFFFFF  }
.Ltmp21:
0x185: {  	_ = 	snop;
	(pc) =	sbr.rel @p1 .LBB2_33-.Ltmp21, $1  }
0x186: {  	_ =	sdelay $0x3  }
0x187: {  	p1 =	slt.s32 s6, $0x1  }
.Ltmp22:
0x188: {  	_ = 	snop;
	(pc) =	sbr.rel @p1 .LBB2_32-.Ltmp22, $1  }
0x189: {  	_ =	sdelay $0x3  }
0x18a: {  	s12 =	simm.s32 $0xF218;
	p1 =	por $0x0, $0x0  }
0x18b: {  	v1 =	vld.msk @!p1 [tilespmem:s12+$0x0], $0x1;
	_ =	sdelay $0x4  }
0x18c: {  	(v2sf) =	vpush @!p1 v1, $0x0;
	_ =	sdelay $0xd  }
0x18d: {  	p3 =	sne.s32 s6, $0x1  }
.Ltmp23:
0x18e: {  	s2 =	spop @!p1 (v2sf);
	(pc) =	sbr.rel @!p3 .LBB2_30-.Ltmp23, $4  }
0x18f: {  	p2 =	seq.s32 @!p1 s0, s2  }
0x190: {  	s13 =	simm.s32 $0x0;
	p2 =	por !p2, p1  }
0x191: {  	s2 =	simm.s32 $0xFFFFFFFF;
	s13 =	simm.s32 @p2 $0xFFFFFFFF  }
0x192: {  	s4 =	simm.s32 $0x1;
	s13 =	smov.u32 @p1 s2  }
.LBB2_29:
0x193: {  	s2 =	smov.u32 s13;
	p1 =	sne.s32 s13, $0xFFFFFFFF  }
0x194: {  	s12 =	sadd.s32 $0x1, s12;
	s13 =	smov.u32 s4;
	s4 =	sadd.s32 $0x1, s4  }
0x195: {  	p2 =	sne.s32 s6, s4;
	v1 =	vld.msk @!p1 [tilespmem:s12+$0x0], $0x1;
	_ =	sdelay $0x4  }
0x196: {  	(v2sf) =	vpush @!p1 v1, $0x0;
	_ =	sdelay $0xe  }
.Ltmp24:
0x197: {  	s3 =	spop @!p1 (v2sf);
	(pc) =	sbr.rel @p2 .LBB2_29-.Ltmp24, $4  }
0x198: {  	p3 =	seq.s32 @!p1 s0, s3  }
0x199: {  	p3 =	por !p3, p1  }
0x19a: {  	s13 =	simm.s32 @p3 $0xFFFFFFFF  }
0x19b: {  	s13 =	smov.u32 @p1 s2  }
.LBB2_30:
0x19c: {  	p1 =	seq.s32 s13, $0xFFFFFFFF  }
.Ltmp25:
0x19d: {  	_ = 	snop;
	(pc) =	sbr.rel @p1 .LBB2_32-.Ltmp25, $1  }
0x19e: {  	_ =	sdelay $0x3  }
0x19f: {  	s0 =	sshll.u32 s11, $0x7  }
0x1a0: {  	s0 =	sand.u32 $0x3FFFFF80, s0  }
0x1a1: {  	v0 =	vld [tilespmem:s0+$0xF238];
	_ =	sdelay $0x2  }
0x1a2: {  	s2 =	sshll.u32 s13, $0x9  }
0x1a3: {  	s2 =	sshra.s32 s2, $0x2  }
0x1a4: {  	[tilespmem:s2+$0xF238] =	vst.add.f32.msk $0xffff, v0  }
0x1a5: {  	v0 =	vld [tilespmem:s0+$0xF248];
	_ =	sdelay $0x4  }
0x1a6: {  	[tilespmem:s2+$0xF248] =	vst.add.f32.msk $0xffff, v0  }
0x1a7: {  	v0 =	vld [tilespmem:s0+$0xF258];
	_ =	sdelay $0x4  }
0x1a8: {  	[tilespmem:s2+$0xF258] =	vst.add.f32.msk $0xffff, v0  }
0x1a9: {  	v0 =	vld [tilespmem:s0+$0xF268];
	_ =	sdelay $0x4  }
0x1aa: {  	[tilespmem:s2+$0xF268] =	vst.add.f32.msk $0xffff, v0  }
0x1ab: {  	v0 =	vld [tilespmem:s0+$0xF278];
	_ =	sdelay $0x4  }
0x1ac: {  	[tilespmem:s2+$0xF278] =	vst.add.f32.msk $0xffff, v0  }
0x1ad: {  	v0 =	vld [tilespmem:s0+$0xF288];
	_ =	sdelay $0x4  }
0x1ae: {  	[tilespmem:s2+$0xF288] =	vst.add.f32.msk $0xffff, v0  }
0x1af: {  	v0 =	vld [tilespmem:s0+$0xF298];
	_ =	sdelay $0x4  }
0x1b0: {  	[tilespmem:s2+$0xF298] =	vst.add.f32.msk $0xffff, v0  }
0x1b1: {  	v0 =	vld [tilespmem:s0+$0xF2A8]  }
.Ltmp26:
0x1b2: {  	_ = 	snop;
	(pc) =	sbr.rel .LBB2_33-.Ltmp26, $2  }
0x1b3: {  	_ =	sdelay $0x2  }
0x1b4: {  	[tilespmem:s2+$0xF2A8] =	vst.add.f32.msk $0xffff, v0  }
.LBB2_34:
0x1b5: {  	s0 =	simm.s32 $0x6;
	p1 =	seq.s32 s6, $0x0  }
0x1b6: {  	[sflag:s0] =	ssyncpa.u1 $0x1;
	v0 =	vimm.s32 @p1 $0xFFFFFFFF  }
0x1b7: {  	s0 =	sadd.s32 $0xFFFFFFFF, s6;
	[tilespmem:$0x10238] =	vst @p1 v0  }
0x1b8: {  	v0 =	vld.msk @!p1 [tilespmem:s0+$0xF218], $0x1;
	_ =	sdelay $0x1  }
0x1b9: {  	v1 =	vld.msk @!p1 [tilespmem:$0xF218], $0x1;
	_ =	sdelay $0x2  }
0x1ba: {  	p2 =	seq.s32 @!p1 s0, $0x0;
	v0 =	vbroadcast @!p1 v0, $0x0  }
0x1bb: {  	vm0 =	vmmov @!p1 $0x1;
	p2 =	por !p2, p1  }
0x1bc: {  	v1 =	vnsel @!p1 vm0, $0xFFFFFFFF, v1;
	vm0 =	vcmask @!p1 $0x308;
	v0 =	vpsel !p2, $0xFFFFFFFF, v0  }
0x1bd: {  	p2 =	sne.s32 @!p1 s8, s7;
	v0 =	vsel @!p1 vm0, v1, v0  }
0x1be: {  	s2 =	simm.s32 @!p1 $0xF238;
	s3 =	simm.s32 @!p1 $0x0;
	p3 =	por !p2, p1;
	[tilespmem:$0x10238] =	vst @!p1 v0  }
0x1bf: {  	[spmem:s3] =	stream.linear.scatter @!p1 [tilespmem:s2], [sflag:$0x1], $0x80, $0x38;
	[tilespmem:$0x1F6F8] =	vst v63  }
0x1c0: {  	s2 =	sshll.u32 @!p3 s0, $0x9  }
0x1c1: {  	s2 =	sshra.s32 @!p3 s2, $0x2  }
0x1c2: {  	s3 =	simm.s32 @!p3 $0x80;
	s2 =	sadd.s32 @!p3 $0xF238, s2  }
0x1c3: {  	[spmem:s3] =	stream.linear.scatter @!p3 [tilespmem:s2], [sflag:$0x1], $0x80, $0x38;
	[tilespmem:$0x1F6F8] =	vst v63  }
0x1c4: {  	s2 =	simm.s32 @!p3 $0x1  }
0x1c5: {  	_ =	swait.ge @!p3 [sflag:s2], $0x100  }
0x1c6: {  	p1 =	por p2, p1;
	[sflag:s2] =	ssyncset.done @!p3 $0x0  }
0x1c7: {  	[sflag:s2] =	ssyncadd.s32 @!p3 $0xFFFFFF00;
	s2 =	simm.s32 @!p1 $0x1  }
0x1c8: {  	_ =	swait.ge @!p1 [sflag:s2], $0x80  }
0x1c9: {  	s29 =	simm.s32 $0x10238;
	[sflag:s2] =	ssyncset.done @!p1 $0x0  }
0x1ca: {  	s30 =	simm.s32 $0x1000;
	s31 =	simm.s32 $0x1;
	[sflag:s2] =	ssyncadd.s32 @!p1 $0xFFFFFF80  }
0x1cb: {  	[spmem:s30] =	stream.linear.scatter [tilespmem:s29], [sflag:$0x1], $0x10, $0x38;
	[tilespmem:$0x1F6F8] =	vst v63  }
0x1cc: {  	_ =	swait.ge [sflag:s31], $0x10  }
0x1cd: {  	[sflag:s31] =	ssyncset.done $0x0  }
0x1ce: {  	p1 =	seq.s32 s14, $0x0;
	s9 =	rddreg [dreg:$0x2];
	[sflag:s31] =	ssyncadd.s32 $0xFFFFFFF0  }
0x1cf: {  	s3 =	sshll.u32 @p1 s9, $0xE;
	s8 =	rddreg [dreg:$0x3]  }
0x1d0: {  	s2 =	sadd.s32 @p1 $0x15C3C, s3;
	s3 =	sshll.u32 @p1 s8, $0x11  }
0x1d1: {  	_ =	sfence.stream.spmem;
	s2 =	sor.u32 @p1 s3, s2  }
0x1d2: {  	[sflag:s2] =	ssyncadd.remote.s32 @p1 $0x1;
	s2 =	simm.s32 @p1 $0x4  }
0x1d3: {  	s4 =	simm.s32 @!p1 $0x3C;
	s3 =	sand.u32 $0xFFFFFFFE, s9;
	_ =	swait.ge @p1 [sflag:s2], $0x22  }
0x1d4: {  	s5 =	simm.s32 @!p1 $0x0;
	s3 =	sadd.s32 @!p1 $0x4, s3;
	[sflag:s2] =	ssyncset.done @p1 $0x0  }
0x1d5: {  	s7 =	simm.s32 @!p1 $0x100;
	[sflag:s2] =	ssyncadd.s32 @p1 $0xFFFFFFDE;
	s2 =	sshll.u32 @!p1 s3, $0x1A  }
0x1d6: {  	s3 =	sshll.u32 @!p1 s3, $0xD;
	s2 =	sor.u32 @!p1 s2, s8;
	_ =	swait.eq @!p1 [sflag:s4], $0x1  }
0x1d7: {  	s3 =	sor.u32 @!p1 $0x1C04, s3;
	s4 =	simm.s32 @!p1 $0x1C03;
	s2 =	sor.u32 @!p1 $0x80004000, s2  }
0x1d8: {  	[spmem:s7], [sflag:s3] =	dma.general @!p1 [spmem:s5], [sflag:s4], length:$0x20, [dreg:$0x0], stride_count:$0x0, ici_dest:s2, dma_misc:DstOpCode:WRITE  }
0x1d9: {  	p2 =	slt.s32 s0, $0x2;
	s5 =	simm.s32 @!p1 $0x200;
	s7 =	simm.s32 @!p1 $0x202  }
0x1da: {  	[spmem:s7], [sflag:s3] =	dma.general @!p1 [spmem:s5], [sflag:s4], length:$0x2, [dreg:$0x0], stride_count:$0x0, ici_dest:s2, dma_misc:DstOpCode:WRITE  }
.Ltmp27:
0x1db: {  	s2 =	simm.s32 @!p1 $0x3;
	(pc) =	sbr.rel @p2 .LBB2_38-.Ltmp27, $4  }
0x1dc: {  	s3 =	sshll.u32 @!p1 s9, $0xE;
	_ =	swait.ge @!p1 [sflag:s2], $0x22  }
0x1dd: {  	s4 =	sshll.u32 @!p1 s8, $0x11;
	s3 =	sadd.s32 @!p1 $0x11C3C, s3;
	[sflag:s2] =	ssyncset.done @!p1 $0x0  }
0x1de: {  	[sflag:s2] =	ssyncadd.s32 @!p1 $0xFFFFFFDE;
	s2 =	sor.u32 @!p1 s4, s3  }
0x1df: {  	s0 =	simm.s32 $0x0;
	[sflag:s2] =	ssyncadd.remote.s32 @!p1 $0xFFFFFFFF  }
0x1e0: {  	s0 =	simm.s32 $0xF219  }
0x1e1: {  	v0 =	vld.msk [tilespmem:s0+$0x0], $0x1;
	_ =	sdelay $0x4  }
0x1e2: {  	(v2sf) =	vpush v0, $0x0;
	_ =	sdelay $0xd  }
0x1e3: {  	s3 =	sadd.s32 $0xFFFFFFFE, s6  }
0x1e4: {  	s4 =	sadd.s32 $0xFFFFFFFF, s3;
	s2 =	spop (v2sf)  }
0x1e5: {  	p2 =	sne.s32 s4, $0x0;
	p1 =	sgt.u32 s2, $0x18F0  }
.Ltmp28:
0x1e6: {  	s5 =	sand.u32 @!p1 $0x1FF8, s2;
	(pc) =	sbr.rel @!p2 .LBB2_37-.Ltmp28, $4  }
0x1e7: {  	s0 =	simm.s32 $0xF2B8;
	s2 =	sand.u32 @!p1 $0x7, s2;
	s3 =	sadd.s32 @!p1 s1, s5  }
0x1e8: {  	[hbm4b:s3+s2] =	stream.linear.scatter @!p1 [tilespmem:s0], [sflag:$0x5], $0x80, $0x38;
	[tilespmem:$0x1F6F8] =	vst v63  }
0x1e9: {  	s2 =	simm.s32 $0x0  }
0x1ea: {  	s6 =	simm.s32 $0xF21A;
	s5 =	simm.s32 $0x0;
	s2 =	simm.s32 @!p1 $0x200  }
.LBB2_36:
0x1eb: {  	v0 =	vld.msk [tilespmem:s6+$0x0], $0x1;
	s4 =	sadd.s32 $0xFFFFFFFF, s4;
	s5 =	sadd.s32 s5, s2  }
0x1ec: {  	p1 =	sne.s32 s4, $0x0;
	_ =	sdelay $0x3  }
0x1ed: {  	(v2sf) =	vpush v0, $0x0;
	_ =	sdelay $0xe  }
.Ltmp29:
0x1ee: {  	s3 =	spop (v2sf);
	(pc) =	sbr.rel @p1 .LBB2_36-.Ltmp29, $4  }
0x1ef: {  	s2 =	simm.s32 $0x0;
	p2 =	sgt.u32 s3, $0x18F0  }
0x1f0: {  	s0 =	sadd.s32 $0x80, s0;
	s2 =	simm.s32 @!p2 $0x200;
	s7 =	sand.u32 @!p2 $0x1FF8, s3  }
0x1f1: {  	s6 =	sadd.s32 $0x1, s6;
	s3 =	sand.u32 @!p2 $0x7, s3;
	s7 =	sadd.s32 @!p2 s1, s7  }
0x1f2: {  	[hbm4b:s7+s3] =	stream.linear.scatter @!p2 [tilespmem:s0], [sflag:$0x5], $0x80, $0x38;
	[tilespmem:$0x1F6F8] =	vst v63  }
.LBB2_37:
0x1f3: {  	s0 =	sadd.s32 s5, s2  }
0x1f4: {  	s0 =	sshrl.u32 s0, $0x2  }
.LBB2_38:
0x1f5: {  	s2 =	simm.s32 $0x5  }
0x1f6: {  	_ =	swait.ge [sflag:s2], s0  }
0x1f7: {  	s31 =	ssub.s32 $0x0, s0;
	[sflag:s2] =	ssyncset.done $0x0  }
0x1f8: {  	[sflag:s2] =	ssyncadd.s32 s31  }
0x1f9: {  	[sflag:s2] =	ssyncpa.u1 $0x1  }
.LBB2_39:
0x1fa: {  	s0 =	sor.u32 s14, s15  }
0x1fb: {  	p1 =	sne.s32 s0, $0x0  }
.Ltmp30:
0x1fc: {  	_ = 	snop;
	(pc) =	sbr.rel @p1 .LBB2_54-.Ltmp30, $3  }
0x1fd: {  	_ =	sdelay $0x1  }
0x1fe: {  	[bflag:$0x0] =	sbarrier.arrive $0xFFFF  }
0x1ff: {  	_ =	sfence  }
0x200: {  	s0 =	simm.s32 $0x7  }
0x201: {  	s2 =	simm.s32 $0x1000;
	s3 =	simm.s32 $0xF218;
	[sflag:s0] =	ssyncpa.u1 $0x0  }
0x202: {  	[tilespmem:s3], [sflag:$0x7] =	stream.linear.gather [spmem:s2], $0x20, $0x38;
	[tilespmem:$0x1F6F8] =	vst v63  }
0x203: {  	s30 =	simm.s32 $0xF238;
	s2 =	simm.s32 $0x0  }
0x204: {  	[tilespmem:s30], [sflag:$0x7] =	stream.linear.gather [spmem:s2], $0x1000, $0x38;
	[tilespmem:$0x1F6F8] =	vst v63  }
.Ltmp31:
0x205: {  	_ = 	snop;
	(pc) =	sbr.rel .LBB2_41-.Ltmp31, $4  }
0x206: {  	_ =	swait.ge [sflag:s0], $0x1020  }
0x207: {  	[sflag:s0] =	ssyncset.done $0x0  }
0x208: {  	s31 =	simm.s32 $0x8;
	[sflag:s0] =	ssyncadd.s32 $0xFFFFEFE0  }
0x209: {  	s3 =	simm.s32 $0x0;
	[sflag:s31] =	ssyncpa.u1 $0x0  }
.LBB2_47:
0x20a: {  	p1 =	slt.u32 s0, $0x18F1  }
0x20b: {  	s4 =	sand.u32 @p1 $0x1FF8, s0  }
0x20c: {  	s0 =	sand.u32 @p1 $0x7, s0;
	s5 =	simm.s32 @p1 $0xF188;
	s4 =	sadd.s32 @p1 s1, s4  }
0x20d: {  	[tilespmem:s5], [sflag:$0x8] =	stream.linear.gather @p1 [hbm4b:s4+s0], $0x80, $0x38;
	[tilespmem:$0x1F6F8] =	vst v63  }
0x20e: {  	s0 =	simm.s32 @p1 $0x8  }
0x20f: {  	_ =	swait.ge @p1 [sflag:s0], $0x80  }
0x210: {  	[sflag:s0] =	ssyncset.done @p1 $0x0  }
0x211: {  	[sflag:s0] =	ssyncadd.s32 @p1 $0xFFFFFF80  }
0x212: {  	v1 =	vld @p1 [tilespmem:$0xF188];
	_ =	sdelay $0x2  }
0x213: {  	s0 =	sshll.u32 @p1 s3, $0x9  }
0x214: {  	s4 =	sshrl.u32 @p1 s0, $0x2  }
0x215: {  	[tilespmem:s4+$0xF238] =	vst.add.f32.msk @p1 $0xffff, v1  }
0x216: {  	v1 =	vld @p1 [tilespmem:$0xF198];
	_ =	sdelay $0x4  }
0x217: {  	[tilespmem:s4+$0xF248] =	vst.add.f32.msk @p1 $0xffff, v1  }
0x218: {  	v1 =	vld @p1 [tilespmem:$0xF1A8];
	_ =	sdelay $0x4  }
0x219: {  	[tilespmem:s4+$0xF258] =	vst.add.f32.msk @p1 $0xffff, v1  }
0x21a: {  	v1 =	vld @p1 [tilespmem:$0xF1B8];
	_ =	sdelay $0x4  }
0x21b: {  	[tilespmem:s4+$0xF268] =	vst.add.f32.msk @p1 $0xffff, v1  }
0x21c: {  	v1 =	vld @p1 [tilespmem:$0xF1C8];
	_ =	sdelay $0x4  }
0x21d: {  	[tilespmem:s4+$0xF278] =	vst.add.f32.msk @p1 $0xffff, v1  }
0x21e: {  	v1 =	vld @p1 [tilespmem:$0xF1D8];
	_ =	sdelay $0x4  }
0x21f: {  	[tilespmem:s4+$0xF288] =	vst.add.f32.msk @p1 $0xffff, v1  }
0x220: {  	v1 =	vld @p1 [tilespmem:$0xF1E8];
	_ =	sdelay $0x4  }
0x221: {  	[tilespmem:s4+$0xF298] =	vst.add.f32.msk @p1 $0xffff, v1  }
0x222: {  	v1 =	vld @p1 [tilespmem:$0xF1F8];
	_ =	sdelay $0x3  }
0x223: {  	s5 =	sshll.u32 @!p1 s3, $0x9  }
0x224: {  	s5 =	smov.u32 @p1 s0;
	[tilespmem:s4+$0xF2A8] =	vst.add.f32.msk @p1 $0xffff, v1  }
0x225: {  	s0 =	sshrl.u32 s5, $0x2;
	[tilespmem:s2+$0xF218] =	vst.msk $0x1, v0  }
0x226: {  	v0 =	vld [tilespmem:s0+$0xF238];
	_ =	sdelay $0x2  }
0x227: {  	s31 =	sshll.u32 s2, $0x9  }
0x228: {  	s4 =	sshra.s32 s31, $0x2  }
0x229: {  	[tilespmem:s4+$0xF238] =	vst v0  }
0x22a: {  	v0 =	vld [tilespmem:s0+$0xF248];
	_ =	sdelay $0x4  }
0x22b: {  	[tilespmem:s4+$0xF248] =	vst v0  }
0x22c: {  	v0 =	vld [tilespmem:s0+$0xF258];
	_ =	sdelay $0x4  }
0x22d: {  	[tilespmem:s4+$0xF258] =	vst v0  }
0x22e: {  	v0 =	vld [tilespmem:s0+$0xF268];
	_ =	sdelay $0x4  }
0x22f: {  	[tilespmem:s4+$0xF268] =	vst v0  }
0x230: {  	v0 =	vld [tilespmem:s0+$0xF278];
	_ =	sdelay $0x4  }
0x231: {  	[tilespmem:s4+$0xF278] =	vst v0  }
0x232: {  	v0 =	vld [tilespmem:s0+$0xF288];
	_ =	sdelay $0x4  }
0x233: {  	[tilespmem:s4+$0xF288] =	vst v0  }
0x234: {  	v0 =	vld [tilespmem:s0+$0xF298];
	_ =	sdelay $0x4  }
0x235: {  	[tilespmem:s4+$0xF298] =	vst v0  }
0x236: {  	v0 =	vld [tilespmem:s0+$0xF2A8];
	_ =	sdelay $0x4  }
0x237: {  	s2 =	sadd.s32 $0x1, s2;
	[tilespmem:s4+$0xF2A8] =	vst v0  }
.LBB2_48:
0x238: {  	s3 =	sadd.s32 $0x1, s3  }
0x239: {  	p1 =	sne.s32 s3, $0x20  }
.Ltmp32:
0x23a: {  	_ = 	snop;
	(pc) =	sbr.rel @!p1 .LBB2_49-.Ltmp32, $1  }
0x23b: {  	_ =	sdelay $0x3  }
.LBB2_41:
0x23c: {  	v0 =	vld.msk [tilespmem:s3+$0xF218], $0x1;
	_ =	sdelay $0x4  }
0x23d: {  	(v2sf) =	vpush v0, $0x0;
	_ =	sdelay $0xe  }
0x23e: {  	s0 =	spop (v2sf)  }
0x23f: {  	p1 =	seq.s32 s0, $0xFFFFFFFF  }
.Ltmp33:
0x240: {  	_ = 	snop;
	(pc) =	sbr.rel @p1 .LBB2_48-.Ltmp33, $1  }
0x241: {  	_ =	sdelay $0x3  }
0x242: {  	p1 =	slt.s32 s2, $0x1  }
.Ltmp34:
0x243: {  	_ = 	snop;
	(pc) =	sbr.rel @p1 .LBB2_47-.Ltmp34, $1  }
0x244: {  	_ =	sdelay $0x3  }
0x245: {  	s4 =	simm.s32 $0xF218;
	p1 =	por $0x0, $0x0  }
0x246: {  	v1 =	vld.msk @!p1 [tilespmem:s4+$0x0], $0x1;
	_ =	sdelay $0x4  }
0x247: {  	(v2sf) =	vpush @!p1 v1, $0x0;
	_ =	sdelay $0xd  }
0x248: {  	p3 =	sne.s32 s2, $0x1  }
.Ltmp35:
0x249: {  	s5 =	spop @!p1 (v2sf);
	(pc) =	sbr.rel @!p3 .LBB2_45-.Ltmp35, $4  }
0x24a: {  	p2 =	seq.s32 @!p1 s0, s5  }
0x24b: {  	s5 =	simm.s32 $0x0;
	p2 =	por !p2, p1  }
0x24c: {  	s7 =	simm.s32 $0xFFFFFFFF;
	s5 =	simm.s32 @p2 $0xFFFFFFFF  }
0x24d: {  	s6 =	simm.s32 $0x1;
	s5 =	smov.u32 @p1 s7  }
.LBB2_44:
0x24e: {  	s7 =	smov.u32 s5;
	p1 =	sne.s32 s5, $0xFFFFFFFF  }
0x24f: {  	s4 =	sadd.s32 $0x1, s4;
	s5 =	smov.u32 s6;
	s6 =	sadd.s32 $0x1, s6  }
0x250: {  	p2 =	sne.s32 s2, s6;
	v1 =	vld.msk @!p1 [tilespmem:s4+$0x0], $0x1;
	_ =	sdelay $0x4  }
0x251: {  	(v2sf) =	vpush @!p1 v1, $0x0;
	_ =	sdelay $0xe  }
.Ltmp36:
0x252: {  	s8 =	spop @!p1 (v2sf);
	(pc) =	sbr.rel @p2 .LBB2_44-.Ltmp36, $4  }
0x253: {  	p3 =	seq.s32 @!p1 s0, s8  }
0x254: {  	p3 =	por !p3, p1  }
0x255: {  	s5 =	simm.s32 @p3 $0xFFFFFFFF  }
0x256: {  	s5 =	smov.u32 @p1 s7  }
.LBB2_45:
0x257: {  	p1 =	seq.s32 s5, $0xFFFFFFFF  }
.Ltmp37:
0x258: {  	_ = 	snop;
	(pc) =	sbr.rel @p1 .LBB2_47-.Ltmp37, $1  }
0x259: {  	_ =	sdelay $0x3  }
0x25a: {  	s0 =	sshll.u32 s3, $0x7  }
0x25b: {  	s0 =	sand.u32 $0x3FFFFF80, s0  }
0x25c: {  	v0 =	vld [tilespmem:s0+$0xF238];
	_ =	sdelay $0x2  }
0x25d: {  	s4 =	sshll.u32 s5, $0x9  }
0x25e: {  	s4 =	sshra.s32 s4, $0x2  }
0x25f: {  	[tilespmem:s4+$0xF238] =	vst.add.f32.msk $0xffff, v0  }
0x260: {  	v0 =	vld [tilespmem:s0+$0xF248];
	_ =	sdelay $0x4  }
0x261: {  	[tilespmem:s4+$0xF248] =	vst.add.f32.msk $0xffff, v0  }
0x262: {  	v0 =	vld [tilespmem:s0+$0xF258];
	_ =	sdelay $0x4  }
0x263: {  	[tilespmem:s4+$0xF258] =	vst.add.f32.msk $0xffff, v0  }
0x264: {  	v0 =	vld [tilespmem:s0+$0xF268];
	_ =	sdelay $0x4  }
0x265: {  	[tilespmem:s4+$0xF268] =	vst.add.f32.msk $0xffff, v0  }
0x266: {  	v0 =	vld [tilespmem:s0+$0xF278];
	_ =	sdelay $0x4  }
0x267: {  	[tilespmem:s4+$0xF278] =	vst.add.f32.msk $0xffff, v0  }
0x268: {  	v0 =	vld [tilespmem:s0+$0xF288];
	_ =	sdelay $0x4  }
0x269: {  	[tilespmem:s4+$0xF288] =	vst.add.f32.msk $0xffff, v0  }
0x26a: {  	v0 =	vld [tilespmem:s0+$0xF298];
	_ =	sdelay $0x4  }
0x26b: {  	[tilespmem:s4+$0xF298] =	vst.add.f32.msk $0xffff, v0  }
0x26c: {  	v0 =	vld [tilespmem:s0+$0xF2A8]  }
.Ltmp38:
0x26d: {  	_ = 	snop;
	(pc) =	sbr.rel .LBB2_48-.Ltmp38, $2  }
0x26e: {  	_ =	sdelay $0x2  }
0x26f: {  	[tilespmem:s4+$0xF2A8] =	vst.add.f32.msk $0xffff, v0  }
.LBB2_49:
0x270: {  	p1 =	slt.s32 s2, $0x1  }
.Ltmp39:
0x271: {  	_ = 	snop;
	(pc) =	sbr.rel @p1 .LBB2_53-.Ltmp39, $3  }
0x272: {  	_ =	sdelay $0x1  }
0x273: {  	s0 =	simm.s32 $0x8  }
0x274: {  	[sflag:s0] =	ssyncpa.u1 $0x1;
	s0 =	simm.s32 $0x0  }
0x275: {  	s3 =	simm.s32 $0xF218  }
0x276: {  	v0 =	vld.msk [tilespmem:s3+$0x0], $0x1;
	_ =	sdelay $0x4  }
0x277: {  	(v2sf) =	vpush v0, $0x0;
	_ =	sdelay $0xe  }
0x278: {  	s2 =	sadd.s32 $0xFFFFFFFF, s2;
	s4 =	spop (v2sf)  }
0x279: {  	p2 =	sne.s32 s2, $0x0;
	p1 =	sgt.u32 s4, $0x18F0  }
.Ltmp40:
0x27a: {  	s5 =	sand.u32 @!p1 $0x1FF8, s4;
	(pc) =	sbr.rel @!p2 .LBB2_52-.Ltmp40, $4  }
0x27b: {  	s3 =	simm.s32 $0xF238;
	s4 =	sand.u32 @!p1 $0x7, s4;
	s5 =	sadd.s32 @!p1 s1, s5  }
0x27c: {  	[hbm4b:s5+s4] =	stream.linear.scatter @!p1 [tilespmem:s3], [sflag:$0x7], $0x80, $0x38;
	[tilespmem:$0x1F6F8] =	vst v63  }
0x27d: {  	s5 =	simm.s32 $0x0  }
0x27e: {  	s4 =	simm.s32 $0xF219;
	s5 =	simm.s32 @!p1 $0x200  }
.LBB2_51:
0x27f: {  	v0 =	vld.msk [tilespmem:s4+$0x0], $0x1;
	s2 =	sadd.s32 $0xFFFFFFFF, s2;
	s0 =	sadd.s32 s0, s5  }
0x280: {  	p1 =	sne.s32 s2, $0x0;
	_ =	sdelay $0x3  }
0x281: {  	(v2sf) =	vpush v0, $0x0;
	_ =	sdelay $0xe  }
.Ltmp41:
0x282: {  	s6 =	spop (v2sf);
	(pc) =	sbr.rel @p1 .LBB2_51-.Ltmp41, $4  }
0x283: {  	s5 =	simm.s32 $0x0;
	p2 =	sgt.u32 s6, $0x18F0  }
0x284: {  	s3 =	sadd.s32 $0x80, s3;
	s5 =	simm.s32 @!p2 $0x200;
	s7 =	sand.u32 @!p2 $0x1FF8, s6  }
0x285: {  	s4 =	sadd.s32 $0x1, s4;
	s6 =	sand.u32 @!p2 $0x7, s6;
	s7 =	sadd.s32 @!p2 s1, s7  }
0x286: {  	[hbm4b:s7+s6] =	stream.linear.scatter @!p2 [tilespmem:s3], [sflag:$0x7], $0x80, $0x38;
	[tilespmem:$0x1F6F8] =	vst v63  }
.LBB2_52:
0x287: {  	s0 =	sadd.s32 s0, s5  }
0x288: {  	s0 =	sshrl.u32 s0, $0x2  }
.LBB2_53:
0x289: {  	s1 =	simm.s32 $0x7  }
0x28a: {  	_ =	swait.ge [sflag:s1], s0  }
0x28b: {  	s31 =	ssub.s32 $0x0, s0;
	[sflag:s1] =	ssyncset.done $0x0  }
0x28c: {  	[sflag:s1] =	ssyncadd.s32 s31  }
0x28d: {  	[sflag:s1] =	ssyncpa.u1 $0x1  }
.LBB2_54:
0x28e: {  	_ =	sfence;
	s0 =	simm.s32 $0x1  }
0x28f: {  	[sflag:s0] =	ssyncpa.u1 $0x1  }
0x290: {  	_ =	strace $0x90000077  }
0x291: {  	[bflag:$0x2] =	sbarrier.arrive $0xFFFF  }
0x292: {  	s0 =	rddreg [dreg:$0x4]  }
0x293: {  	s0 =	sadd.s32 @!p0 $0x100000, s0  }
0x294: {  	[sflag:s0] =	ssyncadd.tile.s32 @!p0 $0x1;
	_ =	shalt  }
.Lfunc_end2:
_tile_overlayer_lowered:
.L_overlay_start_2:
0x295: {  	(tag) =	ssettag $0x2  }
0x296: {  	s0 =	rddreg [dreg:$0x0];
	s2 =	stileid.u32  }
0x297: {  	s1 =	rddreg [dreg:$0x1];
	p0 =	sne.s32 s2, $0x0  }
0x298: {  	s3 =	rddreg [dreg:$0x2];
	[bflag:$0x3] =	sbarrier.arrive $0xFFFF;
	s2 =	simm.s32 @!p0 $0x1C01  }
0x299: {  	[timem:s3], [sflag:s2] =	dma.local @!p0 [hbm:s0], s1  }
0x29a: {  	s0 =	simm.s32 @!p0 $0x1  }
0x29b: {  	_ =	swait.ge @!p0 [sflag:s0], s1  }
0x29c: {  	s1 =	ssub.s32 @!p0 $0x0, s1;
	[sflag:s0] =	ssyncset.done @!p0 $0x0  }
0x29d: {  	[sflag:s0] =	ssyncadd.s32 @!p0 s1  }
0x29e: {  	[bflag:$0x3] =	sbarrier.arrive $0xFFFF  }
0x29f: {  	_ =	shalt  }

// kernel: scatter_offload_async_start
scs
__scs_entry_jumppad:
0x0: {  	(pc) =	sbr.rel $0x88, $3  }
0x1: {  	(tag) =	ssettag $0x0;
	lr =	simm.s32 $0x1  }
0x2: {  	[smem:$0x3F96] =	sst lr;
	_ =	strace $0xD0000000  }
0x3: {  	_ = 	snop  }
0x4: {  	_ = 	snop  }
0x5: {  	_ = 	snop  }
0x6: {  	_ = 	snop  }
0x7: {  	_ = 	snop  }
__scs_overlays_trampoline_lowered:
0x8: {  	[smem:$0x3FA5] =	sst s0  }
0x9: {  	[smem:$0x3FA6] =	sst s1  }
0xa: {  	[smem:$0x3FA7] =	sst s2  }
0xb: {  	[smem:$0x3FA8] =	sst s3  }
0xc: {  	[smem:$0x3FA9] =	sst s4  }
0xd: {  	[smem:$0x3FAA] =	sst s5  }
0xe: {  	[smem:$0x3FAB] =	sst s6  }
0xf: {  	[smem:$0x3FAC] =	sst s7  }
0x10: {  	[smem:$0x3FAD] =	sst s8  }
0x11: {  	[smem:$0x3FAE] =	sst s9;
	s0 =	simm.s32 @!p0 $0x0  }
0x12: {  	s1 =	sld [smem:$0x3F94];
	s0 =	simm.s32 @p0 $0x1  }
0x13: {  	[smem:$0x3FAF] =	sst s0;
	s0 =	simm.s32 @!p1 $0x0  }
0x14: {  	s2 =	sld [smem:$0x3F93];
	s0 =	simm.s32 @p1 $0x1  }
0x15: {  	[smem:$0x3FB0] =	sst s0;
	s0 =	simm.s32 @!p2 $0x0  }
0x16: {  	s3 =	sld [smem:$0x3FDB];
	s0 =	simm.s32 @p2 $0x1  }
0x17: {  	s4 =	simm.s32 $0x1BF5;
	[smem:$0x3FB2] =	sst s0  }
0x18: {  	s0 =	sld [smem:$0x3F95];
	_ =	swait.ge [sflag:s4], $0x0  }
0x19: {  	s7 =	sld [smem:$0x3F96]  }
0x1a: {  	s8 =	sadd.s32 $0xFFFFE003, lr  }
0x1b: {  	s9 =	sadd.s32 $0xFFFFFEF7, lr;
	s5 =	simm.s32 $0xFFFFFFFF;
	p2 =	slt.u32 s8, $0xFFFFF086  }
0x1c: {  	p1 =	slt.u32 s9, $0xF7A;
	s5 =	simm.s32 @!p2 $0x0  }
0x1d: {  	s5 =	simm.s32 @p1 $0x1;
	p0 =	seq.s32 s7, s2  }
0x1e: {  	s7 =	smul.u32 @!p0 $0xF7A, s2;
	p2 =	seq.s32 @!p0 s5, $0x0  }
0x1f: {  	s9 =	smul.u32 $0xF7A, s1;
	s8 =	simm.s32 @!p0 $0x1BF5;
	p2 =	por !p2, p0  }
0x20: {  	[sflag:s8] =	ssyncset.s32 @!p0 $0xFFFFF086;
	s6 =	sadd.s32 @!p0 s3, s7;
	s7 =	simm.s32 @!p0 $0x108  }
0x21: {  	s3 =	sadd.s32 s3, s9;
	s6 =	sadd.s32 @!p0 $0x88, s6;
	s7 =	simm.s32 @p2 $0x1082  }
0x22: {  	[simem:s7], [sflag:s8] =	dma.local @!p0 [hbm:s6], $0xF7A  }
0x23: {  	s9 =	sor.u32 $0xD0000000, s2;
	s6 =	simm.s32 $0x108;
	_ =	swait.ge @!p0 [sflag:s8], $0x0  }
0x24: {  	s3 =	sadd.s32 $0x88, s3;
	s6 =	simm.s32 @!p1 $0x1082;
	[sflag:s4] =	ssyncset.s32 $0xFFFFF086  }
0x25: {  	[simem:s6], [sflag:s4] =	dma.local [hbm:s3], $0xF7A  }
0x26: {  	[smem:$0x3F96] =	sst s1;
	(tag) =	ssettag s2;
	_ =	strace s9  }
0x27: {  	s1 =	sld [smem:$0x3FA6]  }
0x28: {  	s2 =	sld [smem:$0x3FA7]  }
0x29: {  	s4 =	sld [smem:$0x3FA9]  }
0x2a: {  	p0 =	seq.s32 s5, $0x0;
	s5 =	sld [smem:$0x3FAA]  }
0x2b: {  	s6 =	sld [smem:$0x3FAB]  }
0x2c: {  	s7 =	sld [smem:$0x3FAC]  }
0x2d: {  	s3 =	simm.s32 $0x108;
	s8 =	sld [smem:$0x3FAD]  }
0x2e: {  	s3 =	simm.s32 @!p0 $0x1082;
	s9 =	sld [smem:$0x3FAE]  }
0x2f: {  	lr =	sadd.s32 s0, s3;
	s0 =	sld [smem:$0x3FA5]  }
0x30: {  	s3 =	sld [smem:$0x3FA8]  }
0x31: {  	[smem:$0x3FB1] =	sst s10  }
0x32: {  	s10 =	sld [smem:$0x3FAF];
	_ =	sdelay $0x3  }
0x33: {  	p0 =	seq.s32 s10, $0x1;
	s10 =	sld [smem:$0x3FB1];
	_ =	sdelay $0x3  }
0x34: {  	[smem:$0x3FB1] =	sst s10  }
0x35: {  	s10 =	sld [smem:$0x3FB0];
	_ =	sdelay $0x3  }
0x36: {  	p1 =	seq.s32 s10, $0x1;
	s10 =	sld [smem:$0x3FB1];
	_ =	sdelay $0x3  }
0x37: {  	[smem:$0x3FB1] =	sst s10  }
0x38: {  	s10 =	sld [smem:$0x3FB2]  }
0x39: {  	_ = 	snop;
	(pc) =	sbr.ind lr, $3  }
0x3a: {  	_ = 	snop  }
0x3b: {  	_ = 	snop  }
0x3c: {  	p2 =	seq.s32 s10, $0x1;
	s10 =	sld [smem:$0x3FB1]  }
0x3d: {  	_ =	shalt  }
0x3e: {  	_ =	shalt  }
0x3f: {  	_ =	shalt  }
0x40: {  	_ =	shalt  }
0x41: {  	_ =	shalt  }
0x42: {  	_ =	shalt  }
0x43: {  	_ =	shalt  }
0x44: {  	_ =	shalt  }
0x45: {  	_ =	shalt  }
0x46: {  	_ =	shalt  }
0x47: {  	_ =	shalt  }
0x48: {  	_ =	shalt  }
0x49: {  	_ =	shalt  }
0x4a: {  	_ =	shalt  }
0x4b: {  	_ =	shalt  }
0x4c: {  	_ =	shalt  }
0x4d: {  	_ =	shalt  }
0x4e: {  	_ =	shalt  }
0x4f: {  	_ =	shalt  }
0x50: {  	_ =	shalt  }
0x51: {  	_ =	shalt  }
0x52: {  	_ =	shalt  }
0x53: {  	_ =	shalt  }
0x54: {  	_ =	shalt  }
0x55: {  	_ =	shalt  }
0x56: {  	_ =	shalt  }
0x57: {  	_ =	shalt  }
0x58: {  	_ =	shalt  }
0x59: {  	_ =	shalt  }
0x5a: {  	_ =	shalt  }
0x5b: {  	_ =	shalt  }
0x5c: {  	_ =	shalt  }
0x5d: {  	_ =	shalt  }
0x5e: {  	_ =	shalt  }
0x5f: {  	_ =	shalt  }
0x60: {  	_ =	shalt  }
0x61: {  	_ =	shalt  }
0x62: {  	_ =	shalt  }
0x63: {  	_ =	shalt  }
0x64: {  	_ =	shalt  }
0x65: {  	_ =	shalt  }
0x66: {  	_ =	shalt  }
0x67: {  	_ =	shalt  }
0x68: {  	_ =	shalt  }
0x69: {  	_ =	shalt  }
0x6a: {  	_ =	shalt  }
0x6b: {  	_ =	shalt  }
0x6c: {  	_ =	shalt  }
0x6d: {  	_ =	shalt  }
0x6e: {  	_ =	shalt  }
0x6f: {  	_ =	shalt  }
0x70: {  	_ =	shalt  }
0x71: {  	_ =	shalt  }
0x72: {  	_ =	shalt  }
0x73: {  	_ =	shalt  }
0x74: {  	_ =	shalt  }
0x75: {  	_ =	shalt  }
0x76: {  	_ =	shalt  }
0x77: {  	_ =	shalt  }
0x78: {  	_ =	shalt  }
0x79: {  	_ =	shalt  }
0x7a: {  	_ =	shalt  }
0x7b: {  	_ =	shalt  }
0x7c: {  	_ =	shalt  }
0x7d: {  	_ =	shalt  }
0x7e: {  	_ =	shalt  }
0x7f: {  	_ =	shalt  }
0x80: {  	_ =	shalt  }
0x81: {  	_ =	shalt  }
0x82: {  	_ =	shalt  }
0x83: {  	_ =	shalt  }
0x84: {  	_ =	shalt  }
0x85: {  	_ =	shalt  }
0x86: {  	_ =	shalt  }
0x87: {  	_ =	shalt  }
.Lfunc_end0:
.L_simem_size_0:
called_computation_lowered:
.L_overlay_start_0:
0x88: {  	s0 =	sld [smem:$0x3FD9]  }
0x89: {  	s1 =	sld [smem:$0x3FFE];
	_ =	sdelay $0x3  }
0x8a: {  	s0 =	sadd.s32 s1, s0  }
0x8b: {  	[smem:$0x3FBD] =	sst s0  }
0x8c: {  	_ = 	snop  }
0x8d: {  	s0 =	sld [smem:$0x3FD0];
	(tm) =	ssettm $0x1  }
0x8e: {  	s16 =	sld [smem:$0x3FFB];
	_ =	sdelay $0x3  }
0x8f: {  	_ =	strace s16  }
0x90: {  	s1 =	sld [smem:$0x3FFC];
	_ =	sdelay $0x3  }
0x91: {  	_ =	strace s1  }
0x92: {  	s1 =	sld [smem:$0x3FFD];
	_ =	sdelay $0x3  }
0x93: {  	_ =	strace s1  }
0x94: {  	_ =	strace $0x8FFFFFFF  }
0x95: {  	s17 =	sld [smem:$0x3FDB];
	_ =	sdelay $0x1  }
0x96: {  	s2 =	simm.s32 $_scs_section_size  }
0x97: {  	s3 =	simm.s32 $_size__tile_overlayer_lowered;
	s4 =	simm.s32 $_tile_overlayer_lowered  }
0x98: {  	s20 =	simm.s32 $0x1BFF;
	s19 =	sshll.u32 s4, $0x1;
	s1 =	sadd.s32 s2, s17  }
0x99: {  	s5 =	simm.s32 $0x0;
	s18 =	sshll.u32 s3, $0x1;
	s3 =	sadd.s32 s19, s1  }
0x9a: {  	[timem:s5], [sflag:s20] =	dma.local [hbm:s3], s18  }
0x9b: {  	_ =	swait.ge [sflag:s20], s18  }
0x9c: {  	s2 =	ssub.s32 $0x0, s18;
	[sflag:s20] =	ssyncset.done $0x0  }
0x9d: {  	[sflag:s20] =	ssyncadd.s32 s2;
	_ =	sdelay $0x1  }
0x9e: {  	s21 =	simm.s32 $0x1B8B  }
0x9f: {  	_ =	swait.ge [sflag:s21], $0x1  }
0xa0: {  	[sflag:s21] =	ssyncset.done $0x0  }
0xa1: {  	s23 =	simm.s32 $0x1B8E;
	s22 =	sld [smem:$0x3FFE];
	[sflag:s21] =	ssyncadd.s32 $0xFFFFFFFF  }
0xa2: {  	s24 =	simm.s32 $execute0_lowered;
	[smem:$0x3FD2] =	sst s23  }
0xa3: {  	s3 =	sshll.u32 s24, $0x1;
	_ =	strace $0x8000004F;
	[dreg:$0x1] =	wrdreg $0xFFFFFFFF  }
0xa4: {  	s25 =	simm.s32 $_size_execute0_lowered;
	s1 =	sadd.s32 s1, s3;
	[dreg:$0x0] =	wrdreg $0x0  }
0xa5: {  	s3 =	sshll.u32 s25, $0x1;
	[dreg:$0x2] =	wrdreg s1  }
0xa6: {  	[dreg:$0x3] =	wrdreg s3  }
0xa7: {  	[dreg:$0x4] =	wrdreg $0xC0  }
0xa8: {  	_ =	task [dreg:s5], $0x5FFFF  }
0xa9: {  	[dreg:$0x1] =	wrdreg $0xFFFFFFFF  }
0xaa: {  	[dreg:$0x0] =	wrdreg $0x60  }
0xab: {  	[dreg:$0x2] =	wrdreg s22  }
0xac: {  	[dreg:$0x3] =	wrdreg s0  }
0xad: {  	[dreg:$0x4] =	wrdreg $0x9  }
0xae: {  	_ =	task.clear_ibuf [dreg:s5], $0x5FFFF;
	_ =	strace $0x9000004F  }
0xaf: {  	s26 =	simm.s32 $0x9;
	_ =	strace $0x80000051  }
0xb0: {  	_ =	swait.ge [sflag:s26], $0x1  }
0xb1: {  	[sflag:s26] =	ssyncadd.s32 $0xFFFFFFFF  }
0xb2: {  	_ =	strace $0x90000051  }
0xb3: {  	_ =	sfence  }
0xb4: {  	s28 =	sld [smem:$0x0];
	_ =	sdelay $0x1  }
0xb5: {  	s29 =	srdreg.scid  }
0xb6: {  	s30 =	sshll.u32 s29, $0xD;
	s31 =	sshrl.u32 s29, $0x2  }
0xb7: {  	s2 =	sand.u32 $0x4000, s30;
	s1 =	sand.u32 $0x1, s29;
	s0 =	sadd.s32 s31, s28  }
0xb8: {  	s1 =	sor.u32 s2, s1;
	s0 =	sshll.u32 s0, $0x11  }
0xb9: {  	s0 =	sor.u32 s0, s1  }
0xba: {  	s0 =	sadd.s32 $0x8F2B, s0  }
0xbb: {  	[sflag:s0] =	ssyncadd.remote.s32 $0x1  }
0xbc: {  	_ =	sfence.sel $0xFFFF  }
0xbd: {  	[dreg:$0x0] =	wrdreg $0xFFFFFFFF;
	(pc) =	sbr.abs _section_cstart, $3  }
0xbe: {  	[dreg:$0x1] =	wrdreg $0xFFFFFFFF  }
0xbf: {  	_ =	task.clear_ibuf [dreg:s5], $0x2FFFF;
	_ =	strace $0x9FFFFFFF  }
0xc0: {  	(tm) =	ssettm $0x7FFFFFFF  }
0xc1: {  	_ =	shalt  }
tec
execute0_lowered:
.L_overlay_start_1:
0x0: {  	(tag) =	ssettag $0x1  }
0x1: {  	s7 =	rddreg [dreg:$0x0]  }
0x2: {  	s2 =	rddreg [dreg:$0x1]  }
0x3: {  	s0 =	rddreg [dreg:$0x2];
	_ =	strace $0x80000050;
	s1 =	simm.s32 $0x1  }
0x4: {  	v1 =	vimm.s32 $0xFFFFFFFF;
	[sflag:s1] =	ssyncpa.u1 $0x0  }
0x5: {  	[tilespmem:$0x10] =	vst v1  }
0x6: {  	v0 =	vimm.f32 $0.0e+00;
	[tilespmem:$0x20] =	vst v1  }
0x7: {  	[tilespmem:$0x30] =	vst v0  }
0x8: {  	[tilespmem:$0x40] =	vst v0  }
0x9: {  	[tilespmem:$0x50] =	vst v0  }
0xa: {  	s3 =	simm.s32 $0x2;
	[tilespmem:$0x60] =	vst v1  }
0xb: {  	s4 =	simm.s32 $0x7;
	s6 =	simm.s32 $0x8;
	s9 =	simm.s32 $0x9;
	[tilespmem:$0x70] =	vst v1  }
0xc: {  	s13 =	simm.s32 $0x0;
	s14 =	simm.s32 $0xFF;
	p0 =	por $0x0, $0x0;
	[tilespmem:$0x80] =	vst v1  }
0xd: {  	s15 =	simm.s32 $0xFFFFC280;
	s16 =	simm.s32 $0xFFFFFFFE;
	s17 =	simm.s32 $0xF;
	v1 =	vimm.s32 $0x0;
	[tilespmem:$0xB0] =	vst v0  }
0xe: {  	s18 =	simm.s32 $0x30;
	s21 =	simm.s32 $0x0;
	s19 =	simm.s32 $0x0;
	[tilespmem:$0x90] =	vst v1  }
.Ltmp0:
0xf: {  	[tilespmem:$0xA0] =	vst v1;
	[sflag:s3] =	ssyncpa.u1 $0x0;
	s3 =	stileid.u32;
	(pc) =	sbr.rel .LBB2_1-.Ltmp0, $4  }
0x10: {  	s1 =	sadd.s32 $0xD0600, s7;
	s5 =	smul.u32 $0x61A80, s3;
	[sflag:s4] =	ssyncpa.u1 $0x0  }
0x11: {  	s7 =	sadd.s32 $0x3DCE00, s7;
	s11 =	sshllo.u32 s3, $0x1;
	[sflag:s6] =	ssyncpa.u1 $0x0  }
0x12: {  	vm0 =	vmmov $0xffff;
	v2 =	vlaneseq.u32;
	s8 =	sadd.s32 $0x61A80, s5;
	[sflag:s9] =	ssyncpa.u1 $0x0;
	s9 =	sshll.u32 s3, $0x1  }
0x13: {  	vm1 =	vmxor vm1, vm1;
	vm2 =	vmmov $0x1;
	vm3 =	vcmask $0x3F3C;
	s20 =	smov.u32 s5;
	s10 =	sor.u32 $0x81, s9;
	s12 =	sor.u32 $0x80, s9  }
.LBB2_8:
0x14: {  	v3 =	vld [tilespmem:s24+$0xFAF0];
	_ =	sdelay $0x4  }
0x15: {  	v3 =	vshift.insert v3, v0, s17;
	_ =	sdelay $0x1  }
0x16: {  	[tilespmem:s18+$0x0] =	vst.msk $0x1, v3  }
0x17: {  	v3 =	vsel vm4, $0x1, v1;
	[tilespmem:$0x90] =	vst v6  }
0x18: {  	s24 =	sadd.s32 @!p1 $0xFAFF, s24;
	[tilespmem:$0xA0] =	vst v3  }
0x19: {  	[spmem:s11] =	stream.linear.scatter @!p1 [tilespmem:s24], [sflag:$0x1], $0x1, $0x38;
	[tilespmem:$0x11A60] =	vst v63  }
0x1a: {  	s24 =	simm.s32 @!p1 $0x1  }
0x1b: {  	v3 =	vmctz.xlane @!p1 vm4;
	_ =	swait.ge @!p1 [sflag:s24], $0x1  }
0x1c: {  	(v2sf) =	vpush @!p1 v4, $0x0  }
0x1d: {  	(v2sf) =	vpush @!p1 v3, $0x0;
	_ =	sdelay $0xd  }
0x1e: {  	s25 =	spop @!p1 (v2sf)  }
0x1f: {  	s26 =	spop @!p1 (v2sf)  }
0x20: {  	p2 =	sne.s32 @!p1 s23, s25;
	p3 =	slt.s32 @!p1 s26, $0xF  }
0x21: {  	[sflag:s24] =	ssyncset.done @!p1 $0x0;
	p2 =	por p2, p1;
	p3 =	por !p3, p1  }
0x22: {  	[sflag:s24] =	ssyncadd.s32 @!p1 $0xFFFFFFFF;
	v3 =	vimm.s32 @!p2 $0xFFFFFFFF;
	s26 =	simm.s32 @p3 $0xF  }
0x23: {  	[tilespmem:$0x80] =	vst @!p2 v3;
	s23 =	sadd.s32 @!p1 $0x90, s26  }
0x24: {  	[spmem:s9] =	stream.linear.scatter @!p1 [tilespmem:s23], [sflag:$0x1], $0x1, $0x38;
	[tilespmem:$0x11A60] =	vst v63  }
0x25: {  	_ =	swait.ge @!p1 [sflag:s24], $0x1  }
0x26: {  	[sflag:s24] =	ssyncset.done @!p1 $0x0  }
0x27: {  	s23 =	simm.s32 @!p1 $0x80;
	[sflag:s24] =	ssyncadd.s32 @!p1 $0xFFFFFFFF  }
0x28: {  	[spmem:s12] =	stream.linear.scatter @!p1 [tilespmem:s23], [sflag:$0x1], $0x1, $0x38;
	[tilespmem:$0x11A60] =	vst v63  }
0x29: {  	_ =	swait.ge @!p1 [sflag:s24], $0x1  }
0x2a: {  	[sflag:s24] =	ssyncset.done @!p1 $0x0  }
0x2b: {  	[sflag:s24] =	ssyncadd.s32 @!p1 $0xFFFFFFFF;
	(ifvalue) =	ssetifvalue $0xFFFFFFFF;
	v3 =	vld [tilespmem:s21+$0x10];
	_ =	sdelay $0x6  }
0x2c: {  	(ifvalue) =	ssetifvalue $0xFFFFFFFF  }
0x2d: {  	[hbm4b:s1+s13] =	stream.indirect_vreg.scatter [tilespmem:s22], [sflag:$0x9], $0x1, v3, vm0, $0x4038;
	[tilespmem:$0x11A60] =	vst v63  }
.LBB2_9:
0x2e: {  	p1 =	slt.u32 s19, $0x3  }
0x2f: {  	s21 =	simm.s32 @!p1 $0x2  }
0x30: {  	_ =	swait.ge @!p1 [sflag:s21], $0x1F40  }
0x31: {  	[sflag:s21] =	ssyncset.done @!p1 $0x0  }
0x32: {  	[sflag:s21] =	ssyncadd.s32 @!p1 $0xFFFFE0C0;
	s21 =	simm.s32 @!p1 $0x9  }
0x33: {  	_ =	swait.ge @!p1 [sflag:s21], $0x10  }
0x34: {  	s22 =	sadd.s32 $0x1F40, s20;
	s23 =	smov.u32 s5;
	[sflag:s21] =	ssyncset.done @!p1 $0x0  }
0x35: {  	s19 =	sadd.s32 $0x1, s19;
	[sflag:s21] =	ssyncadd.s32 @!p1 $0xFFFFFFF0;
	p1 =	slt.s32 s22, s8  }
0x36: {  	s23 =	smov.u32 @p1 s22;
	p1 =	sne.s32 s19, $0x35  }
.Ltmp1:
0x37: {  	_ = 	snop;
	(pc) =	sbr.rel @!p1 .LBB2_10-.Ltmp1, $3  }
0x38: {  	_ =	sdelay $0x1  }
0x39: {  	s14 =	sadd.s32 $0x1, s14;
	p0 =	por !p0, !p0;
	s15 =	sadd.s32 $0x1F40, s15  }
0x3a: {  	s16 =	sadd.s32 $0x1, s16;
	s21 =	smov.u32 s20;
	s20 =	smov.u32 s23  }
.LBB2_1:
0x3b: {  	p1 =	sgt.u32 s19, $0x31  }
0x3c: {  	s22 =	smul.u32 @!p1 $0xAB, s19;
	_ =	sdelay $0x1  }
0x3d: {  	s22 =	sshrl.u32 @!p1 s22, $0x9  }
0x3e: {  	s22 =	sand.u32 @!p1 $0x7F, s22  }
0x3f: {  	s22 =	smul.u32 @!p1 $0x3, s22;
	_ =	sdelay $0x1  }
0x40: {  	s22 =	ssub.s32 @!p1 s19, s22  }
0x41: {  	s22 =	sand.u32 @!p1 $0xFF, s22  }
0x42: {  	s22 =	smul.u32 @!p1 $0x7D00, s22;
	_ =	sdelay $0x1  }
0x43: {  	s23 =	sshrl.u32 @!p1 s20, $0x3;
	s22 =	sshrl.u32 @!p1 s22, $0x2  }
0x44: {  	s24 =	sand.u32 @!p1 $0x7, s20;
	s23 =	sadd.s32 @!p1 s7, s23;
	s22 =	sadd.s32 @!p1 $0x100, s22  }
0x45: {  	[tilespmem:s22], [sflag:$0x7] =	stream.linear.gather @!p1 [hbm4b:s23+s24], $0x1F40, $0x38;
	[tilespmem:$0x11A60] =	vst v63  }
0x46: {  	s22 =	sadd.s32 $0xFFFFFFFF, s19  }
0x47: {  	p1 =	sgt.u32 s22, $0x31  }
.Ltmp2:
0x48: {  	_ = 	snop;
	(pc) =	sbr.rel @p1 .LBB2_5-.Ltmp2, $1  }
0x49: {  	_ =	sdelay $0x3  }
0x4a: {  	s23 =	smul.u32 $0xAB, s22;
	_ =	sdelay $0x1  }
0x4b: {  	s23 =	sshrl.u32 s23, $0x9  }
0x4c: {  	s23 =	sand.u32 $0x7F, s23  }
0x4d: {  	s23 =	smul.u32 $0x3, s23;
	_ =	sdelay $0x1  }
0x4e: {  	s23 =	ssub.s32 s22, s23  }
0x4f: {  	s23 =	sand.u32 $0xFF, s23  }
0x50: {  	s23 =	smul.u32 $0x7D00, s23  }
0x51: {  	_ =	swait.ge [sflag:s4], $0x1F40  }
0x52: {  	[sflag:s4] =	ssyncset.done $0x0;
	s23 =	sshrl.u32 s23, $0x2  }
0x53: {  	[sflag:s4] =	ssyncadd.s32 $0xFFFFE0C0;
	(ifvalue) =	ssetifvalue $0xFFFFFFFF;
	v3 =	vld.msk [tilespmem:s23+$0x100 ss:$0x1], $0xffff  }
0x54: {  	s29 =	sand.u32 $0xFF, s14  }
0x55: {  	s24 =	smulhi.u32 $0x55555556, s29  }
0x56: {  	p1 =	sne.s32 s19, $0x1  }
0x57: {  	v4 =	vimm.s32 @!p1 $0x0;
	s24 =	smul.u32 $0x17700, s24  }
0x58: {  	s23 =	smul.u32 $0x7D00, s29;
	v4 =	vperm.xlane @!p1 v3, v4  }
0x59: {  	s25 =	sshll.u32 s19, $0x4;
	vm4 =	vlt.u32 v3, $0x61C00  }
0x5a: {  	s30 =	sand.u32 $0x10, s25;
	s23 =	ssub.s32 s23, s24;
	v3 =	vnsel vm4, $0xFFFFFFFE, v3;
	vm4 =	vlt.u32 @!p1 v4, $0x61C00  }
0x5b: {  	s23 =	sshra.s32 s23, $0x2;
	[tilespmem:s30+$0x60] =	vst v3;
	v3 =	vnsel @!p1 vm4, $0xFFFFFFFE, v4  }
0x5c: {  	s26 =	sadd.s32 $0x2030, s23;
	[tilespmem:$0x80] =	vst @!p1 v3  }
0x5d: {  	v3 =	vld.msk [tilespmem:s26+$0x0 ss:$0x1], $0xffff;
	_ =	sdelay $0x4  }
0x5e: {  	(xrf1) =	vunique.msk.u32 $0xffff, v3;
	_ =	sdelay $0xd  }
0x5f: {  	v4 =	vimm.s32 $0xFFFFFFFF;
	v5, _, _ =	vpop (xrf1)  }
0x60: {  	vm5 =	vne.s32 v3, v4;
	vm4 =	veq.s32 v5, v2  }
0x61: {  	vm6 =	vlt.u32 v3, $0x61C00;
	vm4 =	vmand vm5, vm4  }
0x62: {  	vm4 =	vmand vm6, vm4  }
0x63: {  	v4 =	vnsel vm4, $0xFFFFFFFF, v3  }
0x64: {  	s31 =	sand.u32 $0x1, s22  }
0x65: {  	s22 =	simm.s32 $0x1F40;
	p1 =	seq.s32 s31, $0x1  }
0x66: {  	s22 =	simm.s32 @!p1 $0x0  }
0x67: {  	s23 =	sadd.s32 $0x7DF0, s22;
	(ifvalue) =	ssetifvalue $0xFFFFFFFF  }
0x68: {  	v3 =	vperm.xlane v3, v1;
	[tilespmem:s23], [sflag:$0x8] =	stream.indirect_vreg.gather [hbm4b:s1+s13], $0x1, v4, vm0, $0x4038;
	v4 =	vnsel vm6, $0xFFFFFFFE, v4;
	[tilespmem:$0x11A60] =	vst v63  }
0x69: {  	s24 =	simm.s32 $0x0;
	s25 =	sadd.s32 $0xFFFFFFF0, s26;
	[tilespmem:s26+$0x0] =	vst v4  }
.LBB2_3:
0x6a: {  	v4 =	vld.msk [tilespmem:s25+$0x0 ss:$0x1], $0xffff;
	s24 =	sadd.s32 $0x10, s24;
	v5 =	vmov v3;
	s26 =	smov.u32 s25  }
0x6b: {  	p1 =	slt.u32 s24, $0x1F30;
	_ =	sdelay $0x4  }
0x6c: {  	v3 =	vperm.xlane v4, v1;
	(xrf1) =	vunique.msk.u32 $0xffff, v4;
	_ =	sdelay $0xd  }
0x6d: {  	v6, _, _ =	vpop (xrf1)  }
0x6e: {  	vm5 =	vne.s32 v4, v5;
	vm4 =	veq.s32 v6, v2  }
0x6f: {  	vm6 =	vlt.u32 v4, $0x61C00;
	vm4 =	vmand vm5, vm4  }
0x70: {  	vm4 =	vmand vm6, vm4  }
0x71: {  	v4 =	vnsel vm4, $0xFFFFFFFF, v4  }
.Ltmp3:
0x72: {  	v5 =	vnsel vm6, $0xFFFFFFFE, v4;
	(pc) =	sbr.rel @p1 .LBB2_3-.Ltmp3, $3  }
0x73: {  	_ =	sdelay $0x1  }
0x74: {  	s25 =	sadd.s32 $0xFFFFFFF0, s25;
	s23 =	sadd.s32 $0xFFFFFFF0, s23;
	(ifvalue) =	ssetifvalue $0xFFFFFFFF  }
0x75: {  	[tilespmem:s23], [sflag:$0x8] =	stream.indirect_vreg.gather [hbm4b:s1+s13], $0x1, v4, vm0, $0x4038;
	[tilespmem:s26+$0x0] =	vst v5  }
0x76: {  	s21 =	sshrl.u32 s21, $0x3  }
0x77: {  	s22 =	sadd.s32 $0x9D40, s22;
	s21 =	sadd.s32 s2, s21  }
0x78: {  	[tilespmem:s22], [sflag:$0x8] =	stream.linear.gather [hbm:s21], $0x1F40, $0x38;
	[tilespmem:$0x11A60] =	vst v63  }
.LBB2_5:
0x79: {  	p1 =	slt.u32 s19, $0x2  }
0x7a: {  	p2 =	seq.s32 @!p1 s19, $0x34  }
0x7b: {  	p1 =	por p1, p2  }
.Ltmp4:
0x7c: {  	_ = 	snop;
	(pc) =	sbr.rel @p1 .LBB2_9-.Ltmp4, $1  }
0x7d: {  	_ =	sdelay $0x3  }
0x7e: {  	s21 =	sadd.s32 $0xFFFFFFFE, s19  }
0x7f: {  	s22 =	smulhi.u32 $0xAAAAAAAB, s21;
	_ =	sdelay $0x1  }
0x80: {  	s22 =	sshrl.u32 s22, $0x1  }
0x81: {  	s22 =	smul.u32 $0x3, s22;
	_ =	sdelay $0x1  }
0x82: {  	s21 =	ssub.s32 s21, s22  }
0x83: {  	_ =	swait.ge [sflag:s6], $0x3E80;
	s25 =	smul.u32 $0x1F40, s21  }
0x84: {  	p1 =	sne.s32 s19, $0x33;
	[sflag:s6] =	ssyncset.done $0x0  }
0x85: {  	[sflag:s6] =	ssyncadd.s32 $0xFFFFC180;
	s21 =	sadd.s32 @!p1 $0x203F, s25  }
0x86: {  	[spmem:s10] =	stream.linear.scatter @!p1 [tilespmem:s21], [sflag:$0x1], $0x1, $0x38;
	[tilespmem:$0x11A60] =	vst v63  }
0x87: {  	s21 =	simm.s32 @!p1 $0x1  }
0x88: {  	_ =	swait.ge @!p1 [sflag:s21], $0x1  }
0x89: {  	s26 =	sshll.u32 s19, $0x4;
	[sflag:s21] =	ssyncset.done @!p1 $0x0  }
0x8a: {  	[sflag:s21] =	ssyncadd.s32 @!p1 $0xFFFFFFFF;
	s21 =	sand.u32 $0x10, s26  }
0x8b: {  	v4 =	vld [tilespmem:s21+$0x10];
	s26 =	sxor.u32 $0x10, s21  }
0x8c: {  	v5 =	vld [tilespmem:s26+$0x60]  }
0x8d: {  	v3 =	vld [tilespmem:$0x80];
	_ =	sdelay $0x2  }
0x8e: {  	(v2sf) =	vpush v4, $0x0  }
0x8f: {  	(v2sf) =	vpush v5, $0x0  }
0x90: {  	(v2sf) =	vpush v3, $0x0;
	_ =	sdelay $0xc  }
0x91: {  	s31 =	spop (v2sf)  }
0x92: {  	s24 =	spop (v2sf)  }
0x93: {  	s23 =	spop (v2sf)  }
0x94: {  	p2 =	seq.s32 s31, s24;
	p3 =	seq.s32 s23, s31  }
0x95: {  	p3 =	por p2, p3  }
0x96: {  	s31 =	sand.u32 $0x1, s19;
	v4 =	vpsel p3, $0xFFFFFFFF, v4  }
0x97: {  	s24 =	smul.u32 $0x1F40, s31;
	[tilespmem:s21+$0x10] =	vst.msk $0x1, v4  }
0x98: {  	v4 =	vld [tilespmem:$0x30]  }
0x99: {  	v5 =	vld [tilespmem:s24+$0x9D40]  }
0x9a: {  	v6 =	vld [tilespmem:s21+$0x40];
	_ =	sdelay $0x3  }
0x9b: {  	vm4 =	vmmov vm1;
	v5 =	vadd.f32 v5, v4  }
0x9c: {  	vm5 =	vmmov vm2;
	vm4 =	vmmov @p2 vm2;
	s22 =	sshll.u32 s31, $0x4;
	v4 =	vadd.f32 v6, v4  }
0x9d: {  	vm5 =	vmmov @p3 vm1;
	s22 =	sor.u32 $0x11A40, s22;
	[tilespmem:s24+$0x9D40] =	vst.msk vm4, v5  }
0x9e: {  	[tilespmem:s22+$0x0] =	vst.msk vm5, v4  }
0x9f: {  	v4 =	vld [tilespmem:s24+$0x7DF0];
	_ =	sdelay $0x3  }
0xa0: {  	v5 =	vimm.f32 $0.0e+00  }
0xa1: {  	v4 =	vshift.insert v4, v5, s17  }
0xa2: {  	s28 =	sor.u32 $0x40, s26  }
0xa3: {  	[tilespmem:s28+$0x0] =	vst.msk $0x1, v4  }
0xa4: {  	[tilespmem:s24+$0x7DFF] =	vst.msk $0x1, v5  }
0xa5: {  	v4 =	vld [tilespmem:s25+$0x2030];
	_ =	sdelay $0x1  }
0xa6: {  	s28 =	smulhi.u32 $0xAAAAAAAB, s16;
	s25 =	simm.s32 $0x1  }
0xa7: {  	s25 =	simm.s32 @!p0 $0x0  }
0xa8: {  	s28 =	sshrl.u32 s28, $0x1;
	s25 =	smul.u32 $0x7D00, s25  }
0xa9: {  	s28 =	smul.u32 $0xFFFE8900, s28;
	v4 =	vshift.insert v4, v1, s17  }
0xaa: {  	s29 =	sshrl.u32 s25, $0x2  }
0xab: {  	s28 =	sshra.s32 s28, $0x2;
	s25 =	sadd.s32 $0x9D40, s29;
	[tilespmem:s26+$0x10] =	vst.msk $0x1, v4  }
0xac: {  	s30 =	sadd.s32 s28, s15;
	v6 =	vld [tilespmem:s25+$0x0]  }
0xad: {  	v7 =	vld [tilespmem:s30+$0x0];
	_ =	sdelay $0x3  }
0xae: {  	v5 =	vadd.f32 v6, v5  }
0xaf: {  	vm4 =	vne.s32 v7, $0xFFFFFFFF  }
0xb0: {  	(xrf2) =	vadd.seg.scan.f32 vm4, v5;
	_ =	sdelay $0x3  }
0xb1: {  	s26 =	sadd.s32 $0x5EC0, s29;
	v5 =	vperm.xlane v4, v1  }
0xb2: {  	v6 =	vld [tilespmem:s26+$0x0]  }
0xb3: {  	vm5 =	veq.s32 v7, v3;
	vm6 =	veq.s32 v7, v5  }
0xb4: {  	vm7 =	vgt.u32 v7, $0xFFFFFFFD;
	vm6 =	vmor vm6, vm5  }
0xb5: {  	vm6 =	vmor vm6, vm7  }
0xb6: {  	v9 =	vld [tilespmem:$0xA0];
	v7 =	vsel vm6, $0xFFFFFFFF, v7  }
0xb7: {  	v10 =	vld [tilespmem:$0x90];
	v6 =	vsel vm5, $0x0, v6;
	v8, _, _ =	vpop (xrf2)  }
0xb8: {  	v6 =	vadd.f32 v8, v6  }
0xb9: {  	s28 =	sadd.s32 $0xDBC0, s29  }
0xba: {  	vm4 =	vmand vm4, vm3;
	[tilespmem:s28+$0x0] =	vst v6;
	(ifvalue) =	ssetifvalue $0xFFFFFFFF  }
0xbb: {  	vm6 =	veq.s32 v9, $0x1;
	[hbm4b:s1+s13] =	stream.indirect_vreg.scatter [tilespmem:s28], [sflag:$0x2], $0x1, v7, vm0, $0x4038;
	v7 =	vsel vm4, $0x0, v8;
	[tilespmem:$0x11A60] =	vst v63  }
0xbc: {  	s29 =	simm.s32 $0x0;
	s30 =	sadd.s32 $0x10, s30;
	vm4 =	vmor vm6, vm5;
	v6 =	vsel vm5, v8, v10;
	v7 =	vshift.insert v7, v0, s17  }
.LBB2_7:
0xbd: {  	v8 =	vld [tilespmem:s30+$0x0];
	s25 =	sadd.s32 $0x10, s25  }
0xbe: {  	s26 =	sadd.s32 $0x10, s26;
	v9 =	vld [tilespmem:s25+$0x0]  }
0xbf: {  	s29 =	sadd.s32 $0x10, s29;
	v10 =	vld [tilespmem:s26+$0x0]  }
0xc0: {  	p2 =	slt.u32 s29, $0x1F30;
	_ =	sdelay $0x2  }
0xc1: {  	v7 =	vadd.f32 v9, v7  }
0xc2: {  	vm5 =	vne.s32 v8, $0xFFFFFFFF  }
0xc3: {  	vm6 =	vmand vm5, vm3;
	(xrf2) =	vadd.seg.scan.f32 vm5, v7;
	_ =	sdelay $0x5  }
0xc4: {  	vm7 =	veq.s32 v8, v5;
	vm5 =	veq.s32 v8, v3  }
0xc5: {  	vm8 =	vgt.u32 v8, $0xFFFFFFFD;
	vm4 =	vmor vm4, vm5;
	vm7 =	vmor vm7, vm5  }
0xc6: {  	vm7 =	vmor vm7, vm8  }
0xc7: {  	v8 =	vsel vm7, $0xFFFFFFFF, v8  }
.Ltmp5:
0xc8: {  	v7 =	vsel vm5, $0x0, v10;
	v9, _, _ =	vpop (xrf2);
	(pc) =	sbr.rel @p2 .LBB2_7-.Ltmp5, $4  }
0xc9: {  	v6 =	vsel vm5, v9, v6;
	v10 =	vadd.f32 v9, v7;
	v7 =	vsel vm6, $0x0, v9  }
0xca: {  	s28 =	sadd.s32 $0x10, s28;
	v7 =	vshift.insert v7, v0, s17  }
0xcb: {  	s30 =	sadd.s32 $0x10, s30;
	[tilespmem:s28+$0x0] =	vst v10;
	(ifvalue) =	ssetifvalue $0xFFFFFFFF  }
0xcc: {  	[hbm4b:s1+s13] =	stream.indirect_vreg.scatter [tilespmem:s28], [sflag:$0x2], $0x1, v8, vm0, $0x4038;
	[tilespmem:$0x11A60] =	vst v63  }
.Ltmp6:
0xcd: {  	_ = 	snop;
	(pc) =	sbr.rel .LBB2_8-.Ltmp6, $1  }
0xce: {  	_ =	sdelay $0x3  }
.LBB2_10:
0xcf: {  	_ =	sfence.sel $0x180000  }
0xd0: {  	s2 =	simm.s32 $0x7;
	[bflag:$0x0] =	sbarrier.arrive $0xFFFF  }
0xd1: {  	s26 =	simm.s32 $0x8;
	[sflag:s2] =	ssyncpa.u1 $0x1  }
0xd2: {  	s28 =	simm.s32 $0x9;
	[sflag:s26] =	ssyncpa.u1 $0x1  }
0xd3: {  	[sflag:s28] =	ssyncpa.u1 $0x1  }
0xd4: {  	_ =	sfence.stream.spmem  }
0xd5: {  	s29 =	simm.s32 $0x3;
	[bflag:$0x0] =	sbarrier.arrive $0xFFFF  }
0xd6: {  	s30 =	simm.s32 $0x4;
	[sflag:s29] =	ssyncpa.u1 $0x1  }
0xd7: {  	s31 =	simm.s32 $0x3C;
	[sflag:s30] =	ssyncpa.u1 $0x1  }
0xd8: {  	p0 =	sne.s32 s3, $0x0;
	[sflag:s31] =	ssyncpa.u1 $0x1  }
0xd9: {  	s0 =	simm.s32 @p0 $0x1;
	_ =	sfence @p0  }
0xda: {  	[sflag:s0] =	ssyncpa.u1 @p0 $0x1;
	s0 =	simm.s32 @p0 $0x2  }
0xdb: {  	[sflag:s0] =	ssyncpa.u1 @p0 $0x1  }
0xdc: {  	_ =	strace @p0 $0x90000050  }
0xdd: {  	[bflag:$0x2] =	sbarrier.arrive @p0 $0xFFFF  }
0xde: {  	_ =	shalt @p0  }
.LBB2_11:
0xdf: {  	_ =	sfence.stream.spmem;
	s4 =	simm.s32 $0x5  }
0xe0: {  	s2 =	simm.s32 $0x80;
	s3 =	simm.s32 $0xC0;
	[sflag:s4] =	ssyncpa.u1 $0x0  }
0xe1: {  	[tilespmem:s3], [sflag:$0x5] =	stream.linear.gather [spmem:s2], $0x20, $0x38;
	[tilespmem:$0x11A60] =	vst v63  }
0xe2: {  	s2 =	simm.s32 $0x0;
	s3 =	simm.s32 $0xE0  }
0xe3: {  	[tilespmem:s3], [sflag:$0x5] =	stream.linear.gather [spmem:s2], $0x20, $0x38;
	[tilespmem:$0x11A60] =	vst v63  }
.Ltmp7:
0xe4: {  	_ = 	snop;
	(pc) =	sbr.rel .LBB2_12-.Ltmp7, $4  }
0xe5: {  	_ =	swait.ge [sflag:s4], $0x40  }
0xe6: {  	[sflag:s4] =	ssyncset.done $0x0  }
0xe7: {  	s31 =	simm.s32 $0x6;
	[sflag:s4] =	ssyncadd.s32 $0xFFFFFFC0  }
0xe8: {  	s4 =	simm.s32 $0x0;
	[sflag:s31] =	ssyncpa.u1 $0x0  }
.LBB2_17:
0xe9: {  	p0 =	sgt.u32 s5, $0x61BFF  }
0xea: {  	s6 =	sshrl.u32 @!p0 s5, $0x3  }
0xeb: {  	s5 =	sand.u32 @!p0 $0x7, s5;
	s7 =	simm.s32 @!p0 $0xB0;
	s6 =	sadd.s32 @!p0 s1, s6  }
0xec: {  	[tilespmem:s7], [sflag:$0x6] =	stream.linear.gather @!p0 [hbm4b:s6+s5], $0x1, $0x38;
	[tilespmem:$0x11A60] =	vst v63  }
0xed: {  	s5 =	simm.s32 @!p0 $0x6  }
0xee: {  	_ =	swait.ge @!p0 [sflag:s5], $0x1  }
0xef: {  	[sflag:s5] =	ssyncset.done @!p0 $0x0  }
0xf0: {  	[sflag:s5] =	ssyncadd.s32 @!p0 $0xFFFFFFFF  }
0xf1: {  	v2 =	vmov @!p0 s4;
	v1 =	vld.msk @!p0 [tilespmem:$0xB0], $0x1;
	_ =	sdelay $0x3  }
0xf2: {  	s5 =	simm.s32 @!p0 $0xE0  }
0xf3: {  	[tilespmem:v2+s5+$0x0], v1 =	vst.idx.ret.add.f32.msk @!p0 $0x1, v1  }
0xf4: {  	[tilespmem:s2+$0xC0] =	vst.msk $0x1, v0  }
0xf5: {  	v0 =	vld.msk [tilespmem:s4+$0xE0], $0x1;
	_ =	sdelay $0x4  }
0xf6: {  	[tilespmem:s2+$0xE0] =	vst.msk $0x1, v0;
	s2 =	sadd.s32 $0x1, s2  }
.LBB2_19:
0xf7: {  	s4 =	sadd.s32 $0x1, s4  }
0xf8: {  	p0 =	sne.s32 s4, $0x20  }
.Ltmp8:
0xf9: {  	_ = 	snop;
	(pc) =	sbr.rel @!p0 .LBB2_20-.Ltmp8, $1  }
0xfa: {  	_ =	sdelay $0x3  }
.LBB2_12:
0xfb: {  	v0 =	vld.msk [tilespmem:s4+$0xC0], $0x1;
	_ =	sdelay $0x4  }
0xfc: {  	(v2sf) =	vpush v0, $0x0;
	_ =	sdelay $0xe  }
0xfd: {  	s5 =	spop (v2sf)  }
0xfe: {  	p0 =	seq.s32 s5, $0xFFFFFFFF  }
.Ltmp9:
0xff: {  	_ = 	snop;
	(pc) =	sbr.rel @p0 .LBB2_19-.Ltmp9, $1  }
0x100: {  	_ =	sdelay $0x3  }
0x101: {  	p0 =	slt.s32 s2, $0x1  }
.Ltmp10:
0x102: {  	_ = 	snop;
	(pc) =	sbr.rel @p0 .LBB2_17-.Ltmp10, $1  }
0x103: {  	_ =	sdelay $0x3  }
0x104: {  	s6 =	simm.s32 $0xC0;
	p0 =	por $0x0, $0x0  }
0x105: {  	v1 =	vld.msk @!p0 [tilespmem:s6+$0x0], $0x1;
	_ =	sdelay $0x4  }
0x106: {  	(v2sf) =	vpush @!p0 v1, $0x0;
	_ =	sdelay $0xd  }
0x107: {  	p2 =	sne.s32 s2, $0x1  }
.Ltmp11:
0x108: {  	s7 =	spop @!p0 (v2sf);
	(pc) =	sbr.rel @!p2 .LBB2_16-.Ltmp11, $4  }
0x109: {  	p1 =	seq.s32 @!p0 s5, s7  }
0x10a: {  	s7 =	simm.s32 $0x0;
	p1 =	por !p1, p0  }
0x10b: {  	s9 =	simm.s32 $0xFFFFFFFF;
	s7 =	simm.s32 @p1 $0xFFFFFFFF  }
0x10c: {  	s8 =	simm.s32 $0x1;
	s7 =	smov.u32 @p0 s9  }
.LBB2_15:
0x10d: {  	s9 =	smov.u32 s7;
	p0 =	sne.s32 s7, $0xFFFFFFFF  }
0x10e: {  	s6 =	sadd.s32 $0x1, s6;
	s7 =	smov.u32 s8;
	s8 =	sadd.s32 $0x1, s8  }
0x10f: {  	p1 =	sne.s32 s2, s8;
	v1 =	vld.msk @!p0 [tilespmem:s6+$0x0], $0x1;
	_ =	sdelay $0x4  }
0x110: {  	(v2sf) =	vpush @!p0 v1, $0x0;
	_ =	sdelay $0xe  }
.Ltmp12:
0x111: {  	s10 =	spop @!p0 (v2sf);
	(pc) =	sbr.rel @p1 .LBB2_15-.Ltmp12, $4  }
0x112: {  	p2 =	seq.s32 @!p0 s5, s10  }
0x113: {  	p2 =	por !p2, p0  }
0x114: {  	s7 =	simm.s32 @p2 $0xFFFFFFFF  }
0x115: {  	s7 =	smov.u32 @p0 s9  }
.LBB2_16:
0x116: {  	p0 =	sne.s32 s7, $0xFFFFFFFF  }
.Ltmp13:
0x117: {  	_ = 	snop;
	(pc) =	sbr.rel @!p0 .LBB2_17-.Ltmp13, $1  }
0x118: {  	_ =	sdelay $0x3  }
0x119: {  	v0 =	vld.msk [tilespmem:s4+$0xE0], $0x1;
	v1 =	vmov s7  }
.Ltmp14:
0x11a: {  	_ = 	snop;
	(pc) =	sbr.rel .LBB2_19-.Ltmp14, $2  }
0x11b: {  	_ =	sdelay $0x2  }
0x11c: {  	[tilespmem:v1+s3+$0x0], v0 =	vst.idx.ret.add.f32.msk $0x1, v0  }
.LBB2_20:
0x11d: {  	p0 =	slt.s32 s2, $0x1  }
.Ltmp15:
0x11e: {  	_ = 	snop;
	(pc) =	sbr.rel @p0 .LBB2_24-.Ltmp15, $3  }
0x11f: {  	_ =	sdelay $0x1  }
0x120: {  	s3 =	simm.s32 $0x6  }
0x121: {  	[sflag:s3] =	ssyncpa.u1 $0x1;
	s3 =	simm.s32 $0x0  }
0x122: {  	s4 =	simm.s32 $0xC0  }
0x123: {  	v0 =	vld.msk [tilespmem:s4+$0x0], $0x1;
	_ =	sdelay $0x4  }
0x124: {  	(v2sf) =	vpush v0, $0x0;
	_ =	sdelay $0xe  }
0x125: {  	s2 =	sadd.s32 $0xFFFFFFFF, s2;
	s5 =	spop (v2sf)  }
0x126: {  	p1 =	sne.s32 s2, $0x0;
	p0 =	sgt.u32 s5, $0x61BFF  }
.Ltmp16:
0x127: {  	s6 =	sshrl.u32 @!p0 s5, $0x3;
	(pc) =	sbr.rel @!p1 .LBB2_23-.Ltmp16, $4  }
0x128: {  	s4 =	simm.s32 $0xE0;
	s5 =	sand.u32 @!p0 $0x7, s5;
	s6 =	sadd.s32 @!p0 s1, s6  }
0x129: {  	[hbm4b:s6+s5] =	stream.linear.scatter @!p0 [tilespmem:s4], [sflag:$0x5], $0x1, $0x38;
	[tilespmem:$0x11A60] =	vst v63  }
0x12a: {  	s6 =	simm.s32 $0x0  }
0x12b: {  	s5 =	simm.s32 $0xC1;
	s6 =	simm.s32 @!p0 $0x4  }
.LBB2_22:
0x12c: {  	v0 =	vld.msk [tilespmem:s5+$0x0], $0x1;
	s2 =	sadd.s32 $0xFFFFFFFF, s2;
	s3 =	sadd.s32 s3, s6  }
0x12d: {  	p0 =	sne.s32 s2, $0x0;
	_ =	sdelay $0x3  }
0x12e: {  	(v2sf) =	vpush v0, $0x0;
	_ =	sdelay $0xe  }
.Ltmp17:
0x12f: {  	s7 =	spop (v2sf);
	(pc) =	sbr.rel @p0 .LBB2_22-.Ltmp17, $4  }
0x130: {  	s6 =	simm.s32 $0x0;
	p1 =	sgt.u32 s7, $0x61BFF  }
0x131: {  	s4 =	sadd.s32 $0x1, s4;
	s6 =	simm.s32 @!p1 $0x4;
	s8 =	sshrl.u32 @!p1 s7, $0x3  }
0x132: {  	s5 =	sadd.s32 $0x1, s5;
	s7 =	sand.u32 @!p1 $0x7, s7;
	s8 =	sadd.s32 @!p1 s1, s8  }
0x133: {  	[hbm4b:s8+s7] =	stream.linear.scatter @!p1 [tilespmem:s4], [sflag:$0x5], $0x1, $0x38;
	[tilespmem:$0x11A60] =	vst v63  }
.LBB2_23:
0x134: {  	s1 =	sadd.s32 s3, s6  }
0x135: {  	s3 =	sshrl.u32 s1, $0x2  }
.LBB2_24:
0x136: {  	s1 =	simm.s32 $0x5  }
0x137: {  	_ =	swait.ge [sflag:s1], s3  }
0x138: {  	s2 =	ssub.s32 $0x0, s3;
	[sflag:s1] =	ssyncset.done $0x0  }
0x139: {  	[sflag:s1] =	ssyncadd.s32 s2  }
0x13a: {  	[sflag:s1] =	ssyncpa.u1 $0x1  }
0x13b: {  	s30 =	simm.s32 $0x1;
	_ =	sfence  }
0x13c: {  	s31 =	simm.s32 $0x2;
	[sflag:s30] =	ssyncpa.u1 $0x1  }
0x13d: {  	[sflag:s31] =	ssyncpa.u1 $0x1  }
0x13e: {  	_ =	strace $0x90000050  }
0x13f: {  	s0 =	sadd.s32 $0x100000, s0;
	[bflag:$0x2] =	sbarrier.arrive $0xFFFF  }
0x140: {  	[sflag:s0] =	ssyncadd.tile.s32 $0x1;
	_ =	shalt  }
.Lfunc_end2:
_tile_overlayer_lowered:
.L_overlay_start_2:
0x141: {  	(tag) =	ssettag $0x2  }
0x142: {  	s0 =	rddreg [dreg:$0x0];
	s2 =	stileid.u32  }
0x143: {  	s1 =	rddreg [dreg:$0x1];
	p0 =	sne.s32 s2, $0x0  }
0x144: {  	s3 =	rddreg [dreg:$0x2];
	[bflag:$0x3] =	sbarrier.arrive $0xFFFF;
	s2 =	simm.s32 @!p0 $0x1C01  }
0x145: {  	[timem:s3], [sflag:s2] =	dma.local @!p0 [hbm:s0], s1  }
0x146: {  	s0 =	simm.s32 @!p0 $0x1  }
0x147: {  	_ =	swait.ge @!p0 [sflag:s0], s1  }
0x148: {  	s1 =	ssub.s32 @!p0 $0x0, s1;
	[sflag:s0] =	ssyncset.done @!p0 $0x0  }
0x149: {  	[sflag:s0] =	ssyncadd.s32 @!p0 s1  }
0x14a: {  	[bflag:$0x3] =	sbarrier.arrive $0xFFFF  }
0x14b: {  	_ =	shalt  }

</sc_bundles>
